<compile_context>
chip_gen: v7x
topology: tpu7x:2x2x1
jax: 0.10.2.dev20260603
libtpu: 0.0.44.dev20260713+nightly
codegen_flags: <defaults>
</compile_context>

<pallas_src>
import functools

import numpy as np

import jax
import jax.numpy as jnp
from jax import lax
from jax.experimental import pallas as pl
from jax.experimental.pallas import tpu as pltpu
from jax.experimental.pallas import tpu_sc as plsc

VOCAB = 100000
EMBED = 128
BATCH = 16384
HIST = 200
HID = 64
LANES = 16

NUM_CORES = 2
NUM_SUBCORES = 16
NW = NUM_CORES * NUM_SUBCORES
ROWS_PER_W = BATCH // NW
IDX_CHUNK_ROWS = 128
N_CHUNKS = ROWS_PER_W // IDX_CHUNK_ROWS
NBUF = 8

_PERM = np.concatenate([
    np.arange(0, 32, 2), np.arange(1, 32, 2),
    np.arange(32, 64, 2), np.arange(33, 64, 2),
])


def _proj_body(t_ref, w_ref, o_ref):
    o_ref[...] = lax.dot_general(
        t_ref[...], w_ref[...], (((1,), (1,)), ((), ())),
        precision=lax.Precision.DEFAULT).astype(jnp.bfloat16)


def _project_table(table, W1):
    rows_blk = 2000
    return pl.pallas_call(
        _proj_body,
        grid=(VOCAB // rows_blk,),
        in_specs=[
            pl.BlockSpec((rows_blk, EMBED), lambda i: (i, 0)),
            pl.BlockSpec((HID, EMBED), lambda i: (0, 0)),
        ],
        out_specs=pl.BlockSpec((rows_blk, HID), lambda i: (i, 0)),
        out_shape=jax.ShapeDtypeStruct((VOCAB, HID), jnp.bfloat16),
    )(table, W1)


def _sc_body(xf_hbm, t1_hbm, par_hbm, out_hbm,
             idx_v, rows_v, out_v, par_v, sem):
    cid = lax.axis_index("c")
    sid = lax.axis_index("s")
    wid = sid * NUM_CORES + cid
    base = wid * ROWS_PER_W * HIST

    pltpu.sync_copy(par_hbm, par_v)
    b1v = tuple(par_v[0, pl.ds(LANES * k, LANES)] for k in range(4))
    w2v = tuple(tuple(par_v[1 + j, pl.ds(LANES * k, LANES)]
                      for k in range(4)) for j in range(2))
    b2v = tuple(par_v[3 + j, pl.ds(0, LANES)] for j in range(2))

    def load_chunk(c):
        pltpu.sync_copy(
            xf_hbm.at[pl.ds(base + c * (IDX_CHUNK_ROWS * HIST),
                            IDX_CHUNK_ROWS * HIST)],
            idx_v)

    def issue(lr, b):
        pltpu.async_copy(
            t1_hbm.at[idx_v.at[pl.ds(lr * HIST, HIST)]],
            rows_v.at[b], sem)

    def wait(b):
        pltpu.make_async_copy(
            t1_hbm.at[pl.ds(0, HIST)],
            rows_v.at[b], sem).wait()

    lane_ids = lax.iota(jnp.int32, LANES)

    def accum_store(b, ovec):
        def acc_body(i, accs):
            a0, a1, a2, a3 = accs
            r0 = 2 * i
            t0 = rows_v[b, r0, pl.ds(0, 32)] + rows_v[b, r0 + 1, pl.ds(0, 32)]
            t1 = rows_v[b, r0, pl.ds(32, 32)] + rows_v[b, r0 + 1, pl.ds(32, 32)]
            u0, u1 = plsc.unpack(t0, format=plsc.PackFormat.INTERLEAVED)
            u2, u3 = plsc.unpack(t1, format=plsc.PackFormat.INTERLEAVED)
            return (a0 + u0, a1 + u1, a2 + u2, a3 + u3)

        accs = plsc.parallel_loop(
            0, HIST // 2, 1, unroll=8,
            carry=tuple(jnp.zeros((LANES,), jnp.float32)
                        for _ in range(HID // LANES)))(acc_body)
        h = tuple(jnp.maximum(accs[k] * (1.0 / HIST) + b1v[k], 0.0)
                  for k in range(4))
        for j in range(2):
            t = (h[0] * w2v[j][0] + h[1] * w2v[j][1]
                 + h[2] * w2v[j][2] + h[3] * w2v[j][3] + b2v[j])
            o = jnp.sum(t)
            ovec = jnp.where(lane_ids == 2 * b + j,
                             jnp.full((LANES,), o), ovec)
        return ovec

    def chunk_body(c, carry):
        load_chunk(c)
        for b in range(NBUF - 1):
            issue(b, b)

        def oct_body(q, carry2):
            ovec = jnp.zeros((LANES,), jnp.float32)
            for b in range(NBUF):
                lr = NBUF * q + b
                wait(b)
                issue(lr + NBUF - 1, (b + NBUF - 1) % NBUF)
                ovec = accum_store(b, ovec)
            g = c * (IDX_CHUNK_ROWS // NBUF) + q
            out_v[pl.ds(LANES * g, LANES)] = ovec
            return carry2

        lax.fori_loop(0, IDX_CHUNK_ROWS // NBUF - 1, oct_body, 0)
        tail = IDX_CHUNK_ROWS - NBUF
        ovec = jnp.zeros((LANES,), jnp.float32)
        wait(0)
        issue(IDX_CHUNK_ROWS - 1, NBUF - 1)
        ovec = accum_store(0, ovec)
        for b in range(1, NBUF):
            wait(b)
            ovec = accum_store(b, ovec)
        g = c * (IDX_CHUNK_ROWS // NBUF) + (IDX_CHUNK_ROWS // NBUF - 1)
        out_v[pl.ds(LANES * g, LANES)] = ovec
        return carry

    lax.fori_loop(0, N_CHUNKS, chunk_body, 0)
    pltpu.sync_copy(out_v, out_hbm.at[pl.ds(wid * ROWS_PER_W * 2,
                                            ROWS_PER_W * 2)])


_sc_pool = functools.partial(
    pl.kernel,
    out_type=jax.ShapeDtypeStruct((BATCH * 2,), jnp.float32),
    mesh=plsc.VectorSubcoreMesh(
        core_axis_name="c", subcore_axis_name="s",
        num_cores=NUM_CORES, num_subcores=NUM_SUBCORES),
    scratch_types=[
        pltpu.VMEM((IDX_CHUNK_ROWS * HIST,), jnp.int32),
        pltpu.VMEM((NBUF, HIST, HID), jnp.bfloat16),
        pltpu.VMEM((ROWS_PER_W * 2,), jnp.float32),
        pltpu.VMEM((5, HID), jnp.float32),
        pltpu.SemaphoreType.DMA,
    ],
    compiler_params=pltpu.CompilerParams(
        use_tc_tiling_on_sc=False, needs_layout_passes=False),
)(_sc_body)


def kernel(x, table, W1, b1, W2, b2):
    t1 = _project_table(table, W1)
    xf = x.reshape(BATCH * HIST).astype(jnp.int32)
    par = jnp.zeros((5, HID), jnp.float32)
    par = par.at[0].set(b1[_PERM])
    par = par.at[1:3].set(W2[:, _PERM])
    par = par.at[3, 0].set(b2[0])
    par = par.at[4, 0].set(b2[1])
    return _sc_pool(xf, t1, par).reshape(BATCH, 2)

# --- scband reference (transcript-rebuilt; emitter-appended) ---
"""Pipeline reference for scband-text-model-31095563223261 (READ-ONLY COPY).

The authoritative reference and input builder live on the scoring server;
editing this copy changes nothing except your own understanding.
"""

import jax, jax.numpy as jnp
import numpy as np

VOCAB = 100000
EMBED_DIM = 128
BATCH = 16384
HIST = 200

def setup_inputs(seed: int = 0) -> dict:
    key = jax.random.key(seed)
    k1, k2, k3, k4, k5, k6 = jax.random.split(key, 6)
    x = jax.random.randint(k1, (BATCH, HIST), 0, VOCAB, dtype=jnp.int64 if jax.config.jax_enable_x64 else jnp.int32)
    table = jax.random.normal(k2, (VOCAB, EMBED_DIM), dtype=jnp.float32)
    W1 = jax.random.normal(k3, (64, EMBED_DIM), dtype=jnp.float32) * (1.0 / np.sqrt(EMBED_DIM))
    b1 = jax.random.normal(k4, (64,), dtype=jnp.float32) * 0.01
    W2 = jax.random.normal(k5, (2, 64), dtype=jnp.float32) * (1.0 / np.sqrt(64))
    b2 = jax.random.normal(k6, (2,), dtype=jnp.float32) * 0.01
    return {"x": x, "table": table, "W1": W1, "b1": b1, "W2": W2, "b2": b2}

def reference(x, table, W1, b1, W2, b2):
    # embedding lookup: [B, L, D]
    emb = jnp.take(table, x, axis=0)
    # mean over sequence dim
    h = emb.mean(axis=1)
    # fc1 + relu (torch Linear: y = h @ W.T + b)
    h = jax.nn.relu(h @ W1.T + b1)
    # fc2
    out = h @ W2.T + b2
    return out

if __name__ == "__main__":
    import jax
    _d = setup_inputs()
    print(jax.jit(kernel)(*tuple(_d.values())))

</pallas_src>

<mosaic_0001>
#map = affine_map<(d0, d1) -> (0)>
#map1 = affine_map<(d0, d1) -> (0, 0)>
module attributes {stable_mosaic.version = 14 : i64} {
  func.func @_sc_body(%arg0: i32, %arg1: i32, %arg2: memref<3276800xi32, #tpu.memory_space<hbm>>, %arg3: memref<100000x64xbf16, #tpu.memory_space<hbm>>, %arg4: memref<5x64xf32, #tpu.memory_space<hbm>>, %arg5: memref<32768xf32, #tpu.memory_space<hbm>>, %arg6: memref<25600xi32, #tpu.memory_space<vmem>>, %arg7: memref<8x200x64xbf16, #tpu.memory_space<vmem>>, %arg8: memref<1024xf32, #tpu.memory_space<vmem>>, %arg9: memref<5x64xf32, #tpu.memory_space<vmem>>, %arg10: memref<!tpu.dma_semaphore, #tpu.memory_space<semaphore_mem>>) attributes {dimension_semantics = [#tpu.dimension_semantics<core_parallel>, #tpu.dimension_semantics<subcore_parallel>], iteration_bounds = array<i64: 2, 16>, scalar_prefetch = 0 : i64, scratch_operands = 5 : i64, tpu.core_type = #tpu.core_type<sc_vector_subcore>, window_params = [{transform_indices = #map}, {transform_indices = #map1}, {transform_indices = #map1}, {transform_indices = #map}]} {
    %mul3A = arith.constant 2 : i32
    %mul3A_0 = arith.muli %arg1, %mul3A : i32
    %add3A = arith.addi %mul3A_0, %arg0 : i32
    %mul3A_1 = arith.constant 512 : i32
    %mul3A_2 = arith.muli %add3A, %mul3A_1 : i32
    %mul3A_3 = arith.constant 200 : i32
    %mul3A_4 = arith.muli %mul3A_2, %mul3A_3 : i32
    "tpu.region"() ({
      %run_scoped3A = tpu.sem_alloc : memref<!tpu.dma_semaphore, #tpu.memory_space<semaphore_mem>>
      tpu.enqueue_dma source(%arg4 : memref<5x64xf32, #tpu.memory_space<hbm>>) target(%arg9 : memref<5x64xf32, #tpu.memory_space<vmem>>) target_semaphore(%run_scoped3A : memref<!tpu.dma_semaphore, #tpu.memory_space<semaphore_mem>>)
      tpu.wait_dma2 semaphore(%run_scoped3A : memref<!tpu.dma_semaphore, #tpu.memory_space<semaphore_mem>>) src(%arg4 : memref<5x64xf32, #tpu.memory_space<hbm>>) dst(%arg9 : memref<5x64xf32, #tpu.memory_space<vmem>>)
      tpu.yield
    }) : () -> ()
    %get3A = arith.constant 0 : i32
    %get3A_5 = arith.index_cast %get3A : i32 to index
    %get3A_6 = arith.constant 0 : index
    %get3A_7 = tpu.vector_load %arg9[%get3A_5, %get3A_6] {strides = array<i32>} : memref<5x64xf32, #tpu.memory_space<vmem>>, vector<16xf32>,
    %get3A_8 = arith.constant 0 : i32
    %get3A_9 = arith.index_cast %get3A_8 : i32 to index
    %get3A_10 = arith.constant 16 : index
    %get3A_11 = tpu.vector_load %arg9[%get3A_9, %get3A_10] {strides = array<i32>} : memref<5x64xf32, #tpu.memory_space<vmem>>, vector<16xf32>,
    %get3A_12 = arith.constant 0 : i32
    %get3A_13 = arith.index_cast %get3A_12 : i32 to index
    %get3A_14 = arith.constant 32 : index
    %get3A_15 = tpu.vector_load %arg9[%get3A_13, %get3A_14] {strides = array<i32>} : memref<5x64xf32, #tpu.memory_space<vmem>>, vector<16xf32>,
    %get3A_16 = arith.constant 0 : i32
    %get3A_17 = arith.index_cast %get3A_16 : i32 to index
    %get3A_18 = arith.constant 48 : index
    %get3A_19 = tpu.vector_load %arg9[%get3A_17, %get3A_18] {strides = array<i32>} : memref<5x64xf32, #tpu.memory_space<vmem>>, vector<16xf32>,
    %get3A_20 = arith.constant 1 : i32
    %get3A_21 = arith.index_cast %get3A_20 : i32 to index
    %get3A_22 = arith.constant 0 : index
    %get3A_23 = tpu.vector_load %arg9[%get3A_21, %get3A_22] {strides = array<i32>} : memref<5x64xf32, #tpu.memory_space<vmem>>, vector<16xf32>,
    %get3A_24 = arith.constant 1 : i32
    %get3A_25 = arith.index_cast %get3A_24 : i32 to index
    %get3A_26 = arith.constant 16 : index
    %get3A_27 = tpu.vector_load %arg9[%get3A_25, %get3A_26] {strides = array<i32>} : memref<5x64xf32, #tpu.memory_space<vmem>>, vector<16xf32>,
    %get3A_28 = arith.constant 1 : i32
    %get3A_29 = arith.index_cast %get3A_28 : i32 to index
    %get3A_30 = arith.constant 32 : index
    %get3A_31 = tpu.vector_load %arg9[%get3A_29, %get3A_30] {strides = array<i32>} : memref<5x64xf32, #tpu.memory_space<vmem>>, vector<16xf32>,
    %get3A_32 = arith.constant 1 : i32
    %get3A_33 = arith.index_cast %get3A_32 : i32 to index
    %get3A_34 = arith.constant 48 : index
    %get3A_35 = tpu.vector_load %arg9[%get3A_33, %get3A_34] {strides = array<i32>} : memref<5x64xf32, #tpu.memory_space<vmem>>, vector<16xf32>,
    %get3A_36 = arith.constant 2 : i32
    %get3A_37 = arith.index_cast %get3A_36 : i32 to index
    %get3A_38 = arith.constant 0 : index
    %get3A_39 = tpu.vector_load %arg9[%get3A_37, %get3A_38] {strides = array<i32>} : memref<5x64xf32, #tpu.memory_space<vmem>>, vector<16xf32>,
    %get3A_40 = arith.constant 2 : i32
    %get3A_41 = arith.index_cast %get3A_40 : i32 to index
    %get3A_42 = arith.constant 16 : index
    %get3A_43 = tpu.vector_load %arg9[%get3A_41, %get3A_42] {strides = array<i32>} : memref<5x64xf32, #tpu.memory_space<vmem>>, vector<16xf32>,
    %get3A_44 = arith.constant 2 : i32
    %get3A_45 = arith.index_cast %get3A_44 : i32 to index
    %get3A_46 = arith.constant 32 : index
    %get3A_47 = tpu.vector_load %arg9[%get3A_45, %get3A_46] {strides = array<i32>} : memref<5x64xf32, #tpu.memory_space<vmem>>, vector<16xf32>,
    %get3A_48 = arith.constant 2 : i32
    %get3A_49 = arith.index_cast %get3A_48 : i32 to index
    %get3A_50 = arith.constant 48 : index
    %get3A_51 = tpu.vector_load %arg9[%get3A_49, %get3A_50] {strides = array<i32>} : memref<5x64xf32, #tpu.memory_space<vmem>>, vector<16xf32>,
    %get3A_52 = arith.constant 3 : i32
    %get3A_53 = arith.index_cast %get3A_52 : i32 to index
    %get3A_54 = arith.constant 0 : index
    %get3A_55 = tpu.vector_load %arg9[%get3A_53, %get3A_54] {strides = array<i32>} : memref<5x64xf32, #tpu.memory_space<vmem>>, vector<16xf32>,
    %get3A_56 = arith.constant 4 : i32
    %get3A_57 = arith.index_cast %get3A_56 : i32 to index
    %get3A_58 = arith.constant 0 : index
    %get3A_59 = tpu.vector_load %arg9[%get3A_57, %get3A_58] {strides = array<i32>} : memref<5x64xf32, #tpu.memory_space<vmem>>, vector<16xf32>,
    %iota3A = tpu.iota {dimensions = array<i32: 0>} : vector<16xi32>
    %scan3A = arith.constant 0 : i32
    %scan3A_60 = arith.constant 0 : i32
    %scan3A_61 = arith.constant 4 : i32
    %scan3A_62 = arith.addi %scan3A_60, %scan3A_61 : i32
    %scan3A_63 = arith.constant 1 : i32
    scf.for %scan3A_69 = %scan3A_60 to %scan3A_62 step %scan3A_63  : i32 {
      %mul3A_70 = arith.constant 25600 : i32
      %mul3A_71 = arith.muli %scan3A_69, %mul3A_70 : i32
      %add3A_72 = arith.addi %mul3A_4, %mul3A_71 : i32
      "tpu.region"() ({
        %run_scoped3A = tpu.sem_alloc : memref<!tpu.dma_semaphore, #tpu.memory_space<semaphore_mem>>
        %dma_start3A_872 = tpu.memref_slice %arg2[%add3A_72] : memref<3276800xi32, #tpu.memory_space<hbm>> -> memref<25600xi32, #tpu.memory_space<hbm>>
        %dma_start3A_873 = tpu.memref_slice %arg2[%add3A_72] : memref<3276800xi32, #tpu.memory_space<hbm>> -> memref<25600xi32, #tpu.memory_space<hbm>>
        tpu.enqueue_dma source(%dma_start3A_873 : memref<25600xi32, #tpu.memory_space<hbm>>) target(%arg6 : memref<25600xi32, #tpu.memory_space<vmem>>) target_semaphore(%run_scoped3A : memref<!tpu.dma_semaphore, #tpu.memory_space<semaphore_mem>>)
        %dma_wait3A_874 = tpu.memref_slice %arg2[%add3A_72] : memref<3276800xi32, #tpu.memory_space<hbm>> -> memref<25600xi32, #tpu.memory_space<hbm>>
        %dma_wait3A_875 = tpu.memref_slice %arg2[%add3A_72] : memref<3276800xi32, #tpu.memory_space<hbm>> -> memref<25600xi32, #tpu.memory_space<hbm>>
        tpu.wait_dma2 semaphore(%run_scoped3A : memref<!tpu.dma_semaphore, #tpu.memory_space<semaphore_mem>>) src(%dma_wait3A_875 : memref<25600xi32, #tpu.memory_space<hbm>>) dst(%arg6 : memref<25600xi32, #tpu.memory_space<vmem>>)
        tpu.yield
      }) : () -> ()
      %dma_start3A = arith.constant 0 : i32
      %dma_start3A_73 = arith.constant 0 : i32
      %dma_start3A_74 = arith.constant 0 : i32
      %dma_start3A_75 = tpu.memref_slice %arg7[%dma_start3A, %dma_start3A_73, %dma_start3A_74] : memref<8x200x64xbf16, #tpu.memory_space<vmem>> -> memref<1x200x64xbf16, #tpu.memory_space<vmem>>
      %dma_start3A_76 = tpu.memref_squeeze %dma_start3A_75 : memref<1x200x64xbf16, #tpu.memory_space<vmem>> -> memref<200x64xbf16, #tpu.memory_space<vmem>>
      %dma_start3A_77 = arith.constant 0 : i32
      %dma_start3A_78 = tpu.memref_slice %arg6[%dma_start3A_77] : memref<25600xi32, #tpu.memory_space<vmem>> -> memref<200xi32, #tpu.memory_space<vmem>>
      %dma_start3A_79 = arith.constant 0 : i32
      %dma_start3A_80 = arith.constant 0 : i32
      %dma_start3A_81 = tpu.memref_slice %arg3[%dma_start3A_79, %dma_start3A_80] : memref<100000x64xbf16, #tpu.memory_space<hbm>> -> memref<100000x64xbf16, #tpu.memory_space<hbm>>
      tpu.enqueue_indirect_dma source(%dma_start3A_81 : memref<100000x64xbf16, #tpu.memory_space<hbm>>) target(%dma_start3A_76 : memref<200x64xbf16, #tpu.memory_space<vmem>>) offsets(%dma_start3A_78 : memref<200xi32, #tpu.memory_space<vmem>>) semaphore(%arg10 : memref<!tpu.dma_semaphore, #tpu.memory_space<semaphore_mem>>)
      %dma_start3A_82 = arith.constant 1 : i32
      %dma_start3A_83 = arith.constant 0 : i32
      %dma_start3A_84 = arith.constant 0 : i32
      %dma_start3A_85 = tpu.memref_slice %arg7[%dma_start3A_82, %dma_start3A_83, %dma_start3A_84] : memref<8x200x64xbf16, #tpu.memory_space<vmem>> -> memref<1x200x64xbf16, #tpu.memory_space<vmem>>
      %dma_start3A_86 = tpu.memref_squeeze %dma_start3A_85 : memref<1x200x64xbf16, #tpu.memory_space<vmem>> -> memref<200x64xbf16, #tpu.memory_space<vmem>>
      %dma_start3A_87 = arith.constant 200 : i32
      %dma_start3A_88 = tpu.memref_slice %arg6[%dma_start3A_87] : memref<25600xi32, #tpu.memory_space<vmem>> -> memref<200xi32, #tpu.memory_space<vmem>>
      %dma_start3A_89 = arith.constant 0 : i32
      %dma_start3A_90 = arith.constant 0 : i32
      %dma_start3A_91 = tpu.memref_slice %arg3[%dma_start3A_89, %dma_start3A_90] : memref<100000x64xbf16, #tpu.memory_space<hbm>> -> memref<100000x64xbf16, #tpu.memory_space<hbm>>
      tpu.enqueue_indirect_dma source(%dma_start3A_91 : memref<100000x64xbf16, #tpu.memory_space<hbm>>) target(%dma_start3A_86 : memref<200x64xbf16, #tpu.memory_space<vmem>>) offsets(%dma_start3A_88 : memref<200xi32, #tpu.memory_space<vmem>>) semaphore(%arg10 : memref<!tpu.dma_semaphore, #tpu.memory_space<semaphore_mem>>)
      %dma_start3A_92 = arith.constant 2 : i32
      %dma_start3A_93 = arith.constant 0 : i32
      %dma_start3A_94 = arith.constant 0 : i32
      %dma_start3A_95 = tpu.memref_slice %arg7[%dma_start3A_92, %dma_start3A_93, %dma_start3A_94] : memref<8x200x64xbf16, #tpu.memory_space<vmem>> -> memref<1x200x64xbf16, #tpu.memory_space<vmem>>
      %dma_start3A_96 = tpu.memref_squeeze %dma_start3A_95 : memref<1x200x64xbf16, #tpu.memory_space<vmem>> -> memref<200x64xbf16, #tpu.memory_space<vmem>>
      %dma_start3A_97 = arith.constant 400 : i32
      %dma_start3A_98 = tpu.memref_slice %arg6[%dma_start3A_97] : memref<25600xi32, #tpu.memory_space<vmem>> -> memref<200xi32, #tpu.memory_space<vmem>>
      %dma_start3A_99 = arith.constant 0 : i32
      %dma_start3A_100 = arith.constant 0 : i32
      %dma_start3A_101 = tpu.memref_slice %arg3[%dma_start3A_99, %dma_start3A_100] : memref<100000x64xbf16, #tpu.memory_space<hbm>> -> memref<100000x64xbf16, #tpu.memory_space<hbm>>
      tpu.enqueue_indirect_dma source(%dma_start3A_101 : memref<100000x64xbf16, #tpu.memory_space<hbm>>) target(%dma_start3A_96 : memref<200x64xbf16, #tpu.memory_space<vmem>>) offsets(%dma_start3A_98 : memref<200xi32, #tpu.memory_space<vmem>>) semaphore(%arg10 : memref<!tpu.dma_semaphore, #tpu.memory_space<semaphore_mem>>)
      %dma_start3A_102 = arith.constant 3 : i32
      %dma_start3A_103 = arith.constant 0 : i32
      %dma_start3A_104 = arith.constant 0 : i32
      %dma_start3A_105 = tpu.memref_slice %arg7[%dma_start3A_102, %dma_start3A_103, %dma_start3A_104] : memref<8x200x64xbf16, #tpu.memory_space<vmem>> -> memref<1x200x64xbf16, #tpu.memory_space<vmem>>
      %dma_start3A_106 = tpu.memref_squeeze %dma_start3A_105 : memref<1x200x64xbf16, #tpu.memory_space<vmem>> -> memref<200x64xbf16, #tpu.memory_space<vmem>>
      %dma_start3A_107 = arith.constant 600 : i32
      %dma_start3A_108 = tpu.memref_slice %arg6[%dma_start3A_107] : memref<25600xi32, #tpu.memory_space<vmem>> -> memref<200xi32, #tpu.memory_space<vmem>>
      %dma_start3A_109 = arith.constant 0 : i32
      %dma_start3A_110 = arith.constant 0 : i32
      %dma_start3A_111 = tpu.memref_slice %arg3[%dma_start3A_109, %dma_start3A_110] : memref<100000x64xbf16, #tpu.memory_space<hbm>> -> memref<100000x64xbf16, #tpu.memory_space<hbm>>
      tpu.enqueue_indirect_dma source(%dma_start3A_111 : memref<100000x64xbf16, #tpu.memory_space<hbm>>) target(%dma_start3A_106 : memref<200x64xbf16, #tpu.memory_space<vmem>>) offsets(%dma_start3A_108 : memref<200xi32, #tpu.memory_space<vmem>>) semaphore(%arg10 : memref<!tpu.dma_semaphore, #tpu.memory_space<semaphore_mem>>)
      %dma_start3A_112 = arith.constant 4 : i32
      %dma_start3A_113 = arith.constant 0 : i32
      %dma_start3A_114 = arith.constant 0 : i32
      %dma_start3A_115 = tpu.memref_slice %arg7[%dma_start3A_112, %dma_start3A_113, %dma_start3A_114] : memref<8x200x64xbf16, #tpu.memory_space<vmem>> -> memref<1x200x64xbf16, #tpu.memory_space<vmem>>
      %dma_start3A_116 = tpu.memref_squeeze %dma_start3A_115 : memref<1x200x64xbf16, #tpu.memory_space<vmem>> -> memref<200x64xbf16, #tpu.memory_space<vmem>>
      %dma_start3A_117 = arith.constant 800 : i32
      %dma_start3A_118 = tpu.memref_slice %arg6[%dma_start3A_117] : memref<25600xi32, #tpu.memory_space<vmem>> -> memref<200xi32, #tpu.memory_space<vmem>>
      %dma_start3A_119 = arith.constant 0 : i32
      %dma_start3A_120 = arith.constant 0 : i32
      %dma_start3A_121 = tpu.memref_slice %arg3[%dma_start3A_119, %dma_start3A_120] : memref<100000x64xbf16, #tpu.memory_space<hbm>> -> memref<100000x64xbf16, #tpu.memory_space<hbm>>
      tpu.enqueue_indirect_dma source(%dma_start3A_121 : memref<100000x64xbf16, #tpu.memory_space<hbm>>) target(%dma_start3A_116 : memref<200x64xbf16, #tpu.memory_space<vmem>>) offsets(%dma_start3A_118 : memref<200xi32, #tpu.memory_space<vmem>>) semaphore(%arg10 : memref<!tpu.dma_semaphore, #tpu.memory_space<semaphore_mem>>)
      %dma_start3A_122 = arith.constant 5 : i32
      %dma_start3A_123 = arith.constant 0 : i32
      %dma_start3A_124 = arith.constant 0 : i32
      %dma_start3A_125 = tpu.memref_slice %arg7[%dma_start3A_122, %dma_start3A_123, %dma_start3A_124] : memref<8x200x64xbf16, #tpu.memory_space<vmem>> -> memref<1x200x64xbf16, #tpu.memory_space<vmem>>
      %dma_start3A_126 = tpu.memref_squeeze %dma_start3A_125 : memref<1x200x64xbf16, #tpu.memory_space<vmem>> -> memref<200x64xbf16, #tpu.memory_space<vmem>>
      %dma_start3A_127 = arith.constant 1000 : i32
      %dma_start3A_128 = tpu.memref_slice %arg6[%dma_start3A_127] : memref<25600xi32, #tpu.memory_space<vmem>> -> memref<200xi32, #tpu.memory_space<vmem>>
      %dma_start3A_129 = arith.constant 0 : i32
      %dma_start3A_130 = arith.constant 0 : i32
      %dma_start3A_131 = tpu.memref_slice %arg3[%dma_start3A_129, %dma_start3A_130] : memref<100000x64xbf16, #tpu.memory_space<hbm>> -> memref<100000x64xbf16, #tpu.memory_space<hbm>>
      tpu.enqueue_indirect_dma source(%dma_start3A_131 : memref<100000x64xbf16, #tpu.memory_space<hbm>>) target(%dma_start3A_126 : memref<200x64xbf16, #tpu.memory_space<vmem>>) offsets(%dma_start3A_128 : memref<200xi32, #tpu.memory_space<vmem>>) semaphore(%arg10 : memref<!tpu.dma_semaphore, #tpu.memory_space<semaphore_mem>>)
      %dma_start3A_132 = arith.constant 6 : i32
      %dma_start3A_133 = arith.constant 0 : i32
      %dma_start3A_134 = arith.constant 0 : i32
      %dma_start3A_135 = tpu.memref_slice %arg7[%dma_start3A_132, %dma_start3A_133, %dma_start3A_134] : memref<8x200x64xbf16, #tpu.memory_space<vmem>> -> memref<1x200x64xbf16, #tpu.memory_space<vmem>>
      %dma_start3A_136 = tpu.memref_squeeze %dma_start3A_135 : memref<1x200x64xbf16, #tpu.memory_space<vmem>> -> memref<200x64xbf16, #tpu.memory_space<vmem>>
      %dma_start3A_137 = arith.constant 1200 : i32
      %dma_start3A_138 = tpu.memref_slice %arg6[%dma_start3A_137] : memref<25600xi32, #tpu.memory_space<vmem>> -> memref<200xi32, #tpu.memory_space<vmem>>
      %dma_start3A_139 = arith.constant 0 : i32
      %dma_start3A_140 = arith.constant 0 : i32
      %dma_start3A_141 = tpu.memref_slice %arg3[%dma_start3A_139, %dma_start3A_140] : memref<100000x64xbf16, #tpu.memory_space<hbm>> -> memref<100000x64xbf16, #tpu.memory_space<hbm>>
      tpu.enqueue_indirect_dma source(%dma_start3A_141 : memref<100000x64xbf16, #tpu.memory_space<hbm>>) target(%dma_start3A_136 : memref<200x64xbf16, #tpu.memory_space<vmem>>) offsets(%dma_start3A_138 : memref<200xi32, #tpu.memory_space<vmem>>) semaphore(%arg10 : memref<!tpu.dma_semaphore, #tpu.memory_space<semaphore_mem>>)
      %scan3A_142 = arith.constant 0 : i32
      %scan3A_143 = arith.constant 0 : i32
      %scan3A_144 = arith.constant 15 : i32
      %scan3A_145 = arith.addi %scan3A_143, %scan3A_144 : i32
      %scan3A_146 = arith.constant 1 : i32
      scf.for %scan3A_872 = %scan3A_143 to %scan3A_145 step %scan3A_146  : i32 {
        %broadcast_in_dim3A_873 = arith.constant 0.000000e+00 : f32
        %broadcast_in_dim3A_874 = vector.broadcast %broadcast_in_dim3A_873 : f32 to vector<16xf32>
        %mul3A_875 = arith.constant 8 : i32
        %mul3A_876 = arith.muli %mul3A_875, %scan3A_872 : i32
        %add3A_877 = arith.constant 0 : i32
        %add3A_878 = arith.addi %mul3A_876, %add3A_877 : i32
        %dma_wait3A_879 = arith.constant 0 : i32
        %dma_wait3A_880 = arith.constant 0 : i32
        %dma_wait3A_881 = arith.constant 0 : i32
        %dma_wait3A_882 = tpu.memref_slice %arg7[%dma_wait3A_879, %dma_wait3A_880, %dma_wait3A_881] : memref<8x200x64xbf16, #tpu.memory_space<vmem>> -> memref<1x200x64xbf16, #tpu.memory_space<vmem>>
        %dma_wait3A_883 = tpu.memref_squeeze %dma_wait3A_882 : memref<1x200x64xbf16, #tpu.memory_space<vmem>> -> memref<200x64xbf16, #tpu.memory_space<vmem>>
        %dma_wait3A_884 = arith.constant 0 : i32
        %dma_wait3A_885 = arith.constant 0 : i32
        %dma_wait3A_886 = tpu.memref_slice %arg3[%dma_wait3A_884, %dma_wait3A_885] : memref<100000x64xbf16, #tpu.memory_space<hbm>> -> memref<200x64xbf16, #tpu.memory_space<hbm>>
        %dma_wait3A_887 = arith.constant 0 : i32
        %dma_wait3A_888 = arith.constant 0 : i32
        %dma_wait3A_889 = tpu.memref_slice %arg7[%dma_wait3A_879, %dma_wait3A_887, %dma_wait3A_888] : memref<8x200x64xbf16, #tpu.memory_space<vmem>> -> memref<1x200x64xbf16, #tpu.memory_space<vmem>>
        %dma_wait3A_890 = tpu.memref_squeeze %dma_wait3A_889 : memref<1x200x64xbf16, #tpu.memory_space<vmem>> -> memref<200x64xbf16, #tpu.memory_space<vmem>>
        %dma_wait3A_891 = arith.constant 0 : i32
        %dma_wait3A_892 = arith.constant 0 : i32
        %dma_wait3A_893 = tpu.memref_slice %arg3[%dma_wait3A_891, %dma_wait3A_892] : memref<100000x64xbf16, #tpu.memory_space<hbm>> -> memref<200x64xbf16, #tpu.memory_space<hbm>>
        tpu.wait_dma2 semaphore(%arg10 : memref<!tpu.dma_semaphore, #tpu.memory_space<semaphore_mem>>) src(%dma_wait3A_893 : memref<200x64xbf16, #tpu.memory_space<hbm>>) dst(%dma_wait3A_890 : memref<200x64xbf16, #tpu.memory_space<vmem>>)
        %add3A_894 = arith.constant 8 : i32
        %add3A_895 = arith.addi %add3A_878, %add3A_894 : i32
        %sub3A = arith.constant 1 : i32
        %sub3A_896 = arith.subi %add3A_895, %sub3A : i32
        %mul3A_897 = arith.constant 200 : i32
        %mul3A_898 = arith.muli %sub3A_896, %mul3A_897 : i32
        %dma_start3A_899 = arith.constant 7 : i32
        %dma_start3A_900 = arith.constant 0 : i32
        %dma_start3A_901 = arith.constant 0 : i32
        %dma_start3A_902 = tpu.memref_slice %arg7[%dma_start3A_899, %dma_start3A_900, %dma_start3A_901] : memref<8x200x64xbf16, #tpu.memory_space<vmem>> -> memref<1x200x64xbf16, #tpu.memory_space<vmem>>
        %dma_start3A_903 = tpu.memref_squeeze %dma_start3A_902 : memref<1x200x64xbf16, #tpu.memory_space<vmem>> -> memref<200x64xbf16, #tpu.memory_space<vmem>>
        %dma_start3A_904 = tpu.memref_slice %arg6[%mul3A_898] : memref<25600xi32, #tpu.memory_space<vmem>> -> memref<200xi32, #tpu.memory_space<vmem>>
        %dma_start3A_905 = arith.constant 0 : i32
        %dma_start3A_906 = arith.constant 0 : i32
        %dma_start3A_907 = tpu.memref_slice %arg3[%dma_start3A_905, %dma_start3A_906] : memref<100000x64xbf16, #tpu.memory_space<hbm>> -> memref<100000x64xbf16, #tpu.memory_space<hbm>>
        tpu.enqueue_indirect_dma source(%dma_start3A_907 : memref<100000x64xbf16, #tpu.memory_space<hbm>>) target(%dma_start3A_903 : memref<200x64xbf16, #tpu.memory_space<vmem>>) offsets(%dma_start3A_904 : memref<200xi32, #tpu.memory_space<vmem>>) semaphore(%arg10 : memref<!tpu.dma_semaphore, #tpu.memory_space<semaphore_mem>>)
        %broadcast_in_dim3A_908 = arith.constant 0.000000e+00 : f32
        %broadcast_in_dim3A_909 = vector.broadcast %broadcast_in_dim3A_908 : f32 to vector<16xf32>
        %broadcast_in_dim3A_910 = arith.constant 0.000000e+00 : f32
        %broadcast_in_dim3A_911 = vector.broadcast %broadcast_in_dim3A_910 : f32 to vector<16xf32>
        %broadcast_in_dim3A_912 = arith.constant 0.000000e+00 : f32
        %broadcast_in_dim3A_913 = vector.broadcast %broadcast_in_dim3A_912 : f32 to vector<16xf32>
        %broadcast_in_dim3A_914 = arith.constant 0.000000e+00 : f32
        %broadcast_in_dim3A_915 = vector.broadcast %broadcast_in_dim3A_914 : f32 to vector<16xf32>
        %parallel_loop3A_916 = arith.constant 0 : i32
        %parallel_loop3A_917 = arith.constant 100 : i32
        %parallel_loop3A_918 = arith.constant 1 : i32
        %parallel_loop3A_919:4 = scf.for %parallel_loop3A_1745 = %parallel_loop3A_916 to %parallel_loop3A_917 step %parallel_loop3A_918 iter_args(%parallel_loop3A_1746 = %broadcast_in_dim3A_909, %parallel_loop3A_1747 = %broadcast_in_dim3A_911, %parallel_loop3A_1748 = %broadcast_in_dim3A_913, %parallel_loop3A_1749 = %broadcast_in_dim3A_915) -> (vector<16xf32>, vector<16xf32>, vector<16xf32>, vector<16xf32>)  : i32 {
          %parallel_loop3A_1750 = arith.constant 2 : i32
          %parallel_loop3A_1751 = arith.muli %parallel_loop3A_1750, %parallel_loop3A_1745 : i32
          %parallel_loop3A_1752 = arith.constant 0 : i32
          %parallel_loop3A_1753 = arith.index_cast %parallel_loop3A_1752 : i32 to index
          %parallel_loop3A_1754 = arith.index_cast %parallel_loop3A_1751 : i32 to index
          %parallel_loop3A_1755 = arith.constant 0 : index
          %parallel_loop3A_1756 = tpu.vector_load %arg7[%parallel_loop3A_1753, %parallel_loop3A_1754, %parallel_loop3A_1755] {strides = array<i32>} : memref<8x200x64xbf16, #tpu.memory_space<vmem>>, vector<32xbf16>,
          %parallel_loop3A_1757 = arith.constant 1 : i32
          %parallel_loop3A_1758 = arith.addi %parallel_loop3A_1751, %parallel_loop3A_1757 : i32
          %parallel_loop3A_1759 = arith.constant 0 : i32
          %parallel_loop3A_1760 = arith.index_cast %parallel_loop3A_1759 : i32 to index
          %parallel_loop3A_1761 = arith.index_cast %parallel_loop3A_1758 : i32 to index
          %parallel_loop3A_1762 = arith.constant 0 : index
          %parallel_loop3A_1763 = tpu.vector_load %arg7[%parallel_loop3A_1760, %parallel_loop3A_1761, %parallel_loop3A_1762] {strides = array<i32>} : memref<8x200x64xbf16, #tpu.memory_space<vmem>>, vector<32xbf16>,
          %parallel_loop3A_1764 = arith.addf %parallel_loop3A_1756, %parallel_loop3A_1763 : vector<32xbf16>
          %parallel_loop3A_1765 = arith.constant 0 : i32
          %parallel_loop3A_1766 = arith.index_cast %parallel_loop3A_1765 : i32 to index
          %parallel_loop3A_1767 = arith.index_cast %parallel_loop3A_1751 : i32 to index
          %parallel_loop3A_1768 = arith.constant 32 : index
          %parallel_loop3A_1769 = tpu.vector_load %arg7[%parallel_loop3A_1766, %parallel_loop3A_1767, %parallel_loop3A_1768] {strides = array<i32>} : memref<8x200x64xbf16, #tpu.memory_space<vmem>>, vector<32xbf16>,
          %parallel_loop3A_1770 = arith.constant 1 : i32
          %parallel_loop3A_1771 = arith.addi %parallel_loop3A_1751, %parallel_loop3A_1770 : i32
          %parallel_loop3A_1772 = arith.constant 0 : i32
          %parallel_loop3A_1773 = arith.index_cast %parallel_loop3A_1772 : i32 to index
          %parallel_loop3A_1774 = arith.index_cast %parallel_loop3A_1771 : i32 to index
          %parallel_loop3A_1775 = arith.constant 32 : index
          %parallel_loop3A_1776 = tpu.vector_load %arg7[%parallel_loop3A_1773, %parallel_loop3A_1774, %parallel_loop3A_1775] {strides = array<i32>} : memref<8x200x64xbf16, #tpu.memory_space<vmem>>, vector<32xbf16>,
          %parallel_loop3A_1777 = arith.addf %parallel_loop3A_1769, %parallel_loop3A_1776 : vector<32xbf16>
          %parallel_loop3A_1778 = tpu.unpack_subelements %parallel_loop3A_1764, 0 {pack_format = #tpu.pack_format<interleaved>} : vector<32xbf16> -> vector<16xf32>
          %parallel_loop3A_1779 = tpu.unpack_subelements %parallel_loop3A_1764, 1 {pack_format = #tpu.pack_format<interleaved>} : vector<32xbf16> -> vector<16xf32>
          %parallel_loop3A_1780 = tpu.unpack_subelements %parallel_loop3A_1777, 0 {pack_format = #tpu.pack_format<interleaved>} : vector<32xbf16> -> vector<16xf32>
          %parallel_loop3A_1781 = tpu.unpack_subelements %parallel_loop3A_1777, 1 {pack_format = #tpu.pack_format<interleaved>} : vector<32xbf16> -> vector<16xf32>
          %parallel_loop3A_1782 = arith.addf %parallel_loop3A_1746, %parallel_loop3A_1778 : vector<16xf32>
          %parallel_loop3A_1783 = arith.addf %parallel_loop3A_1747, %parallel_loop3A_1779 : vector<16xf32>
          %parallel_loop3A_1784 = arith.addf %parallel_loop3A_1748, %parallel_loop3A_1780 : vector<16xf32>
          %parallel_loop3A_1785 = arith.addf %parallel_loop3A_1749, %parallel_loop3A_1781 : vector<16xf32>
          scf.yield %parallel_loop3A_1782, %parallel_loop3A_1783, %parallel_loop3A_1784, %parallel_loop3A_1785 : vector<16xf32>, vector<16xf32>, vector<16xf32>, vector<16xf32>
        } {sc.loop_unroll_factor = 8 : i64, sc.parallel_access}
        %mul3A_920 = arith.constant 5.000000e-03 : f32
        %mul3A_921 = vector.broadcast %mul3A_920 : f32 to vector<16xf32>
        %mul3A_922 = arith.mulf %parallel_loop3A_919#0, %mul3A_921 : vector<16xf32>
        %add3A_923 = arith.addf %mul3A_922, %get3A_7 : vector<16xf32>
        %max3A_924 = arith.constant 0.000000e+00 : f32
        %max3A_925 = vector.broadcast %max3A_924 : f32 to vector<16xf32>
        %max3A_926 = arith.maximumf %add3A_923, %max3A_925 : vector<16xf32>
        %mul3A_927 = arith.constant 5.000000e-03 : f32
        %mul3A_928 = vector.broadcast %mul3A_927 : f32 to vector<16xf32>
        %mul3A_929 = arith.mulf %parallel_loop3A_919#1, %mul3A_928 : vector<16xf32>
        %add3A_930 = arith.addf %mul3A_929, %get3A_11 : vector<16xf32>
        %max3A_931 = arith.constant 0.000000e+00 : f32
        %max3A_932 = vector.broadcast %max3A_931 : f32 to vector<16xf32>
        %max3A_933 = arith.maximumf %add3A_930, %max3A_932 : vector<16xf32>
        %mul3A_934 = arith.constant 5.000000e-03 : f32
        %mul3A_935 = vector.broadcast %mul3A_934 : f32 to vector<16xf32>
        %mul3A_936 = arith.mulf %parallel_loop3A_919#2, %mul3A_935 : vector<16xf32>
        %add3A_937 = arith.addf %mul3A_936, %get3A_15 : vector<16xf32>
        %max3A_938 = arith.constant 0.000000e+00 : f32
        %max3A_939 = vector.broadcast %max3A_938 : f32 to vector<16xf32>
        %max3A_940 = arith.maximumf %add3A_937, %max3A_939 : vector<16xf32>
        %mul3A_941 = arith.constant 5.000000e-03 : f32
        %mul3A_942 = vector.broadcast %mul3A_941 : f32 to vector<16xf32>
        %mul3A_943 = arith.mulf %parallel_loop3A_919#3, %mul3A_942 : vector<16xf32>
        %add3A_944 = arith.addf %mul3A_943, %get3A_19 : vector<16xf32>
        %max3A_945 = arith.constant 0.000000e+00 : f32
        %max3A_946 = vector.broadcast %max3A_945 : f32 to vector<16xf32>
        %max3A_947 = arith.maximumf %add3A_944, %max3A_946 : vector<16xf32>
        %mul3A_948 = arith.mulf %max3A_926, %get3A_23 : vector<16xf32>
        %mul3A_949 = arith.mulf %max3A_933, %get3A_27 : vector<16xf32>
        %add3A_950 = arith.addf %mul3A_948, %mul3A_949 : vector<16xf32>
        %mul3A_951 = arith.mulf %max3A_940, %get3A_31 : vector<16xf32>
        %add3A_952 = arith.addf %add3A_950, %mul3A_951 : vector<16xf32>
        %mul3A_953 = arith.mulf %max3A_947, %get3A_35 : vector<16xf32>
        %add3A_954 = arith.addf %add3A_952, %mul3A_953 : vector<16xf32>
        %add3A_955 = arith.addf %add3A_954, %get3A_55 : vector<16xf32>
        %reduce_sum3A_956 = arith.constant true
        %reduce_sum3A_957 = vector.broadcast %reduce_sum3A_956 : i1 to vector<16xi1>
        %reduce_sum3A_958 = tpu.scan <sum>, %add3A_955 masked %reduce_sum3A_957 : vector<16xf32>, vector<16xi1> -> vector<16xf32>
        %reduce_sum3A_959 = vector.extract %reduce_sum3A_958[15] : f32 from vector<16xf32>
        %eq3A_960 = arith.constant 0 : i32
        %eq3A_961 = vector.broadcast %eq3A_960 : i32 to vector<16xi32>
        %eq3A_962 = arith.cmpi eq, %iota3A, %eq3A_961 : vector<16xi32>
        %broadcast_in_dim3A_963 = vector.broadcast %reduce_sum3A_959 : f32 to vector<16xf32>
        %select_n3A_964 = arith.select %eq3A_962, %broadcast_in_dim3A_963, %broadcast_in_dim3A_874 : vector<16xi1>, vector<16xf32>
        %mul3A_965 = arith.mulf %max3A_926, %get3A_39 : vector<16xf32>
        %mul3A_966 = arith.mulf %max3A_933, %get3A_43 : vector<16xf32>
        %add3A_967 = arith.addf %mul3A_965, %mul3A_966 : vector<16xf32>
        %mul3A_968 = arith.mulf %max3A_940, %get3A_47 : vector<16xf32>
        %add3A_969 = arith.addf %add3A_967, %mul3A_968 : vector<16xf32>
        %mul3A_970 = arith.mulf %max3A_947, %get3A_51 : vector<16xf32>
        %add3A_971 = arith.addf %add3A_969, %mul3A_970 : vector<16xf32>
        %add3A_972 = arith.addf %add3A_971, %get3A_59 : vector<16xf32>
        %reduce_sum3A_973 = arith.constant true
        %reduce_sum3A_974 = vector.broadcast %reduce_sum3A_973 : i1 to vector<16xi1>
        %reduce_sum3A_975 = tpu.scan <sum>, %add3A_972 masked %reduce_sum3A_974 : vector<16xf32>, vector<16xi1> -> vector<16xf32>
        %reduce_sum3A_976 = vector.extract %reduce_sum3A_975[15] : f32 from vector<16xf32>
        %eq3A_977 = arith.constant 1 : i32
        %eq3A_978 = vector.broadcast %eq3A_977 : i32 to vector<16xi32>
        %eq3A_979 = arith.cmpi eq, %iota3A, %eq3A_978 : vector<16xi32>
        %broadcast_in_dim3A_980 = vector.broadcast %reduce_sum3A_976 : f32 to vector<16xf32>
        %select_n3A_981 = arith.select %eq3A_979, %broadcast_in_dim3A_980, %select_n3A_964 : vector<16xi1>, vector<16xf32>
        %mul3A_982 = arith.constant 8 : i32
        %mul3A_983 = arith.muli %mul3A_982, %scan3A_872 : i32
        %add3A_984 = arith.constant 1 : i32
        %add3A_985 = arith.addi %mul3A_983, %add3A_984 : i32
        %dma_wait3A_986 = arith.constant 1 : i32
        %dma_wait3A_987 = arith.constant 0 : i32
        %dma_wait3A_988 = arith.constant 0 : i32
        %dma_wait3A_989 = tpu.memref_slice %arg7[%dma_wait3A_986, %dma_wait3A_987, %dma_wait3A_988] : memref<8x200x64xbf16, #tpu.memory_space<vmem>> -> memref<1x200x64xbf16, #tpu.memory_space<vmem>>
        %dma_wait3A_990 = tpu.memref_squeeze %dma_wait3A_989 : memref<1x200x64xbf16, #tpu.memory_space<vmem>> -> memref<200x64xbf16, #tpu.memory_space<vmem>>
        %dma_wait3A_991 = arith.constant 0 : i32
        %dma_wait3A_992 = arith.constant 0 : i32
        %dma_wait3A_993 = tpu.memref_slice %arg3[%dma_wait3A_991, %dma_wait3A_992] : memref<100000x64xbf16, #tpu.memory_space<hbm>> -> memref<200x64xbf16, #tpu.memory_space<hbm>>
        %dma_wait3A_994 = arith.constant 0 : i32
        %dma_wait3A_995 = arith.constant 0 : i32
        %dma_wait3A_996 = tpu.memref_slice %arg7[%dma_wait3A_986, %dma_wait3A_994, %dma_wait3A_995] : memref<8x200x64xbf16, #tpu.memory_space<vmem>> -> memref<1x200x64xbf16, #tpu.memory_space<vmem>>
        %dma_wait3A_997 = tpu.memref_squeeze %dma_wait3A_996 : memref<1x200x64xbf16, #tpu.memory_space<vmem>> -> memref<200x64xbf16, #tpu.memory_space<vmem>>
        %dma_wait3A_998 = arith.constant 0 : i32
        %dma_wait3A_999 = arith.constant 0 : i32
        %dma_wait3A_1000 = tpu.memref_slice %arg3[%dma_wait3A_998, %dma_wait3A_999] : memref<100000x64xbf16, #tpu.memory_space<hbm>> -> memref<200x64xbf16, #tpu.memory_space<hbm>>
        tpu.wait_dma2 semaphore(%arg10 : memref<!tpu.dma_semaphore, #tpu.memory_space<semaphore_mem>>) src(%dma_wait3A_1000 : memref<200x64xbf16, #tpu.memory_space<hbm>>) dst(%dma_wait3A_997 : memref<200x64xbf16, #tpu.memory_space<vmem>>)
        %add3A_1001 = arith.constant 8 : i32
        %add3A_1002 = arith.addi %add3A_985, %add3A_1001 : i32
        %sub3A_1003 = arith.constant 1 : i32
        %sub3A_1004 = arith.subi %add3A_1002, %sub3A_1003 : i32
        %mul3A_1005 = arith.constant 200 : i32
        %mul3A_1006 = arith.muli %sub3A_1004, %mul3A_1005 : i32
        %dma_start3A_1007 = arith.constant 0 : i32
        %dma_start3A_1008 = arith.constant 0 : i32
        %dma_start3A_1009 = arith.constant 0 : i32
        %dma_start3A_1010 = tpu.memref_slice %arg7[%dma_start3A_1007, %dma_start3A_1008, %dma_start3A_1009] : memref<8x200x64xbf16, #tpu.memory_space<vmem>> -> memref<1x200x64xbf16, #tpu.memory_space<vmem>>
        %dma_start3A_1011 = tpu.memref_squeeze %dma_start3A_1010 : memref<1x200x64xbf16, #tpu.memory_space<vmem>> -> memref<200x64xbf16, #tpu.memory_space<vmem>>
        %dma_start3A_1012 = tpu.memref_slice %arg6[%mul3A_1006] : memref<25600xi32, #tpu.memory_space<vmem>> -> memref<200xi32, #tpu.memory_space<vmem>>
        %dma_start3A_1013 = arith.constant 0 : i32
        %dma_start3A_1014 = arith.constant 0 : i32
        %dma_start3A_1015 = tpu.memref_slice %arg3[%dma_start3A_1013, %dma_start3A_1014] : memref<100000x64xbf16, #tpu.memory_space<hbm>> -> memref<100000x64xbf16, #tpu.memory_space<hbm>>
        tpu.enqueue_indirect_dma source(%dma_start3A_1015 : memref<100000x64xbf16, #tpu.memory_space<hbm>>) target(%dma_start3A_1011 : memref<200x64xbf16, #tpu.memory_space<vmem>>) offsets(%dma_start3A_1012 : memref<200xi32, #tpu.memory_space<vmem>>) semaphore(%arg10 : memref<!tpu.dma_semaphore, #tpu.memory_space<semaphore_mem>>)
        %broadcast_in_dim3A_1016 = arith.constant 0.000000e+00 : f32
        %broadcast_in_dim3A_1017 = vector.broadcast %broadcast_in_dim3A_1016 : f32 to vector<16xf32>
        %broadcast_in_dim3A_1018 = arith.constant 0.000000e+00 : f32
        %broadcast_in_dim3A_1019 = vector.broadcast %broadcast_in_dim3A_1018 : f32 to vector<16xf32>
        %broadcast_in_dim3A_1020 = arith.constant 0.000000e+00 : f32
        %broadcast_in_dim3A_1021 = vector.broadcast %broadcast_in_dim3A_1020 : f32 to vector<16xf32>
        %broadcast_in_dim3A_1022 = arith.constant 0.000000e+00 : f32
        %broadcast_in_dim3A_1023 = vector.broadcast %broadcast_in_dim3A_1022 : f32 to vector<16xf32>
        %parallel_loop3A_1024 = arith.constant 0 : i32
        %parallel_loop3A_1025 = arith.constant 100 : i32
        %parallel_loop3A_1026 = arith.constant 1 : i32
        %parallel_loop3A_1027:4 = scf.for %parallel_loop3A_1745 = %parallel_loop3A_1024 to %parallel_loop3A_1025 step %parallel_loop3A_1026 iter_args(%parallel_loop3A_1746 = %broadcast_in_dim3A_1017, %parallel_loop3A_1747 = %broadcast_in_dim3A_1019, %parallel_loop3A_1748 = %broadcast_in_dim3A_1021, %parallel_loop3A_1749 = %broadcast_in_dim3A_1023) -> (vector<16xf32>, vector<16xf32>, vector<16xf32>, vector<16xf32>)  : i32 {
          %parallel_loop3A_1750 = arith.constant 2 : i32
          %parallel_loop3A_1751 = arith.muli %parallel_loop3A_1750, %parallel_loop3A_1745 : i32
          %parallel_loop3A_1752 = arith.constant 1 : i32
          %parallel_loop3A_1753 = arith.index_cast %parallel_loop3A_1752 : i32 to index
          %parallel_loop3A_1754 = arith.index_cast %parallel_loop3A_1751 : i32 to index
          %parallel_loop3A_1755 = arith.constant 0 : index
          %parallel_loop3A_1756 = tpu.vector_load %arg7[%parallel_loop3A_1753, %parallel_loop3A_1754, %parallel_loop3A_1755] {strides = array<i32>} : memref<8x200x64xbf16, #tpu.memory_space<vmem>>, vector<32xbf16>,
          %parallel_loop3A_1757 = arith.constant 1 : i32
          %parallel_loop3A_1758 = arith.addi %parallel_loop3A_1751, %parallel_loop3A_1757 : i32
          %parallel_loop3A_1759 = arith.constant 1 : i32
          %parallel_loop3A_1760 = arith.index_cast %parallel_loop3A_1759 : i32 to index
          %parallel_loop3A_1761 = arith.index_cast %parallel_loop3A_1758 : i32 to index
          %parallel_loop3A_1762 = arith.constant 0 : index
          %parallel_loop3A_1763 = tpu.vector_load %arg7[%parallel_loop3A_1760, %parallel_loop3A_1761, %parallel_loop3A_1762] {strides = array<i32>} : memref<8x200x64xbf16, #tpu.memory_space<vmem>>, vector<32xbf16>,
          %parallel_loop3A_1764 = arith.addf %parallel_loop3A_1756, %parallel_loop3A_1763 : vector<32xbf16>
          %parallel_loop3A_1765 = arith.constant 1 : i32
          %parallel_loop3A_1766 = arith.index_cast %parallel_loop3A_1765 : i32 to index
          %parallel_loop3A_1767 = arith.index_cast %parallel_loop3A_1751 : i32 to index
          %parallel_loop3A_1768 = arith.constant 32 : index
          %parallel_loop3A_1769 = tpu.vector_load %arg7[%parallel_loop3A_1766, %parallel_loop3A_1767, %parallel_loop3A_1768] {strides = array<i32>} : memref<8x200x64xbf16, #tpu.memory_space<vmem>>, vector<32xbf16>,
          %parallel_loop3A_1770 = arith.constant 1 : i32
          %parallel_loop3A_1771 = arith.addi %parallel_loop3A_1751, %parallel_loop3A_1770 : i32
          %parallel_loop3A_1772 = arith.constant 1 : i32
          %parallel_loop3A_1773 = arith.index_cast %parallel_loop3A_1772 : i32 to index
          %parallel_loop3A_1774 = arith.index_cast %parallel_loop3A_1771 : i32 to index
          %parallel_loop3A_1775 = arith.constant 32 : index
          %parallel_loop3A_1776 = tpu.vector_load %arg7[%parallel_loop3A_1773, %parallel_loop3A_1774, %parallel_loop3A_1775] {strides = array<i32>} : memref<8x200x64xbf16, #tpu.memory_space<vmem>>, vector<32xbf16>,
          %parallel_loop3A_1777 = arith.addf %parallel_loop3A_1769, %parallel_loop3A_1776 : vector<32xbf16>
          %parallel_loop3A_1778 = tpu.unpack_subelements %parallel_loop3A_1764, 0 {pack_format = #tpu.pack_format<interleaved>} : vector<32xbf16> -> vector<16xf32>
          %parallel_loop3A_1779 = tpu.unpack_subelements %parallel_loop3A_1764, 1 {pack_format = #tpu.pack_format<interleaved>} : vector<32xbf16> -> vector<16xf32>
          %parallel_loop3A_1780 = tpu.unpack_subelements %parallel_loop3A_1777, 0 {pack_format = #tpu.pack_format<interleaved>} : vector<32xbf16> -> vector<16xf32>
          %parallel_loop3A_1781 = tpu.unpack_subelements %parallel_loop3A_1777, 1 {pack_format = #tpu.pack_format<interleaved>} : vector<32xbf16> -> vector<16xf32>
          %parallel_loop3A_1782 = arith.addf %parallel_loop3A_1746, %parallel_loop3A_1778 : vector<16xf32>
          %parallel_loop3A_1783 = arith.addf %parallel_loop3A_1747, %parallel_loop3A_1779 : vector<16xf32>
          %parallel_loop3A_1784 = arith.addf %parallel_loop3A_1748, %parallel_loop3A_1780 : vector<16xf32>
          %parallel_loop3A_1785 = arith.addf %parallel_loop3A_1749, %parallel_loop3A_1781 : vector<16xf32>
          scf.yield %parallel_loop3A_1782, %parallel_loop3A_1783, %parallel_loop3A_1784, %parallel_loop3A_1785 : vector<16xf32>, vector<16xf32>, vector<16xf32>, vector<16xf32>
        } {sc.loop_unroll_factor = 8 : i64, sc.parallel_access}
        %mul3A_1028 = arith.constant 5.000000e-03 : f32
        %mul3A_1029 = vector.broadcast %mul3A_1028 : f32 to vector<16xf32>
        %mul3A_1030 = arith.mulf %parallel_loop3A_1027#0, %mul3A_1029 : vector<16xf32>
        %add3A_1031 = arith.addf %mul3A_1030, %get3A_7 : vector<16xf32>
        %max3A_1032 = arith.constant 0.000000e+00 : f32
        %max3A_1033 = vector.broadcast %max3A_1032 : f32 to vector<16xf32>
        %max3A_1034 = arith.maximumf %add3A_1031, %max3A_1033 : vector<16xf32>
        %mul3A_1035 = arith.constant 5.000000e-03 : f32
        %mul3A_1036 = vector.broadcast %mul3A_1035 : f32 to vector<16xf32>
        %mul3A_1037 = arith.mulf %parallel_loop3A_1027#1, %mul3A_1036 : vector<16xf32>
        %add3A_1038 = arith.addf %mul3A_1037, %get3A_11 : vector<16xf32>
        %max3A_1039 = arith.constant 0.000000e+00 : f32
        %max3A_1040 = vector.broadcast %max3A_1039 : f32 to vector<16xf32>
        %max3A_1041 = arith.maximumf %add3A_1038, %max3A_1040 : vector<16xf32>
        %mul3A_1042 = arith.constant 5.000000e-03 : f32
        %mul3A_1043 = vector.broadcast %mul3A_1042 : f32 to vector<16xf32>
        %mul3A_1044 = arith.mulf %parallel_loop3A_1027#2, %mul3A_1043 : vector<16xf32>
        %add3A_1045 = arith.addf %mul3A_1044, %get3A_15 : vector<16xf32>
        %max3A_1046 = arith.constant 0.000000e+00 : f32
        %max3A_1047 = vector.broadcast %max3A_1046 : f32 to vector<16xf32>
        %max3A_1048 = arith.maximumf %add3A_1045, %max3A_1047 : vector<16xf32>
        %mul3A_1049 = arith.constant 5.000000e-03 : f32
        %mul3A_1050 = vector.broadcast %mul3A_1049 : f32 to vector<16xf32>
        %mul3A_1051 = arith.mulf %parallel_loop3A_1027#3, %mul3A_1050 : vector<16xf32>
        %add3A_1052 = arith.addf %mul3A_1051, %get3A_19 : vector<16xf32>
        %max3A_1053 = arith.constant 0.000000e+00 : f32
        %max3A_1054 = vector.broadcast %max3A_1053 : f32 to vector<16xf32>
        %max3A_1055 = arith.maximumf %add3A_1052, %max3A_1054 : vector<16xf32>
        %mul3A_1056 = arith.mulf %max3A_1034, %get3A_23 : vector<16xf32>
        %mul3A_1057 = arith.mulf %max3A_1041, %get3A_27 : vector<16xf32>
        %add3A_1058 = arith.addf %mul3A_1056, %mul3A_1057 : vector<16xf32>
        %mul3A_1059 = arith.mulf %max3A_1048, %get3A_31 : vector<16xf32>
        %add3A_1060 = arith.addf %add3A_1058, %mul3A_1059 : vector<16xf32>
        %mul3A_1061 = arith.mulf %max3A_1055, %get3A_35 : vector<16xf32>
        %add3A_1062 = arith.addf %add3A_1060, %mul3A_1061 : vector<16xf32>
        %add3A_1063 = arith.addf %add3A_1062, %get3A_55 : vector<16xf32>
        %reduce_sum3A_1064 = arith.constant true
        %reduce_sum3A_1065 = vector.broadcast %reduce_sum3A_1064 : i1 to vector<16xi1>
        %reduce_sum3A_1066 = tpu.scan <sum>, %add3A_1063 masked %reduce_sum3A_1065 : vector<16xf32>, vector<16xi1> -> vector<16xf32>
        %reduce_sum3A_1067 = vector.extract %reduce_sum3A_1066[15] : f32 from vector<16xf32>
        %eq3A_1068 = arith.constant 2 : i32
        %eq3A_1069 = vector.broadcast %eq3A_1068 : i32 to vector<16xi32>
        %eq3A_1070 = arith.cmpi eq, %iota3A, %eq3A_1069 : vector<16xi32>
        %broadcast_in_dim3A_1071 = vector.broadcast %reduce_sum3A_1067 : f32 to vector<16xf32>
        %select_n3A_1072 = arith.select %eq3A_1070, %broadcast_in_dim3A_1071, %select_n3A_981 : vector<16xi1>, vector<16xf32>
        %mul3A_1073 = arith.mulf %max3A_1034, %get3A_39 : vector<16xf32>
        %mul3A_1074 = arith.mulf %max3A_1041, %get3A_43 : vector<16xf32>
        %add3A_1075 = arith.addf %mul3A_1073, %mul3A_1074 : vector<16xf32>
        %mul3A_1076 = arith.mulf %max3A_1048, %get3A_47 : vector<16xf32>
        %add3A_1077 = arith.addf %add3A_1075, %mul3A_1076 : vector<16xf32>
        %mul3A_1078 = arith.mulf %max3A_1055, %get3A_51 : vector<16xf32>
        %add3A_1079 = arith.addf %add3A_1077, %mul3A_1078 : vector<16xf32>
        %add3A_1080 = arith.addf %add3A_1079, %get3A_59 : vector<16xf32>
        %reduce_sum3A_1081 = arith.constant true
        %reduce_sum3A_1082 = vector.broadcast %reduce_sum3A_1081 : i1 to vector<16xi1>
        %reduce_sum3A_1083 = tpu.scan <sum>, %add3A_1080 masked %reduce_sum3A_1082 : vector<16xf32>, vector<16xi1> -> vector<16xf32>
        %reduce_sum3A_1084 = vector.extract %reduce_sum3A_1083[15] : f32 from vector<16xf32>
        %eq3A_1085 = arith.constant 3 : i32
        %eq3A_1086 = vector.broadcast %eq3A_1085 : i32 to vector<16xi32>
        %eq3A_1087 = arith.cmpi eq, %iota3A, %eq3A_1086 : vector<16xi32>
        %broadcast_in_dim3A_1088 = vector.broadcast %reduce_sum3A_1084 : f32 to vector<16xf32>
        %select_n3A_1089 = arith.select %eq3A_1087, %broadcast_in_dim3A_1088, %select_n3A_1072 : vector<16xi1>, vector<16xf32>
        %mul3A_1090 = arith.constant 8 : i32
        %mul3A_1091 = arith.muli %mul3A_1090, %scan3A_872 : i32
        %add3A_1092 = arith.constant 2 : i32
        %add3A_1093 = arith.addi %mul3A_1091, %add3A_1092 : i32
        %dma_wait3A_1094 = arith.constant 2 : i32
        %dma_wait3A_1095 = arith.constant 0 : i32
        %dma_wait3A_1096 = arith.constant 0 : i32
        %dma_wait3A_1097 = tpu.memref_slice %arg7[%dma_wait3A_1094, %dma_wait3A_1095, %dma_wait3A_1096] : memref<8x200x64xbf16, #tpu.memory_space<vmem>> -> memref<1x200x64xbf16, #tpu.memory_space<vmem>>
        %dma_wait3A_1098 = tpu.memref_squeeze %dma_wait3A_1097 : memref<1x200x64xbf16, #tpu.memory_space<vmem>> -> memref<200x64xbf16, #tpu.memory_space<vmem>>
        %dma_wait3A_1099 = arith.constant 0 : i32
        %dma_wait3A_1100 = arith.constant 0 : i32
        %dma_wait3A_1101 = tpu.memref_slice %arg3[%dma_wait3A_1099, %dma_wait3A_1100] : memref<100000x64xbf16, #tpu.memory_space<hbm>> -> memref<200x64xbf16, #tpu.memory_space<hbm>>
        %dma_wait3A_1102 = arith.constant 0 : i32
        %dma_wait3A_1103 = arith.constant 0 : i32
        %dma_wait3A_1104 = tpu.memref_slice %arg7[%dma_wait3A_1094, %dma_wait3A_1102, %dma_wait3A_1103] : memref<8x200x64xbf16, #tpu.memory_space<vmem>> -> memref<1x200x64xbf16, #tpu.memory_space<vmem>>
        %dma_wait3A_1105 = tpu.memref_squeeze %dma_wait3A_1104 : memref<1x200x64xbf16, #tpu.memory_space<vmem>> -> memref<200x64xbf16, #tpu.memory_space<vmem>>
        %dma_wait3A_1106 = arith.constant 0 : i32
        %dma_wait3A_1107 = arith.constant 0 : i32
        %dma_wait3A_1108 = tpu.memref_slice %arg3[%dma_wait3A_1106, %dma_wait3A_1107] : memref<100000x64xbf16, #tpu.memory_space<hbm>> -> memref<200x64xbf16, #tpu.memory_space<hbm>>
        tpu.wait_dma2 semaphore(%arg10 : memref<!tpu.dma_semaphore, #tpu.memory_space<semaphore_mem>>) src(%dma_wait3A_1108 : memref<200x64xbf16, #tpu.memory_space<hbm>>) dst(%dma_wait3A_1105 : memref<200x64xbf16, #tpu.memory_space<vmem>>)
        %add3A_1109 = arith.constant 8 : i32
        %add3A_1110 = arith.addi %add3A_1093, %add3A_1109 : i32
        %sub3A_1111 = arith.constant 1 : i32
        %sub3A_1112 = arith.subi %add3A_1110, %sub3A_1111 : i32
        %mul3A_1113 = arith.constant 200 : i32
        %mul3A_1114 = arith.muli %sub3A_1112, %mul3A_1113 : i32
        %dma_start3A_1115 = arith.constant 1 : i32
        %dma_start3A_1116 = arith.constant 0 : i32
        %dma_start3A_1117 = arith.constant 0 : i32
        %dma_start3A_1118 = tpu.memref_slice %arg7[%dma_start3A_1115, %dma_start3A_1116, %dma_start3A_1117] : memref<8x200x64xbf16, #tpu.memory_space<vmem>> -> memref<1x200x64xbf16, #tpu.memory_space<vmem>>
        %dma_start3A_1119 = tpu.memref_squeeze %dma_start3A_1118 : memref<1x200x64xbf16, #tpu.memory_space<vmem>> -> memref<200x64xbf16, #tpu.memory_space<vmem>>
        %dma_start3A_1120 = tpu.memref_slice %arg6[%mul3A_1114] : memref<25600xi32, #tpu.memory_space<vmem>> -> memref<200xi32, #tpu.memory_space<vmem>>
        %dma_start3A_1121 = arith.constant 0 : i32
        %dma_start3A_1122 = arith.constant 0 : i32
        %dma_start3A_1123 = tpu.memref_slice %arg3[%dma_start3A_1121, %dma_start3A_1122] : memref<100000x64xbf16, #tpu.memory_space<hbm>> -> memref<100000x64xbf16, #tpu.memory_space<hbm>>
        tpu.enqueue_indirect_dma source(%dma_start3A_1123 : memref<100000x64xbf16, #tpu.memory_space<hbm>>) target(%dma_start3A_1119 : memref<200x64xbf16, #tpu.memory_space<vmem>>) offsets(%dma_start3A_1120 : memref<200xi32, #tpu.memory_space<vmem>>) semaphore(%arg10 : memref<!tpu.dma_semaphore, #tpu.memory_space<semaphore_mem>>)
        %broadcast_in_dim3A_1124 = arith.constant 0.000000e+00 : f32
        %broadcast_in_dim3A_1125 = vector.broadcast %broadcast_in_dim3A_1124 : f32 to vector<16xf32>
        %broadcast_in_dim3A_1126 = arith.constant 0.000000e+00 : f32
        %broadcast_in_dim3A_1127 = vector.broadcast %broadcast_in_dim3A_1126 : f32 to vector<16xf32>
        %broadcast_in_dim3A_1128 = arith.constant 0.000000e+00 : f32
        %broadcast_in_dim3A_1129 = vector.broadcast %broadcast_in_dim3A_1128 : f32 to vector<16xf32>
        %broadcast_in_dim3A_1130 = arith.constant 0.000000e+00 : f32
        %broadcast_in_dim3A_1131 = vector.broadcast %broadcast_in_dim3A_1130 : f32 to vector<16xf32>
        %parallel_loop3A_1132 = arith.constant 0 : i32
        %parallel_loop3A_1133 = arith.constant 100 : i32
        %parallel_loop3A_1134 = arith.constant 1 : i32
        %parallel_loop3A_1135:4 = scf.for %parallel_loop3A_1745 = %parallel_loop3A_1132 to %parallel_loop3A_1133 step %parallel_loop3A_1134 iter_args(%parallel_loop3A_1746 = %broadcast_in_dim3A_1125, %parallel_loop3A_1747 = %broadcast_in_dim3A_1127, %parallel_loop3A_1748 = %broadcast_in_dim3A_1129, %parallel_loop3A_1749 = %broadcast_in_dim3A_1131) -> (vector<16xf32>, vector<16xf32>, vector<16xf32>, vector<16xf32>)  : i32 {
          %parallel_loop3A_1750 = arith.constant 2 : i32
          %parallel_loop3A_1751 = arith.muli %parallel_loop3A_1750, %parallel_loop3A_1745 : i32
          %parallel_loop3A_1752 = arith.constant 2 : i32
          %parallel_loop3A_1753 = arith.index_cast %parallel_loop3A_1752 : i32 to index
          %parallel_loop3A_1754 = arith.index_cast %parallel_loop3A_1751 : i32 to index
          %parallel_loop3A_1755 = arith.constant 0 : index
          %parallel_loop3A_1756 = tpu.vector_load %arg7[%parallel_loop3A_1753, %parallel_loop3A_1754, %parallel_loop3A_1755] {strides = array<i32>} : memref<8x200x64xbf16, #tpu.memory_space<vmem>>, vector<32xbf16>,
          %parallel_loop3A_1757 = arith.constant 1 : i32
          %parallel_loop3A_1758 = arith.addi %parallel_loop3A_1751, %parallel_loop3A_1757 : i32
          %parallel_loop3A_1759 = arith.constant 2 : i32
          %parallel_loop3A_1760 = arith.index_cast %parallel_loop3A_1759 : i32 to index
          %parallel_loop3A_1761 = arith.index_cast %parallel_loop3A_1758 : i32 to index
          %parallel_loop3A_1762 = arith.constant 0 : index
          %parallel_loop3A_1763 = tpu.vector_load %arg7[%parallel_loop3A_1760, %parallel_loop3A_1761, %parallel_loop3A_1762] {strides = array<i32>} : memref<8x200x64xbf16, #tpu.memory_space<vmem>>, vector<32xbf16>,
          %parallel_loop3A_1764 = arith.addf %parallel_loop3A_1756, %parallel_loop3A_1763 : vector<32xbf16>
          %parallel_loop3A_1765 = arith.constant 2 : i32
          %parallel_loop3A_1766 = arith.index_cast %parallel_loop3A_1765 : i32 to index
          %parallel_loop3A_1767 = arith.index_cast %parallel_loop3A_1751 : i32 to index
          %parallel_loop3A_1768 = arith.constant 32 : index
          %parallel_loop3A_1769 = tpu.vector_load %arg7[%parallel_loop3A_1766, %parallel_loop3A_1767, %parallel_loop3A_1768] {strides = array<i32>} : memref<8x200x64xbf16, #tpu.memory_space<vmem>>, vector<32xbf16>,
          %parallel_loop3A_1770 = arith.constant 1 : i32
          %parallel_loop3A_1771 = arith.addi %parallel_loop3A_1751, %parallel_loop3A_1770 : i32
          %parallel_loop3A_1772 = arith.constant 2 : i32
          %parallel_loop3A_1773 = arith.index_cast %parallel_loop3A_1772 : i32 to index
          %parallel_loop3A_1774 = arith.index_cast %parallel_loop3A_1771 : i32 to index
          %parallel_loop3A_1775 = arith.constant 32 : index
          %parallel_loop3A_1776 = tpu.vector_load %arg7[%parallel_loop3A_1773, %parallel_loop3A_1774, %parallel_loop3A_1775] {strides = array<i32>} : memref<8x200x64xbf16, #tpu.memory_space<vmem>>, vector<32xbf16>,
          %parallel_loop3A_1777 = arith.addf %parallel_loop3A_1769, %parallel_loop3A_1776 : vector<32xbf16>
          %parallel_loop3A_1778 = tpu.unpack_subelements %parallel_loop3A_1764, 0 {pack_format = #tpu.pack_format<interleaved>} : vector<32xbf16> -> vector<16xf32>
          %parallel_loop3A_1779 = tpu.unpack_subelements %parallel_loop3A_1764, 1 {pack_format = #tpu.pack_format<interleaved>} : vector<32xbf16> -> vector<16xf32>
          %parallel_loop3A_1780 = tpu.unpack_subelements %parallel_loop3A_1777, 0 {pack_format = #tpu.pack_format<interleaved>} : vector<32xbf16> -> vector<16xf32>
          %parallel_loop3A_1781 = tpu.unpack_subelements %parallel_loop3A_1777, 1 {pack_format = #tpu.pack_format<interleaved>} : vector<32xbf16> -> vector<16xf32>
          %parallel_loop3A_1782 = arith.addf %parallel_loop3A_1746, %parallel_loop3A_1778 : vector<16xf32>
          %parallel_loop3A_1783 = arith.addf %parallel_loop3A_1747, %parallel_loop3A_1779 : vector<16xf32>
          %parallel_loop3A_1784 = arith.addf %parallel_loop3A_1748, %parallel_loop3A_1780 : vector<16xf32>
          %parallel_loop3A_1785 = arith.addf %parallel_loop3A_1749, %parallel_loop3A_1781 : vector<16xf32>
          scf.yield %parallel_loop3A_1782, %parallel_loop3A_1783, %parallel_loop3A_1784, %parallel_loop3A_1785 : vector<16xf32>, vector<16xf32>, vector<16xf32>, vector<16xf32>
        } {sc.loop_unroll_factor = 8 : i64, sc.parallel_access}
        %mul3A_1136 = arith.constant 5.000000e-03 : f32
        %mul3A_1137 = vector.broadcast %mul3A_1136 : f32 to vector<16xf32>
        %mul3A_1138 = arith.mulf %parallel_loop3A_1135#0, %mul3A_1137 : vector<16xf32>
        %add3A_1139 = arith.addf %mul3A_1138, %get3A_7 : vector<16xf32>
        %max3A_1140 = arith.constant 0.000000e+00 : f32
        %max3A_1141 = vector.broadcast %max3A_1140 : f32 to vector<16xf32>
        %max3A_1142 = arith.maximumf %add3A_1139, %max3A_1141 : vector<16xf32>
        %mul3A_1143 = arith.constant 5.000000e-03 : f32
        %mul3A_1144 = vector.broadcast %mul3A_1143 : f32 to vector<16xf32>
        %mul3A_1145 = arith.mulf %parallel_loop3A_1135#1, %mul3A_1144 : vector<16xf32>
        %add3A_1146 = arith.addf %mul3A_1145, %get3A_11 : vector<16xf32>
        %max3A_1147 = arith.constant 0.000000e+00 : f32
        %max3A_1148 = vector.broadcast %max3A_1147 : f32 to vector<16xf32>
        %max3A_1149 = arith.maximumf %add3A_1146, %max3A_1148 : vector<16xf32>
        %mul3A_1150 = arith.constant 5.000000e-03 : f32
        %mul3A_1151 = vector.broadcast %mul3A_1150 : f32 to vector<16xf32>
        %mul3A_1152 = arith.mulf %parallel_loop3A_1135#2, %mul3A_1151 : vector<16xf32>
        %add3A_1153 = arith.addf %mul3A_1152, %get3A_15 : vector<16xf32>
        %max3A_1154 = arith.constant 0.000000e+00 : f32
        %max3A_1155 = vector.broadcast %max3A_1154 : f32 to vector<16xf32>
        %max3A_1156 = arith.maximumf %add3A_1153, %max3A_1155 : vector<16xf32>
        %mul3A_1157 = arith.constant 5.000000e-03 : f32
        %mul3A_1158 = vector.broadcast %mul3A_1157 : f32 to vector<16xf32>
        %mul3A_1159 = arith.mulf %parallel_loop3A_1135#3, %mul3A_1158 : vector<16xf32>
        %add3A_1160 = arith.addf %mul3A_1159, %get3A_19 : vector<16xf32>
        %max3A_1161 = arith.constant 0.000000e+00 : f32
        %max3A_1162 = vector.broadcast %max3A_1161 : f32 to vector<16xf32>
        %max3A_1163 = arith.maximumf %add3A_1160, %max3A_1162 : vector<16xf32>
        %mul3A_1164 = arith.mulf %max3A_1142, %get3A_23 : vector<16xf32>
        %mul3A_1165 = arith.mulf %max3A_1149, %get3A_27 : vector<16xf32>
        %add3A_1166 = arith.addf %mul3A_1164, %mul3A_1165 : vector<16xf32>
        %mul3A_1167 = arith.mulf %max3A_1156, %get3A_31 : vector<16xf32>
        %add3A_1168 = arith.addf %add3A_1166, %mul3A_1167 : vector<16xf32>
        %mul3A_1169 = arith.mulf %max3A_1163, %get3A_35 : vector<16xf32>
        %add3A_1170 = arith.addf %add3A_1168, %mul3A_1169 : vector<16xf32>
        %add3A_1171 = arith.addf %add3A_1170, %get3A_55 : vector<16xf32>
        %reduce_sum3A_1172 = arith.constant true
        %reduce_sum3A_1173 = vector.broadcast %reduce_sum3A_1172 : i1 to vector<16xi1>
        %reduce_sum3A_1174 = tpu.scan <sum>, %add3A_1171 masked %reduce_sum3A_1173 : vector<16xf32>, vector<16xi1> -> vector<16xf32>
        %reduce_sum3A_1175 = vector.extract %reduce_sum3A_1174[15] : f32 from vector<16xf32>
        %eq3A_1176 = arith.constant 4 : i32
        %eq3A_1177 = vector.broadcast %eq3A_1176 : i32 to vector<16xi32>
        %eq3A_1178 = arith.cmpi eq, %iota3A, %eq3A_1177 : vector<16xi32>
        %broadcast_in_dim3A_1179 = vector.broadcast %reduce_sum3A_1175 : f32 to vector<16xf32>
        %select_n3A_1180 = arith.select %eq3A_1178, %broadcast_in_dim3A_1179, %select_n3A_1089 : vector<16xi1>, vector<16xf32>
        %mul3A_1181 = arith.mulf %max3A_1142, %get3A_39 : vector<16xf32>
        %mul3A_1182 = arith.mulf %max3A_1149, %get3A_43 : vector<16xf32>
        %add3A_1183 = arith.addf %mul3A_1181, %mul3A_1182 : vector<16xf32>
        %mul3A_1184 = arith.mulf %max3A_1156, %get3A_47 : vector<16xf32>
        %add3A_1185 = arith.addf %add3A_1183, %mul3A_1184 : vector<16xf32>
        %mul3A_1186 = arith.mulf %max3A_1163, %get3A_51 : vector<16xf32>
        %add3A_1187 = arith.addf %add3A_1185, %mul3A_1186 : vector<16xf32>
        %add3A_1188 = arith.addf %add3A_1187, %get3A_59 : vector<16xf32>
        %reduce_sum3A_1189 = arith.constant true
        %reduce_sum3A_1190 = vector.broadcast %reduce_sum3A_1189 : i1 to vector<16xi1>
        %reduce_sum3A_1191 = tpu.scan <sum>, %add3A_1188 masked %reduce_sum3A_1190 : vector<16xf32>, vector<16xi1> -> vector<16xf32>
        %reduce_sum3A_1192 = vector.extract %reduce_sum3A_1191[15] : f32 from vector<16xf32>
        %eq3A_1193 = arith.constant 5 : i32
        %eq3A_1194 = vector.broadcast %eq3A_1193 : i32 to vector<16xi32>
        %eq3A_1195 = arith.cmpi eq, %iota3A, %eq3A_1194 : vector<16xi32>
        %broadcast_in_dim3A_1196 = vector.broadcast %reduce_sum3A_1192 : f32 to vector<16xf32>
        %select_n3A_1197 = arith.select %eq3A_1195, %broadcast_in_dim3A_1196, %select_n3A_1180 : vector<16xi1>, vector<16xf32>
        %mul3A_1198 = arith.constant 8 : i32
        %mul3A_1199 = arith.muli %mul3A_1198, %scan3A_872 : i32
        %add3A_1200 = arith.constant 3 : i32
        %add3A_1201 = arith.addi %mul3A_1199, %add3A_1200 : i32
        %dma_wait3A_1202 = arith.constant 3 : i32
        %dma_wait3A_1203 = arith.constant 0 : i32
        %dma_wait3A_1204 = arith.constant 0 : i32
        %dma_wait3A_1205 = tpu.memref_slice %arg7[%dma_wait3A_1202, %dma_wait3A_1203, %dma_wait3A_1204] : memref<8x200x64xbf16, #tpu.memory_space<vmem>> -> memref<1x200x64xbf16, #tpu.memory_space<vmem>>
        %dma_wait3A_1206 = tpu.memref_squeeze %dma_wait3A_1205 : memref<1x200x64xbf16, #tpu.memory_space<vmem>> -> memref<200x64xbf16, #tpu.memory_space<vmem>>
        %dma_wait3A_1207 = arith.constant 0 : i32
        %dma_wait3A_1208 = arith.constant 0 : i32
        %dma_wait3A_1209 = tpu.memref_slice %arg3[%dma_wait3A_1207, %dma_wait3A_1208] : memref<100000x64xbf16, #tpu.memory_space<hbm>> -> memref<200x64xbf16, #tpu.memory_space<hbm>>
        %dma_wait3A_1210 = arith.constant 0 : i32
        %dma_wait3A_1211 = arith.constant 0 : i32
        %dma_wait3A_1212 = tpu.memref_slice %arg7[%dma_wait3A_1202, %dma_wait3A_1210, %dma_wait3A_1211] : memref<8x200x64xbf16, #tpu.memory_space<vmem>> -> memref<1x200x64xbf16, #tpu.memory_space<vmem>>
        %dma_wait3A_1213 = tpu.memref_squeeze %dma_wait3A_1212 : memref<1x200x64xbf16, #tpu.memory_space<vmem>> -> memref<200x64xbf16, #tpu.memory_space<vmem>>
        %dma_wait3A_1214 = arith.constant 0 : i32
        %dma_wait3A_1215 = arith.constant 0 : i32
        %dma_wait3A_1216 = tpu.memref_slice %arg3[%dma_wait3A_1214, %dma_wait3A_1215] : memref<100000x64xbf16, #tpu.memory_space<hbm>> -> memref<200x64xbf16, #tpu.memory_space<hbm>>
        tpu.wait_dma2 semaphore(%arg10 : memref<!tpu.dma_semaphore, #tpu.memory_space<semaphore_mem>>) src(%dma_wait3A_1216 : memref<200x64xbf16, #tpu.memory_space<hbm>>) dst(%dma_wait3A_1213 : memref<200x64xbf16, #tpu.memory_space<vmem>>)
        %add3A_1217 = arith.constant 8 : i32
        %add3A_1218 = arith.addi %add3A_1201, %add3A_1217 : i32
        %sub3A_1219 = arith.constant 1 : i32
        %sub3A_1220 = arith.subi %add3A_1218, %sub3A_1219 : i32
        %mul3A_1221 = arith.constant 200 : i32
        %mul3A_1222 = arith.muli %sub3A_1220, %mul3A_1221 : i32
        %dma_start3A_1223 = arith.constant 2 : i32
        %dma_start3A_1224 = arith.constant 0 : i32
        %dma_start3A_1225 = arith.constant 0 : i32
        %dma_start3A_1226 = tpu.memref_slice %arg7[%dma_start3A_1223, %dma_start3A_1224, %dma_start3A_1225] : memref<8x200x64xbf16, #tpu.memory_space<vmem>> -> memref<1x200x64xbf16, #tpu.memory_space<vmem>>
        %dma_start3A_1227 = tpu.memref_squeeze %dma_start3A_1226 : memref<1x200x64xbf16, #tpu.memory_space<vmem>> -> memref<200x64xbf16, #tpu.memory_space<vmem>>
        %dma_start3A_1228 = tpu.memref_slice %arg6[%mul3A_1222] : memref<25600xi32, #tpu.memory_space<vmem>> -> memref<200xi32, #tpu.memory_space<vmem>>
        %dma_start3A_1229 = arith.constant 0 : i32
        %dma_start3A_1230 = arith.constant 0 : i32
        %dma_start3A_1231 = tpu.memref_slice %arg3[%dma_start3A_1229, %dma_start3A_1230] : memref<100000x64xbf16, #tpu.memory_space<hbm>> -> memref<100000x64xbf16, #tpu.memory_space<hbm>>
        tpu.enqueue_indirect_dma source(%dma_start3A_1231 : memref<100000x64xbf16, #tpu.memory_space<hbm>>) target(%dma_start3A_1227 : memref<200x64xbf16, #tpu.memory_space<vmem>>) offsets(%dma_start3A_1228 : memref<200xi32, #tpu.memory_space<vmem>>) semaphore(%arg10 : memref<!tpu.dma_semaphore, #tpu.memory_space<semaphore_mem>>)
        %broadcast_in_dim3A_1232 = arith.constant 0.000000e+00 : f32
        %broadcast_in_dim3A_1233 = vector.broadcast %broadcast_in_dim3A_1232 : f32 to vector<16xf32>
        %broadcast_in_dim3A_1234 = arith.constant 0.000000e+00 : f32
        %broadcast_in_dim3A_1235 = vector.broadcast %broadcast_in_dim3A_1234 : f32 to vector<16xf32>
        %broadcast_in_dim3A_1236 = arith.constant 0.000000e+00 : f32
        %broadcast_in_dim3A_1237 = vector.broadcast %broadcast_in_dim3A_1236 : f32 to vector<16xf32>
        %broadcast_in_dim3A_1238 = arith.constant 0.000000e+00 : f32
        %broadcast_in_dim3A_1239 = vector.broadcast %broadcast_in_dim3A_1238 : f32 to vector<16xf32>
        %parallel_loop3A_1240 = arith.constant 0 : i32
        %parallel_loop3A_1241 = arith.constant 100 : i32
        %parallel_loop3A_1242 = arith.constant 1 : i32
        %parallel_loop3A_1243:4 = scf.for %parallel_loop3A_1745 = %parallel_loop3A_1240 to %parallel_loop3A_1241 step %parallel_loop3A_1242 iter_args(%parallel_loop3A_1746 = %broadcast_in_dim3A_1233, %parallel_loop3A_1747 = %broadcast_in_dim3A_1235, %parallel_loop3A_1748 = %broadcast_in_dim3A_1237, %parallel_loop3A_1749 = %broadcast_in_dim3A_1239) -> (vector<16xf32>, vector<16xf32>, vector<16xf32>, vector<16xf32>)  : i32 {
          %parallel_loop3A_1750 = arith.constant 2 : i32
          %parallel_loop3A_1751 = arith.muli %parallel_loop3A_1750, %parallel_loop3A_1745 : i32
          %parallel_loop3A_1752 = arith.constant 3 : i32
          %parallel_loop3A_1753 = arith.index_cast %parallel_loop3A_1752 : i32 to index
          %parallel_loop3A_1754 = arith.index_cast %parallel_loop3A_1751 : i32 to index
          %parallel_loop3A_1755 = arith.constant 0 : index
          %parallel_loop3A_1756 = tpu.vector_load %arg7[%parallel_loop3A_1753, %parallel_loop3A_1754, %parallel_loop3A_1755] {strides = array<i32>} : memref<8x200x64xbf16, #tpu.memory_space<vmem>>, vector<32xbf16>,
          %parallel_loop3A_1757 = arith.constant 1 : i32
          %parallel_loop3A_1758 = arith.addi %parallel_loop3A_1751, %parallel_loop3A_1757 : i32
          %parallel_loop3A_1759 = arith.constant 3 : i32
          %parallel_loop3A_1760 = arith.index_cast %parallel_loop3A_1759 : i32 to index
          %parallel_loop3A_1761 = arith.index_cast %parallel_loop3A_1758 : i32 to index
          %parallel_loop3A_1762 = arith.constant 0 : index
          %parallel_loop3A_1763 = tpu.vector_load %arg7[%parallel_loop3A_1760, %parallel_loop3A_1761, %parallel_loop3A_1762] {strides = array<i32>} : memref<8x200x64xbf16, #tpu.memory_space<vmem>>, vector<32xbf16>,
          %parallel_loop3A_1764 = arith.addf %parallel_loop3A_1756, %parallel_loop3A_1763 : vector<32xbf16>
          %parallel_loop3A_1765 = arith.constant 3 : i32
          %parallel_loop3A_1766 = arith.index_cast %parallel_loop3A_1765 : i32 to index
          %parallel_loop3A_1767 = arith.index_cast %parallel_loop3A_1751 : i32 to index
          %parallel_loop3A_1768 = arith.constant 32 : index
          %parallel_loop3A_1769 = tpu.vector_load %arg7[%parallel_loop3A_1766, %parallel_loop3A_1767, %parallel_loop3A_1768] {strides = array<i32>} : memref<8x200x64xbf16, #tpu.memory_space<vmem>>, vector<32xbf16>,
          %parallel_loop3A_1770 = arith.constant 1 : i32
          %parallel_loop3A_1771 = arith.addi %parallel_loop3A_1751, %parallel_loop3A_1770 : i32
          %parallel_loop3A_1772 = arith.constant 3 : i32
          %parallel_loop3A_1773 = arith.index_cast %parallel_loop3A_1772 : i32 to index
          %parallel_loop3A_1774 = arith.index_cast %parallel_loop3A_1771 : i32 to index
          %parallel_loop3A_1775 = arith.constant 32 : index
          %parallel_loop3A_1776 = tpu.vector_load %arg7[%parallel_loop3A_1773, %parallel_loop3A_1774, %parallel_loop3A_1775] {strides = array<i32>} : memref<8x200x64xbf16, #tpu.memory_space<vmem>>, vector<32xbf16>,
          %parallel_loop3A_1777 = arith.addf %parallel_loop3A_1769, %parallel_loop3A_1776 : vector<32xbf16>
          %parallel_loop3A_1778 = tpu.unpack_subelements %parallel_loop3A_1764, 0 {pack_format = #tpu.pack_format<interleaved>} : vector<32xbf16> -> vector<16xf32>
          %parallel_loop3A_1779 = tpu.unpack_subelements %parallel_loop3A_1764, 1 {pack_format = #tpu.pack_format<interleaved>} : vector<32xbf16> -> vector<16xf32>
          %parallel_loop3A_1780 = tpu.unpack_subelements %parallel_loop3A_1777, 0 {pack_format = #tpu.pack_format<interleaved>} : vector<32xbf16> -> vector<16xf32>
          %parallel_loop3A_1781 = tpu.unpack_subelements %parallel_loop3A_1777, 1 {pack_format = #tpu.pack_format<interleaved>} : vector<32xbf16> -> vector<16xf32>
          %parallel_loop3A_1782 = arith.addf %parallel_loop3A_1746, %parallel_loop3A_1778 : vector<16xf32>
          %parallel_loop3A_1783 = arith.addf %parallel_loop3A_1747, %parallel_loop3A_1779 : vector<16xf32>
          %parallel_loop3A_1784 = arith.addf %parallel_loop3A_1748, %parallel_loop3A_1780 : vector<16xf32>
          %parallel_loop3A_1785 = arith.addf %parallel_loop3A_1749, %parallel_loop3A_1781 : vector<16xf32>
          scf.yield %parallel_loop3A_1782, %parallel_loop3A_1783, %parallel_loop3A_1784, %parallel_loop3A_1785 : vector<16xf32>, vector<16xf32>, vector<16xf32>, vector<16xf32>
        } {sc.loop_unroll_factor = 8 : i64, sc.parallel_access}
        %mul3A_1244 = arith.constant 5.000000e-03 : f32
        %mul3A_1245 = vector.broadcast %mul3A_1244 : f32 to vector<16xf32>
        %mul3A_1246 = arith.mulf %parallel_loop3A_1243#0, %mul3A_1245 : vector<16xf32>
        %add3A_1247 = arith.addf %mul3A_1246, %get3A_7 : vector<16xf32>
        %max3A_1248 = arith.constant 0.000000e+00 : f32
        %max3A_1249 = vector.broadcast %max3A_1248 : f32 to vector<16xf32>
        %max3A_1250 = arith.maximumf %add3A_1247, %max3A_1249 : vector<16xf32>
        %mul3A_1251 = arith.constant 5.000000e-03 : f32
        %mul3A_1252 = vector.broadcast %mul3A_1251 : f32 to vector<16xf32>
        %mul3A_1253 = arith.mulf %parallel_loop3A_1243#1, %mul3A_1252 : vector<16xf32>
        %add3A_1254 = arith.addf %mul3A_1253, %get3A_11 : vector<16xf32>
        %max3A_1255 = arith.constant 0.000000e+00 : f32
        %max3A_1256 = vector.broadcast %max3A_1255 : f32 to vector<16xf32>
        %max3A_1257 = arith.maximumf %add3A_1254, %max3A_1256 : vector<16xf32>
        %mul3A_1258 = arith.constant 5.000000e-03 : f32
        %mul3A_1259 = vector.broadcast %mul3A_1258 : f32 to vector<16xf32>
        %mul3A_1260 = arith.mulf %parallel_loop3A_1243#2, %mul3A_1259 : vector<16xf32>
        %add3A_1261 = arith.addf %mul3A_1260, %get3A_15 : vector<16xf32>
        %max3A_1262 = arith.constant 0.000000e+00 : f32
        %max3A_1263 = vector.broadcast %max3A_1262 : f32 to vector<16xf32>
        %max3A_1264 = arith.maximumf %add3A_1261, %max3A_1263 : vector<16xf32>
        %mul3A_1265 = arith.constant 5.000000e-03 : f32
        %mul3A_1266 = vector.broadcast %mul3A_1265 : f32 to vector<16xf32>
        %mul3A_1267 = arith.mulf %parallel_loop3A_1243#3, %mul3A_1266 : vector<16xf32>
        %add3A_1268 = arith.addf %mul3A_1267, %get3A_19 : vector<16xf32>
        %max3A_1269 = arith.constant 0.000000e+00 : f32
        %max3A_1270 = vector.broadcast %max3A_1269 : f32 to vector<16xf32>
        %max3A_1271 = arith.maximumf %add3A_1268, %max3A_1270 : vector<16xf32>
        %mul3A_1272 = arith.mulf %max3A_1250, %get3A_23 : vector<16xf32>
        %mul3A_1273 = arith.mulf %max3A_1257, %get3A_27 : vector<16xf32>
        %add3A_1274 = arith.addf %mul3A_1272, %mul3A_1273 : vector<16xf32>
        %mul3A_1275 = arith.mulf %max3A_1264, %get3A_31 : vector<16xf32>
        %add3A_1276 = arith.addf %add3A_1274, %mul3A_1275 : vector<16xf32>
        %mul3A_1277 = arith.mulf %max3A_1271, %get3A_35 : vector<16xf32>
        %add3A_1278 = arith.addf %add3A_1276, %mul3A_1277 : vector<16xf32>
        %add3A_1279 = arith.addf %add3A_1278, %get3A_55 : vector<16xf32>
        %reduce_sum3A_1280 = arith.constant true
        %reduce_sum3A_1281 = vector.broadcast %reduce_sum3A_1280 : i1 to vector<16xi1>
        %reduce_sum3A_1282 = tpu.scan <sum>, %add3A_1279 masked %reduce_sum3A_1281 : vector<16xf32>, vector<16xi1> -> vector<16xf32>
        %reduce_sum3A_1283 = vector.extract %reduce_sum3A_1282[15] : f32 from vector<16xf32>
        %eq3A_1284 = arith.constant 6 : i32
        %eq3A_1285 = vector.broadcast %eq3A_1284 : i32 to vector<16xi32>
        %eq3A_1286 = arith.cmpi eq, %iota3A, %eq3A_1285 : vector<16xi32>
        %broadcast_in_dim3A_1287 = vector.broadcast %reduce_sum3A_1283 : f32 to vector<16xf32>
        %select_n3A_1288 = arith.select %eq3A_1286, %broadcast_in_dim3A_1287, %select_n3A_1197 : vector<16xi1>, vector<16xf32>
        %mul3A_1289 = arith.mulf %max3A_1250, %get3A_39 : vector<16xf32>
        %mul3A_1290 = arith.mulf %max3A_1257, %get3A_43 : vector<16xf32>
        %add3A_1291 = arith.addf %mul3A_1289, %mul3A_1290 : vector<16xf32>
        %mul3A_1292 = arith.mulf %max3A_1264, %get3A_47 : vector<16xf32>
        %add3A_1293 = arith.addf %add3A_1291, %mul3A_1292 : vector<16xf32>
        %mul3A_1294 = arith.mulf %max3A_1271, %get3A_51 : vector<16xf32>
        %add3A_1295 = arith.addf %add3A_1293, %mul3A_1294 : vector<16xf32>
        %add3A_1296 = arith.addf %add3A_1295, %get3A_59 : vector<16xf32>
        %reduce_sum3A_1297 = arith.constant true
        %reduce_sum3A_1298 = vector.broadcast %reduce_sum3A_1297 : i1 to vector<16xi1>
        %reduce_sum3A_1299 = tpu.scan <sum>, %add3A_1296 masked %reduce_sum3A_1298 : vector<16xf32>, vector<16xi1> -> vector<16xf32>
        %reduce_sum3A_1300 = vector.extract %reduce_sum3A_1299[15] : f32 from vector<16xf32>
        %eq3A_1301 = arith.constant 7 : i32
        %eq3A_1302 = vector.broadcast %eq3A_1301 : i32 to vector<16xi32>
        %eq3A_1303 = arith.cmpi eq, %iota3A, %eq3A_1302 : vector<16xi32>
        %broadcast_in_dim3A_1304 = vector.broadcast %reduce_sum3A_1300 : f32 to vector<16xf32>
        %select_n3A_1305 = arith.select %eq3A_1303, %broadcast_in_dim3A_1304, %select_n3A_1288 : vector<16xi1>, vector<16xf32>
        %mul3A_1306 = arith.constant 8 : i32
        %mul3A_1307 = arith.muli %mul3A_1306, %scan3A_872 : i32
        %add3A_1308 = arith.constant 4 : i32
        %add3A_1309 = arith.addi %mul3A_1307, %add3A_1308 : i32
        %dma_wait3A_1310 = arith.constant 4 : i32
        %dma_wait3A_1311 = arith.constant 0 : i32
        %dma_wait3A_1312 = arith.constant 0 : i32
        %dma_wait3A_1313 = tpu.memref_slice %arg7[%dma_wait3A_1310, %dma_wait3A_1311, %dma_wait3A_1312] : memref<8x200x64xbf16, #tpu.memory_space<vmem>> -> memref<1x200x64xbf16, #tpu.memory_space<vmem>>
        %dma_wait3A_1314 = tpu.memref_squeeze %dma_wait3A_1313 : memref<1x200x64xbf16, #tpu.memory_space<vmem>> -> memref<200x64xbf16, #tpu.memory_space<vmem>>
        %dma_wait3A_1315 = arith.constant 0 : i32
        %dma_wait3A_1316 = arith.constant 0 : i32
        %dma_wait3A_1317 = tpu.memref_slice %arg3[%dma_wait3A_1315, %dma_wait3A_1316] : memref<100000x64xbf16, #tpu.memory_space<hbm>> -> memref<200x64xbf16, #tpu.memory_space<hbm>>
        %dma_wait3A_1318 = arith.constant 0 : i32
        %dma_wait3A_1319 = arith.constant 0 : i32
        %dma_wait3A_1320 = tpu.memref_slice %arg7[%dma_wait3A_1310, %dma_wait3A_1318, %dma_wait3A_1319] : memref<8x200x64xbf16, #tpu.memory_space<vmem>> -> memref<1x200x64xbf16, #tpu.memory_space<vmem>>
        %dma_wait3A_1321 = tpu.memref_squeeze %dma_wait3A_1320 : memref<1x200x64xbf16, #tpu.memory_space<vmem>> -> memref<200x64xbf16, #tpu.memory_space<vmem>>
        %dma_wait3A_1322 = arith.constant 0 : i32
        %dma_wait3A_1323 = arith.constant 0 : i32
        %dma_wait3A_1324 = tpu.memref_slice %arg3[%dma_wait3A_1322, %dma_wait3A_1323] : memref<100000x64xbf16, #tpu.memory_space<hbm>> -> memref<200x64xbf16, #tpu.memory_space<hbm>>
        tpu.wait_dma2 semaphore(%arg10 : memref<!tpu.dma_semaphore, #tpu.memory_space<semaphore_mem>>) src(%dma_wait3A_1324 : memref<200x64xbf16, #tpu.memory_space<hbm>>) dst(%dma_wait3A_1321 : memref<200x64xbf16, #tpu.memory_space<vmem>>)
        %add3A_1325 = arith.constant 8 : i32
        %add3A_1326 = arith.addi %add3A_1309, %add3A_1325 : i32
        %sub3A_1327 = arith.constant 1 : i32
        %sub3A_1328 = arith.subi %add3A_1326, %sub3A_1327 : i32
        %mul3A_1329 = arith.constant 200 : i32
        %mul3A_1330 = arith.muli %sub3A_1328, %mul3A_1329 : i32
        %dma_start3A_1331 = arith.constant 3 : i32
        %dma_start3A_1332 = arith.constant 0 : i32
        %dma_start3A_1333 = arith.constant 0 : i32
        %dma_start3A_1334 = tpu.memref_slice %arg7[%dma_start3A_1331, %dma_start3A_1332, %dma_start3A_1333] : memref<8x200x64xbf16, #tpu.memory_space<vmem>> -> memref<1x200x64xbf16, #tpu.memory_space<vmem>>
        %dma_start3A_1335 = tpu.memref_squeeze %dma_start3A_1334 : memref<1x200x64xbf16, #tpu.memory_space<vmem>> -> memref<200x64xbf16, #tpu.memory_space<vmem>>
        %dma_start3A_1336 = tpu.memref_slice %arg6[%mul3A_1330] : memref<25600xi32, #tpu.memory_space<vmem>> -> memref<200xi32, #tpu.memory_space<vmem>>
        %dma_start3A_1337 = arith.constant 0 : i32
        %dma_start3A_1338 = arith.constant 0 : i32
        %dma_start3A_1339 = tpu.memref_slice %arg3[%dma_start3A_1337, %dma_start3A_1338] : memref<100000x64xbf16, #tpu.memory_space<hbm>> -> memref<100000x64xbf16, #tpu.memory_space<hbm>>
        tpu.enqueue_indirect_dma source(%dma_start3A_1339 : memref<100000x64xbf16, #tpu.memory_space<hbm>>) target(%dma_start3A_1335 : memref<200x64xbf16, #tpu.memory_space<vmem>>) offsets(%dma_start3A_1336 : memref<200xi32, #tpu.memory_space<vmem>>) semaphore(%arg10 : memref<!tpu.dma_semaphore, #tpu.memory_space<semaphore_mem>>)
        %broadcast_in_dim3A_1340 = arith.constant 0.000000e+00 : f32
        %broadcast_in_dim3A_1341 = vector.broadcast %broadcast_in_dim3A_1340 : f32 to vector<16xf32>
        %broadcast_in_dim3A_1342 = arith.constant 0.000000e+00 : f32
        %broadcast_in_dim3A_1343 = vector.broadcast %broadcast_in_dim3A_1342 : f32 to vector<16xf32>
        %broadcast_in_dim3A_1344 = arith.constant 0.000000e+00 : f32
        %broadcast_in_dim3A_1345 = vector.broadcast %broadcast_in_dim3A_1344 : f32 to vector<16xf32>
        %broadcast_in_dim3A_1346 = arith.constant 0.000000e+00 : f32
        %broadcast_in_dim3A_1347 = vector.broadcast %broadcast_in_dim3A_1346 : f32 to vector<16xf32>
        %parallel_loop3A_1348 = arith.constant 0 : i32
        %parallel_loop3A_1349 = arith.constant 100 : i32
        %parallel_loop3A_1350 = arith.constant 1 : i32
        %parallel_loop3A_1351:4 = scf.for %parallel_loop3A_1745 = %parallel_loop3A_1348 to %parallel_loop3A_1349 step %parallel_loop3A_1350 iter_args(%parallel_loop3A_1746 = %broadcast_in_dim3A_1341, %parallel_loop3A_1747 = %broadcast_in_dim3A_1343, %parallel_loop3A_1748 = %broadcast_in_dim3A_1345, %parallel_loop3A_1749 = %broadcast_in_dim3A_1347) -> (vector<16xf32>, vector<16xf32>, vector<16xf32>, vector<16xf32>)  : i32 {
          %parallel_loop3A_1750 = arith.constant 2 : i32
          %parallel_loop3A_1751 = arith.muli %parallel_loop3A_1750, %parallel_loop3A_1745 : i32
          %parallel_loop3A_1752 = arith.constant 4 : i32
          %parallel_loop3A_1753 = arith.index_cast %parallel_loop3A_1752 : i32 to index
          %parallel_loop3A_1754 = arith.index_cast %parallel_loop3A_1751 : i32 to index
          %parallel_loop3A_1755 = arith.constant 0 : index
          %parallel_loop3A_1756 = tpu.vector_load %arg7[%parallel_loop3A_1753, %parallel_loop3A_1754, %parallel_loop3A_1755] {strides = array<i32>} : memref<8x200x64xbf16, #tpu.memory_space<vmem>>, vector<32xbf16>,
          %parallel_loop3A_1757 = arith.constant 1 : i32
          %parallel_loop3A_1758 = arith.addi %parallel_loop3A_1751, %parallel_loop3A_1757 : i32
          %parallel_loop3A_1759 = arith.constant 4 : i32
          %parallel_loop3A_1760 = arith.index_cast %parallel_loop3A_1759 : i32 to index
          %parallel_loop3A_1761 = arith.index_cast %parallel_loop3A_1758 : i32 to index
          %parallel_loop3A_1762 = arith.constant 0 : index
          %parallel_loop3A_1763 = tpu.vector_load %arg7[%parallel_loop3A_1760, %parallel_loop3A_1761, %parallel_loop3A_1762] {strides = array<i32>} : memref<8x200x64xbf16, #tpu.memory_space<vmem>>, vector<32xbf16>,
          %parallel_loop3A_1764 = arith.addf %parallel_loop3A_1756, %parallel_loop3A_1763 : vector<32xbf16>
          %parallel_loop3A_1765 = arith.constant 4 : i32
          %parallel_loop3A_1766 = arith.index_cast %parallel_loop3A_1765 : i32 to index
          %parallel_loop3A_1767 = arith.index_cast %parallel_loop3A_1751 : i32 to index
          %parallel_loop3A_1768 = arith.constant 32 : index
          %parallel_loop3A_1769 = tpu.vector_load %arg7[%parallel_loop3A_1766, %parallel_loop3A_1767, %parallel_loop3A_1768] {strides = array<i32>} : memref<8x200x64xbf16, #tpu.memory_space<vmem>>, vector<32xbf16>,
          %parallel_loop3A_1770 = arith.constant 1 : i32
          %parallel_loop3A_1771 = arith.addi %parallel_loop3A_1751, %parallel_loop3A_1770 : i32
          %parallel_loop3A_1772 = arith.constant 4 : i32
          %parallel_loop3A_1773 = arith.index_cast %parallel_loop3A_1772 : i32 to index
          %parallel_loop3A_1774 = arith.index_cast %parallel_loop3A_1771 : i32 to index
          %parallel_loop3A_1775 = arith.constant 32 : index
          %parallel_loop3A_1776 = tpu.vector_load %arg7[%parallel_loop3A_1773, %parallel_loop3A_1774, %parallel_loop3A_1775] {strides = array<i32>} : memref<8x200x64xbf16, #tpu.memory_space<vmem>>, vector<32xbf16>,
          %parallel_loop3A_1777 = arith.addf %parallel_loop3A_1769, %parallel_loop3A_1776 : vector<32xbf16>
          %parallel_loop3A_1778 = tpu.unpack_subelements %parallel_loop3A_1764, 0 {pack_format = #tpu.pack_format<interleaved>} : vector<32xbf16> -> vector<16xf32>
          %parallel_loop3A_1779 = tpu.unpack_subelements %parallel_loop3A_1764, 1 {pack_format = #tpu.pack_format<interleaved>} : vector<32xbf16> -> vector<16xf32>
          %parallel_loop3A_1780 = tpu.unpack_subelements %parallel_loop3A_1777, 0 {pack_format = #tpu.pack_format<interleaved>} : vector<32xbf16> -> vector<16xf32>
          %parallel_loop3A_1781 = tpu.unpack_subelements %parallel_loop3A_1777, 1 {pack_format = #tpu.pack_format<interleaved>} : vector<32xbf16> -> vector<16xf32>
          %parallel_loop3A_1782 = arith.addf %parallel_loop3A_1746, %parallel_loop3A_1778 : vector<16xf32>
          %parallel_loop3A_1783 = arith.addf %parallel_loop3A_1747, %parallel_loop3A_1779 : vector<16xf32>
          %parallel_loop3A_1784 = arith.addf %parallel_loop3A_1748, %parallel_loop3A_1780 : vector<16xf32>
          %parallel_loop3A_1785 = arith.addf %parallel_loop3A_1749, %parallel_loop3A_1781 : vector<16xf32>
          scf.yield %parallel_loop3A_1782, %parallel_loop3A_1783, %parallel_loop3A_1784, %parallel_loop3A_1785 : vector<16xf32>, vector<16xf32>, vector<16xf32>, vector<16xf32>
        } {sc.loop_unroll_factor = 8 : i64, sc.parallel_access}
        %mul3A_1352 = arith.constant 5.000000e-03 : f32
        %mul3A_1353 = vector.broadcast %mul3A_1352 : f32 to vector<16xf32>
        %mul3A_1354 = arith.mulf %parallel_loop3A_1351#0, %mul3A_1353 : vector<16xf32>
        %add3A_1355 = arith.addf %mul3A_1354, %get3A_7 : vector<16xf32>
        %max3A_1356 = arith.constant 0.000000e+00 : f32
        %max3A_1357 = vector.broadcast %max3A_1356 : f32 to vector<16xf32>
        %max3A_1358 = arith.maximumf %add3A_1355, %max3A_1357 : vector<16xf32>
        %mul3A_1359 = arith.constant 5.000000e-03 : f32
        %mul3A_1360 = vector.broadcast %mul3A_1359 : f32 to vector<16xf32>
        %mul3A_1361 = arith.mulf %parallel_loop3A_1351#1, %mul3A_1360 : vector<16xf32>
        %add3A_1362 = arith.addf %mul3A_1361, %get3A_11 : vector<16xf32>
        %max3A_1363 = arith.constant 0.000000e+00 : f32
        %max3A_1364 = vector.broadcast %max3A_1363 : f32 to vector<16xf32>
        %max3A_1365 = arith.maximumf %add3A_1362, %max3A_1364 : vector<16xf32>
        %mul3A_1366 = arith.constant 5.000000e-03 : f32
        %mul3A_1367 = vector.broadcast %mul3A_1366 : f32 to vector<16xf32>
        %mul3A_1368 = arith.mulf %parallel_loop3A_1351#2, %mul3A_1367 : vector<16xf32>
        %add3A_1369 = arith.addf %mul3A_1368, %get3A_15 : vector<16xf32>
        %max3A_1370 = arith.constant 0.000000e+00 : f32
        %max3A_1371 = vector.broadcast %max3A_1370 : f32 to vector<16xf32>
        %max3A_1372 = arith.maximumf %add3A_1369, %max3A_1371 : vector<16xf32>
        %mul3A_1373 = arith.constant 5.000000e-03 : f32
        %mul3A_1374 = vector.broadcast %mul3A_1373 : f32 to vector<16xf32>
        %mul3A_1375 = arith.mulf %parallel_loop3A_1351#3, %mul3A_1374 : vector<16xf32>
        %add3A_1376 = arith.addf %mul3A_1375, %get3A_19 : vector<16xf32>
        %max3A_1377 = arith.constant 0.000000e+00 : f32
        %max3A_1378 = vector.broadcast %max3A_1377 : f32 to vector<16xf32>
        %max3A_1379 = arith.maximumf %add3A_1376, %max3A_1378 : vector<16xf32>
        %mul3A_1380 = arith.mulf %max3A_1358, %get3A_23 : vector<16xf32>
        %mul3A_1381 = arith.mulf %max3A_1365, %get3A_27 : vector<16xf32>
        %add3A_1382 = arith.addf %mul3A_1380, %mul3A_1381 : vector<16xf32>
        %mul3A_1383 = arith.mulf %max3A_1372, %get3A_31 : vector<16xf32>
        %add3A_1384 = arith.addf %add3A_1382, %mul3A_1383 : vector<16xf32>
        %mul3A_1385 = arith.mulf %max3A_1379, %get3A_35 : vector<16xf32>
        %add3A_1386 = arith.addf %add3A_1384, %mul3A_1385 : vector<16xf32>
        %add3A_1387 = arith.addf %add3A_1386, %get3A_55 : vector<16xf32>
        %reduce_sum3A_1388 = arith.constant true
        %reduce_sum3A_1389 = vector.broadcast %reduce_sum3A_1388 : i1 to vector<16xi1>
        %reduce_sum3A_1390 = tpu.scan <sum>, %add3A_1387 masked %reduce_sum3A_1389 : vector<16xf32>, vector<16xi1> -> vector<16xf32>
        %reduce_sum3A_1391 = vector.extract %reduce_sum3A_1390[15] : f32 from vector<16xf32>
        %eq3A_1392 = arith.constant 8 : i32
        %eq3A_1393 = vector.broadcast %eq3A_1392 : i32 to vector<16xi32>
        %eq3A_1394 = arith.cmpi eq, %iota3A, %eq3A_1393 : vector<16xi32>
        %broadcast_in_dim3A_1395 = vector.broadcast %reduce_sum3A_1391 : f32 to vector<16xf32>
        %select_n3A_1396 = arith.select %eq3A_1394, %broadcast_in_dim3A_1395, %select_n3A_1305 : vector<16xi1>, vector<16xf32>
        %mul3A_1397 = arith.mulf %max3A_1358, %get3A_39 : vector<16xf32>
        %mul3A_1398 = arith.mulf %max3A_1365, %get3A_43 : vector<16xf32>
        %add3A_1399 = arith.addf %mul3A_1397, %mul3A_1398 : vector<16xf32>
        %mul3A_1400 = arith.mulf %max3A_1372, %get3A_47 : vector<16xf32>
        %add3A_1401 = arith.addf %add3A_1399, %mul3A_1400 : vector<16xf32>
        %mul3A_1402 = arith.mulf %max3A_1379, %get3A_51 : vector<16xf32>
        %add3A_1403 = arith.addf %add3A_1401, %mul3A_1402 : vector<16xf32>
        %add3A_1404 = arith.addf %add3A_1403, %get3A_59 : vector<16xf32>
        %reduce_sum3A_1405 = arith.constant true
        %reduce_sum3A_1406 = vector.broadcast %reduce_sum3A_1405 : i1 to vector<16xi1>
        %reduce_sum3A_1407 = tpu.scan <sum>, %add3A_1404 masked %reduce_sum3A_1406 : vector<16xf32>, vector<16xi1> -> vector<16xf32>
        %reduce_sum3A_1408 = vector.extract %reduce_sum3A_1407[15] : f32 from vector<16xf32>
        %eq3A_1409 = arith.constant 9 : i32
        %eq3A_1410 = vector.broadcast %eq3A_1409 : i32 to vector<16xi32>
        %eq3A_1411 = arith.cmpi eq, %iota3A, %eq3A_1410 : vector<16xi32>
        %broadcast_in_dim3A_1412 = vector.broadcast %reduce_sum3A_1408 : f32 to vector<16xf32>
        %select_n3A_1413 = arith.select %eq3A_1411, %broadcast_in_dim3A_1412, %select_n3A_1396 : vector<16xi1>, vector<16xf32>
        %mul3A_1414 = arith.constant 8 : i32
        %mul3A_1415 = arith.muli %mul3A_1414, %scan3A_872 : i32
        %add3A_1416 = arith.constant 5 : i32
        %add3A_1417 = arith.addi %mul3A_1415, %add3A_1416 : i32
        %dma_wait3A_1418 = arith.constant 5 : i32
        %dma_wait3A_1419 = arith.constant 0 : i32
        %dma_wait3A_1420 = arith.constant 0 : i32
        %dma_wait3A_1421 = tpu.memref_slice %arg7[%dma_wait3A_1418, %dma_wait3A_1419, %dma_wait3A_1420] : memref<8x200x64xbf16, #tpu.memory_space<vmem>> -> memref<1x200x64xbf16, #tpu.memory_space<vmem>>
        %dma_wait3A_1422 = tpu.memref_squeeze %dma_wait3A_1421 : memref<1x200x64xbf16, #tpu.memory_space<vmem>> -> memref<200x64xbf16, #tpu.memory_space<vmem>>
        %dma_wait3A_1423 = arith.constant 0 : i32
        %dma_wait3A_1424 = arith.constant 0 : i32
        %dma_wait3A_1425 = tpu.memref_slice %arg3[%dma_wait3A_1423, %dma_wait3A_1424] : memref<100000x64xbf16, #tpu.memory_space<hbm>> -> memref<200x64xbf16, #tpu.memory_space<hbm>>
        %dma_wait3A_1426 = arith.constant 0 : i32
        %dma_wait3A_1427 = arith.constant 0 : i32
        %dma_wait3A_1428 = tpu.memref_slice %arg7[%dma_wait3A_1418, %dma_wait3A_1426, %dma_wait3A_1427] : memref<8x200x64xbf16, #tpu.memory_space<vmem>> -> memref<1x200x64xbf16, #tpu.memory_space<vmem>>
        %dma_wait3A_1429 = tpu.memref_squeeze %dma_wait3A_1428 : memref<1x200x64xbf16, #tpu.memory_space<vmem>> -> memref<200x64xbf16, #tpu.memory_space<vmem>>
        %dma_wait3A_1430 = arith.constant 0 : i32
        %dma_wait3A_1431 = arith.constant 0 : i32
        %dma_wait3A_1432 = tpu.memref_slice %arg3[%dma_wait3A_1430, %dma_wait3A_1431] : memref<100000x64xbf16, #tpu.memory_space<hbm>> -> memref<200x64xbf16, #tpu.memory_space<hbm>>
        tpu.wait_dma2 semaphore(%arg10 : memref<!tpu.dma_semaphore, #tpu.memory_space<semaphore_mem>>) src(%dma_wait3A_1432 : memref<200x64xbf16, #tpu.memory_space<hbm>>) dst(%dma_wait3A_1429 : memref<200x64xbf16, #tpu.memory_space<vmem>>)
        %add3A_1433 = arith.constant 8 : i32
        %add3A_1434 = arith.addi %add3A_1417, %add3A_1433 : i32
        %sub3A_1435 = arith.constant 1 : i32
        %sub3A_1436 = arith.subi %add3A_1434, %sub3A_1435 : i32
        %mul3A_1437 = arith.constant 200 : i32
        %mul3A_1438 = arith.muli %sub3A_1436, %mul3A_1437 : i32
        %dma_start3A_1439 = arith.constant 4 : i32
        %dma_start3A_1440 = arith.constant 0 : i32
        %dma_start3A_1441 = arith.constant 0 : i32
        %dma_start3A_1442 = tpu.memref_slice %arg7[%dma_start3A_1439, %dma_start3A_1440, %dma_start3A_1441] : memref<8x200x64xbf16, #tpu.memory_space<vmem>> -> memref<1x200x64xbf16, #tpu.memory_space<vmem>>
        %dma_start3A_1443 = tpu.memref_squeeze %dma_start3A_1442 : memref<1x200x64xbf16, #tpu.memory_space<vmem>> -> memref<200x64xbf16, #tpu.memory_space<vmem>>
        %dma_start3A_1444 = tpu.memref_slice %arg6[%mul3A_1438] : memref<25600xi32, #tpu.memory_space<vmem>> -> memref<200xi32, #tpu.memory_space<vmem>>
        %dma_start3A_1445 = arith.constant 0 : i32
        %dma_start3A_1446 = arith.constant 0 : i32
        %dma_start3A_1447 = tpu.memref_slice %arg3[%dma_start3A_1445, %dma_start3A_1446] : memref<100000x64xbf16, #tpu.memory_space<hbm>> -> memref<100000x64xbf16, #tpu.memory_space<hbm>>
        tpu.enqueue_indirect_dma source(%dma_start3A_1447 : memref<100000x64xbf16, #tpu.memory_space<hbm>>) target(%dma_start3A_1443 : memref<200x64xbf16, #tpu.memory_space<vmem>>) offsets(%dma_start3A_1444 : memref<200xi32, #tpu.memory_space<vmem>>) semaphore(%arg10 : memref<!tpu.dma_semaphore, #tpu.memory_space<semaphore_mem>>)
        %broadcast_in_dim3A_1448 = arith.constant 0.000000e+00 : f32
        %broadcast_in_dim3A_1449 = vector.broadcast %broadcast_in_dim3A_1448 : f32 to vector<16xf32>
        %broadcast_in_dim3A_1450 = arith.constant 0.000000e+00 : f32
        %broadcast_in_dim3A_1451 = vector.broadcast %broadcast_in_dim3A_1450 : f32 to vector<16xf32>
        %broadcast_in_dim3A_1452 = arith.constant 0.000000e+00 : f32
        %broadcast_in_dim3A_1453 = vector.broadcast %broadcast_in_dim3A_1452 : f32 to vector<16xf32>
        %broadcast_in_dim3A_1454 = arith.constant 0.000000e+00 : f32
        %broadcast_in_dim3A_1455 = vector.broadcast %broadcast_in_dim3A_1454 : f32 to vector<16xf32>
        %parallel_loop3A_1456 = arith.constant 0 : i32
        %parallel_loop3A_1457 = arith.constant 100 : i32
        %parallel_loop3A_1458 = arith.constant 1 : i32
        %parallel_loop3A_1459:4 = scf.for %parallel_loop3A_1745 = %parallel_loop3A_1456 to %parallel_loop3A_1457 step %parallel_loop3A_1458 iter_args(%parallel_loop3A_1746 = %broadcast_in_dim3A_1449, %parallel_loop3A_1747 = %broadcast_in_dim3A_1451, %parallel_loop3A_1748 = %broadcast_in_dim3A_1453, %parallel_loop3A_1749 = %broadcast_in_dim3A_1455) -> (vector<16xf32>, vector<16xf32>, vector<16xf32>, vector<16xf32>)  : i32 {
          %parallel_loop3A_1750 = arith.constant 2 : i32
          %parallel_loop3A_1751 = arith.muli %parallel_loop3A_1750, %parallel_loop3A_1745 : i32
          %parallel_loop3A_1752 = arith.constant 5 : i32
          %parallel_loop3A_1753 = arith.index_cast %parallel_loop3A_1752 : i32 to index
          %parallel_loop3A_1754 = arith.index_cast %parallel_loop3A_1751 : i32 to index
          %parallel_loop3A_1755 = arith.constant 0 : index
          %parallel_loop3A_1756 = tpu.vector_load %arg7[%parallel_loop3A_1753, %parallel_loop3A_1754, %parallel_loop3A_1755] {strides = array<i32>} : memref<8x200x64xbf16, #tpu.memory_space<vmem>>, vector<32xbf16>,
          %parallel_loop3A_1757 = arith.constant 1 : i32
          %parallel_loop3A_1758 = arith.addi %parallel_loop3A_1751, %parallel_loop3A_1757 : i32
          %parallel_loop3A_1759 = arith.constant 5 : i32
          %parallel_loop3A_1760 = arith.index_cast %parallel_loop3A_1759 : i32 to index
          %parallel_loop3A_1761 = arith.index_cast %parallel_loop3A_1758 : i32 to index
          %parallel_loop3A_1762 = arith.constant 0 : index
          %parallel_loop3A_1763 = tpu.vector_load %arg7[%parallel_loop3A_1760, %parallel_loop3A_1761, %parallel_loop3A_1762] {strides = array<i32>} : memref<8x200x64xbf16, #tpu.memory_space<vmem>>, vector<32xbf16>,
          %parallel_loop3A_1764 = arith.addf %parallel_loop3A_1756, %parallel_loop3A_1763 : vector<32xbf16>
          %parallel_loop3A_1765 = arith.constant 5 : i32
          %parallel_loop3A_1766 = arith.index_cast %parallel_loop3A_1765 : i32 to index
          %parallel_loop3A_1767 = arith.index_cast %parallel_loop3A_1751 : i32 to index
          %parallel_loop3A_1768 = arith.constant 32 : index
          %parallel_loop3A_1769 = tpu.vector_load %arg7[%parallel_loop3A_1766, %parallel_loop3A_1767, %parallel_loop3A_1768] {strides = array<i32>} : memref<8x200x64xbf16, #tpu.memory_space<vmem>>, vector<32xbf16>,
          %parallel_loop3A_1770 = arith.constant 1 : i32
          %parallel_loop3A_1771 = arith.addi %parallel_loop3A_1751, %parallel_loop3A_1770 : i32
          %parallel_loop3A_1772 = arith.constant 5 : i32
          %parallel_loop3A_1773 = arith.index_cast %parallel_loop3A_1772 : i32 to index
          %parallel_loop3A_1774 = arith.index_cast %parallel_loop3A_1771 : i32 to index
          %parallel_loop3A_1775 = arith.constant 32 : index
          %parallel_loop3A_1776 = tpu.vector_load %arg7[%parallel_loop3A_1773, %parallel_loop3A_1774, %parallel_loop3A_1775] {strides = array<i32>} : memref<8x200x64xbf16, #tpu.memory_space<vmem>>, vector<32xbf16>,
          %parallel_loop3A_1777 = arith.addf %parallel_loop3A_1769, %parallel_loop3A_1776 : vector<32xbf16>
          %parallel_loop3A_1778 = tpu.unpack_subelements %parallel_loop3A_1764, 0 {pack_format = #tpu.pack_format<interleaved>} : vector<32xbf16> -> vector<16xf32>
          %parallel_loop3A_1779 = tpu.unpack_subelements %parallel_loop3A_1764, 1 {pack_format = #tpu.pack_format<interleaved>} : vector<32xbf16> -> vector<16xf32>
          %parallel_loop3A_1780 = tpu.unpack_subelements %parallel_loop3A_1777, 0 {pack_format = #tpu.pack_format<interleaved>} : vector<32xbf16> -> vector<16xf32>
          %parallel_loop3A_1781 = tpu.unpack_subelements %parallel_loop3A_1777, 1 {pack_format = #tpu.pack_format<interleaved>} : vector<32xbf16> -> vector<16xf32>
          %parallel_loop3A_1782 = arith.addf %parallel_loop3A_1746, %parallel_loop3A_1778 : vector<16xf32>
          %parallel_loop3A_1783 = arith.addf %parallel_loop3A_1747, %parallel_loop3A_1779 : vector<16xf32>
          %parallel_loop3A_1784 = arith.addf %parallel_loop3A_1748, %parallel_loop3A_1780 : vector<16xf32>
          %parallel_loop3A_1785 = arith.addf %parallel_loop3A_1749, %parallel_loop3A_1781 : vector<16xf32>
          scf.yield %parallel_loop3A_1782, %parallel_loop3A_1783, %parallel_loop3A_1784, %parallel_loop3A_1785 : vector<16xf32>, vector<16xf32>, vector<16xf32>, vector<16xf32>
        } {sc.loop_unroll_factor = 8 : i64, sc.parallel_access}
        %mul3A_1460 = arith.constant 5.000000e-03 : f32
        %mul3A_1461 = vector.broadcast %mul3A_1460 : f32 to vector<16xf32>
        %mul3A_1462 = arith.mulf %parallel_loop3A_1459#0, %mul3A_1461 : vector<16xf32>
        %add3A_1463 = arith.addf %mul3A_1462, %get3A_7 : vector<16xf32>
        %max3A_1464 = arith.constant 0.000000e+00 : f32
        %max3A_1465 = vector.broadcast %max3A_1464 : f32 to vector<16xf32>
        %max3A_1466 = arith.maximumf %add3A_1463, %max3A_1465 : vector<16xf32>
        %mul3A_1467 = arith.constant 5.000000e-03 : f32
        %mul3A_1468 = vector.broadcast %mul3A_1467 : f32 to vector<16xf32>
        %mul3A_1469 = arith.mulf %parallel_loop3A_1459#1, %mul3A_1468 : vector<16xf32>
        %add3A_1470 = arith.addf %mul3A_1469, %get3A_11 : vector<16xf32>
        %max3A_1471 = arith.constant 0.000000e+00 : f32
        %max3A_1472 = vector.broadcast %max3A_1471 : f32 to vector<16xf32>
        %max3A_1473 = arith.maximumf %add3A_1470, %max3A_1472 : vector<16xf32>
        %mul3A_1474 = arith.constant 5.000000e-03 : f32
        %mul3A_1475 = vector.broadcast %mul3A_1474 : f32 to vector<16xf32>
        %mul3A_1476 = arith.mulf %parallel_loop3A_1459#2, %mul3A_1475 : vector<16xf32>
        %add3A_1477 = arith.addf %mul3A_1476, %get3A_15 : vector<16xf32>
        %max3A_1478 = arith.constant 0.000000e+00 : f32
        %max3A_1479 = vector.broadcast %max3A_1478 : f32 to vector<16xf32>
        %max3A_1480 = arith.maximumf %add3A_1477, %max3A_1479 : vector<16xf32>
        %mul3A_1481 = arith.constant 5.000000e-03 : f32
        %mul3A_1482 = vector.broadcast %mul3A_1481 : f32 to vector<16xf32>
        %mul3A_1483 = arith.mulf %parallel_loop3A_1459#3, %mul3A_1482 : vector<16xf32>
        %add3A_1484 = arith.addf %mul3A_1483, %get3A_19 : vector<16xf32>
        %max3A_1485 = arith.constant 0.000000e+00 : f32
        %max3A_1486 = vector.broadcast %max3A_1485 : f32 to vector<16xf32>
        %max3A_1487 = arith.maximumf %add3A_1484, %max3A_1486 : vector<16xf32>
        %mul3A_1488 = arith.mulf %max3A_1466, %get3A_23 : vector<16xf32>
        %mul3A_1489 = arith.mulf %max3A_1473, %get3A_27 : vector<16xf32>
        %add3A_1490 = arith.addf %mul3A_1488, %mul3A_1489 : vector<16xf32>
        %mul3A_1491 = arith.mulf %max3A_1480, %get3A_31 : vector<16xf32>
        %add3A_1492 = arith.addf %add3A_1490, %mul3A_1491 : vector<16xf32>
        %mul3A_1493 = arith.mulf %max3A_1487, %get3A_35 : vector<16xf32>
        %add3A_1494 = arith.addf %add3A_1492, %mul3A_1493 : vector<16xf32>
        %add3A_1495 = arith.addf %add3A_1494, %get3A_55 : vector<16xf32>
        %reduce_sum3A_1496 = arith.constant true
        %reduce_sum3A_1497 = vector.broadcast %reduce_sum3A_1496 : i1 to vector<16xi1>
        %reduce_sum3A_1498 = tpu.scan <sum>, %add3A_1495 masked %reduce_sum3A_1497 : vector<16xf32>, vector<16xi1> -> vector<16xf32>
        %reduce_sum3A_1499 = vector.extract %reduce_sum3A_1498[15] : f32 from vector<16xf32>
        %eq3A_1500 = arith.constant 10 : i32
        %eq3A_1501 = vector.broadcast %eq3A_1500 : i32 to vector<16xi32>
        %eq3A_1502 = arith.cmpi eq, %iota3A, %eq3A_1501 : vector<16xi32>
        %broadcast_in_dim3A_1503 = vector.broadcast %reduce_sum3A_1499 : f32 to vector<16xf32>
        %select_n3A_1504 = arith.select %eq3A_1502, %broadcast_in_dim3A_1503, %select_n3A_1413 : vector<16xi1>, vector<16xf32>
        %mul3A_1505 = arith.mulf %max3A_1466, %get3A_39 : vector<16xf32>
        %mul3A_1506 = arith.mulf %max3A_1473, %get3A_43 : vector<16xf32>
        %add3A_1507 = arith.addf %mul3A_1505, %mul3A_1506 : vector<16xf32>
        %mul3A_1508 = arith.mulf %max3A_1480, %get3A_47 : vector<16xf32>
        %add3A_1509 = arith.addf %add3A_1507, %mul3A_1508 : vector<16xf32>
        %mul3A_1510 = arith.mulf %max3A_1487, %get3A_51 : vector<16xf32>
        %add3A_1511 = arith.addf %add3A_1509, %mul3A_1510 : vector<16xf32>
        %add3A_1512 = arith.addf %add3A_1511, %get3A_59 : vector<16xf32>
        %reduce_sum3A_1513 = arith.constant true
        %reduce_sum3A_1514 = vector.broadcast %reduce_sum3A_1513 : i1 to vector<16xi1>
        %reduce_sum3A_1515 = tpu.scan <sum>, %add3A_1512 masked %reduce_sum3A_1514 : vector<16xf32>, vector<16xi1> -> vector<16xf32>
        %reduce_sum3A_1516 = vector.extract %reduce_sum3A_1515[15] : f32 from vector<16xf32>
        %eq3A_1517 = arith.constant 11 : i32
        %eq3A_1518 = vector.broadcast %eq3A_1517 : i32 to vector<16xi32>
        %eq3A_1519 = arith.cmpi eq, %iota3A, %eq3A_1518 : vector<16xi32>
        %broadcast_in_dim3A_1520 = vector.broadcast %reduce_sum3A_1516 : f32 to vector<16xf32>
        %select_n3A_1521 = arith.select %eq3A_1519, %broadcast_in_dim3A_1520, %select_n3A_1504 : vector<16xi1>, vector<16xf32>
        %mul3A_1522 = arith.constant 8 : i32
        %mul3A_1523 = arith.muli %mul3A_1522, %scan3A_872 : i32
        %add3A_1524 = arith.constant 6 : i32
        %add3A_1525 = arith.addi %mul3A_1523, %add3A_1524 : i32
        %dma_wait3A_1526 = arith.constant 6 : i32
        %dma_wait3A_1527 = arith.constant 0 : i32
        %dma_wait3A_1528 = arith.constant 0 : i32
        %dma_wait3A_1529 = tpu.memref_slice %arg7[%dma_wait3A_1526, %dma_wait3A_1527, %dma_wait3A_1528] : memref<8x200x64xbf16, #tpu.memory_space<vmem>> -> memref<1x200x64xbf16, #tpu.memory_space<vmem>>
        %dma_wait3A_1530 = tpu.memref_squeeze %dma_wait3A_1529 : memref<1x200x64xbf16, #tpu.memory_space<vmem>> -> memref<200x64xbf16, #tpu.memory_space<vmem>>
        %dma_wait3A_1531 = arith.constant 0 : i32
        %dma_wait3A_1532 = arith.constant 0 : i32
        %dma_wait3A_1533 = tpu.memref_slice %arg3[%dma_wait3A_1531, %dma_wait3A_1532] : memref<100000x64xbf16, #tpu.memory_space<hbm>> -> memref<200x64xbf16, #tpu.memory_space<hbm>>
        %dma_wait3A_1534 = arith.constant 0 : i32
        %dma_wait3A_1535 = arith.constant 0 : i32
        %dma_wait3A_1536 = tpu.memref_slice %arg7[%dma_wait3A_1526, %dma_wait3A_1534, %dma_wait3A_1535] : memref<8x200x64xbf16, #tpu.memory_space<vmem>> -> memref<1x200x64xbf16, #tpu.memory_space<vmem>>
        %dma_wait3A_1537 = tpu.memref_squeeze %dma_wait3A_1536 : memref<1x200x64xbf16, #tpu.memory_space<vmem>> -> memref<200x64xbf16, #tpu.memory_space<vmem>>
        %dma_wait3A_1538 = arith.constant 0 : i32
        %dma_wait3A_1539 = arith.constant 0 : i32
        %dma_wait3A_1540 = tpu.memref_slice %arg3[%dma_wait3A_1538, %dma_wait3A_1539] : memref<100000x64xbf16, #tpu.memory_space<hbm>> -> memref<200x64xbf16, #tpu.memory_space<hbm>>
        tpu.wait_dma2 semaphore(%arg10 : memref<!tpu.dma_semaphore, #tpu.memory_space<semaphore_mem>>) src(%dma_wait3A_1540 : memref<200x64xbf16, #tpu.memory_space<hbm>>) dst(%dma_wait3A_1537 : memref<200x64xbf16, #tpu.memory_space<vmem>>)
        %add3A_1541 = arith.constant 8 : i32
        %add3A_1542 = arith.addi %add3A_1525, %add3A_1541 : i32
        %sub3A_1543 = arith.constant 1 : i32
        %sub3A_1544 = arith.subi %add3A_1542, %sub3A_1543 : i32
        %mul3A_1545 = arith.constant 200 : i32
        %mul3A_1546 = arith.muli %sub3A_1544, %mul3A_1545 : i32
        %dma_start3A_1547 = arith.constant 5 : i32
        %dma_start3A_1548 = arith.constant 0 : i32
        %dma_start3A_1549 = arith.constant 0 : i32
        %dma_start3A_1550 = tpu.memref_slice %arg7[%dma_start3A_1547, %dma_start3A_1548, %dma_start3A_1549] : memref<8x200x64xbf16, #tpu.memory_space<vmem>> -> memref<1x200x64xbf16, #tpu.memory_space<vmem>>
        %dma_start3A_1551 = tpu.memref_squeeze %dma_start3A_1550 : memref<1x200x64xbf16, #tpu.memory_space<vmem>> -> memref<200x64xbf16, #tpu.memory_space<vmem>>
        %dma_start3A_1552 = tpu.memref_slice %arg6[%mul3A_1546] : memref<25600xi32, #tpu.memory_space<vmem>> -> memref<200xi32, #tpu.memory_space<vmem>>
        %dma_start3A_1553 = arith.constant 0 : i32
        %dma_start3A_1554 = arith.constant 0 : i32
        %dma_start3A_1555 = tpu.memref_slice %arg3[%dma_start3A_1553, %dma_start3A_1554] : memref<100000x64xbf16, #tpu.memory_space<hbm>> -> memref<100000x64xbf16, #tpu.memory_space<hbm>>
        tpu.enqueue_indirect_dma source(%dma_start3A_1555 : memref<100000x64xbf16, #tpu.memory_space<hbm>>) target(%dma_start3A_1551 : memref<200x64xbf16, #tpu.memory_space<vmem>>) offsets(%dma_start3A_1552 : memref<200xi32, #tpu.memory_space<vmem>>) semaphore(%arg10 : memref<!tpu.dma_semaphore, #tpu.memory_space<semaphore_mem>>)
        %broadcast_in_dim3A_1556 = arith.constant 0.000000e+00 : f32
        %broadcast_in_dim3A_1557 = vector.broadcast %broadcast_in_dim3A_1556 : f32 to vector<16xf32>
        %broadcast_in_dim3A_1558 = arith.constant 0.000000e+00 : f32
        %broadcast_in_dim3A_1559 = vector.broadcast %broadcast_in_dim3A_1558 : f32 to vector<16xf32>
        %broadcast_in_dim3A_1560 = arith.constant 0.000000e+00 : f32
        %broadcast_in_dim3A_1561 = vector.broadcast %broadcast_in_dim3A_1560 : f32 to vector<16xf32>
        %broadcast_in_dim3A_1562 = arith.constant 0.000000e+00 : f32
        %broadcast_in_dim3A_1563 = vector.broadcast %broadcast_in_dim3A_1562 : f32 to vector<16xf32>
        %parallel_loop3A_1564 = arith.constant 0 : i32
        %parallel_loop3A_1565 = arith.constant 100 : i32
        %parallel_loop3A_1566 = arith.constant 1 : i32
        %parallel_loop3A_1567:4 = scf.for %parallel_loop3A_1745 = %parallel_loop3A_1564 to %parallel_loop3A_1565 step %parallel_loop3A_1566 iter_args(%parallel_loop3A_1746 = %broadcast_in_dim3A_1557, %parallel_loop3A_1747 = %broadcast_in_dim3A_1559, %parallel_loop3A_1748 = %broadcast_in_dim3A_1561, %parallel_loop3A_1749 = %broadcast_in_dim3A_1563) -> (vector<16xf32>, vector<16xf32>, vector<16xf32>, vector<16xf32>)  : i32 {
          %parallel_loop3A_1750 = arith.constant 2 : i32
          %parallel_loop3A_1751 = arith.muli %parallel_loop3A_1750, %parallel_loop3A_1745 : i32
          %parallel_loop3A_1752 = arith.constant 6 : i32
          %parallel_loop3A_1753 = arith.index_cast %parallel_loop3A_1752 : i32 to index
          %parallel_loop3A_1754 = arith.index_cast %parallel_loop3A_1751 : i32 to index
          %parallel_loop3A_1755 = arith.constant 0 : index
          %parallel_loop3A_1756 = tpu.vector_load %arg7[%parallel_loop3A_1753, %parallel_loop3A_1754, %parallel_loop3A_1755] {strides = array<i32>} : memref<8x200x64xbf16, #tpu.memory_space<vmem>>, vector<32xbf16>,
          %parallel_loop3A_1757 = arith.constant 1 : i32
          %parallel_loop3A_1758 = arith.addi %parallel_loop3A_1751, %parallel_loop3A_1757 : i32
          %parallel_loop3A_1759 = arith.constant 6 : i32
          %parallel_loop3A_1760 = arith.index_cast %parallel_loop3A_1759 : i32 to index
          %parallel_loop3A_1761 = arith.index_cast %parallel_loop3A_1758 : i32 to index
          %parallel_loop3A_1762 = arith.constant 0 : index
          %parallel_loop3A_1763 = tpu.vector_load %arg7[%parallel_loop3A_1760, %parallel_loop3A_1761, %parallel_loop3A_1762] {strides = array<i32>} : memref<8x200x64xbf16, #tpu.memory_space<vmem>>, vector<32xbf16>,
          %parallel_loop3A_1764 = arith.addf %parallel_loop3A_1756, %parallel_loop3A_1763 : vector<32xbf16>
          %parallel_loop3A_1765 = arith.constant 6 : i32
          %parallel_loop3A_1766 = arith.index_cast %parallel_loop3A_1765 : i32 to index
          %parallel_loop3A_1767 = arith.index_cast %parallel_loop3A_1751 : i32 to index
          %parallel_loop3A_1768 = arith.constant 32 : index
          %parallel_loop3A_1769 = tpu.vector_load %arg7[%parallel_loop3A_1766, %parallel_loop3A_1767, %parallel_loop3A_1768] {strides = array<i32>} : memref<8x200x64xbf16, #tpu.memory_space<vmem>>, vector<32xbf16>,
          %parallel_loop3A_1770 = arith.constant 1 : i32
          %parallel_loop3A_1771 = arith.addi %parallel_loop3A_1751, %parallel_loop3A_1770 : i32
          %parallel_loop3A_1772 = arith.constant 6 : i32
          %parallel_loop3A_1773 = arith.index_cast %parallel_loop3A_1772 : i32 to index
          %parallel_loop3A_1774 = arith.index_cast %parallel_loop3A_1771 : i32 to index
          %parallel_loop3A_1775 = arith.constant 32 : index
          %parallel_loop3A_1776 = tpu.vector_load %arg7[%parallel_loop3A_1773, %parallel_loop3A_1774, %parallel_loop3A_1775] {strides = array<i32>} : memref<8x200x64xbf16, #tpu.memory_space<vmem>>, vector<32xbf16>,
          %parallel_loop3A_1777 = arith.addf %parallel_loop3A_1769, %parallel_loop3A_1776 : vector<32xbf16>
          %parallel_loop3A_1778 = tpu.unpack_subelements %parallel_loop3A_1764, 0 {pack_format = #tpu.pack_format<interleaved>} : vector<32xbf16> -> vector<16xf32>
          %parallel_loop3A_1779 = tpu.unpack_subelements %parallel_loop3A_1764, 1 {pack_format = #tpu.pack_format<interleaved>} : vector<32xbf16> -> vector<16xf32>
          %parallel_loop3A_1780 = tpu.unpack_subelements %parallel_loop3A_1777, 0 {pack_format = #tpu.pack_format<interleaved>} : vector<32xbf16> -> vector<16xf32>
          %parallel_loop3A_1781 = tpu.unpack_subelements %parallel_loop3A_1777, 1 {pack_format = #tpu.pack_format<interleaved>} : vector<32xbf16> -> vector<16xf32>
          %parallel_loop3A_1782 = arith.addf %parallel_loop3A_1746, %parallel_loop3A_1778 : vector<16xf32>
          %parallel_loop3A_1783 = arith.addf %parallel_loop3A_1747, %parallel_loop3A_1779 : vector<16xf32>
          %parallel_loop3A_1784 = arith.addf %parallel_loop3A_1748, %parallel_loop3A_1780 : vector<16xf32>
          %parallel_loop3A_1785 = arith.addf %parallel_loop3A_1749, %parallel_loop3A_1781 : vector<16xf32>
          scf.yield %parallel_loop3A_1782, %parallel_loop3A_1783, %parallel_loop3A_1784, %parallel_loop3A_1785 : vector<16xf32>, vector<16xf32>, vector<16xf32>, vector<16xf32>
        } {sc.loop_unroll_factor = 8 : i64, sc.parallel_access}
        %mul3A_1568 = arith.constant 5.000000e-03 : f32
        %mul3A_1569 = vector.broadcast %mul3A_1568 : f32 to vector<16xf32>
        %mul3A_1570 = arith.mulf %parallel_loop3A_1567#0, %mul3A_1569 : vector<16xf32>
        %add3A_1571 = arith.addf %mul3A_1570, %get3A_7 : vector<16xf32>
        %max3A_1572 = arith.constant 0.000000e+00 : f32
        %max3A_1573 = vector.broadcast %max3A_1572 : f32 to vector<16xf32>
        %max3A_1574 = arith.maximumf %add3A_1571, %max3A_1573 : vector<16xf32>
        %mul3A_1575 = arith.constant 5.000000e-03 : f32
        %mul3A_1576 = vector.broadcast %mul3A_1575 : f32 to vector<16xf32>
        %mul3A_1577 = arith.mulf %parallel_loop3A_1567#1, %mul3A_1576 : vector<16xf32>
        %add3A_1578 = arith.addf %mul3A_1577, %get3A_11 : vector<16xf32>
        %max3A_1579 = arith.constant 0.000000e+00 : f32
        %max3A_1580 = vector.broadcast %max3A_1579 : f32 to vector<16xf32>
        %max3A_1581 = arith.maximumf %add3A_1578, %max3A_1580 : vector<16xf32>
        %mul3A_1582 = arith.constant 5.000000e-03 : f32
        %mul3A_1583 = vector.broadcast %mul3A_1582 : f32 to vector<16xf32>
        %mul3A_1584 = arith.mulf %parallel_loop3A_1567#2, %mul3A_1583 : vector<16xf32>
        %add3A_1585 = arith.addf %mul3A_1584, %get3A_15 : vector<16xf32>
        %max3A_1586 = arith.constant 0.000000e+00 : f32
        %max3A_1587 = vector.broadcast %max3A_1586 : f32 to vector<16xf32>
        %max3A_1588 = arith.maximumf %add3A_1585, %max3A_1587 : vector<16xf32>
        %mul3A_1589 = arith.constant 5.000000e-03 : f32
        %mul3A_1590 = vector.broadcast %mul3A_1589 : f32 to vector<16xf32>
        %mul3A_1591 = arith.mulf %parallel_loop3A_1567#3, %mul3A_1590 : vector<16xf32>
        %add3A_1592 = arith.addf %mul3A_1591, %get3A_19 : vector<16xf32>
        %max3A_1593 = arith.constant 0.000000e+00 : f32
        %max3A_1594 = vector.broadcast %max3A_1593 : f32 to vector<16xf32>
        %max3A_1595 = arith.maximumf %add3A_1592, %max3A_1594 : vector<16xf32>
        %mul3A_1596 = arith.mulf %max3A_1574, %get3A_23 : vector<16xf32>
        %mul3A_1597 = arith.mulf %max3A_1581, %get3A_27 : vector<16xf32>
        %add3A_1598 = arith.addf %mul3A_1596, %mul3A_1597 : vector<16xf32>
        %mul3A_1599 = arith.mulf %max3A_1588, %get3A_31 : vector<16xf32>
        %add3A_1600 = arith.addf %add3A_1598, %mul3A_1599 : vector<16xf32>
        %mul3A_1601 = arith.mulf %max3A_1595, %get3A_35 : vector<16xf32>
        %add3A_1602 = arith.addf %add3A_1600, %mul3A_1601 : vector<16xf32>
        %add3A_1603 = arith.addf %add3A_1602, %get3A_55 : vector<16xf32>
        %reduce_sum3A_1604 = arith.constant true
        %reduce_sum3A_1605 = vector.broadcast %reduce_sum3A_1604 : i1 to vector<16xi1>
        %reduce_sum3A_1606 = tpu.scan <sum>, %add3A_1603 masked %reduce_sum3A_1605 : vector<16xf32>, vector<16xi1> -> vector<16xf32>
        %reduce_sum3A_1607 = vector.extract %reduce_sum3A_1606[15] : f32 from vector<16xf32>
        %eq3A_1608 = arith.constant 12 : i32
        %eq3A_1609 = vector.broadcast %eq3A_1608 : i32 to vector<16xi32>
        %eq3A_1610 = arith.cmpi eq, %iota3A, %eq3A_1609 : vector<16xi32>
        %broadcast_in_dim3A_1611 = vector.broadcast %reduce_sum3A_1607 : f32 to vector<16xf32>
        %select_n3A_1612 = arith.select %eq3A_1610, %broadcast_in_dim3A_1611, %select_n3A_1521 : vector<16xi1>, vector<16xf32>
        %mul3A_1613 = arith.mulf %max3A_1574, %get3A_39 : vector<16xf32>
        %mul3A_1614 = arith.mulf %max3A_1581, %get3A_43 : vector<16xf32>
        %add3A_1615 = arith.addf %mul3A_1613, %mul3A_1614 : vector<16xf32>
        %mul3A_1616 = arith.mulf %max3A_1588, %get3A_47 : vector<16xf32>
        %add3A_1617 = arith.addf %add3A_1615, %mul3A_1616 : vector<16xf32>
        %mul3A_1618 = arith.mulf %max3A_1595, %get3A_51 : vector<16xf32>
        %add3A_1619 = arith.addf %add3A_1617, %mul3A_1618 : vector<16xf32>
        %add3A_1620 = arith.addf %add3A_1619, %get3A_59 : vector<16xf32>
        %reduce_sum3A_1621 = arith.constant true
        %reduce_sum3A_1622 = vector.broadcast %reduce_sum3A_1621 : i1 to vector<16xi1>
        %reduce_sum3A_1623 = tpu.scan <sum>, %add3A_1620 masked %reduce_sum3A_1622 : vector<16xf32>, vector<16xi1> -> vector<16xf32>
        %reduce_sum3A_1624 = vector.extract %reduce_sum3A_1623[15] : f32 from vector<16xf32>
        %eq3A_1625 = arith.constant 13 : i32
        %eq3A_1626 = vector.broadcast %eq3A_1625 : i32 to vector<16xi32>
        %eq3A_1627 = arith.cmpi eq, %iota3A, %eq3A_1626 : vector<16xi32>
        %broadcast_in_dim3A_1628 = vector.broadcast %reduce_sum3A_1624 : f32 to vector<16xf32>
        %select_n3A_1629 = arith.select %eq3A_1627, %broadcast_in_dim3A_1628, %select_n3A_1612 : vector<16xi1>, vector<16xf32>
        %mul3A_1630 = arith.constant 8 : i32
        %mul3A_1631 = arith.muli %mul3A_1630, %scan3A_872 : i32
        %add3A_1632 = arith.constant 7 : i32
        %add3A_1633 = arith.addi %mul3A_1631, %add3A_1632 : i32
        %dma_wait3A_1634 = arith.constant 7 : i32
        %dma_wait3A_1635 = arith.constant 0 : i32
        %dma_wait3A_1636 = arith.constant 0 : i32
        %dma_wait3A_1637 = tpu.memref_slice %arg7[%dma_wait3A_1634, %dma_wait3A_1635, %dma_wait3A_1636] : memref<8x200x64xbf16, #tpu.memory_space<vmem>> -> memref<1x200x64xbf16, #tpu.memory_space<vmem>>
        %dma_wait3A_1638 = tpu.memref_squeeze %dma_wait3A_1637 : memref<1x200x64xbf16, #tpu.memory_space<vmem>> -> memref<200x64xbf16, #tpu.memory_space<vmem>>
        %dma_wait3A_1639 = arith.constant 0 : i32
        %dma_wait3A_1640 = arith.constant 0 : i32
        %dma_wait3A_1641 = tpu.memref_slice %arg3[%dma_wait3A_1639, %dma_wait3A_1640] : memref<100000x64xbf16, #tpu.memory_space<hbm>> -> memref<200x64xbf16, #tpu.memory_space<hbm>>
        %dma_wait3A_1642 = arith.constant 0 : i32
        %dma_wait3A_1643 = arith.constant 0 : i32
        %dma_wait3A_1644 = tpu.memref_slice %arg7[%dma_wait3A_1634, %dma_wait3A_1642, %dma_wait3A_1643] : memref<8x200x64xbf16, #tpu.memory_space<vmem>> -> memref<1x200x64xbf16, #tpu.memory_space<vmem>>
        %dma_wait3A_1645 = tpu.memref_squeeze %dma_wait3A_1644 : memref<1x200x64xbf16, #tpu.memory_space<vmem>> -> memref<200x64xbf16, #tpu.memory_space<vmem>>
        %dma_wait3A_1646 = arith.constant 0 : i32
        %dma_wait3A_1647 = arith.constant 0 : i32
        %dma_wait3A_1648 = tpu.memref_slice %arg3[%dma_wait3A_1646, %dma_wait3A_1647] : memref<100000x64xbf16, #tpu.memory_space<hbm>> -> memref<200x64xbf16, #tpu.memory_space<hbm>>
        tpu.wait_dma2 semaphore(%arg10 : memref<!tpu.dma_semaphore, #tpu.memory_space<semaphore_mem>>) src(%dma_wait3A_1648 : memref<200x64xbf16, #tpu.memory_space<hbm>>) dst(%dma_wait3A_1645 : memref<200x64xbf16, #tpu.memory_space<vmem>>)
        %add3A_1649 = arith.constant 8 : i32
        %add3A_1650 = arith.addi %add3A_1633, %add3A_1649 : i32
        %sub3A_1651 = arith.constant 1 : i32
        %sub3A_1652 = arith.subi %add3A_1650, %sub3A_1651 : i32
        %mul3A_1653 = arith.constant 200 : i32
        %mul3A_1654 = arith.muli %sub3A_1652, %mul3A_1653 : i32
        %dma_start3A_1655 = arith.constant 6 : i32
        %dma_start3A_1656 = arith.constant 0 : i32
        %dma_start3A_1657 = arith.constant 0 : i32
        %dma_start3A_1658 = tpu.memref_slice %arg7[%dma_start3A_1655, %dma_start3A_1656, %dma_start3A_1657] : memref<8x200x64xbf16, #tpu.memory_space<vmem>> -> memref<1x200x64xbf16, #tpu.memory_space<vmem>>
        %dma_start3A_1659 = tpu.memref_squeeze %dma_start3A_1658 : memref<1x200x64xbf16, #tpu.memory_space<vmem>> -> memref<200x64xbf16, #tpu.memory_space<vmem>>
        %dma_start3A_1660 = tpu.memref_slice %arg6[%mul3A_1654] : memref<25600xi32, #tpu.memory_space<vmem>> -> memref<200xi32, #tpu.memory_space<vmem>>
        %dma_start3A_1661 = arith.constant 0 : i32
        %dma_start3A_1662 = arith.constant 0 : i32
        %dma_start3A_1663 = tpu.memref_slice %arg3[%dma_start3A_1661, %dma_start3A_1662] : memref<100000x64xbf16, #tpu.memory_space<hbm>> -> memref<100000x64xbf16, #tpu.memory_space<hbm>>
        tpu.enqueue_indirect_dma source(%dma_start3A_1663 : memref<100000x64xbf16, #tpu.memory_space<hbm>>) target(%dma_start3A_1659 : memref<200x64xbf16, #tpu.memory_space<vmem>>) offsets(%dma_start3A_1660 : memref<200xi32, #tpu.memory_space<vmem>>) semaphore(%arg10 : memref<!tpu.dma_semaphore, #tpu.memory_space<semaphore_mem>>)
        %broadcast_in_dim3A_1664 = arith.constant 0.000000e+00 : f32
        %broadcast_in_dim3A_1665 = vector.broadcast %broadcast_in_dim3A_1664 : f32 to vector<16xf32>
        %broadcast_in_dim3A_1666 = arith.constant 0.000000e+00 : f32
        %broadcast_in_dim3A_1667 = vector.broadcast %broadcast_in_dim3A_1666 : f32 to vector<16xf32>
        %broadcast_in_dim3A_1668 = arith.constant 0.000000e+00 : f32
        %broadcast_in_dim3A_1669 = vector.broadcast %broadcast_in_dim3A_1668 : f32 to vector<16xf32>
        %broadcast_in_dim3A_1670 = arith.constant 0.000000e+00 : f32
        %broadcast_in_dim3A_1671 = vector.broadcast %broadcast_in_dim3A_1670 : f32 to vector<16xf32>
        %parallel_loop3A_1672 = arith.constant 0 : i32
        %parallel_loop3A_1673 = arith.constant 100 : i32
        %parallel_loop3A_1674 = arith.constant 1 : i32
        %parallel_loop3A_1675:4 = scf.for %parallel_loop3A_1745 = %parallel_loop3A_1672 to %parallel_loop3A_1673 step %parallel_loop3A_1674 iter_args(%parallel_loop3A_1746 = %broadcast_in_dim3A_1665, %parallel_loop3A_1747 = %broadcast_in_dim3A_1667, %parallel_loop3A_1748 = %broadcast_in_dim3A_1669, %parallel_loop3A_1749 = %broadcast_in_dim3A_1671) -> (vector<16xf32>, vector<16xf32>, vector<16xf32>, vector<16xf32>)  : i32 {
          %parallel_loop3A_1750 = arith.constant 2 : i32
          %parallel_loop3A_1751 = arith.muli %parallel_loop3A_1750, %parallel_loop3A_1745 : i32
          %parallel_loop3A_1752 = arith.constant 7 : i32
          %parallel_loop3A_1753 = arith.index_cast %parallel_loop3A_1752 : i32 to index
          %parallel_loop3A_1754 = arith.index_cast %parallel_loop3A_1751 : i32 to index
          %parallel_loop3A_1755 = arith.constant 0 : index
          %parallel_loop3A_1756 = tpu.vector_load %arg7[%parallel_loop3A_1753, %parallel_loop3A_1754, %parallel_loop3A_1755] {strides = array<i32>} : memref<8x200x64xbf16, #tpu.memory_space<vmem>>, vector<32xbf16>,
          %parallel_loop3A_1757 = arith.constant 1 : i32
          %parallel_loop3A_1758 = arith.addi %parallel_loop3A_1751, %parallel_loop3A_1757 : i32
          %parallel_loop3A_1759 = arith.constant 7 : i32
          %parallel_loop3A_1760 = arith.index_cast %parallel_loop3A_1759 : i32 to index
          %parallel_loop3A_1761 = arith.index_cast %parallel_loop3A_1758 : i32 to index
          %parallel_loop3A_1762 = arith.constant 0 : index
          %parallel_loop3A_1763 = tpu.vector_load %arg7[%parallel_loop3A_1760, %parallel_loop3A_1761, %parallel_loop3A_1762] {strides = array<i32>} : memref<8x200x64xbf16, #tpu.memory_space<vmem>>, vector<32xbf16>,
          %parallel_loop3A_1764 = arith.addf %parallel_loop3A_1756, %parallel_loop3A_1763 : vector<32xbf16>
          %parallel_loop3A_1765 = arith.constant 7 : i32
          %parallel_loop3A_1766 = arith.index_cast %parallel_loop3A_1765 : i32 to index
          %parallel_loop3A_1767 = arith.index_cast %parallel_loop3A_1751 : i32 to index
          %parallel_loop3A_1768 = arith.constant 32 : index
          %parallel_loop3A_1769 = tpu.vector_load %arg7[%parallel_loop3A_1766, %parallel_loop3A_1767, %parallel_loop3A_1768] {strides = array<i32>} : memref<8x200x64xbf16, #tpu.memory_space<vmem>>, vector<32xbf16>,
          %parallel_loop3A_1770 = arith.constant 1 : i32
          %parallel_loop3A_1771 = arith.addi %parallel_loop3A_1751, %parallel_loop3A_1770 : i32
          %parallel_loop3A_1772 = arith.constant 7 : i32
          %parallel_loop3A_1773 = arith.index_cast %parallel_loop3A_1772 : i32 to index
          %parallel_loop3A_1774 = arith.index_cast %parallel_loop3A_1771 : i32 to index
          %parallel_loop3A_1775 = arith.constant 32 : index
          %parallel_loop3A_1776 = tpu.vector_load %arg7[%parallel_loop3A_1773, %parallel_loop3A_1774, %parallel_loop3A_1775] {strides = array<i32>} : memref<8x200x64xbf16, #tpu.memory_space<vmem>>, vector<32xbf16>,
          %parallel_loop3A_1777 = arith.addf %parallel_loop3A_1769, %parallel_loop3A_1776 : vector<32xbf16>
          %parallel_loop3A_1778 = tpu.unpack_subelements %parallel_loop3A_1764, 0 {pack_format = #tpu.pack_format<interleaved>} : vector<32xbf16> -> vector<16xf32>
          %parallel_loop3A_1779 = tpu.unpack_subelements %parallel_loop3A_1764, 1 {pack_format = #tpu.pack_format<interleaved>} : vector<32xbf16> -> vector<16xf32>
          %parallel_loop3A_1780 = tpu.unpack_subelements %parallel_loop3A_1777, 0 {pack_format = #tpu.pack_format<interleaved>} : vector<32xbf16> -> vector<16xf32>
          %parallel_loop3A_1781 = tpu.unpack_subelements %parallel_loop3A_1777, 1 {pack_format = #tpu.pack_format<interleaved>} : vector<32xbf16> -> vector<16xf32>
          %parallel_loop3A_1782 = arith.addf %parallel_loop3A_1746, %parallel_loop3A_1778 : vector<16xf32>
          %parallel_loop3A_1783 = arith.addf %parallel_loop3A_1747, %parallel_loop3A_1779 : vector<16xf32>
          %parallel_loop3A_1784 = arith.addf %parallel_loop3A_1748, %parallel_loop3A_1780 : vector<16xf32>
          %parallel_loop3A_1785 = arith.addf %parallel_loop3A_1749, %parallel_loop3A_1781 : vector<16xf32>
          scf.yield %parallel_loop3A_1782, %parallel_loop3A_1783, %parallel_loop3A_1784, %parallel_loop3A_1785 : vector<16xf32>, vector<16xf32>, vector<16xf32>, vector<16xf32>
        } {sc.loop_unroll_factor = 8 : i64, sc.parallel_access}
        %mul3A_1676 = arith.constant 5.000000e-03 : f32
        %mul3A_1677 = vector.broadcast %mul3A_1676 : f32 to vector<16xf32>
        %mul3A_1678 = arith.mulf %parallel_loop3A_1675#0, %mul3A_1677 : vector<16xf32>
        %add3A_1679 = arith.addf %mul3A_1678, %get3A_7 : vector<16xf32>
        %max3A_1680 = arith.constant 0.000000e+00 : f32
        %max3A_1681 = vector.broadcast %max3A_1680 : f32 to vector<16xf32>
        %max3A_1682 = arith.maximumf %add3A_1679, %max3A_1681 : vector<16xf32>
        %mul3A_1683 = arith.constant 5.000000e-03 : f32
        %mul3A_1684 = vector.broadcast %mul3A_1683 : f32 to vector<16xf32>
        %mul3A_1685 = arith.mulf %parallel_loop3A_1675#1, %mul3A_1684 : vector<16xf32>
        %add3A_1686 = arith.addf %mul3A_1685, %get3A_11 : vector<16xf32>
        %max3A_1687 = arith.constant 0.000000e+00 : f32
        %max3A_1688 = vector.broadcast %max3A_1687 : f32 to vector<16xf32>
        %max3A_1689 = arith.maximumf %add3A_1686, %max3A_1688 : vector<16xf32>
        %mul3A_1690 = arith.constant 5.000000e-03 : f32
        %mul3A_1691 = vector.broadcast %mul3A_1690 : f32 to vector<16xf32>
        %mul3A_1692 = arith.mulf %parallel_loop3A_1675#2, %mul3A_1691 : vector<16xf32>
        %add3A_1693 = arith.addf %mul3A_1692, %get3A_15 : vector<16xf32>
        %max3A_1694 = arith.constant 0.000000e+00 : f32
        %max3A_1695 = vector.broadcast %max3A_1694 : f32 to vector<16xf32>
        %max3A_1696 = arith.maximumf %add3A_1693, %max3A_1695 : vector<16xf32>
        %mul3A_1697 = arith.constant 5.000000e-03 : f32
        %mul3A_1698 = vector.broadcast %mul3A_1697 : f32 to vector<16xf32>
        %mul3A_1699 = arith.mulf %parallel_loop3A_1675#3, %mul3A_1698 : vector<16xf32>
        %add3A_1700 = arith.addf %mul3A_1699, %get3A_19 : vector<16xf32>
        %max3A_1701 = arith.constant 0.000000e+00 : f32
        %max3A_1702 = vector.broadcast %max3A_1701 : f32 to vector<16xf32>
        %max3A_1703 = arith.maximumf %add3A_1700, %max3A_1702 : vector<16xf32>
        %mul3A_1704 = arith.mulf %max3A_1682, %get3A_23 : vector<16xf32>
        %mul3A_1705 = arith.mulf %max3A_1689, %get3A_27 : vector<16xf32>
        %add3A_1706 = arith.addf %mul3A_1704, %mul3A_1705 : vector<16xf32>
        %mul3A_1707 = arith.mulf %max3A_1696, %get3A_31 : vector<16xf32>
        %add3A_1708 = arith.addf %add3A_1706, %mul3A_1707 : vector<16xf32>
        %mul3A_1709 = arith.mulf %max3A_1703, %get3A_35 : vector<16xf32>
        %add3A_1710 = arith.addf %add3A_1708, %mul3A_1709 : vector<16xf32>
        %add3A_1711 = arith.addf %add3A_1710, %get3A_55 : vector<16xf32>
        %reduce_sum3A_1712 = arith.constant true
        %reduce_sum3A_1713 = vector.broadcast %reduce_sum3A_1712 : i1 to vector<16xi1>
        %reduce_sum3A_1714 = tpu.scan <sum>, %add3A_1711 masked %reduce_sum3A_1713 : vector<16xf32>, vector<16xi1> -> vector<16xf32>
        %reduce_sum3A_1715 = vector.extract %reduce_sum3A_1714[15] : f32 from vector<16xf32>
        %eq3A_1716 = arith.constant 14 : i32
        %eq3A_1717 = vector.broadcast %eq3A_1716 : i32 to vector<16xi32>
        %eq3A_1718 = arith.cmpi eq, %iota3A, %eq3A_1717 : vector<16xi32>
        %broadcast_in_dim3A_1719 = vector.broadcast %reduce_sum3A_1715 : f32 to vector<16xf32>
        %select_n3A_1720 = arith.select %eq3A_1718, %broadcast_in_dim3A_1719, %select_n3A_1629 : vector<16xi1>, vector<16xf32>
        %mul3A_1721 = arith.mulf %max3A_1682, %get3A_39 : vector<16xf32>
        %mul3A_1722 = arith.mulf %max3A_1689, %get3A_43 : vector<16xf32>
        %add3A_1723 = arith.addf %mul3A_1721, %mul3A_1722 : vector<16xf32>
        %mul3A_1724 = arith.mulf %max3A_1696, %get3A_47 : vector<16xf32>
        %add3A_1725 = arith.addf %add3A_1723, %mul3A_1724 : vector<16xf32>
        %mul3A_1726 = arith.mulf %max3A_1703, %get3A_51 : vector<16xf32>
        %add3A_1727 = arith.addf %add3A_1725, %mul3A_1726 : vector<16xf32>
        %add3A_1728 = arith.addf %add3A_1727, %get3A_59 : vector<16xf32>
        %reduce_sum3A_1729 = arith.constant true
        %reduce_sum3A_1730 = vector.broadcast %reduce_sum3A_1729 : i1 to vector<16xi1>
        %reduce_sum3A_1731 = tpu.scan <sum>, %add3A_1728 masked %reduce_sum3A_1730 : vector<16xf32>, vector<16xi1> -> vector<16xf32>
        %reduce_sum3A_1732 = vector.extract %reduce_sum3A_1731[15] : f32 from vector<16xf32>
        %eq3A_1733 = arith.constant 15 : i32
        %eq3A_1734 = vector.broadcast %eq3A_1733 : i32 to vector<16xi32>
        %eq3A_1735 = arith.cmpi eq, %iota3A, %eq3A_1734 : vector<16xi32>
        %broadcast_in_dim3A_1736 = vector.broadcast %reduce_sum3A_1732 : f32 to vector<16xf32>
        %select_n3A_1737 = arith.select %eq3A_1735, %broadcast_in_dim3A_1736, %select_n3A_1720 : vector<16xi1>, vector<16xf32>
        %mul3A_1738 = arith.constant 16 : i32
        %mul3A_1739 = arith.muli %scan3A_69, %mul3A_1738 : i32
        %add3A_1740 = arith.addi %mul3A_1739, %scan3A_872 : i32
        %mul3A_1741 = arith.constant 16 : i32
        %mul3A_1742 = arith.muli %mul3A_1741, %add3A_1740 : i32
        %swap3A_1743 = arith.index_cast %mul3A_1742 : i32 to index
        %swap3A_1744 = tpu.vector_load %arg8[%swap3A_1743] {strides = array<i32>} : memref<1024xf32, #tpu.memory_space<vmem>>, vector<16xf32>,
        tpu.vector_store %arg8[%swap3A_1743], %select_n3A_1737 {strides = array<i32>} : memref<1024xf32, #tpu.memory_space<vmem>>, vector<16xf32>,
      }
      %scan3A_147 = arith.constant 15 : i32
      %broadcast_in_dim3A = arith.constant 0.000000e+00 : f32
      %broadcast_in_dim3A_148 = vector.broadcast %broadcast_in_dim3A : f32 to vector<16xf32>
      %dma_wait3A = arith.constant 0 : i32
      %dma_wait3A_149 = arith.constant 0 : i32
      %dma_wait3A_150 = arith.constant 0 : i32
      %dma_wait3A_151 = tpu.memref_slice %arg7[%dma_wait3A, %dma_wait3A_149, %dma_wait3A_150] : memref<8x200x64xbf16, #tpu.memory_space<vmem>> -> memref<1x200x64xbf16, #tpu.memory_space<vmem>>
      %dma_wait3A_152 = tpu.memref_squeeze %dma_wait3A_151 : memref<1x200x64xbf16, #tpu.memory_space<vmem>> -> memref<200x64xbf16, #tpu.memory_space<vmem>>
      %dma_wait3A_153 = arith.constant 0 : i32
      %dma_wait3A_154 = arith.constant 0 : i32
      %dma_wait3A_155 = tpu.memref_slice %arg3[%dma_wait3A_153, %dma_wait3A_154] : memref<100000x64xbf16, #tpu.memory_space<hbm>> -> memref<200x64xbf16, #tpu.memory_space<hbm>>
      %dma_wait3A_156 = arith.constant 0 : i32
      %dma_wait3A_157 = arith.constant 0 : i32
      %dma_wait3A_158 = tpu.memref_slice %arg7[%dma_wait3A, %dma_wait3A_156, %dma_wait3A_157] : memref<8x200x64xbf16, #tpu.memory_space<vmem>> -> memref<1x200x64xbf16, #tpu.memory_space<vmem>>
      %dma_wait3A_159 = tpu.memref_squeeze %dma_wait3A_158 : memref<1x200x64xbf16, #tpu.memory_space<vmem>> -> memref<200x64xbf16, #tpu.memory_space<vmem>>
      %dma_wait3A_160 = arith.constant 0 : i32
      %dma_wait3A_161 = arith.constant 0 : i32
      %dma_wait3A_162 = tpu.memref_slice %arg3[%dma_wait3A_160, %dma_wait3A_161] : memref<100000x64xbf16, #tpu.memory_space<hbm>> -> memref<200x64xbf16, #tpu.memory_space<hbm>>
      tpu.wait_dma2 semaphore(%arg10 : memref<!tpu.dma_semaphore, #tpu.memory_space<semaphore_mem>>) src(%dma_wait3A_162 : memref<200x64xbf16, #tpu.memory_space<hbm>>) dst(%dma_wait3A_159 : memref<200x64xbf16, #tpu.memory_space<vmem>>)
      %dma_start3A_163 = arith.constant 7 : i32
      %dma_start3A_164 = arith.constant 0 : i32
      %dma_start3A_165 = arith.constant 0 : i32
      %dma_start3A_166 = tpu.memref_slice %arg7[%dma_start3A_163, %dma_start3A_164, %dma_start3A_165] : memref<8x200x64xbf16, #tpu.memory_space<vmem>> -> memref<1x200x64xbf16, #tpu.memory_space<vmem>>
      %dma_start3A_167 = tpu.memref_squeeze %dma_start3A_166 : memref<1x200x64xbf16, #tpu.memory_space<vmem>> -> memref<200x64xbf16, #tpu.memory_space<vmem>>
      %dma_start3A_168 = arith.constant 25400 : i32
      %dma_start3A_169 = tpu.memref_slice %arg6[%dma_start3A_168] : memref<25600xi32, #tpu.memory_space<vmem>> -> memref<200xi32, #tpu.memory_space<vmem>>
      %dma_start3A_170 = arith.constant 0 : i32
      %dma_start3A_171 = arith.constant 0 : i32
      %dma_start3A_172 = tpu.memref_slice %arg3[%dma_start3A_170, %dma_start3A_171] : memref<100000x64xbf16, #tpu.memory_space<hbm>> -> memref<100000x64xbf16, #tpu.memory_space<hbm>>
      tpu.enqueue_indirect_dma source(%dma_start3A_172 : memref<100000x64xbf16, #tpu.memory_space<hbm>>) target(%dma_start3A_167 : memref<200x64xbf16, #tpu.memory_space<vmem>>) offsets(%dma_start3A_169 : memref<200xi32, #tpu.memory_space<vmem>>) semaphore(%arg10 : memref<!tpu.dma_semaphore, #tpu.memory_space<semaphore_mem>>)
      %broadcast_in_dim3A_173 = arith.constant 0.000000e+00 : f32
      %broadcast_in_dim3A_174 = vector.broadcast %broadcast_in_dim3A_173 : f32 to vector<16xf32>
      %broadcast_in_dim3A_175 = arith.constant 0.000000e+00 : f32
      %broadcast_in_dim3A_176 = vector.broadcast %broadcast_in_dim3A_175 : f32 to vector<16xf32>
      %broadcast_in_dim3A_177 = arith.constant 0.000000e+00 : f32
      %broadcast_in_dim3A_178 = vector.broadcast %broadcast_in_dim3A_177 : f32 to vector<16xf32>
      %broadcast_in_dim3A_179 = arith.constant 0.000000e+00 : f32
      %broadcast_in_dim3A_180 = vector.broadcast %broadcast_in_dim3A_179 : f32 to vector<16xf32>
      %parallel_loop3A = arith.constant 0 : i32
      %parallel_loop3A_181 = arith.constant 100 : i32
      %parallel_loop3A_182 = arith.constant 1 : i32
      %parallel_loop3A_183:4 = scf.for %parallel_loop3A_872 = %parallel_loop3A to %parallel_loop3A_181 step %parallel_loop3A_182 iter_args(%parallel_loop3A_873 = %broadcast_in_dim3A_174, %parallel_loop3A_874 = %broadcast_in_dim3A_176, %parallel_loop3A_875 = %broadcast_in_dim3A_178, %parallel_loop3A_876 = %broadcast_in_dim3A_180) -> (vector<16xf32>, vector<16xf32>, vector<16xf32>, vector<16xf32>)  : i32 {
        %parallel_loop3A_877 = arith.constant 2 : i32
        %parallel_loop3A_878 = arith.muli %parallel_loop3A_877, %parallel_loop3A_872 : i32
        %parallel_loop3A_879 = arith.constant 0 : i32
        %parallel_loop3A_880 = arith.index_cast %parallel_loop3A_879 : i32 to index
        %parallel_loop3A_881 = arith.index_cast %parallel_loop3A_878 : i32 to index
        %parallel_loop3A_882 = arith.constant 0 : index
        %parallel_loop3A_883 = tpu.vector_load %arg7[%parallel_loop3A_880, %parallel_loop3A_881, %parallel_loop3A_882] {strides = array<i32>} : memref<8x200x64xbf16, #tpu.memory_space<vmem>>, vector<32xbf16>,
        %parallel_loop3A_884 = arith.constant 1 : i32
        %parallel_loop3A_885 = arith.addi %parallel_loop3A_878, %parallel_loop3A_884 : i32
        %parallel_loop3A_886 = arith.constant 0 : i32
        %parallel_loop3A_887 = arith.index_cast %parallel_loop3A_886 : i32 to index
        %parallel_loop3A_888 = arith.index_cast %parallel_loop3A_885 : i32 to index
        %parallel_loop3A_889 = arith.constant 0 : index
        %parallel_loop3A_890 = tpu.vector_load %arg7[%parallel_loop3A_887, %parallel_loop3A_888, %parallel_loop3A_889] {strides = array<i32>} : memref<8x200x64xbf16, #tpu.memory_space<vmem>>, vector<32xbf16>,
        %parallel_loop3A_891 = arith.addf %parallel_loop3A_883, %parallel_loop3A_890 : vector<32xbf16>
        %parallel_loop3A_892 = arith.constant 0 : i32
        %parallel_loop3A_893 = arith.index_cast %parallel_loop3A_892 : i32 to index
        %parallel_loop3A_894 = arith.index_cast %parallel_loop3A_878 : i32 to index
        %parallel_loop3A_895 = arith.constant 32 : index
        %parallel_loop3A_896 = tpu.vector_load %arg7[%parallel_loop3A_893, %parallel_loop3A_894, %parallel_loop3A_895] {strides = array<i32>} : memref<8x200x64xbf16, #tpu.memory_space<vmem>>, vector<32xbf16>,
        %parallel_loop3A_897 = arith.constant 1 : i32
        %parallel_loop3A_898 = arith.addi %parallel_loop3A_878, %parallel_loop3A_897 : i32
        %parallel_loop3A_899 = arith.constant 0 : i32
        %parallel_loop3A_900 = arith.index_cast %parallel_loop3A_899 : i32 to index
        %parallel_loop3A_901 = arith.index_cast %parallel_loop3A_898 : i32 to index
        %parallel_loop3A_902 = arith.constant 32 : index
        %parallel_loop3A_903 = tpu.vector_load %arg7[%parallel_loop3A_900, %parallel_loop3A_901, %parallel_loop3A_902] {strides = array<i32>} : memref<8x200x64xbf16, #tpu.memory_space<vmem>>, vector<32xbf16>,
        %parallel_loop3A_904 = arith.addf %parallel_loop3A_896, %parallel_loop3A_903 : vector<32xbf16>
        %parallel_loop3A_905 = tpu.unpack_subelements %parallel_loop3A_891, 0 {pack_format = #tpu.pack_format<interleaved>} : vector<32xbf16> -> vector<16xf32>
        %parallel_loop3A_906 = tpu.unpack_subelements %parallel_loop3A_891, 1 {pack_format = #tpu.pack_format<interleaved>} : vector<32xbf16> -> vector<16xf32>
        %parallel_loop3A_907 = tpu.unpack_subelements %parallel_loop3A_904, 0 {pack_format = #tpu.pack_format<interleaved>} : vector<32xbf16> -> vector<16xf32>
        %parallel_loop3A_908 = tpu.unpack_subelements %parallel_loop3A_904, 1 {pack_format = #tpu.pack_format<interleaved>} : vector<32xbf16> -> vector<16xf32>
        %parallel_loop3A_909 = arith.addf %parallel_loop3A_873, %parallel_loop3A_905 : vector<16xf32>
        %parallel_loop3A_910 = arith.addf %parallel_loop3A_874, %parallel_loop3A_906 : vector<16xf32>
        %parallel_loop3A_911 = arith.addf %parallel_loop3A_875, %parallel_loop3A_907 : vector<16xf32>
        %parallel_loop3A_912 = arith.addf %parallel_loop3A_876, %parallel_loop3A_908 : vector<16xf32>
        scf.yield %parallel_loop3A_909, %parallel_loop3A_910, %parallel_loop3A_911, %parallel_loop3A_912 : vector<16xf32>, vector<16xf32>, vector<16xf32>, vector<16xf32>
      } {sc.loop_unroll_factor = 8 : i64, sc.parallel_access}
      %mul3A_184 = arith.constant 5.000000e-03 : f32
      %mul3A_185 = vector.broadcast %mul3A_184 : f32 to vector<16xf32>
      %mul3A_186 = arith.mulf %parallel_loop3A_183#0, %mul3A_185 : vector<16xf32>
      %add3A_187 = arith.addf %mul3A_186, %get3A_7 : vector<16xf32>
      %max3A = arith.constant 0.000000e+00 : f32
      %max3A_188 = vector.broadcast %max3A : f32 to vector<16xf32>
      %max3A_189 = arith.maximumf %add3A_187, %max3A_188 : vector<16xf32>
      %mul3A_190 = arith.constant 5.000000e-03 : f32
      %mul3A_191 = vector.broadcast %mul3A_190 : f32 to vector<16xf32>
      %mul3A_192 = arith.mulf %parallel_loop3A_183#1, %mul3A_191 : vector<16xf32>
      %add3A_193 = arith.addf %mul3A_192, %get3A_11 : vector<16xf32>
      %max3A_194 = arith.constant 0.000000e+00 : f32
      %max3A_195 = vector.broadcast %max3A_194 : f32 to vector<16xf32>
      %max3A_196 = arith.maximumf %add3A_193, %max3A_195 : vector<16xf32>
      %mul3A_197 = arith.constant 5.000000e-03 : f32
      %mul3A_198 = vector.broadcast %mul3A_197 : f32 to vector<16xf32>
      %mul3A_199 = arith.mulf %parallel_loop3A_183#2, %mul3A_198 : vector<16xf32>
      %add3A_200 = arith.addf %mul3A_199, %get3A_15 : vector<16xf32>
      %max3A_201 = arith.constant 0.000000e+00 : f32
      %max3A_202 = vector.broadcast %max3A_201 : f32 to vector<16xf32>
      %max3A_203 = arith.maximumf %add3A_200, %max3A_202 : vector<16xf32>
      %mul3A_204 = arith.constant 5.000000e-03 : f32
      %mul3A_205 = vector.broadcast %mul3A_204 : f32 to vector<16xf32>
      %mul3A_206 = arith.mulf %parallel_loop3A_183#3, %mul3A_205 : vector<16xf32>
      %add3A_207 = arith.addf %mul3A_206, %get3A_19 : vector<16xf32>
      %max3A_208 = arith.constant 0.000000e+00 : f32
      %max3A_209 = vector.broadcast %max3A_208 : f32 to vector<16xf32>
      %max3A_210 = arith.maximumf %add3A_207, %max3A_209 : vector<16xf32>
      %mul3A_211 = arith.mulf %max3A_189, %get3A_23 : vector<16xf32>
      %mul3A_212 = arith.mulf %max3A_196, %get3A_27 : vector<16xf32>
      %add3A_213 = arith.addf %mul3A_211, %mul3A_212 : vector<16xf32>
      %mul3A_214 = arith.mulf %max3A_203, %get3A_31 : vector<16xf32>
      %add3A_215 = arith.addf %add3A_213, %mul3A_214 : vector<16xf32>
      %mul3A_216 = arith.mulf %max3A_210, %get3A_35 : vector<16xf32>
      %add3A_217 = arith.addf %add3A_215, %mul3A_216 : vector<16xf32>
      %add3A_218 = arith.addf %add3A_217, %get3A_55 : vector<16xf32>
      %reduce_sum3A = arith.constant true
      %reduce_sum3A_219 = vector.broadcast %reduce_sum3A : i1 to vector<16xi1>
      %reduce_sum3A_220 = tpu.scan <sum>, %add3A_218 masked %reduce_sum3A_219 : vector<16xf32>, vector<16xi1> -> vector<16xf32>
      %reduce_sum3A_221 = vector.extract %reduce_sum3A_220[15] : f32 from vector<16xf32>
      %eq3A = arith.constant 0 : i32
      %eq3A_222 = vector.broadcast %eq3A : i32 to vector<16xi32>
      %eq3A_223 = arith.cmpi eq, %iota3A, %eq3A_222 : vector<16xi32>
      %broadcast_in_dim3A_224 = vector.broadcast %reduce_sum3A_221 : f32 to vector<16xf32>
      %select_n3A = arith.select %eq3A_223, %broadcast_in_dim3A_224, %broadcast_in_dim3A_148 : vector<16xi1>, vector<16xf32>
      %mul3A_225 = arith.mulf %max3A_189, %get3A_39 : vector<16xf32>
      %mul3A_226 = arith.mulf %max3A_196, %get3A_43 : vector<16xf32>
      %add3A_227 = arith.addf %mul3A_225, %mul3A_226 : vector<16xf32>
      %mul3A_228 = arith.mulf %max3A_203, %get3A_47 : vector<16xf32>
      %add3A_229 = arith.addf %add3A_227, %mul3A_228 : vector<16xf32>
      %mul3A_230 = arith.mulf %max3A_210, %get3A_51 : vector<16xf32>
      %add3A_231 = arith.addf %add3A_229, %mul3A_230 : vector<16xf32>
      %add3A_232 = arith.addf %add3A_231, %get3A_59 : vector<16xf32>
      %reduce_sum3A_233 = arith.constant true
      %reduce_sum3A_234 = vector.broadcast %reduce_sum3A_233 : i1 to vector<16xi1>
      %reduce_sum3A_235 = tpu.scan <sum>, %add3A_232 masked %reduce_sum3A_234 : vector<16xf32>, vector<16xi1> -> vector<16xf32>
      %reduce_sum3A_236 = vector.extract %reduce_sum3A_235[15] : f32 from vector<16xf32>
      %eq3A_237 = arith.constant 1 : i32
      %eq3A_238 = vector.broadcast %eq3A_237 : i32 to vector<16xi32>
      %eq3A_239 = arith.cmpi eq, %iota3A, %eq3A_238 : vector<16xi32>
      %broadcast_in_dim3A_240 = vector.broadcast %reduce_sum3A_236 : f32 to vector<16xf32>
      %select_n3A_241 = arith.select %eq3A_239, %broadcast_in_dim3A_240, %select_n3A : vector<16xi1>, vector<16xf32>
      %dma_wait3A_242 = arith.constant 1 : i32
      %dma_wait3A_243 = arith.constant 0 : i32
      %dma_wait3A_244 = arith.constant 0 : i32
      %dma_wait3A_245 = tpu.memref_slice %arg7[%dma_wait3A_242, %dma_wait3A_243, %dma_wait3A_244] : memref<8x200x64xbf16, #tpu.memory_space<vmem>> -> memref<1x200x64xbf16, #tpu.memory_space<vmem>>
      %dma_wait3A_246 = tpu.memref_squeeze %dma_wait3A_245 : memref<1x200x64xbf16, #tpu.memory_space<vmem>> -> memref<200x64xbf16, #tpu.memory_space<vmem>>
      %dma_wait3A_247 = arith.constant 0 : i32
      %dma_wait3A_248 = arith.constant 0 : i32
      %dma_wait3A_249 = tpu.memref_slice %arg3[%dma_wait3A_247, %dma_wait3A_248] : memref<100000x64xbf16, #tpu.memory_space<hbm>> -> memref<200x64xbf16, #tpu.memory_space<hbm>>
      %dma_wait3A_250 = arith.constant 0 : i32
      %dma_wait3A_251 = arith.constant 0 : i32
      %dma_wait3A_252 = tpu.memref_slice %arg7[%dma_wait3A_242, %dma_wait3A_250, %dma_wait3A_251] : memref<8x200x64xbf16, #tpu.memory_space<vmem>> -> memref<1x200x64xbf16, #tpu.memory_space<vmem>>
      %dma_wait3A_253 = tpu.memref_squeeze %dma_wait3A_252 : memref<1x200x64xbf16, #tpu.memory_space<vmem>> -> memref<200x64xbf16, #tpu.memory_space<vmem>>
      %dma_wait3A_254 = arith.constant 0 : i32
      %dma_wait3A_255 = arith.constant 0 : i32
      %dma_wait3A_256 = tpu.memref_slice %arg3[%dma_wait3A_254, %dma_wait3A_255] : memref<100000x64xbf16, #tpu.memory_space<hbm>> -> memref<200x64xbf16, #tpu.memory_space<hbm>>
      tpu.wait_dma2 semaphore(%arg10 : memref<!tpu.dma_semaphore, #tpu.memory_space<semaphore_mem>>) src(%dma_wait3A_256 : memref<200x64xbf16, #tpu.memory_space<hbm>>) dst(%dma_wait3A_253 : memref<200x64xbf16, #tpu.memory_space<vmem>>)
      %broadcast_in_dim3A_257 = arith.constant 0.000000e+00 : f32
      %broadcast_in_dim3A_258 = vector.broadcast %broadcast_in_dim3A_257 : f32 to vector<16xf32>
      %broadcast_in_dim3A_259 = arith.constant 0.000000e+00 : f32
      %broadcast_in_dim3A_260 = vector.broadcast %broadcast_in_dim3A_259 : f32 to vector<16xf32>
      %broadcast_in_dim3A_261 = arith.constant 0.000000e+00 : f32
      %broadcast_in_dim3A_262 = vector.broadcast %broadcast_in_dim3A_261 : f32 to vector<16xf32>
      %broadcast_in_dim3A_263 = arith.constant 0.000000e+00 : f32
      %broadcast_in_dim3A_264 = vector.broadcast %broadcast_in_dim3A_263 : f32 to vector<16xf32>
      %parallel_loop3A_265 = arith.constant 0 : i32
      %parallel_loop3A_266 = arith.constant 100 : i32
      %parallel_loop3A_267 = arith.constant 1 : i32
      %parallel_loop3A_268:4 = scf.for %parallel_loop3A_872 = %parallel_loop3A_265 to %parallel_loop3A_266 step %parallel_loop3A_267 iter_args(%parallel_loop3A_873 = %broadcast_in_dim3A_258, %parallel_loop3A_874 = %broadcast_in_dim3A_260, %parallel_loop3A_875 = %broadcast_in_dim3A_262, %parallel_loop3A_876 = %broadcast_in_dim3A_264) -> (vector<16xf32>, vector<16xf32>, vector<16xf32>, vector<16xf32>)  : i32 {
        %parallel_loop3A_877 = arith.constant 2 : i32
        %parallel_loop3A_878 = arith.muli %parallel_loop3A_877, %parallel_loop3A_872 : i32
        %parallel_loop3A_879 = arith.constant 1 : i32
        %parallel_loop3A_880 = arith.index_cast %parallel_loop3A_879 : i32 to index
        %parallel_loop3A_881 = arith.index_cast %parallel_loop3A_878 : i32 to index
        %parallel_loop3A_882 = arith.constant 0 : index
        %parallel_loop3A_883 = tpu.vector_load %arg7[%parallel_loop3A_880, %parallel_loop3A_881, %parallel_loop3A_882] {strides = array<i32>} : memref<8x200x64xbf16, #tpu.memory_space<vmem>>, vector<32xbf16>,
        %parallel_loop3A_884 = arith.constant 1 : i32
        %parallel_loop3A_885 = arith.addi %parallel_loop3A_878, %parallel_loop3A_884 : i32
        %parallel_loop3A_886 = arith.constant 1 : i32
        %parallel_loop3A_887 = arith.index_cast %parallel_loop3A_886 : i32 to index
        %parallel_loop3A_888 = arith.index_cast %parallel_loop3A_885 : i32 to index
        %parallel_loop3A_889 = arith.constant 0 : index
        %parallel_loop3A_890 = tpu.vector_load %arg7[%parallel_loop3A_887, %parallel_loop3A_888, %parallel_loop3A_889] {strides = array<i32>} : memref<8x200x64xbf16, #tpu.memory_space<vmem>>, vector<32xbf16>,
        %parallel_loop3A_891 = arith.addf %parallel_loop3A_883, %parallel_loop3A_890 : vector<32xbf16>
        %parallel_loop3A_892 = arith.constant 1 : i32
        %parallel_loop3A_893 = arith.index_cast %parallel_loop3A_892 : i32 to index
        %parallel_loop3A_894 = arith.index_cast %parallel_loop3A_878 : i32 to index
        %parallel_loop3A_895 = arith.constant 32 : index
        %parallel_loop3A_896 = tpu.vector_load %arg7[%parallel_loop3A_893, %parallel_loop3A_894, %parallel_loop3A_895] {strides = array<i32>} : memref<8x200x64xbf16, #tpu.memory_space<vmem>>, vector<32xbf16>,
        %parallel_loop3A_897 = arith.constant 1 : i32
        %parallel_loop3A_898 = arith.addi %parallel_loop3A_878, %parallel_loop3A_897 : i32
        %parallel_loop3A_899 = arith.constant 1 : i32
        %parallel_loop3A_900 = arith.index_cast %parallel_loop3A_899 : i32 to index
        %parallel_loop3A_901 = arith.index_cast %parallel_loop3A_898 : i32 to index
        %parallel_loop3A_902 = arith.constant 32 : index
        %parallel_loop3A_903 = tpu.vector_load %arg7[%parallel_loop3A_900, %parallel_loop3A_901, %parallel_loop3A_902] {strides = array<i32>} : memref<8x200x64xbf16, #tpu.memory_space<vmem>>, vector<32xbf16>,
        %parallel_loop3A_904 = arith.addf %parallel_loop3A_896, %parallel_loop3A_903 : vector<32xbf16>
        %parallel_loop3A_905 = tpu.unpack_subelements %parallel_loop3A_891, 0 {pack_format = #tpu.pack_format<interleaved>} : vector<32xbf16> -> vector<16xf32>
        %parallel_loop3A_906 = tpu.unpack_subelements %parallel_loop3A_891, 1 {pack_format = #tpu.pack_format<interleaved>} : vector<32xbf16> -> vector<16xf32>
        %parallel_loop3A_907 = tpu.unpack_subelements %parallel_loop3A_904, 0 {pack_format = #tpu.pack_format<interleaved>} : vector<32xbf16> -> vector<16xf32>
        %parallel_loop3A_908 = tpu.unpack_subelements %parallel_loop3A_904, 1 {pack_format = #tpu.pack_format<interleaved>} : vector<32xbf16> -> vector<16xf32>
        %parallel_loop3A_909 = arith.addf %parallel_loop3A_873, %parallel_loop3A_905 : vector<16xf32>
        %parallel_loop3A_910 = arith.addf %parallel_loop3A_874, %parallel_loop3A_906 : vector<16xf32>
        %parallel_loop3A_911 = arith.addf %parallel_loop3A_875, %parallel_loop3A_907 : vector<16xf32>
        %parallel_loop3A_912 = arith.addf %parallel_loop3A_876, %parallel_loop3A_908 : vector<16xf32>
        scf.yield %parallel_loop3A_909, %parallel_loop3A_910, %parallel_loop3A_911, %parallel_loop3A_912 : vector<16xf32>, vector<16xf32>, vector<16xf32>, vector<16xf32>
      } {sc.loop_unroll_factor = 8 : i64, sc.parallel_access}
      %mul3A_269 = arith.constant 5.000000e-03 : f32
      %mul3A_270 = vector.broadcast %mul3A_269 : f32 to vector<16xf32>
      %mul3A_271 = arith.mulf %parallel_loop3A_268#0, %mul3A_270 : vector<16xf32>
      %add3A_272 = arith.addf %mul3A_271, %get3A_7 : vector<16xf32>
      %max3A_273 = arith.constant 0.000000e+00 : f32
      %max3A_274 = vector.broadcast %max3A_273 : f32 to vector<16xf32>
      %max3A_275 = arith.maximumf %add3A_272, %max3A_274 : vector<16xf32>
      %mul3A_276 = arith.constant 5.000000e-03 : f32
      %mul3A_277 = vector.broadcast %mul3A_276 : f32 to vector<16xf32>
      %mul3A_278 = arith.mulf %parallel_loop3A_268#1, %mul3A_277 : vector<16xf32>
      %add3A_279 = arith.addf %mul3A_278, %get3A_11 : vector<16xf32>
      %max3A_280 = arith.constant 0.000000e+00 : f32
      %max3A_281 = vector.broadcast %max3A_280 : f32 to vector<16xf32>
      %max3A_282 = arith.maximumf %add3A_279, %max3A_281 : vector<16xf32>
      %mul3A_283 = arith.constant 5.000000e-03 : f32
      %mul3A_284 = vector.broadcast %mul3A_283 : f32 to vector<16xf32>
      %mul3A_285 = arith.mulf %parallel_loop3A_268#2, %mul3A_284 : vector<16xf32>
      %add3A_286 = arith.addf %mul3A_285, %get3A_15 : vector<16xf32>
      %max3A_287 = arith.constant 0.000000e+00 : f32
      %max3A_288 = vector.broadcast %max3A_287 : f32 to vector<16xf32>
      %max3A_289 = arith.maximumf %add3A_286, %max3A_288 : vector<16xf32>
      %mul3A_290 = arith.constant 5.000000e-03 : f32
      %mul3A_291 = vector.broadcast %mul3A_290 : f32 to vector<16xf32>
      %mul3A_292 = arith.mulf %parallel_loop3A_268#3, %mul3A_291 : vector<16xf32>
      %add3A_293 = arith.addf %mul3A_292, %get3A_19 : vector<16xf32>
      %max3A_294 = arith.constant 0.000000e+00 : f32
      %max3A_295 = vector.broadcast %max3A_294 : f32 to vector<16xf32>
      %max3A_296 = arith.maximumf %add3A_293, %max3A_295 : vector<16xf32>
      %mul3A_297 = arith.mulf %max3A_275, %get3A_23 : vector<16xf32>
      %mul3A_298 = arith.mulf %max3A_282, %get3A_27 : vector<16xf32>
      %add3A_299 = arith.addf %mul3A_297, %mul3A_298 : vector<16xf32>
      %mul3A_300 = arith.mulf %max3A_289, %get3A_31 : vector<16xf32>
      %add3A_301 = arith.addf %add3A_299, %mul3A_300 : vector<16xf32>
      %mul3A_302 = arith.mulf %max3A_296, %get3A_35 : vector<16xf32>
      %add3A_303 = arith.addf %add3A_301, %mul3A_302 : vector<16xf32>
      %add3A_304 = arith.addf %add3A_303, %get3A_55 : vector<16xf32>
      %reduce_sum3A_305 = arith.constant true
      %reduce_sum3A_306 = vector.broadcast %reduce_sum3A_305 : i1 to vector<16xi1>
      %reduce_sum3A_307 = tpu.scan <sum>, %add3A_304 masked %reduce_sum3A_306 : vector<16xf32>, vector<16xi1> -> vector<16xf32>
      %reduce_sum3A_308 = vector.extract %reduce_sum3A_307[15] : f32 from vector<16xf32>
      %eq3A_309 = arith.constant 2 : i32
      %eq3A_310 = vector.broadcast %eq3A_309 : i32 to vector<16xi32>
      %eq3A_311 = arith.cmpi eq, %iota3A, %eq3A_310 : vector<16xi32>
      %broadcast_in_dim3A_312 = vector.broadcast %reduce_sum3A_308 : f32 to vector<16xf32>
      %select_n3A_313 = arith.select %eq3A_311, %broadcast_in_dim3A_312, %select_n3A_241 : vector<16xi1>, vector<16xf32>
      %mul3A_314 = arith.mulf %max3A_275, %get3A_39 : vector<16xf32>
      %mul3A_315 = arith.mulf %max3A_282, %get3A_43 : vector<16xf32>
      %add3A_316 = arith.addf %mul3A_314, %mul3A_315 : vector<16xf32>
      %mul3A_317 = arith.mulf %max3A_289, %get3A_47 : vector<16xf32>
      %add3A_318 = arith.addf %add3A_316, %mul3A_317 : vector<16xf32>
      %mul3A_319 = arith.mulf %max3A_296, %get3A_51 : vector<16xf32>
      %add3A_320 = arith.addf %add3A_318, %mul3A_319 : vector<16xf32>
      %add3A_321 = arith.addf %add3A_320, %get3A_59 : vector<16xf32>
      %reduce_sum3A_322 = arith.constant true
      %reduce_sum3A_323 = vector.broadcast %reduce_sum3A_322 : i1 to vector<16xi1>
      %reduce_sum3A_324 = tpu.scan <sum>, %add3A_321 masked %reduce_sum3A_323 : vector<16xf32>, vector<16xi1> -> vector<16xf32>
      %reduce_sum3A_325 = vector.extract %reduce_sum3A_324[15] : f32 from vector<16xf32>
      %eq3A_326 = arith.constant 3 : i32
      %eq3A_327 = vector.broadcast %eq3A_326 : i32 to vector<16xi32>
      %eq3A_328 = arith.cmpi eq, %iota3A, %eq3A_327 : vector<16xi32>
      %broadcast_in_dim3A_329 = vector.broadcast %reduce_sum3A_325 : f32 to vector<16xf32>
      %select_n3A_330 = arith.select %eq3A_328, %broadcast_in_dim3A_329, %select_n3A_313 : vector<16xi1>, vector<16xf32>
      %dma_wait3A_331 = arith.constant 2 : i32
      %dma_wait3A_332 = arith.constant 0 : i32
      %dma_wait3A_333 = arith.constant 0 : i32
      %dma_wait3A_334 = tpu.memref_slice %arg7[%dma_wait3A_331, %dma_wait3A_332, %dma_wait3A_333] : memref<8x200x64xbf16, #tpu.memory_space<vmem>> -> memref<1x200x64xbf16, #tpu.memory_space<vmem>>
      %dma_wait3A_335 = tpu.memref_squeeze %dma_wait3A_334 : memref<1x200x64xbf16, #tpu.memory_space<vmem>> -> memref<200x64xbf16, #tpu.memory_space<vmem>>
      %dma_wait3A_336 = arith.constant 0 : i32
      %dma_wait3A_337 = arith.constant 0 : i32
      %dma_wait3A_338 = tpu.memref_slice %arg3[%dma_wait3A_336, %dma_wait3A_337] : memref<100000x64xbf16, #tpu.memory_space<hbm>> -> memref<200x64xbf16, #tpu.memory_space<hbm>>
      %dma_wait3A_339 = arith.constant 0 : i32
      %dma_wait3A_340 = arith.constant 0 : i32
      %dma_wait3A_341 = tpu.memref_slice %arg7[%dma_wait3A_331, %dma_wait3A_339, %dma_wait3A_340] : memref<8x200x64xbf16, #tpu.memory_space<vmem>> -> memref<1x200x64xbf16, #tpu.memory_space<vmem>>
      %dma_wait3A_342 = tpu.memref_squeeze %dma_wait3A_341 : memref<1x200x64xbf16, #tpu.memory_space<vmem>> -> memref<200x64xbf16, #tpu.memory_space<vmem>>
      %dma_wait3A_343 = arith.constant 0 : i32
      %dma_wait3A_344 = arith.constant 0 : i32
      %dma_wait3A_345 = tpu.memref_slice %arg3[%dma_wait3A_343, %dma_wait3A_344] : memref<100000x64xbf16, #tpu.memory_space<hbm>> -> memref<200x64xbf16, #tpu.memory_space<hbm>>
      tpu.wait_dma2 semaphore(%arg10 : memref<!tpu.dma_semaphore, #tpu.memory_space<semaphore_mem>>) src(%dma_wait3A_345 : memref<200x64xbf16, #tpu.memory_space<hbm>>) dst(%dma_wait3A_342 : memref<200x64xbf16, #tpu.memory_space<vmem>>)
      %broadcast_in_dim3A_346 = arith.constant 0.000000e+00 : f32
      %broadcast_in_dim3A_347 = vector.broadcast %broadcast_in_dim3A_346 : f32 to vector<16xf32>
      %broadcast_in_dim3A_348 = arith.constant 0.000000e+00 : f32
      %broadcast_in_dim3A_349 = vector.broadcast %broadcast_in_dim3A_348 : f32 to vector<16xf32>
      %broadcast_in_dim3A_350 = arith.constant 0.000000e+00 : f32
      %broadcast_in_dim3A_351 = vector.broadcast %broadcast_in_dim3A_350 : f32 to vector<16xf32>
      %broadcast_in_dim3A_352 = arith.constant 0.000000e+00 : f32
      %broadcast_in_dim3A_353 = vector.broadcast %broadcast_in_dim3A_352 : f32 to vector<16xf32>
      %parallel_loop3A_354 = arith.constant 0 : i32
      %parallel_loop3A_355 = arith.constant 100 : i32
      %parallel_loop3A_356 = arith.constant 1 : i32
      %parallel_loop3A_357:4 = scf.for %parallel_loop3A_872 = %parallel_loop3A_354 to %parallel_loop3A_355 step %parallel_loop3A_356 iter_args(%parallel_loop3A_873 = %broadcast_in_dim3A_347, %parallel_loop3A_874 = %broadcast_in_dim3A_349, %parallel_loop3A_875 = %broadcast_in_dim3A_351, %parallel_loop3A_876 = %broadcast_in_dim3A_353) -> (vector<16xf32>, vector<16xf32>, vector<16xf32>, vector<16xf32>)  : i32 {
        %parallel_loop3A_877 = arith.constant 2 : i32
        %parallel_loop3A_878 = arith.muli %parallel_loop3A_877, %parallel_loop3A_872 : i32
        %parallel_loop3A_879 = arith.constant 2 : i32
        %parallel_loop3A_880 = arith.index_cast %parallel_loop3A_879 : i32 to index
        %parallel_loop3A_881 = arith.index_cast %parallel_loop3A_878 : i32 to index
        %parallel_loop3A_882 = arith.constant 0 : index
        %parallel_loop3A_883 = tpu.vector_load %arg7[%parallel_loop3A_880, %parallel_loop3A_881, %parallel_loop3A_882] {strides = array<i32>} : memref<8x200x64xbf16, #tpu.memory_space<vmem>>, vector<32xbf16>,
        %parallel_loop3A_884 = arith.constant 1 : i32
        %parallel_loop3A_885 = arith.addi %parallel_loop3A_878, %parallel_loop3A_884 : i32
        %parallel_loop3A_886 = arith.constant 2 : i32
        %parallel_loop3A_887 = arith.index_cast %parallel_loop3A_886 : i32 to index
        %parallel_loop3A_888 = arith.index_cast %parallel_loop3A_885 : i32 to index
        %parallel_loop3A_889 = arith.constant 0 : index
        %parallel_loop3A_890 = tpu.vector_load %arg7[%parallel_loop3A_887, %parallel_loop3A_888, %parallel_loop3A_889] {strides = array<i32>} : memref<8x200x64xbf16, #tpu.memory_space<vmem>>, vector<32xbf16>,
        %parallel_loop3A_891 = arith.addf %parallel_loop3A_883, %parallel_loop3A_890 : vector<32xbf16>
        %parallel_loop3A_892 = arith.constant 2 : i32
        %parallel_loop3A_893 = arith.index_cast %parallel_loop3A_892 : i32 to index
        %parallel_loop3A_894 = arith.index_cast %parallel_loop3A_878 : i32 to index
        %parallel_loop3A_895 = arith.constant 32 : index
        %parallel_loop3A_896 = tpu.vector_load %arg7[%parallel_loop3A_893, %parallel_loop3A_894, %parallel_loop3A_895] {strides = array<i32>} : memref<8x200x64xbf16, #tpu.memory_space<vmem>>, vector<32xbf16>,
        %parallel_loop3A_897 = arith.constant 1 : i32
        %parallel_loop3A_898 = arith.addi %parallel_loop3A_878, %parallel_loop3A_897 : i32
        %parallel_loop3A_899 = arith.constant 2 : i32
        %parallel_loop3A_900 = arith.index_cast %parallel_loop3A_899 : i32 to index
        %parallel_loop3A_901 = arith.index_cast %parallel_loop3A_898 : i32 to index
        %parallel_loop3A_902 = arith.constant 32 : index
        %parallel_loop3A_903 = tpu.vector_load %arg7[%parallel_loop3A_900, %parallel_loop3A_901, %parallel_loop3A_902] {strides = array<i32>} : memref<8x200x64xbf16, #tpu.memory_space<vmem>>, vector<32xbf16>,
        %parallel_loop3A_904 = arith.addf %parallel_loop3A_896, %parallel_loop3A_903 : vector<32xbf16>
        %parallel_loop3A_905 = tpu.unpack_subelements %parallel_loop3A_891, 0 {pack_format = #tpu.pack_format<interleaved>} : vector<32xbf16> -> vector<16xf32>
        %parallel_loop3A_906 = tpu.unpack_subelements %parallel_loop3A_891, 1 {pack_format = #tpu.pack_format<interleaved>} : vector<32xbf16> -> vector<16xf32>
        %parallel_loop3A_907 = tpu.unpack_subelements %parallel_loop3A_904, 0 {pack_format = #tpu.pack_format<interleaved>} : vector<32xbf16> -> vector<16xf32>
        %parallel_loop3A_908 = tpu.unpack_subelements %parallel_loop3A_904, 1 {pack_format = #tpu.pack_format<interleaved>} : vector<32xbf16> -> vector<16xf32>
        %parallel_loop3A_909 = arith.addf %parallel_loop3A_873, %parallel_loop3A_905 : vector<16xf32>
        %parallel_loop3A_910 = arith.addf %parallel_loop3A_874, %parallel_loop3A_906 : vector<16xf32>
        %parallel_loop3A_911 = arith.addf %parallel_loop3A_875, %parallel_loop3A_907 : vector<16xf32>
        %parallel_loop3A_912 = arith.addf %parallel_loop3A_876, %parallel_loop3A_908 : vector<16xf32>
        scf.yield %parallel_loop3A_909, %parallel_loop3A_910, %parallel_loop3A_911, %parallel_loop3A_912 : vector<16xf32>, vector<16xf32>, vector<16xf32>, vector<16xf32>
      } {sc.loop_unroll_factor = 8 : i64, sc.parallel_access}
      %mul3A_358 = arith.constant 5.000000e-03 : f32
      %mul3A_359 = vector.broadcast %mul3A_358 : f32 to vector<16xf32>
      %mul3A_360 = arith.mulf %parallel_loop3A_357#0, %mul3A_359 : vector<16xf32>
      %add3A_361 = arith.addf %mul3A_360, %get3A_7 : vector<16xf32>
      %max3A_362 = arith.constant 0.000000e+00 : f32
      %max3A_363 = vector.broadcast %max3A_362 : f32 to vector<16xf32>
      %max3A_364 = arith.maximumf %add3A_361, %max3A_363 : vector<16xf32>
      %mul3A_365 = arith.constant 5.000000e-03 : f32
      %mul3A_366 = vector.broadcast %mul3A_365 : f32 to vector<16xf32>
      %mul3A_367 = arith.mulf %parallel_loop3A_357#1, %mul3A_366 : vector<16xf32>
      %add3A_368 = arith.addf %mul3A_367, %get3A_11 : vector<16xf32>
      %max3A_369 = arith.constant 0.000000e+00 : f32
      %max3A_370 = vector.broadcast %max3A_369 : f32 to vector<16xf32>
      %max3A_371 = arith.maximumf %add3A_368, %max3A_370 : vector<16xf32>
      %mul3A_372 = arith.constant 5.000000e-03 : f32
      %mul3A_373 = vector.broadcast %mul3A_372 : f32 to vector<16xf32>
      %mul3A_374 = arith.mulf %parallel_loop3A_357#2, %mul3A_373 : vector<16xf32>
      %add3A_375 = arith.addf %mul3A_374, %get3A_15 : vector<16xf32>
      %max3A_376 = arith.constant 0.000000e+00 : f32
      %max3A_377 = vector.broadcast %max3A_376 : f32 to vector<16xf32>
      %max3A_378 = arith.maximumf %add3A_375, %max3A_377 : vector<16xf32>
      %mul3A_379 = arith.constant 5.000000e-03 : f32
      %mul3A_380 = vector.broadcast %mul3A_379 : f32 to vector<16xf32>
      %mul3A_381 = arith.mulf %parallel_loop3A_357#3, %mul3A_380 : vector<16xf32>
      %add3A_382 = arith.addf %mul3A_381, %get3A_19 : vector<16xf32>
      %max3A_383 = arith.constant 0.000000e+00 : f32
      %max3A_384 = vector.broadcast %max3A_383 : f32 to vector<16xf32>
      %max3A_385 = arith.maximumf %add3A_382, %max3A_384 : vector<16xf32>
      %mul3A_386 = arith.mulf %max3A_364, %get3A_23 : vector<16xf32>
      %mul3A_387 = arith.mulf %max3A_371, %get3A_27 : vector<16xf32>
      %add3A_388 = arith.addf %mul3A_386, %mul3A_387 : vector<16xf32>
      %mul3A_389 = arith.mulf %max3A_378, %get3A_31 : vector<16xf32>
      %add3A_390 = arith.addf %add3A_388, %mul3A_389 : vector<16xf32>
      %mul3A_391 = arith.mulf %max3A_385, %get3A_35 : vector<16xf32>
      %add3A_392 = arith.addf %add3A_390, %mul3A_391 : vector<16xf32>
      %add3A_393 = arith.addf %add3A_392, %get3A_55 : vector<16xf32>
      %reduce_sum3A_394 = arith.constant true
      %reduce_sum3A_395 = vector.broadcast %reduce_sum3A_394 : i1 to vector<16xi1>
      %reduce_sum3A_396 = tpu.scan <sum>, %add3A_393 masked %reduce_sum3A_395 : vector<16xf32>, vector<16xi1> -> vector<16xf32>
      %reduce_sum3A_397 = vector.extract %reduce_sum3A_396[15] : f32 from vector<16xf32>
      %eq3A_398 = arith.constant 4 : i32
      %eq3A_399 = vector.broadcast %eq3A_398 : i32 to vector<16xi32>
      %eq3A_400 = arith.cmpi eq, %iota3A, %eq3A_399 : vector<16xi32>
      %broadcast_in_dim3A_401 = vector.broadcast %reduce_sum3A_397 : f32 to vector<16xf32>
      %select_n3A_402 = arith.select %eq3A_400, %broadcast_in_dim3A_401, %select_n3A_330 : vector<16xi1>, vector<16xf32>
      %mul3A_403 = arith.mulf %max3A_364, %get3A_39 : vector<16xf32>
      %mul3A_404 = arith.mulf %max3A_371, %get3A_43 : vector<16xf32>
      %add3A_405 = arith.addf %mul3A_403, %mul3A_404 : vector<16xf32>
      %mul3A_406 = arith.mulf %max3A_378, %get3A_47 : vector<16xf32>
      %add3A_407 = arith.addf %add3A_405, %mul3A_406 : vector<16xf32>
      %mul3A_408 = arith.mulf %max3A_385, %get3A_51 : vector<16xf32>
      %add3A_409 = arith.addf %add3A_407, %mul3A_408 : vector<16xf32>
      %add3A_410 = arith.addf %add3A_409, %get3A_59 : vector<16xf32>
      %reduce_sum3A_411 = arith.constant true
      %reduce_sum3A_412 = vector.broadcast %reduce_sum3A_411 : i1 to vector<16xi1>
      %reduce_sum3A_413 = tpu.scan <sum>, %add3A_410 masked %reduce_sum3A_412 : vector<16xf32>, vector<16xi1> -> vector<16xf32>
      %reduce_sum3A_414 = vector.extract %reduce_sum3A_413[15] : f32 from vector<16xf32>
      %eq3A_415 = arith.constant 5 : i32
      %eq3A_416 = vector.broadcast %eq3A_415 : i32 to vector<16xi32>
      %eq3A_417 = arith.cmpi eq, %iota3A, %eq3A_416 : vector<16xi32>
      %broadcast_in_dim3A_418 = vector.broadcast %reduce_sum3A_414 : f32 to vector<16xf32>
      %select_n3A_419 = arith.select %eq3A_417, %broadcast_in_dim3A_418, %select_n3A_402 : vector<16xi1>, vector<16xf32>
      %dma_wait3A_420 = arith.constant 3 : i32
      %dma_wait3A_421 = arith.constant 0 : i32
      %dma_wait3A_422 = arith.constant 0 : i32
      %dma_wait3A_423 = tpu.memref_slice %arg7[%dma_wait3A_420, %dma_wait3A_421, %dma_wait3A_422] : memref<8x200x64xbf16, #tpu.memory_space<vmem>> -> memref<1x200x64xbf16, #tpu.memory_space<vmem>>
      %dma_wait3A_424 = tpu.memref_squeeze %dma_wait3A_423 : memref<1x200x64xbf16, #tpu.memory_space<vmem>> -> memref<200x64xbf16, #tpu.memory_space<vmem>>
      %dma_wait3A_425 = arith.constant 0 : i32
      %dma_wait3A_426 = arith.constant 0 : i32
      %dma_wait3A_427 = tpu.memref_slice %arg3[%dma_wait3A_425, %dma_wait3A_426] : memref<100000x64xbf16, #tpu.memory_space<hbm>> -> memref<200x64xbf16, #tpu.memory_space<hbm>>
      %dma_wait3A_428 = arith.constant 0 : i32
      %dma_wait3A_429 = arith.constant 0 : i32
      %dma_wait3A_430 = tpu.memref_slice %arg7[%dma_wait3A_420, %dma_wait3A_428, %dma_wait3A_429] : memref<8x200x64xbf16, #tpu.memory_space<vmem>> -> memref<1x200x64xbf16, #tpu.memory_space<vmem>>
      %dma_wait3A_431 = tpu.memref_squeeze %dma_wait3A_430 : memref<1x200x64xbf16, #tpu.memory_space<vmem>> -> memref<200x64xbf16, #tpu.memory_space<vmem>>
      %dma_wait3A_432 = arith.constant 0 : i32
      %dma_wait3A_433 = arith.constant 0 : i32
      %dma_wait3A_434 = tpu.memref_slice %arg3[%dma_wait3A_432, %dma_wait3A_433] : memref<100000x64xbf16, #tpu.memory_space<hbm>> -> memref<200x64xbf16, #tpu.memory_space<hbm>>
      tpu.wait_dma2 semaphore(%arg10 : memref<!tpu.dma_semaphore, #tpu.memory_space<semaphore_mem>>) src(%dma_wait3A_434 : memref<200x64xbf16, #tpu.memory_space<hbm>>) dst(%dma_wait3A_431 : memref<200x64xbf16, #tpu.memory_space<vmem>>)
      %broadcast_in_dim3A_435 = arith.constant 0.000000e+00 : f32
      %broadcast_in_dim3A_436 = vector.broadcast %broadcast_in_dim3A_435 : f32 to vector<16xf32>
      %broadcast_in_dim3A_437 = arith.constant 0.000000e+00 : f32
      %broadcast_in_dim3A_438 = vector.broadcast %broadcast_in_dim3A_437 : f32 to vector<16xf32>
      %broadcast_in_dim3A_439 = arith.constant 0.000000e+00 : f32
      %broadcast_in_dim3A_440 = vector.broadcast %broadcast_in_dim3A_439 : f32 to vector<16xf32>
      %broadcast_in_dim3A_441 = arith.constant 0.000000e+00 : f32
      %broadcast_in_dim3A_442 = vector.broadcast %broadcast_in_dim3A_441 : f32 to vector<16xf32>
      %parallel_loop3A_443 = arith.constant 0 : i32
      %parallel_loop3A_444 = arith.constant 100 : i32
      %parallel_loop3A_445 = arith.constant 1 : i32
      %parallel_loop3A_446:4 = scf.for %parallel_loop3A_872 = %parallel_loop3A_443 to %parallel_loop3A_444 step %parallel_loop3A_445 iter_args(%parallel_loop3A_873 = %broadcast_in_dim3A_436, %parallel_loop3A_874 = %broadcast_in_dim3A_438, %parallel_loop3A_875 = %broadcast_in_dim3A_440, %parallel_loop3A_876 = %broadcast_in_dim3A_442) -> (vector<16xf32>, vector<16xf32>, vector<16xf32>, vector<16xf32>)  : i32 {
        %parallel_loop3A_877 = arith.constant 2 : i32
        %parallel_loop3A_878 = arith.muli %parallel_loop3A_877, %parallel_loop3A_872 : i32
        %parallel_loop3A_879 = arith.constant 3 : i32
        %parallel_loop3A_880 = arith.index_cast %parallel_loop3A_879 : i32 to index
        %parallel_loop3A_881 = arith.index_cast %parallel_loop3A_878 : i32 to index
        %parallel_loop3A_882 = arith.constant 0 : index
        %parallel_loop3A_883 = tpu.vector_load %arg7[%parallel_loop3A_880, %parallel_loop3A_881, %parallel_loop3A_882] {strides = array<i32>} : memref<8x200x64xbf16, #tpu.memory_space<vmem>>, vector<32xbf16>,
        %parallel_loop3A_884 = arith.constant 1 : i32
        %parallel_loop3A_885 = arith.addi %parallel_loop3A_878, %parallel_loop3A_884 : i32
        %parallel_loop3A_886 = arith.constant 3 : i32
        %parallel_loop3A_887 = arith.index_cast %parallel_loop3A_886 : i32 to index
        %parallel_loop3A_888 = arith.index_cast %parallel_loop3A_885 : i32 to index
        %parallel_loop3A_889 = arith.constant 0 : index
        %parallel_loop3A_890 = tpu.vector_load %arg7[%parallel_loop3A_887, %parallel_loop3A_888, %parallel_loop3A_889] {strides = array<i32>} : memref<8x200x64xbf16, #tpu.memory_space<vmem>>, vector<32xbf16>,
        %parallel_loop3A_891 = arith.addf %parallel_loop3A_883, %parallel_loop3A_890 : vector<32xbf16>
        %parallel_loop3A_892 = arith.constant 3 : i32
        %parallel_loop3A_893 = arith.index_cast %parallel_loop3A_892 : i32 to index
        %parallel_loop3A_894 = arith.index_cast %parallel_loop3A_878 : i32 to index
        %parallel_loop3A_895 = arith.constant 32 : index
        %parallel_loop3A_896 = tpu.vector_load %arg7[%parallel_loop3A_893, %parallel_loop3A_894, %parallel_loop3A_895] {strides = array<i32>} : memref<8x200x64xbf16, #tpu.memory_space<vmem>>, vector<32xbf16>,
        %parallel_loop3A_897 = arith.constant 1 : i32
        %parallel_loop3A_898 = arith.addi %parallel_loop3A_878, %parallel_loop3A_897 : i32
        %parallel_loop3A_899 = arith.constant 3 : i32
        %parallel_loop3A_900 = arith.index_cast %parallel_loop3A_899 : i32 to index
        %parallel_loop3A_901 = arith.index_cast %parallel_loop3A_898 : i32 to index
        %parallel_loop3A_902 = arith.constant 32 : index
        %parallel_loop3A_903 = tpu.vector_load %arg7[%parallel_loop3A_900, %parallel_loop3A_901, %parallel_loop3A_902] {strides = array<i32>} : memref<8x200x64xbf16, #tpu.memory_space<vmem>>, vector<32xbf16>,
        %parallel_loop3A_904 = arith.addf %parallel_loop3A_896, %parallel_loop3A_903 : vector<32xbf16>
        %parallel_loop3A_905 = tpu.unpack_subelements %parallel_loop3A_891, 0 {pack_format = #tpu.pack_format<interleaved>} : vector<32xbf16> -> vector<16xf32>
        %parallel_loop3A_906 = tpu.unpack_subelements %parallel_loop3A_891, 1 {pack_format = #tpu.pack_format<interleaved>} : vector<32xbf16> -> vector<16xf32>
        %parallel_loop3A_907 = tpu.unpack_subelements %parallel_loop3A_904, 0 {pack_format = #tpu.pack_format<interleaved>} : vector<32xbf16> -> vector<16xf32>
        %parallel_loop3A_908 = tpu.unpack_subelements %parallel_loop3A_904, 1 {pack_format = #tpu.pack_format<interleaved>} : vector<32xbf16> -> vector<16xf32>
        %parallel_loop3A_909 = arith.addf %parallel_loop3A_873, %parallel_loop3A_905 : vector<16xf32>
        %parallel_loop3A_910 = arith.addf %parallel_loop3A_874, %parallel_loop3A_906 : vector<16xf32>
        %parallel_loop3A_911 = arith.addf %parallel_loop3A_875, %parallel_loop3A_907 : vector<16xf32>
        %parallel_loop3A_912 = arith.addf %parallel_loop3A_876, %parallel_loop3A_908 : vector<16xf32>
        scf.yield %parallel_loop3A_909, %parallel_loop3A_910, %parallel_loop3A_911, %parallel_loop3A_912 : vector<16xf32>, vector<16xf32>, vector<16xf32>, vector<16xf32>
      } {sc.loop_unroll_factor = 8 : i64, sc.parallel_access}
      %mul3A_447 = arith.constant 5.000000e-03 : f32
      %mul3A_448 = vector.broadcast %mul3A_447 : f32 to vector<16xf32>
      %mul3A_449 = arith.mulf %parallel_loop3A_446#0, %mul3A_448 : vector<16xf32>
      %add3A_450 = arith.addf %mul3A_449, %get3A_7 : vector<16xf32>
      %max3A_451 = arith.constant 0.000000e+00 : f32
      %max3A_452 = vector.broadcast %max3A_451 : f32 to vector<16xf32>
      %max3A_453 = arith.maximumf %add3A_450, %max3A_452 : vector<16xf32>
      %mul3A_454 = arith.constant 5.000000e-03 : f32
      %mul3A_455 = vector.broadcast %mul3A_454 : f32 to vector<16xf32>
      %mul3A_456 = arith.mulf %parallel_loop3A_446#1, %mul3A_455 : vector<16xf32>
      %add3A_457 = arith.addf %mul3A_456, %get3A_11 : vector<16xf32>
      %max3A_458 = arith.constant 0.000000e+00 : f32
      %max3A_459 = vector.broadcast %max3A_458 : f32 to vector<16xf32>
      %max3A_460 = arith.maximumf %add3A_457, %max3A_459 : vector<16xf32>
      %mul3A_461 = arith.constant 5.000000e-03 : f32
      %mul3A_462 = vector.broadcast %mul3A_461 : f32 to vector<16xf32>
      %mul3A_463 = arith.mulf %parallel_loop3A_446#2, %mul3A_462 : vector<16xf32>
      %add3A_464 = arith.addf %mul3A_463, %get3A_15 : vector<16xf32>
      %max3A_465 = arith.constant 0.000000e+00 : f32
      %max3A_466 = vector.broadcast %max3A_465 : f32 to vector<16xf32>
      %max3A_467 = arith.maximumf %add3A_464, %max3A_466 : vector<16xf32>
      %mul3A_468 = arith.constant 5.000000e-03 : f32
      %mul3A_469 = vector.broadcast %mul3A_468 : f32 to vector<16xf32>
      %mul3A_470 = arith.mulf %parallel_loop3A_446#3, %mul3A_469 : vector<16xf32>
      %add3A_471 = arith.addf %mul3A_470, %get3A_19 : vector<16xf32>
      %max3A_472 = arith.constant 0.000000e+00 : f32
      %max3A_473 = vector.broadcast %max3A_472 : f32 to vector<16xf32>
      %max3A_474 = arith.maximumf %add3A_471, %max3A_473 : vector<16xf32>
      %mul3A_475 = arith.mulf %max3A_453, %get3A_23 : vector<16xf32>
      %mul3A_476 = arith.mulf %max3A_460, %get3A_27 : vector<16xf32>
      %add3A_477 = arith.addf %mul3A_475, %mul3A_476 : vector<16xf32>
      %mul3A_478 = arith.mulf %max3A_467, %get3A_31 : vector<16xf32>
      %add3A_479 = arith.addf %add3A_477, %mul3A_478 : vector<16xf32>
      %mul3A_480 = arith.mulf %max3A_474, %get3A_35 : vector<16xf32>
      %add3A_481 = arith.addf %add3A_479, %mul3A_480 : vector<16xf32>
      %add3A_482 = arith.addf %add3A_481, %get3A_55 : vector<16xf32>
      %reduce_sum3A_483 = arith.constant true
      %reduce_sum3A_484 = vector.broadcast %reduce_sum3A_483 : i1 to vector<16xi1>
      %reduce_sum3A_485 = tpu.scan <sum>, %add3A_482 masked %reduce_sum3A_484 : vector<16xf32>, vector<16xi1> -> vector<16xf32>
      %reduce_sum3A_486 = vector.extract %reduce_sum3A_485[15] : f32 from vector<16xf32>
      %eq3A_487 = arith.constant 6 : i32
      %eq3A_488 = vector.broadcast %eq3A_487 : i32 to vector<16xi32>
      %eq3A_489 = arith.cmpi eq, %iota3A, %eq3A_488 : vector<16xi32>
      %broadcast_in_dim3A_490 = vector.broadcast %reduce_sum3A_486 : f32 to vector<16xf32>
      %select_n3A_491 = arith.select %eq3A_489, %broadcast_in_dim3A_490, %select_n3A_419 : vector<16xi1>, vector<16xf32>
      %mul3A_492 = arith.mulf %max3A_453, %get3A_39 : vector<16xf32>
      %mul3A_493 = arith.mulf %max3A_460, %get3A_43 : vector<16xf32>
      %add3A_494 = arith.addf %mul3A_492, %mul3A_493 : vector<16xf32>
      %mul3A_495 = arith.mulf %max3A_467, %get3A_47 : vector<16xf32>
      %add3A_496 = arith.addf %add3A_494, %mul3A_495 : vector<16xf32>
      %mul3A_497 = arith.mulf %max3A_474, %get3A_51 : vector<16xf32>
      %add3A_498 = arith.addf %add3A_496, %mul3A_497 : vector<16xf32>
      %add3A_499 = arith.addf %add3A_498, %get3A_59 : vector<16xf32>
      %reduce_sum3A_500 = arith.constant true
      %reduce_sum3A_501 = vector.broadcast %reduce_sum3A_500 : i1 to vector<16xi1>
      %reduce_sum3A_502 = tpu.scan <sum>, %add3A_499 masked %reduce_sum3A_501 : vector<16xf32>, vector<16xi1> -> vector<16xf32>
      %reduce_sum3A_503 = vector.extract %reduce_sum3A_502[15] : f32 from vector<16xf32>
      %eq3A_504 = arith.constant 7 : i32
      %eq3A_505 = vector.broadcast %eq3A_504 : i32 to vector<16xi32>
      %eq3A_506 = arith.cmpi eq, %iota3A, %eq3A_505 : vector<16xi32>
      %broadcast_in_dim3A_507 = vector.broadcast %reduce_sum3A_503 : f32 to vector<16xf32>
      %select_n3A_508 = arith.select %eq3A_506, %broadcast_in_dim3A_507, %select_n3A_491 : vector<16xi1>, vector<16xf32>
      %dma_wait3A_509 = arith.constant 4 : i32
      %dma_wait3A_510 = arith.constant 0 : i32
      %dma_wait3A_511 = arith.constant 0 : i32
      %dma_wait3A_512 = tpu.memref_slice %arg7[%dma_wait3A_509, %dma_wait3A_510, %dma_wait3A_511] : memref<8x200x64xbf16, #tpu.memory_space<vmem>> -> memref<1x200x64xbf16, #tpu.memory_space<vmem>>
      %dma_wait3A_513 = tpu.memref_squeeze %dma_wait3A_512 : memref<1x200x64xbf16, #tpu.memory_space<vmem>> -> memref<200x64xbf16, #tpu.memory_space<vmem>>
      %dma_wait3A_514 = arith.constant 0 : i32
      %dma_wait3A_515 = arith.constant 0 : i32
      %dma_wait3A_516 = tpu.memref_slice %arg3[%dma_wait3A_514, %dma_wait3A_515] : memref<100000x64xbf16, #tpu.memory_space<hbm>> -> memref<200x64xbf16, #tpu.memory_space<hbm>>
      %dma_wait3A_517 = arith.constant 0 : i32
      %dma_wait3A_518 = arith.constant 0 : i32
      %dma_wait3A_519 = tpu.memref_slice %arg7[%dma_wait3A_509, %dma_wait3A_517, %dma_wait3A_518] : memref<8x200x64xbf16, #tpu.memory_space<vmem>> -> memref<1x200x64xbf16, #tpu.memory_space<vmem>>
      %dma_wait3A_520 = tpu.memref_squeeze %dma_wait3A_519 : memref<1x200x64xbf16, #tpu.memory_space<vmem>> -> memref<200x64xbf16, #tpu.memory_space<vmem>>
      %dma_wait3A_521 = arith.constant 0 : i32
      %dma_wait3A_522 = arith.constant 0 : i32
      %dma_wait3A_523 = tpu.memref_slice %arg3[%dma_wait3A_521, %dma_wait3A_522] : memref<100000x64xbf16, #tpu.memory_space<hbm>> -> memref<200x64xbf16, #tpu.memory_space<hbm>>
      tpu.wait_dma2 semaphore(%arg10 : memref<!tpu.dma_semaphore, #tpu.memory_space<semaphore_mem>>) src(%dma_wait3A_523 : memref<200x64xbf16, #tpu.memory_space<hbm>>) dst(%dma_wait3A_520 : memref<200x64xbf16, #tpu.memory_space<vmem>>)
      %broadcast_in_dim3A_524 = arith.constant 0.000000e+00 : f32
      %broadcast_in_dim3A_525 = vector.broadcast %broadcast_in_dim3A_524 : f32 to vector<16xf32>
      %broadcast_in_dim3A_526 = arith.constant 0.000000e+00 : f32
      %broadcast_in_dim3A_527 = vector.broadcast %broadcast_in_dim3A_526 : f32 to vector<16xf32>
      %broadcast_in_dim3A_528 = arith.constant 0.000000e+00 : f32
      %broadcast_in_dim3A_529 = vector.broadcast %broadcast_in_dim3A_528 : f32 to vector<16xf32>
      %broadcast_in_dim3A_530 = arith.constant 0.000000e+00 : f32
      %broadcast_in_dim3A_531 = vector.broadcast %broadcast_in_dim3A_530 : f32 to vector<16xf32>
      %parallel_loop3A_532 = arith.constant 0 : i32
      %parallel_loop3A_533 = arith.constant 100 : i32
      %parallel_loop3A_534 = arith.constant 1 : i32
      %parallel_loop3A_535:4 = scf.for %parallel_loop3A_872 = %parallel_loop3A_532 to %parallel_loop3A_533 step %parallel_loop3A_534 iter_args(%parallel_loop3A_873 = %broadcast_in_dim3A_525, %parallel_loop3A_874 = %broadcast_in_dim3A_527, %parallel_loop3A_875 = %broadcast_in_dim3A_529, %parallel_loop3A_876 = %broadcast_in_dim3A_531) -> (vector<16xf32>, vector<16xf32>, vector<16xf32>, vector<16xf32>)  : i32 {
        %parallel_loop3A_877 = arith.constant 2 : i32
        %parallel_loop3A_878 = arith.muli %parallel_loop3A_877, %parallel_loop3A_872 : i32
        %parallel_loop3A_879 = arith.constant 4 : i32
        %parallel_loop3A_880 = arith.index_cast %parallel_loop3A_879 : i32 to index
        %parallel_loop3A_881 = arith.index_cast %parallel_loop3A_878 : i32 to index
        %parallel_loop3A_882 = arith.constant 0 : index
        %parallel_loop3A_883 = tpu.vector_load %arg7[%parallel_loop3A_880, %parallel_loop3A_881, %parallel_loop3A_882] {strides = array<i32>} : memref<8x200x64xbf16, #tpu.memory_space<vmem>>, vector<32xbf16>,
        %parallel_loop3A_884 = arith.constant 1 : i32
        %parallel_loop3A_885 = arith.addi %parallel_loop3A_878, %parallel_loop3A_884 : i32
        %parallel_loop3A_886 = arith.constant 4 : i32
        %parallel_loop3A_887 = arith.index_cast %parallel_loop3A_886 : i32 to index
        %parallel_loop3A_888 = arith.index_cast %parallel_loop3A_885 : i32 to index
        %parallel_loop3A_889 = arith.constant 0 : index
        %parallel_loop3A_890 = tpu.vector_load %arg7[%parallel_loop3A_887, %parallel_loop3A_888, %parallel_loop3A_889] {strides = array<i32>} : memref<8x200x64xbf16, #tpu.memory_space<vmem>>, vector<32xbf16>,
        %parallel_loop3A_891 = arith.addf %parallel_loop3A_883, %parallel_loop3A_890 : vector<32xbf16>
        %parallel_loop3A_892 = arith.constant 4 : i32
        %parallel_loop3A_893 = arith.index_cast %parallel_loop3A_892 : i32 to index
        %parallel_loop3A_894 = arith.index_cast %parallel_loop3A_878 : i32 to index
        %parallel_loop3A_895 = arith.constant 32 : index
        %parallel_loop3A_896 = tpu.vector_load %arg7[%parallel_loop3A_893, %parallel_loop3A_894, %parallel_loop3A_895] {strides = array<i32>} : memref<8x200x64xbf16, #tpu.memory_space<vmem>>, vector<32xbf16>,
        %parallel_loop3A_897 = arith.constant 1 : i32
        %parallel_loop3A_898 = arith.addi %parallel_loop3A_878, %parallel_loop3A_897 : i32
        %parallel_loop3A_899 = arith.constant 4 : i32
        %parallel_loop3A_900 = arith.index_cast %parallel_loop3A_899 : i32 to index
        %parallel_loop3A_901 = arith.index_cast %parallel_loop3A_898 : i32 to index
        %parallel_loop3A_902 = arith.constant 32 : index
        %parallel_loop3A_903 = tpu.vector_load %arg7[%parallel_loop3A_900, %parallel_loop3A_901, %parallel_loop3A_902] {strides = array<i32>} : memref<8x200x64xbf16, #tpu.memory_space<vmem>>, vector<32xbf16>,
        %parallel_loop3A_904 = arith.addf %parallel_loop3A_896, %parallel_loop3A_903 : vector<32xbf16>
        %parallel_loop3A_905 = tpu.unpack_subelements %parallel_loop3A_891, 0 {pack_format = #tpu.pack_format<interleaved>} : vector<32xbf16> -> vector<16xf32>
        %parallel_loop3A_906 = tpu.unpack_subelements %parallel_loop3A_891, 1 {pack_format = #tpu.pack_format<interleaved>} : vector<32xbf16> -> vector<16xf32>
        %parallel_loop3A_907 = tpu.unpack_subelements %parallel_loop3A_904, 0 {pack_format = #tpu.pack_format<interleaved>} : vector<32xbf16> -> vector<16xf32>
        %parallel_loop3A_908 = tpu.unpack_subelements %parallel_loop3A_904, 1 {pack_format = #tpu.pack_format<interleaved>} : vector<32xbf16> -> vector<16xf32>
        %parallel_loop3A_909 = arith.addf %parallel_loop3A_873, %parallel_loop3A_905 : vector<16xf32>
        %parallel_loop3A_910 = arith.addf %parallel_loop3A_874, %parallel_loop3A_906 : vector<16xf32>
        %parallel_loop3A_911 = arith.addf %parallel_loop3A_875, %parallel_loop3A_907 : vector<16xf32>
        %parallel_loop3A_912 = arith.addf %parallel_loop3A_876, %parallel_loop3A_908 : vector<16xf32>
        scf.yield %parallel_loop3A_909, %parallel_loop3A_910, %parallel_loop3A_911, %parallel_loop3A_912 : vector<16xf32>, vector<16xf32>, vector<16xf32>, vector<16xf32>
      } {sc.loop_unroll_factor = 8 : i64, sc.parallel_access}
      %mul3A_536 = arith.constant 5.000000e-03 : f32
      %mul3A_537 = vector.broadcast %mul3A_536 : f32 to vector<16xf32>
      %mul3A_538 = arith.mulf %parallel_loop3A_535#0, %mul3A_537 : vector<16xf32>
      %add3A_539 = arith.addf %mul3A_538, %get3A_7 : vector<16xf32>
      %max3A_540 = arith.constant 0.000000e+00 : f32
      %max3A_541 = vector.broadcast %max3A_540 : f32 to vector<16xf32>
      %max3A_542 = arith.maximumf %add3A_539, %max3A_541 : vector<16xf32>
      %mul3A_543 = arith.constant 5.000000e-03 : f32
      %mul3A_544 = vector.broadcast %mul3A_543 : f32 to vector<16xf32>
      %mul3A_545 = arith.mulf %parallel_loop3A_535#1, %mul3A_544 : vector<16xf32>
      %add3A_546 = arith.addf %mul3A_545, %get3A_11 : vector<16xf32>
      %max3A_547 = arith.constant 0.000000e+00 : f32
      %max3A_548 = vector.broadcast %max3A_547 : f32 to vector<16xf32>
      %max3A_549 = arith.maximumf %add3A_546, %max3A_548 : vector<16xf32>
      %mul3A_550 = arith.constant 5.000000e-03 : f32
      %mul3A_551 = vector.broadcast %mul3A_550 : f32 to vector<16xf32>
      %mul3A_552 = arith.mulf %parallel_loop3A_535#2, %mul3A_551 : vector<16xf32>
      %add3A_553 = arith.addf %mul3A_552, %get3A_15 : vector<16xf32>
      %max3A_554 = arith.constant 0.000000e+00 : f32
      %max3A_555 = vector.broadcast %max3A_554 : f32 to vector<16xf32>
      %max3A_556 = arith.maximumf %add3A_553, %max3A_555 : vector<16xf32>
      %mul3A_557 = arith.constant 5.000000e-03 : f32
      %mul3A_558 = vector.broadcast %mul3A_557 : f32 to vector<16xf32>
      %mul3A_559 = arith.mulf %parallel_loop3A_535#3, %mul3A_558 : vector<16xf32>
      %add3A_560 = arith.addf %mul3A_559, %get3A_19 : vector<16xf32>
      %max3A_561 = arith.constant 0.000000e+00 : f32
      %max3A_562 = vector.broadcast %max3A_561 : f32 to vector<16xf32>
      %max3A_563 = arith.maximumf %add3A_560, %max3A_562 : vector<16xf32>
      %mul3A_564 = arith.mulf %max3A_542, %get3A_23 : vector<16xf32>
      %mul3A_565 = arith.mulf %max3A_549, %get3A_27 : vector<16xf32>
      %add3A_566 = arith.addf %mul3A_564, %mul3A_565 : vector<16xf32>
      %mul3A_567 = arith.mulf %max3A_556, %get3A_31 : vector<16xf32>
      %add3A_568 = arith.addf %add3A_566, %mul3A_567 : vector<16xf32>
      %mul3A_569 = arith.mulf %max3A_563, %get3A_35 : vector<16xf32>
      %add3A_570 = arith.addf %add3A_568, %mul3A_569 : vector<16xf32>
      %add3A_571 = arith.addf %add3A_570, %get3A_55 : vector<16xf32>
      %reduce_sum3A_572 = arith.constant true
      %reduce_sum3A_573 = vector.broadcast %reduce_sum3A_572 : i1 to vector<16xi1>
      %reduce_sum3A_574 = tpu.scan <sum>, %add3A_571 masked %reduce_sum3A_573 : vector<16xf32>, vector<16xi1> -> vector<16xf32>
      %reduce_sum3A_575 = vector.extract %reduce_sum3A_574[15] : f32 from vector<16xf32>
      %eq3A_576 = arith.constant 8 : i32
      %eq3A_577 = vector.broadcast %eq3A_576 : i32 to vector<16xi32>
      %eq3A_578 = arith.cmpi eq, %iota3A, %eq3A_577 : vector<16xi32>
      %broadcast_in_dim3A_579 = vector.broadcast %reduce_sum3A_575 : f32 to vector<16xf32>
      %select_n3A_580 = arith.select %eq3A_578, %broadcast_in_dim3A_579, %select_n3A_508 : vector<16xi1>, vector<16xf32>
      %mul3A_581 = arith.mulf %max3A_542, %get3A_39 : vector<16xf32>
      %mul3A_582 = arith.mulf %max3A_549, %get3A_43 : vector<16xf32>
      %add3A_583 = arith.addf %mul3A_581, %mul3A_582 : vector<16xf32>
      %mul3A_584 = arith.mulf %max3A_556, %get3A_47 : vector<16xf32>
      %add3A_585 = arith.addf %add3A_583, %mul3A_584 : vector<16xf32>
      %mul3A_586 = arith.mulf %max3A_563, %get3A_51 : vector<16xf32>
      %add3A_587 = arith.addf %add3A_585, %mul3A_586 : vector<16xf32>
      %add3A_588 = arith.addf %add3A_587, %get3A_59 : vector<16xf32>
      %reduce_sum3A_589 = arith.constant true
      %reduce_sum3A_590 = vector.broadcast %reduce_sum3A_589 : i1 to vector<16xi1>
      %reduce_sum3A_591 = tpu.scan <sum>, %add3A_588 masked %reduce_sum3A_590 : vector<16xf32>, vector<16xi1> -> vector<16xf32>
      %reduce_sum3A_592 = vector.extract %reduce_sum3A_591[15] : f32 from vector<16xf32>
      %eq3A_593 = arith.constant 9 : i32
      %eq3A_594 = vector.broadcast %eq3A_593 : i32 to vector<16xi32>
      %eq3A_595 = arith.cmpi eq, %iota3A, %eq3A_594 : vector<16xi32>
      %broadcast_in_dim3A_596 = vector.broadcast %reduce_sum3A_592 : f32 to vector<16xf32>
      %select_n3A_597 = arith.select %eq3A_595, %broadcast_in_dim3A_596, %select_n3A_580 : vector<16xi1>, vector<16xf32>
      %dma_wait3A_598 = arith.constant 5 : i32
      %dma_wait3A_599 = arith.constant 0 : i32
      %dma_wait3A_600 = arith.constant 0 : i32
      %dma_wait3A_601 = tpu.memref_slice %arg7[%dma_wait3A_598, %dma_wait3A_599, %dma_wait3A_600] : memref<8x200x64xbf16, #tpu.memory_space<vmem>> -> memref<1x200x64xbf16, #tpu.memory_space<vmem>>
      %dma_wait3A_602 = tpu.memref_squeeze %dma_wait3A_601 : memref<1x200x64xbf16, #tpu.memory_space<vmem>> -> memref<200x64xbf16, #tpu.memory_space<vmem>>
      %dma_wait3A_603 = arith.constant 0 : i32
      %dma_wait3A_604 = arith.constant 0 : i32
      %dma_wait3A_605 = tpu.memref_slice %arg3[%dma_wait3A_603, %dma_wait3A_604] : memref<100000x64xbf16, #tpu.memory_space<hbm>> -> memref<200x64xbf16, #tpu.memory_space<hbm>>
      %dma_wait3A_606 = arith.constant 0 : i32
      %dma_wait3A_607 = arith.constant 0 : i32
      %dma_wait3A_608 = tpu.memref_slice %arg7[%dma_wait3A_598, %dma_wait3A_606, %dma_wait3A_607] : memref<8x200x64xbf16, #tpu.memory_space<vmem>> -> memref<1x200x64xbf16, #tpu.memory_space<vmem>>
      %dma_wait3A_609 = tpu.memref_squeeze %dma_wait3A_608 : memref<1x200x64xbf16, #tpu.memory_space<vmem>> -> memref<200x64xbf16, #tpu.memory_space<vmem>>
      %dma_wait3A_610 = arith.constant 0 : i32
      %dma_wait3A_611 = arith.constant 0 : i32
      %dma_wait3A_612 = tpu.memref_slice %arg3[%dma_wait3A_610, %dma_wait3A_611] : memref<100000x64xbf16, #tpu.memory_space<hbm>> -> memref<200x64xbf16, #tpu.memory_space<hbm>>
      tpu.wait_dma2 semaphore(%arg10 : memref<!tpu.dma_semaphore, #tpu.memory_space<semaphore_mem>>) src(%dma_wait3A_612 : memref<200x64xbf16, #tpu.memory_space<hbm>>) dst(%dma_wait3A_609 : memref<200x64xbf16, #tpu.memory_space<vmem>>)
      %broadcast_in_dim3A_613 = arith.constant 0.000000e+00 : f32
      %broadcast_in_dim3A_614 = vector.broadcast %broadcast_in_dim3A_613 : f32 to vector<16xf32>
      %broadcast_in_dim3A_615 = arith.constant 0.000000e+00 : f32
      %broadcast_in_dim3A_616 = vector.broadcast %broadcast_in_dim3A_615 : f32 to vector<16xf32>
      %broadcast_in_dim3A_617 = arith.constant 0.000000e+00 : f32
      %broadcast_in_dim3A_618 = vector.broadcast %broadcast_in_dim3A_617 : f32 to vector<16xf32>
      %broadcast_in_dim3A_619 = arith.constant 0.000000e+00 : f32
      %broadcast_in_dim3A_620 = vector.broadcast %broadcast_in_dim3A_619 : f32 to vector<16xf32>
      %parallel_loop3A_621 = arith.constant 0 : i32
      %parallel_loop3A_622 = arith.constant 100 : i32
      %parallel_loop3A_623 = arith.constant 1 : i32
      %parallel_loop3A_624:4 = scf.for %parallel_loop3A_872 = %parallel_loop3A_621 to %parallel_loop3A_622 step %parallel_loop3A_623 iter_args(%parallel_loop3A_873 = %broadcast_in_dim3A_614, %parallel_loop3A_874 = %broadcast_in_dim3A_616, %parallel_loop3A_875 = %broadcast_in_dim3A_618, %parallel_loop3A_876 = %broadcast_in_dim3A_620) -> (vector<16xf32>, vector<16xf32>, vector<16xf32>, vector<16xf32>)  : i32 {
        %parallel_loop3A_877 = arith.constant 2 : i32
        %parallel_loop3A_878 = arith.muli %parallel_loop3A_877, %parallel_loop3A_872 : i32
        %parallel_loop3A_879 = arith.constant 5 : i32
        %parallel_loop3A_880 = arith.index_cast %parallel_loop3A_879 : i32 to index
        %parallel_loop3A_881 = arith.index_cast %parallel_loop3A_878 : i32 to index
        %parallel_loop3A_882 = arith.constant 0 : index
        %parallel_loop3A_883 = tpu.vector_load %arg7[%parallel_loop3A_880, %parallel_loop3A_881, %parallel_loop3A_882] {strides = array<i32>} : memref<8x200x64xbf16, #tpu.memory_space<vmem>>, vector<32xbf16>,
        %parallel_loop3A_884 = arith.constant 1 : i32
        %parallel_loop3A_885 = arith.addi %parallel_loop3A_878, %parallel_loop3A_884 : i32
        %parallel_loop3A_886 = arith.constant 5 : i32
        %parallel_loop3A_887 = arith.index_cast %parallel_loop3A_886 : i32 to index
        %parallel_loop3A_888 = arith.index_cast %parallel_loop3A_885 : i32 to index
        %parallel_loop3A_889 = arith.constant 0 : index
        %parallel_loop3A_890 = tpu.vector_load %arg7[%parallel_loop3A_887, %parallel_loop3A_888, %parallel_loop3A_889] {strides = array<i32>} : memref<8x200x64xbf16, #tpu.memory_space<vmem>>, vector<32xbf16>,
        %parallel_loop3A_891 = arith.addf %parallel_loop3A_883, %parallel_loop3A_890 : vector<32xbf16>
        %parallel_loop3A_892 = arith.constant 5 : i32
        %parallel_loop3A_893 = arith.index_cast %parallel_loop3A_892 : i32 to index
        %parallel_loop3A_894 = arith.index_cast %parallel_loop3A_878 : i32 to index
        %parallel_loop3A_895 = arith.constant 32 : index
        %parallel_loop3A_896 = tpu.vector_load %arg7[%parallel_loop3A_893, %parallel_loop3A_894, %parallel_loop3A_895] {strides = array<i32>} : memref<8x200x64xbf16, #tpu.memory_space<vmem>>, vector<32xbf16>,
        %parallel_loop3A_897 = arith.constant 1 : i32
        %parallel_loop3A_898 = arith.addi %parallel_loop3A_878, %parallel_loop3A_897 : i32
        %parallel_loop3A_899 = arith.constant 5 : i32
        %parallel_loop3A_900 = arith.index_cast %parallel_loop3A_899 : i32 to index
        %parallel_loop3A_901 = arith.index_cast %parallel_loop3A_898 : i32 to index
        %parallel_loop3A_902 = arith.constant 32 : index
        %parallel_loop3A_903 = tpu.vector_load %arg7[%parallel_loop3A_900, %parallel_loop3A_901, %parallel_loop3A_902] {strides = array<i32>} : memref<8x200x64xbf16, #tpu.memory_space<vmem>>, vector<32xbf16>,
        %parallel_loop3A_904 = arith.addf %parallel_loop3A_896, %parallel_loop3A_903 : vector<32xbf16>
        %parallel_loop3A_905 = tpu.unpack_subelements %parallel_loop3A_891, 0 {pack_format = #tpu.pack_format<interleaved>} : vector<32xbf16> -> vector<16xf32>
        %parallel_loop3A_906 = tpu.unpack_subelements %parallel_loop3A_891, 1 {pack_format = #tpu.pack_format<interleaved>} : vector<32xbf16> -> vector<16xf32>
        %parallel_loop3A_907 = tpu.unpack_subelements %parallel_loop3A_904, 0 {pack_format = #tpu.pack_format<interleaved>} : vector<32xbf16> -> vector<16xf32>
        %parallel_loop3A_908 = tpu.unpack_subelements %parallel_loop3A_904, 1 {pack_format = #tpu.pack_format<interleaved>} : vector<32xbf16> -> vector<16xf32>
        %parallel_loop3A_909 = arith.addf %parallel_loop3A_873, %parallel_loop3A_905 : vector<16xf32>
        %parallel_loop3A_910 = arith.addf %parallel_loop3A_874, %parallel_loop3A_906 : vector<16xf32>
        %parallel_loop3A_911 = arith.addf %parallel_loop3A_875, %parallel_loop3A_907 : vector<16xf32>
        %parallel_loop3A_912 = arith.addf %parallel_loop3A_876, %parallel_loop3A_908 : vector<16xf32>
        scf.yield %parallel_loop3A_909, %parallel_loop3A_910, %parallel_loop3A_911, %parallel_loop3A_912 : vector<16xf32>, vector<16xf32>, vector<16xf32>, vector<16xf32>
      } {sc.loop_unroll_factor = 8 : i64, sc.parallel_access}
      %mul3A_625 = arith.constant 5.000000e-03 : f32
      %mul3A_626 = vector.broadcast %mul3A_625 : f32 to vector<16xf32>
      %mul3A_627 = arith.mulf %parallel_loop3A_624#0, %mul3A_626 : vector<16xf32>
      %add3A_628 = arith.addf %mul3A_627, %get3A_7 : vector<16xf32>
      %max3A_629 = arith.constant 0.000000e+00 : f32
      %max3A_630 = vector.broadcast %max3A_629 : f32 to vector<16xf32>
      %max3A_631 = arith.maximumf %add3A_628, %max3A_630 : vector<16xf32>
      %mul3A_632 = arith.constant 5.000000e-03 : f32
      %mul3A_633 = vector.broadcast %mul3A_632 : f32 to vector<16xf32>
      %mul3A_634 = arith.mulf %parallel_loop3A_624#1, %mul3A_633 : vector<16xf32>
      %add3A_635 = arith.addf %mul3A_634, %get3A_11 : vector<16xf32>
      %max3A_636 = arith.constant 0.000000e+00 : f32
      %max3A_637 = vector.broadcast %max3A_636 : f32 to vector<16xf32>
      %max3A_638 = arith.maximumf %add3A_635, %max3A_637 : vector<16xf32>
      %mul3A_639 = arith.constant 5.000000e-03 : f32
      %mul3A_640 = vector.broadcast %mul3A_639 : f32 to vector<16xf32>
      %mul3A_641 = arith.mulf %parallel_loop3A_624#2, %mul3A_640 : vector<16xf32>
      %add3A_642 = arith.addf %mul3A_641, %get3A_15 : vector<16xf32>
      %max3A_643 = arith.constant 0.000000e+00 : f32
      %max3A_644 = vector.broadcast %max3A_643 : f32 to vector<16xf32>
      %max3A_645 = arith.maximumf %add3A_642, %max3A_644 : vector<16xf32>
      %mul3A_646 = arith.constant 5.000000e-03 : f32
      %mul3A_647 = vector.broadcast %mul3A_646 : f32 to vector<16xf32>
      %mul3A_648 = arith.mulf %parallel_loop3A_624#3, %mul3A_647 : vector<16xf32>
      %add3A_649 = arith.addf %mul3A_648, %get3A_19 : vector<16xf32>
      %max3A_650 = arith.constant 0.000000e+00 : f32
      %max3A_651 = vector.broadcast %max3A_650 : f32 to vector<16xf32>
      %max3A_652 = arith.maximumf %add3A_649, %max3A_651 : vector<16xf32>
      %mul3A_653 = arith.mulf %max3A_631, %get3A_23 : vector<16xf32>
      %mul3A_654 = arith.mulf %max3A_638, %get3A_27 : vector<16xf32>
      %add3A_655 = arith.addf %mul3A_653, %mul3A_654 : vector<16xf32>
      %mul3A_656 = arith.mulf %max3A_645, %get3A_31 : vector<16xf32>
      %add3A_657 = arith.addf %add3A_655, %mul3A_656 : vector<16xf32>
      %mul3A_658 = arith.mulf %max3A_652, %get3A_35 : vector<16xf32>
      %add3A_659 = arith.addf %add3A_657, %mul3A_658 : vector<16xf32>
      %add3A_660 = arith.addf %add3A_659, %get3A_55 : vector<16xf32>
      %reduce_sum3A_661 = arith.constant true
      %reduce_sum3A_662 = vector.broadcast %reduce_sum3A_661 : i1 to vector<16xi1>
      %reduce_sum3A_663 = tpu.scan <sum>, %add3A_660 masked %reduce_sum3A_662 : vector<16xf32>, vector<16xi1> -> vector<16xf32>
      %reduce_sum3A_664 = vector.extract %reduce_sum3A_663[15] : f32 from vector<16xf32>
      %eq3A_665 = arith.constant 10 : i32
      %eq3A_666 = vector.broadcast %eq3A_665 : i32 to vector<16xi32>
      %eq3A_667 = arith.cmpi eq, %iota3A, %eq3A_666 : vector<16xi32>
      %broadcast_in_dim3A_668 = vector.broadcast %reduce_sum3A_664 : f32 to vector<16xf32>
      %select_n3A_669 = arith.select %eq3A_667, %broadcast_in_dim3A_668, %select_n3A_597 : vector<16xi1>, vector<16xf32>
      %mul3A_670 = arith.mulf %max3A_631, %get3A_39 : vector<16xf32>
      %mul3A_671 = arith.mulf %max3A_638, %get3A_43 : vector<16xf32>
      %add3A_672 = arith.addf %mul3A_670, %mul3A_671 : vector<16xf32>
      %mul3A_673 = arith.mulf %max3A_645, %get3A_47 : vector<16xf32>
      %add3A_674 = arith.addf %add3A_672, %mul3A_673 : vector<16xf32>
      %mul3A_675 = arith.mulf %max3A_652, %get3A_51 : vector<16xf32>
      %add3A_676 = arith.addf %add3A_674, %mul3A_675 : vector<16xf32>
      %add3A_677 = arith.addf %add3A_676, %get3A_59 : vector<16xf32>
      %reduce_sum3A_678 = arith.constant true
      %reduce_sum3A_679 = vector.broadcast %reduce_sum3A_678 : i1 to vector<16xi1>
      %reduce_sum3A_680 = tpu.scan <sum>, %add3A_677 masked %reduce_sum3A_679 : vector<16xf32>, vector<16xi1> -> vector<16xf32>
      %reduce_sum3A_681 = vector.extract %reduce_sum3A_680[15] : f32 from vector<16xf32>
      %eq3A_682 = arith.constant 11 : i32
      %eq3A_683 = vector.broadcast %eq3A_682 : i32 to vector<16xi32>
      %eq3A_684 = arith.cmpi eq, %iota3A, %eq3A_683 : vector<16xi32>
      %broadcast_in_dim3A_685 = vector.broadcast %reduce_sum3A_681 : f32 to vector<16xf32>
      %select_n3A_686 = arith.select %eq3A_684, %broadcast_in_dim3A_685, %select_n3A_669 : vector<16xi1>, vector<16xf32>
      %dma_wait3A_687 = arith.constant 6 : i32
      %dma_wait3A_688 = arith.constant 0 : i32
      %dma_wait3A_689 = arith.constant 0 : i32
      %dma_wait3A_690 = tpu.memref_slice %arg7[%dma_wait3A_687, %dma_wait3A_688, %dma_wait3A_689] : memref<8x200x64xbf16, #tpu.memory_space<vmem>> -> memref<1x200x64xbf16, #tpu.memory_space<vmem>>
      %dma_wait3A_691 = tpu.memref_squeeze %dma_wait3A_690 : memref<1x200x64xbf16, #tpu.memory_space<vmem>> -> memref<200x64xbf16, #tpu.memory_space<vmem>>
      %dma_wait3A_692 = arith.constant 0 : i32
      %dma_wait3A_693 = arith.constant 0 : i32
      %dma_wait3A_694 = tpu.memref_slice %arg3[%dma_wait3A_692, %dma_wait3A_693] : memref<100000x64xbf16, #tpu.memory_space<hbm>> -> memref<200x64xbf16, #tpu.memory_space<hbm>>
      %dma_wait3A_695 = arith.constant 0 : i32
      %dma_wait3A_696 = arith.constant 0 : i32
      %dma_wait3A_697 = tpu.memref_slice %arg7[%dma_wait3A_687, %dma_wait3A_695, %dma_wait3A_696] : memref<8x200x64xbf16, #tpu.memory_space<vmem>> -> memref<1x200x64xbf16, #tpu.memory_space<vmem>>
      %dma_wait3A_698 = tpu.memref_squeeze %dma_wait3A_697 : memref<1x200x64xbf16, #tpu.memory_space<vmem>> -> memref<200x64xbf16, #tpu.memory_space<vmem>>
      %dma_wait3A_699 = arith.constant 0 : i32
      %dma_wait3A_700 = arith.constant 0 : i32
      %dma_wait3A_701 = tpu.memref_slice %arg3[%dma_wait3A_699, %dma_wait3A_700] : memref<100000x64xbf16, #tpu.memory_space<hbm>> -> memref<200x64xbf16, #tpu.memory_space<hbm>>
      tpu.wait_dma2 semaphore(%arg10 : memref<!tpu.dma_semaphore, #tpu.memory_space<semaphore_mem>>) src(%dma_wait3A_701 : memref<200x64xbf16, #tpu.memory_space<hbm>>) dst(%dma_wait3A_698 : memref<200x64xbf16, #tpu.memory_space<vmem>>)
      %broadcast_in_dim3A_702 = arith.constant 0.000000e+00 : f32
      %broadcast_in_dim3A_703 = vector.broadcast %broadcast_in_dim3A_702 : f32 to vector<16xf32>
      %broadcast_in_dim3A_704 = arith.constant 0.000000e+00 : f32
      %broadcast_in_dim3A_705 = vector.broadcast %broadcast_in_dim3A_704 : f32 to vector<16xf32>
      %broadcast_in_dim3A_706 = arith.constant 0.000000e+00 : f32
      %broadcast_in_dim3A_707 = vector.broadcast %broadcast_in_dim3A_706 : f32 to vector<16xf32>
      %broadcast_in_dim3A_708 = arith.constant 0.000000e+00 : f32
      %broadcast_in_dim3A_709 = vector.broadcast %broadcast_in_dim3A_708 : f32 to vector<16xf32>
      %parallel_loop3A_710 = arith.constant 0 : i32
      %parallel_loop3A_711 = arith.constant 100 : i32
      %parallel_loop3A_712 = arith.constant 1 : i32
      %parallel_loop3A_713:4 = scf.for %parallel_loop3A_872 = %parallel_loop3A_710 to %parallel_loop3A_711 step %parallel_loop3A_712 iter_args(%parallel_loop3A_873 = %broadcast_in_dim3A_703, %parallel_loop3A_874 = %broadcast_in_dim3A_705, %parallel_loop3A_875 = %broadcast_in_dim3A_707, %parallel_loop3A_876 = %broadcast_in_dim3A_709) -> (vector<16xf32>, vector<16xf32>, vector<16xf32>, vector<16xf32>)  : i32 {
        %parallel_loop3A_877 = arith.constant 2 : i32
        %parallel_loop3A_878 = arith.muli %parallel_loop3A_877, %parallel_loop3A_872 : i32
        %parallel_loop3A_879 = arith.constant 6 : i32
        %parallel_loop3A_880 = arith.index_cast %parallel_loop3A_879 : i32 to index
        %parallel_loop3A_881 = arith.index_cast %parallel_loop3A_878 : i32 to index
        %parallel_loop3A_882 = arith.constant 0 : index
        %parallel_loop3A_883 = tpu.vector_load %arg7[%parallel_loop3A_880, %parallel_loop3A_881, %parallel_loop3A_882] {strides = array<i32>} : memref<8x200x64xbf16, #tpu.memory_space<vmem>>, vector<32xbf16>,
        %parallel_loop3A_884 = arith.constant 1 : i32
        %parallel_loop3A_885 = arith.addi %parallel_loop3A_878, %parallel_loop3A_884 : i32
        %parallel_loop3A_886 = arith.constant 6 : i32
        %parallel_loop3A_887 = arith.index_cast %parallel_loop3A_886 : i32 to index
        %parallel_loop3A_888 = arith.index_cast %parallel_loop3A_885 : i32 to index
        %parallel_loop3A_889 = arith.constant 0 : index
        %parallel_loop3A_890 = tpu.vector_load %arg7[%parallel_loop3A_887, %parallel_loop3A_888, %parallel_loop3A_889] {strides = array<i32>} : memref<8x200x64xbf16, #tpu.memory_space<vmem>>, vector<32xbf16>,
        %parallel_loop3A_891 = arith.addf %parallel_loop3A_883, %parallel_loop3A_890 : vector<32xbf16>
        %parallel_loop3A_892 = arith.constant 6 : i32
        %parallel_loop3A_893 = arith.index_cast %parallel_loop3A_892 : i32 to index
        %parallel_loop3A_894 = arith.index_cast %parallel_loop3A_878 : i32 to index
        %parallel_loop3A_895 = arith.constant 32 : index
        %parallel_loop3A_896 = tpu.vector_load %arg7[%parallel_loop3A_893, %parallel_loop3A_894, %parallel_loop3A_895] {strides = array<i32>} : memref<8x200x64xbf16, #tpu.memory_space<vmem>>, vector<32xbf16>,
        %parallel_loop3A_897 = arith.constant 1 : i32
        %parallel_loop3A_898 = arith.addi %parallel_loop3A_878, %parallel_loop3A_897 : i32
        %parallel_loop3A_899 = arith.constant 6 : i32
        %parallel_loop3A_900 = arith.index_cast %parallel_loop3A_899 : i32 to index
        %parallel_loop3A_901 = arith.index_cast %parallel_loop3A_898 : i32 to index
        %parallel_loop3A_902 = arith.constant 32 : index
        %parallel_loop3A_903 = tpu.vector_load %arg7[%parallel_loop3A_900, %parallel_loop3A_901, %parallel_loop3A_902] {strides = array<i32>} : memref<8x200x64xbf16, #tpu.memory_space<vmem>>, vector<32xbf16>,
        %parallel_loop3A_904 = arith.addf %parallel_loop3A_896, %parallel_loop3A_903 : vector<32xbf16>
        %parallel_loop3A_905 = tpu.unpack_subelements %parallel_loop3A_891, 0 {pack_format = #tpu.pack_format<interleaved>} : vector<32xbf16> -> vector<16xf32>
        %parallel_loop3A_906 = tpu.unpack_subelements %parallel_loop3A_891, 1 {pack_format = #tpu.pack_format<interleaved>} : vector<32xbf16> -> vector<16xf32>
        %parallel_loop3A_907 = tpu.unpack_subelements %parallel_loop3A_904, 0 {pack_format = #tpu.pack_format<interleaved>} : vector<32xbf16> -> vector<16xf32>
        %parallel_loop3A_908 = tpu.unpack_subelements %parallel_loop3A_904, 1 {pack_format = #tpu.pack_format<interleaved>} : vector<32xbf16> -> vector<16xf32>
        %parallel_loop3A_909 = arith.addf %parallel_loop3A_873, %parallel_loop3A_905 : vector<16xf32>
        %parallel_loop3A_910 = arith.addf %parallel_loop3A_874, %parallel_loop3A_906 : vector<16xf32>
        %parallel_loop3A_911 = arith.addf %parallel_loop3A_875, %parallel_loop3A_907 : vector<16xf32>
        %parallel_loop3A_912 = arith.addf %parallel_loop3A_876, %parallel_loop3A_908 : vector<16xf32>
        scf.yield %parallel_loop3A_909, %parallel_loop3A_910, %parallel_loop3A_911, %parallel_loop3A_912 : vector<16xf32>, vector<16xf32>, vector<16xf32>, vector<16xf32>
      } {sc.loop_unroll_factor = 8 : i64, sc.parallel_access}
      %mul3A_714 = arith.constant 5.000000e-03 : f32
      %mul3A_715 = vector.broadcast %mul3A_714 : f32 to vector<16xf32>
      %mul3A_716 = arith.mulf %parallel_loop3A_713#0, %mul3A_715 : vector<16xf32>
      %add3A_717 = arith.addf %mul3A_716, %get3A_7 : vector<16xf32>
      %max3A_718 = arith.constant 0.000000e+00 : f32
      %max3A_719 = vector.broadcast %max3A_718 : f32 to vector<16xf32>
      %max3A_720 = arith.maximumf %add3A_717, %max3A_719 : vector<16xf32>
      %mul3A_721 = arith.constant 5.000000e-03 : f32
      %mul3A_722 = vector.broadcast %mul3A_721 : f32 to vector<16xf32>
      %mul3A_723 = arith.mulf %parallel_loop3A_713#1, %mul3A_722 : vector<16xf32>
      %add3A_724 = arith.addf %mul3A_723, %get3A_11 : vector<16xf32>
      %max3A_725 = arith.constant 0.000000e+00 : f32
      %max3A_726 = vector.broadcast %max3A_725 : f32 to vector<16xf32>
      %max3A_727 = arith.maximumf %add3A_724, %max3A_726 : vector<16xf32>
      %mul3A_728 = arith.constant 5.000000e-03 : f32
      %mul3A_729 = vector.broadcast %mul3A_728 : f32 to vector<16xf32>
      %mul3A_730 = arith.mulf %parallel_loop3A_713#2, %mul3A_729 : vector<16xf32>
      %add3A_731 = arith.addf %mul3A_730, %get3A_15 : vector<16xf32>
      %max3A_732 = arith.constant 0.000000e+00 : f32
      %max3A_733 = vector.broadcast %max3A_732 : f32 to vector<16xf32>
      %max3A_734 = arith.maximumf %add3A_731, %max3A_733 : vector<16xf32>
      %mul3A_735 = arith.constant 5.000000e-03 : f32
      %mul3A_736 = vector.broadcast %mul3A_735 : f32 to vector<16xf32>
      %mul3A_737 = arith.mulf %parallel_loop3A_713#3, %mul3A_736 : vector<16xf32>
      %add3A_738 = arith.addf %mul3A_737, %get3A_19 : vector<16xf32>
      %max3A_739 = arith.constant 0.000000e+00 : f32
      %max3A_740 = vector.broadcast %max3A_739 : f32 to vector<16xf32>
      %max3A_741 = arith.maximumf %add3A_738, %max3A_740 : vector<16xf32>
      %mul3A_742 = arith.mulf %max3A_720, %get3A_23 : vector<16xf32>
      %mul3A_743 = arith.mulf %max3A_727, %get3A_27 : vector<16xf32>
      %add3A_744 = arith.addf %mul3A_742, %mul3A_743 : vector<16xf32>
      %mul3A_745 = arith.mulf %max3A_734, %get3A_31 : vector<16xf32>
      %add3A_746 = arith.addf %add3A_744, %mul3A_745 : vector<16xf32>
      %mul3A_747 = arith.mulf %max3A_741, %get3A_35 : vector<16xf32>
      %add3A_748 = arith.addf %add3A_746, %mul3A_747 : vector<16xf32>
      %add3A_749 = arith.addf %add3A_748, %get3A_55 : vector<16xf32>
      %reduce_sum3A_750 = arith.constant true
      %reduce_sum3A_751 = vector.broadcast %reduce_sum3A_750 : i1 to vector<16xi1>
      %reduce_sum3A_752 = tpu.scan <sum>, %add3A_749 masked %reduce_sum3A_751 : vector<16xf32>, vector<16xi1> -> vector<16xf32>
      %reduce_sum3A_753 = vector.extract %reduce_sum3A_752[15] : f32 from vector<16xf32>
      %eq3A_754 = arith.constant 12 : i32
      %eq3A_755 = vector.broadcast %eq3A_754 : i32 to vector<16xi32>
      %eq3A_756 = arith.cmpi eq, %iota3A, %eq3A_755 : vector<16xi32>
      %broadcast_in_dim3A_757 = vector.broadcast %reduce_sum3A_753 : f32 to vector<16xf32>
      %select_n3A_758 = arith.select %eq3A_756, %broadcast_in_dim3A_757, %select_n3A_686 : vector<16xi1>, vector<16xf32>
      %mul3A_759 = arith.mulf %max3A_720, %get3A_39 : vector<16xf32>
      %mul3A_760 = arith.mulf %max3A_727, %get3A_43 : vector<16xf32>
      %add3A_761 = arith.addf %mul3A_759, %mul3A_760 : vector<16xf32>
      %mul3A_762 = arith.mulf %max3A_734, %get3A_47 : vector<16xf32>
      %add3A_763 = arith.addf %add3A_761, %mul3A_762 : vector<16xf32>
      %mul3A_764 = arith.mulf %max3A_741, %get3A_51 : vector<16xf32>
      %add3A_765 = arith.addf %add3A_763, %mul3A_764 : vector<16xf32>
      %add3A_766 = arith.addf %add3A_765, %get3A_59 : vector<16xf32>
      %reduce_sum3A_767 = arith.constant true
      %reduce_sum3A_768 = vector.broadcast %reduce_sum3A_767 : i1 to vector<16xi1>
      %reduce_sum3A_769 = tpu.scan <sum>, %add3A_766 masked %reduce_sum3A_768 : vector<16xf32>, vector<16xi1> -> vector<16xf32>
      %reduce_sum3A_770 = vector.extract %reduce_sum3A_769[15] : f32 from vector<16xf32>
      %eq3A_771 = arith.constant 13 : i32
      %eq3A_772 = vector.broadcast %eq3A_771 : i32 to vector<16xi32>
      %eq3A_773 = arith.cmpi eq, %iota3A, %eq3A_772 : vector<16xi32>
      %broadcast_in_dim3A_774 = vector.broadcast %reduce_sum3A_770 : f32 to vector<16xf32>
      %select_n3A_775 = arith.select %eq3A_773, %broadcast_in_dim3A_774, %select_n3A_758 : vector<16xi1>, vector<16xf32>
      %dma_wait3A_776 = arith.constant 7 : i32
      %dma_wait3A_777 = arith.constant 0 : i32
      %dma_wait3A_778 = arith.constant 0 : i32
      %dma_wait3A_779 = tpu.memref_slice %arg7[%dma_wait3A_776, %dma_wait3A_777, %dma_wait3A_778] : memref<8x200x64xbf16, #tpu.memory_space<vmem>> -> memref<1x200x64xbf16, #tpu.memory_space<vmem>>
      %dma_wait3A_780 = tpu.memref_squeeze %dma_wait3A_779 : memref<1x200x64xbf16, #tpu.memory_space<vmem>> -> memref<200x64xbf16, #tpu.memory_space<vmem>>
      %dma_wait3A_781 = arith.constant 0 : i32
      %dma_wait3A_782 = arith.constant 0 : i32
      %dma_wait3A_783 = tpu.memref_slice %arg3[%dma_wait3A_781, %dma_wait3A_782] : memref<100000x64xbf16, #tpu.memory_space<hbm>> -> memref<200x64xbf16, #tpu.memory_space<hbm>>
      %dma_wait3A_784 = arith.constant 0 : i32
      %dma_wait3A_785 = arith.constant 0 : i32
      %dma_wait3A_786 = tpu.memref_slice %arg7[%dma_wait3A_776, %dma_wait3A_784, %dma_wait3A_785] : memref<8x200x64xbf16, #tpu.memory_space<vmem>> -> memref<1x200x64xbf16, #tpu.memory_space<vmem>>
      %dma_wait3A_787 = tpu.memref_squeeze %dma_wait3A_786 : memref<1x200x64xbf16, #tpu.memory_space<vmem>> -> memref<200x64xbf16, #tpu.memory_space<vmem>>
      %dma_wait3A_788 = arith.constant 0 : i32
      %dma_wait3A_789 = arith.constant 0 : i32
      %dma_wait3A_790 = tpu.memref_slice %arg3[%dma_wait3A_788, %dma_wait3A_789] : memref<100000x64xbf16, #tpu.memory_space<hbm>> -> memref<200x64xbf16, #tpu.memory_space<hbm>>
      tpu.wait_dma2 semaphore(%arg10 : memref<!tpu.dma_semaphore, #tpu.memory_space<semaphore_mem>>) src(%dma_wait3A_790 : memref<200x64xbf16, #tpu.memory_space<hbm>>) dst(%dma_wait3A_787 : memref<200x64xbf16, #tpu.memory_space<vmem>>)
      %broadcast_in_dim3A_791 = arith.constant 0.000000e+00 : f32
      %broadcast_in_dim3A_792 = vector.broadcast %broadcast_in_dim3A_791 : f32 to vector<16xf32>
      %broadcast_in_dim3A_793 = arith.constant 0.000000e+00 : f32
      %broadcast_in_dim3A_794 = vector.broadcast %broadcast_in_dim3A_793 : f32 to vector<16xf32>
      %broadcast_in_dim3A_795 = arith.constant 0.000000e+00 : f32
      %broadcast_in_dim3A_796 = vector.broadcast %broadcast_in_dim3A_795 : f32 to vector<16xf32>
      %broadcast_in_dim3A_797 = arith.constant 0.000000e+00 : f32
      %broadcast_in_dim3A_798 = vector.broadcast %broadcast_in_dim3A_797 : f32 to vector<16xf32>
      %parallel_loop3A_799 = arith.constant 0 : i32
      %parallel_loop3A_800 = arith.constant 100 : i32
      %parallel_loop3A_801 = arith.constant 1 : i32
      %parallel_loop3A_802:4 = scf.for %parallel_loop3A_872 = %parallel_loop3A_799 to %parallel_loop3A_800 step %parallel_loop3A_801 iter_args(%parallel_loop3A_873 = %broadcast_in_dim3A_792, %parallel_loop3A_874 = %broadcast_in_dim3A_794, %parallel_loop3A_875 = %broadcast_in_dim3A_796, %parallel_loop3A_876 = %broadcast_in_dim3A_798) -> (vector<16xf32>, vector<16xf32>, vector<16xf32>, vector<16xf32>)  : i32 {
        %parallel_loop3A_877 = arith.constant 2 : i32
        %parallel_loop3A_878 = arith.muli %parallel_loop3A_877, %parallel_loop3A_872 : i32
        %parallel_loop3A_879 = arith.constant 7 : i32
        %parallel_loop3A_880 = arith.index_cast %parallel_loop3A_879 : i32 to index
        %parallel_loop3A_881 = arith.index_cast %parallel_loop3A_878 : i32 to index
        %parallel_loop3A_882 = arith.constant 0 : index
        %parallel_loop3A_883 = tpu.vector_load %arg7[%parallel_loop3A_880, %parallel_loop3A_881, %parallel_loop3A_882] {strides = array<i32>} : memref<8x200x64xbf16, #tpu.memory_space<vmem>>, vector<32xbf16>,
        %parallel_loop3A_884 = arith.constant 1 : i32
        %parallel_loop3A_885 = arith.addi %parallel_loop3A_878, %parallel_loop3A_884 : i32
        %parallel_loop3A_886 = arith.constant 7 : i32
        %parallel_loop3A_887 = arith.index_cast %parallel_loop3A_886 : i32 to index
        %parallel_loop3A_888 = arith.index_cast %parallel_loop3A_885 : i32 to index
        %parallel_loop3A_889 = arith.constant 0 : index
        %parallel_loop3A_890 = tpu.vector_load %arg7[%parallel_loop3A_887, %parallel_loop3A_888, %parallel_loop3A_889] {strides = array<i32>} : memref<8x200x64xbf16, #tpu.memory_space<vmem>>, vector<32xbf16>,
        %parallel_loop3A_891 = arith.addf %parallel_loop3A_883, %parallel_loop3A_890 : vector<32xbf16>
        %parallel_loop3A_892 = arith.constant 7 : i32
        %parallel_loop3A_893 = arith.index_cast %parallel_loop3A_892 : i32 to index
        %parallel_loop3A_894 = arith.index_cast %parallel_loop3A_878 : i32 to index
        %parallel_loop3A_895 = arith.constant 32 : index
        %parallel_loop3A_896 = tpu.vector_load %arg7[%parallel_loop3A_893, %parallel_loop3A_894, %parallel_loop3A_895] {strides = array<i32>} : memref<8x200x64xbf16, #tpu.memory_space<vmem>>, vector<32xbf16>,
        %parallel_loop3A_897 = arith.constant 1 : i32
        %parallel_loop3A_898 = arith.addi %parallel_loop3A_878, %parallel_loop3A_897 : i32
        %parallel_loop3A_899 = arith.constant 7 : i32
        %parallel_loop3A_900 = arith.index_cast %parallel_loop3A_899 : i32 to index
        %parallel_loop3A_901 = arith.index_cast %parallel_loop3A_898 : i32 to index
        %parallel_loop3A_902 = arith.constant 32 : index
        %parallel_loop3A_903 = tpu.vector_load %arg7[%parallel_loop3A_900, %parallel_loop3A_901, %parallel_loop3A_902] {strides = array<i32>} : memref<8x200x64xbf16, #tpu.memory_space<vmem>>, vector<32xbf16>,
        %parallel_loop3A_904 = arith.addf %parallel_loop3A_896, %parallel_loop3A_903 : vector<32xbf16>
        %parallel_loop3A_905 = tpu.unpack_subelements %parallel_loop3A_891, 0 {pack_format = #tpu.pack_format<interleaved>} : vector<32xbf16> -> vector<16xf32>
        %parallel_loop3A_906 = tpu.unpack_subelements %parallel_loop3A_891, 1 {pack_format = #tpu.pack_format<interleaved>} : vector<32xbf16> -> vector<16xf32>
        %parallel_loop3A_907 = tpu.unpack_subelements %parallel_loop3A_904, 0 {pack_format = #tpu.pack_format<interleaved>} : vector<32xbf16> -> vector<16xf32>
        %parallel_loop3A_908 = tpu.unpack_subelements %parallel_loop3A_904, 1 {pack_format = #tpu.pack_format<interleaved>} : vector<32xbf16> -> vector<16xf32>
        %parallel_loop3A_909 = arith.addf %parallel_loop3A_873, %parallel_loop3A_905 : vector<16xf32>
        %parallel_loop3A_910 = arith.addf %parallel_loop3A_874, %parallel_loop3A_906 : vector<16xf32>
        %parallel_loop3A_911 = arith.addf %parallel_loop3A_875, %parallel_loop3A_907 : vector<16xf32>
        %parallel_loop3A_912 = arith.addf %parallel_loop3A_876, %parallel_loop3A_908 : vector<16xf32>
        scf.yield %parallel_loop3A_909, %parallel_loop3A_910, %parallel_loop3A_911, %parallel_loop3A_912 : vector<16xf32>, vector<16xf32>, vector<16xf32>, vector<16xf32>
      } {sc.loop_unroll_factor = 8 : i64, sc.parallel_access}
      %mul3A_803 = arith.constant 5.000000e-03 : f32
      %mul3A_804 = vector.broadcast %mul3A_803 : f32 to vector<16xf32>
      %mul3A_805 = arith.mulf %parallel_loop3A_802#0, %mul3A_804 : vector<16xf32>
      %add3A_806 = arith.addf %mul3A_805, %get3A_7 : vector<16xf32>
      %max3A_807 = arith.constant 0.000000e+00 : f32
      %max3A_808 = vector.broadcast %max3A_807 : f32 to vector<16xf32>
      %max3A_809 = arith.maximumf %add3A_806, %max3A_808 : vector<16xf32>
      %mul3A_810 = arith.constant 5.000000e-03 : f32
      %mul3A_811 = vector.broadcast %mul3A_810 : f32 to vector<16xf32>
      %mul3A_812 = arith.mulf %parallel_loop3A_802#1, %mul3A_811 : vector<16xf32>
      %add3A_813 = arith.addf %mul3A_812, %get3A_11 : vector<16xf32>
      %max3A_814 = arith.constant 0.000000e+00 : f32
      %max3A_815 = vector.broadcast %max3A_814 : f32 to vector<16xf32>
      %max3A_816 = arith.maximumf %add3A_813, %max3A_815 : vector<16xf32>
      %mul3A_817 = arith.constant 5.000000e-03 : f32
      %mul3A_818 = vector.broadcast %mul3A_817 : f32 to vector<16xf32>
      %mul3A_819 = arith.mulf %parallel_loop3A_802#2, %mul3A_818 : vector<16xf32>
      %add3A_820 = arith.addf %mul3A_819, %get3A_15 : vector<16xf32>
      %max3A_821 = arith.constant 0.000000e+00 : f32
      %max3A_822 = vector.broadcast %max3A_821 : f32 to vector<16xf32>
      %max3A_823 = arith.maximumf %add3A_820, %max3A_822 : vector<16xf32>
      %mul3A_824 = arith.constant 5.000000e-03 : f32
      %mul3A_825 = vector.broadcast %mul3A_824 : f32 to vector<16xf32>
      %mul3A_826 = arith.mulf %parallel_loop3A_802#3, %mul3A_825 : vector<16xf32>
      %add3A_827 = arith.addf %mul3A_826, %get3A_19 : vector<16xf32>
      %max3A_828 = arith.constant 0.000000e+00 : f32
      %max3A_829 = vector.broadcast %max3A_828 : f32 to vector<16xf32>
      %max3A_830 = arith.maximumf %add3A_827, %max3A_829 : vector<16xf32>
      %mul3A_831 = arith.mulf %max3A_809, %get3A_23 : vector<16xf32>
      %mul3A_832 = arith.mulf %max3A_816, %get3A_27 : vector<16xf32>
      %add3A_833 = arith.addf %mul3A_831, %mul3A_832 : vector<16xf32>
      %mul3A_834 = arith.mulf %max3A_823, %get3A_31 : vector<16xf32>
      %add3A_835 = arith.addf %add3A_833, %mul3A_834 : vector<16xf32>
      %mul3A_836 = arith.mulf %max3A_830, %get3A_35 : vector<16xf32>
      %add3A_837 = arith.addf %add3A_835, %mul3A_836 : vector<16xf32>
      %add3A_838 = arith.addf %add3A_837, %get3A_55 : vector<16xf32>
      %reduce_sum3A_839 = arith.constant true
      %reduce_sum3A_840 = vector.broadcast %reduce_sum3A_839 : i1 to vector<16xi1>
      %reduce_sum3A_841 = tpu.scan <sum>, %add3A_838 masked %reduce_sum3A_840 : vector<16xf32>, vector<16xi1> -> vector<16xf32>
      %reduce_sum3A_842 = vector.extract %reduce_sum3A_841[15] : f32 from vector<16xf32>
      %eq3A_843 = arith.constant 14 : i32
      %eq3A_844 = vector.broadcast %eq3A_843 : i32 to vector<16xi32>
      %eq3A_845 = arith.cmpi eq, %iota3A, %eq3A_844 : vector<16xi32>
      %broadcast_in_dim3A_846 = vector.broadcast %reduce_sum3A_842 : f32 to vector<16xf32>
      %select_n3A_847 = arith.select %eq3A_845, %broadcast_in_dim3A_846, %select_n3A_775 : vector<16xi1>, vector<16xf32>
      %mul3A_848 = arith.mulf %max3A_809, %get3A_39 : vector<16xf32>
      %mul3A_849 = arith.mulf %max3A_816, %get3A_43 : vector<16xf32>
      %add3A_850 = arith.addf %mul3A_848, %mul3A_849 : vector<16xf32>
      %mul3A_851 = arith.mulf %max3A_823, %get3A_47 : vector<16xf32>
      %add3A_852 = arith.addf %add3A_850, %mul3A_851 : vector<16xf32>
      %mul3A_853 = arith.mulf %max3A_830, %get3A_51 : vector<16xf32>
      %add3A_854 = arith.addf %add3A_852, %mul3A_853 : vector<16xf32>
      %add3A_855 = arith.addf %add3A_854, %get3A_59 : vector<16xf32>
      %reduce_sum3A_856 = arith.constant true
      %reduce_sum3A_857 = vector.broadcast %reduce_sum3A_856 : i1 to vector<16xi1>
      %reduce_sum3A_858 = tpu.scan <sum>, %add3A_855 masked %reduce_sum3A_857 : vector<16xf32>, vector<16xi1> -> vector<16xf32>
      %reduce_sum3A_859 = vector.extract %reduce_sum3A_858[15] : f32 from vector<16xf32>
      %eq3A_860 = arith.constant 15 : i32
      %eq3A_861 = vector.broadcast %eq3A_860 : i32 to vector<16xi32>
      %eq3A_862 = arith.cmpi eq, %iota3A, %eq3A_861 : vector<16xi32>
      %broadcast_in_dim3A_863 = vector.broadcast %reduce_sum3A_859 : f32 to vector<16xf32>
      %select_n3A_864 = arith.select %eq3A_862, %broadcast_in_dim3A_863, %select_n3A_847 : vector<16xi1>, vector<16xf32>
      %mul3A_865 = arith.constant 16 : i32
      %mul3A_866 = arith.muli %scan3A_69, %mul3A_865 : i32
      %add3A_867 = arith.constant 15 : i32
      %add3A_868 = arith.addi %mul3A_866, %add3A_867 : i32
      %mul3A_869 = arith.constant 16 : i32
      %mul3A_870 = arith.muli %mul3A_869, %add3A_868 : i32
      %swap3A = arith.index_cast %mul3A_870 : i32 to index
      %swap3A_871 = tpu.vector_load %arg8[%swap3A] {strides = array<i32>} : memref<1024xf32, #tpu.memory_space<vmem>>, vector<16xf32>,
      tpu.vector_store %arg8[%swap3A], %select_n3A_864 {strides = array<i32>} : memref<1024xf32, #tpu.memory_space<vmem>>, vector<16xf32>,
    }
    %scan3A_64 = arith.constant 4 : i32
    %mul3A_65 = arith.constant 512 : i32
    %mul3A_66 = arith.muli %add3A, %mul3A_65 : i32
    %mul3A_67 = arith.constant 2 : i32
    %mul3A_68 = arith.muli %mul3A_66, %mul3A_67 : i32
    "tpu.region"() ({
      %run_scoped3A = tpu.sem_alloc : memref<!tpu.dma_semaphore, #tpu.memory_space<semaphore_mem>>
      %dma_start3A = tpu.memref_slice %arg5[%mul3A_68] : memref<32768xf32, #tpu.memory_space<hbm>> -> memref<1024xf32, #tpu.memory_space<hbm>>
      %dma_start3A_69 = tpu.memref_slice %arg5[%mul3A_68] : memref<32768xf32, #tpu.memory_space<hbm>> -> memref<1024xf32, #tpu.memory_space<hbm>>
      tpu.enqueue_dma source(%arg8 : memref<1024xf32, #tpu.memory_space<vmem>>) target(%dma_start3A_69 : memref<1024xf32, #tpu.memory_space<hbm>>) target_semaphore(%run_scoped3A : memref<!tpu.dma_semaphore, #tpu.memory_space<semaphore_mem>>)
      %dma_wait3A = tpu.memref_slice %arg5[%mul3A_68] : memref<32768xf32, #tpu.memory_space<hbm>> -> memref<1024xf32, #tpu.memory_space<hbm>>
      %dma_wait3A_70 = tpu.memref_slice %arg5[%mul3A_68] : memref<32768xf32, #tpu.memory_space<hbm>> -> memref<1024xf32, #tpu.memory_space<hbm>>
      tpu.wait_dma2 semaphore(%run_scoped3A : memref<!tpu.dma_semaphore, #tpu.memory_space<semaphore_mem>>) src(%arg8 : memref<1024xf32, #tpu.memory_space<vmem>>) dst(%dma_wait3A_70 : memref<1024xf32, #tpu.memory_space<hbm>>)
      tpu.yield
    }) : () -> ()
    return
  }
}

module attributes {stable_mosaic.version = 14 : i64} {
  func.func @_proj_body(%arg0: i32, %arg1: memref<2000x128xf32, #tpu.memory_space<vmem>>, %arg2: memref<64x128xf32, #tpu.memory_space<vmem>>, %arg3: memref<2000x64xbf16, #tpu.memory_space<vmem>>) attributes {dimension_semantics = [#tpu.dimension_semantics<arbitrary>], iteration_bounds = array<i64: 50>, scalar_prefetch = 0 : i64, scratch_operands = 0 : i64, tpu.core_type = #tpu.core_type<tc>, window_params = [{transform_indices = @transform_0, window_bounds = array<i64: 2000, 128>}, {pipeline_mode = #tpu.pipeline_mode<synchronous>, transform_indices = @transform_1, window_bounds = array<i64: 64, 128>}, {transform_indices = @transform_2, window_bounds = array<i64: 2000, 64>}]} {
    %get3A = arith.constant 0 : index
    %get3A_0 = arith.constant 0 : index
    %get3A_1 = vector.load %arg1[%get3A, %get3A_0] : memref<2000x128xf32, #tpu.memory_space<vmem>>, vector<2000x128xf32>
    %get3A_2 = arith.constant 0 : index
    %get3A_3 = arith.constant 0 : index
    %get3A_4 = vector.load %arg2[%get3A_2, %get3A_3] : memref<64x128xf32, #tpu.memory_space<vmem>>, vector<64x128xf32>
    %dot_general3A = arith.constant dense<0.000000e+00> : vector<2000x64xf32>
    %dot_general3A_5 = tpu.matmul %get3A_1, %get3A_4, %dot_general3A {dimension_numbers = #tpu.dot_dimension_numbers<[1], [1], [0], [0], [0, 0, 1, 0], [], []>, transpose_lhs_hint = false} : vector<2000x128xf32>, vector<64x128xf32>, vector<2000x64xf32> -> vector<2000x64xf32>
    %convert_element_type3A = arith.truncf %dot_general3A_5 : vector<2000x64xf32> to vector<2000x64xbf16>
    %swap3A = arith.constant 0 : index
    %swap3A_6 = arith.constant 0 : index
    %swap3A_7 = vector.load %arg3[%swap3A, %swap3A_6] : memref<2000x64xbf16, #tpu.memory_space<vmem>>, vector<2000x64xbf16>
    tpu.vector_store %arg3[%swap3A, %swap3A_6], %convert_element_type3A {strides = array<i32>} : memref<2000x64xbf16, #tpu.memory_space<vmem>>, vector<2000x64xbf16>,
    return
  }
  func.func @transform_0(%arg0: i32) -> (i32, i32) {
    %c0_i32 = arith.constant 0 : i32
    %c0_i32_0 = arith.constant 0 : i32
    return %arg0, %c0_i32 : i32, i32
  }
  func.func @transform_1(%arg0: i32) -> (i32, i32) {
    %c0_i32 = arith.constant 0 : i32
    %c0_i32_0 = arith.constant 0 : i32
    %c0_i32_1 = arith.constant 0 : i32
    return %c0_i32, %c0_i32_0 : i32, i32
  }
  func.func @transform_2(%arg0: i32) -> (i32, i32) {
    %c0_i32 = arith.constant 0 : i32
    %c0_i32_0 = arith.constant 0 : i32
    return %arg0, %c0_i32 : i32, i32
  }
}

</mosaic_0001>

<sc_bundles>
// kernel: kernel.4.cloned.1.call-start
scs
__scs_entry_jumppad:
0x0: {  	(pc) =	sbr.rel $0x88, $3  }
0x1: {  	(tag) =	ssettag $0x0;
	lr =	simm.s32 $0x1  }
0x2: {  	[smem:$0x3F9B] =	sst lr;
	_ =	strace $0xD0000000  }
0x3: {  	_ = 	snop  }
0x4: {  	_ = 	snop  }
0x5: {  	_ = 	snop  }
0x6: {  	_ = 	snop  }
0x7: {  	_ = 	snop  }
__scs_overlays_trampoline_lowered:
0x8: {  	[smem:$0x3FAA] =	sst s0  }
0x9: {  	[smem:$0x3FAB] =	sst s1  }
0xa: {  	[smem:$0x3FAC] =	sst s2  }
0xb: {  	[smem:$0x3FAD] =	sst s3  }
0xc: {  	[smem:$0x3FAE] =	sst s4  }
0xd: {  	[smem:$0x3FAF] =	sst s5  }
0xe: {  	[smem:$0x3FB0] =	sst s6  }
0xf: {  	[smem:$0x3FB1] =	sst s7  }
0x10: {  	[smem:$0x3FB2] =	sst s8  }
0x11: {  	[smem:$0x3FB3] =	sst s9;
	s0 =	simm.s32 @!p0 $0x0  }
0x12: {  	s1 =	sld [smem:$0x3F99];
	s0 =	simm.s32 @p0 $0x1  }
0x13: {  	[smem:$0x3FB4] =	sst s0;
	s0 =	simm.s32 @!p1 $0x0  }
0x14: {  	s2 =	sld [smem:$0x3F98];
	s0 =	simm.s32 @p1 $0x1  }
0x15: {  	[smem:$0x3FB5] =	sst s0;
	s0 =	simm.s32 @!p2 $0x0  }
0x16: {  	s3 =	sld [smem:$0x3FDB];
	s0 =	simm.s32 @p2 $0x1  }
0x17: {  	s4 =	simm.s32 $0x1BF5;
	[smem:$0x3FB7] =	sst s0  }
0x18: {  	s0 =	sld [smem:$0x3F9A];
	_ =	swait.ge [sflag:s4], $0x0  }
0x19: {  	s7 =	sld [smem:$0x3F9B]  }
0x1a: {  	s8 =	sadd.s32 $0xFFFFE003, lr  }
0x1b: {  	s9 =	sadd.s32 $0xFFFFFEF7, lr;
	s5 =	simm.s32 $0xFFFFFFFF;
	p2 =	slt.u32 s8, $0xFFFFF086  }
0x1c: {  	p1 =	slt.u32 s9, $0xF7A;
	s5 =	simm.s32 @!p2 $0x0  }
0x1d: {  	s5 =	simm.s32 @p1 $0x1;
	p0 =	seq.s32 s7, s2  }
0x1e: {  	s7 =	smul.u32 @!p0 $0xF7A, s2;
	p2 =	seq.s32 @!p0 s5, $0x0  }
0x1f: {  	s9 =	smul.u32 $0xF7A, s1;
	s8 =	simm.s32 @!p0 $0x1BF5;
	p2 =	por !p2, p0  }
0x20: {  	[sflag:s8] =	ssyncset.s32 @!p0 $0xFFFFF086;
	s6 =	sadd.s32 @!p0 s3, s7;
	s7 =	simm.s32 @!p0 $0x108  }
0x21: {  	s3 =	sadd.s32 s3, s9;
	s6 =	sadd.s32 @!p0 $0x88, s6;
	s7 =	simm.s32 @p2 $0x1082  }
0x22: {  	[simem:s7], [sflag:s8] =	dma.local @!p0 [hbm:s6], $0xF7A  }
0x23: {  	s9 =	sor.u32 $0xD0000000, s2;
	s6 =	simm.s32 $0x108;
	_ =	swait.ge @!p0 [sflag:s8], $0x0  }
0x24: {  	s3 =	sadd.s32 $0x88, s3;
	s6 =	simm.s32 @!p1 $0x1082;
	[sflag:s4] =	ssyncset.s32 $0xFFFFF086  }
0x25: {  	[simem:s6], [sflag:s4] =	dma.local [hbm:s3], $0xF7A  }
0x26: {  	[smem:$0x3F9B] =	sst s1;
	(tag) =	ssettag s2;
	_ =	strace s9  }
0x27: {  	s1 =	sld [smem:$0x3FAB]  }
0x28: {  	s2 =	sld [smem:$0x3FAC]  }
0x29: {  	s4 =	sld [smem:$0x3FAE]  }
0x2a: {  	p0 =	seq.s32 s5, $0x0;
	s5 =	sld [smem:$0x3FAF]  }
0x2b: {  	s6 =	sld [smem:$0x3FB0]  }
0x2c: {  	s7 =	sld [smem:$0x3FB1]  }
0x2d: {  	s3 =	simm.s32 $0x108;
	s8 =	sld [smem:$0x3FB2]  }
0x2e: {  	s3 =	simm.s32 @!p0 $0x1082;
	s9 =	sld [smem:$0x3FB3]  }
0x2f: {  	lr =	sadd.s32 s0, s3;
	s0 =	sld [smem:$0x3FAA]  }
0x30: {  	s3 =	sld [smem:$0x3FAD]  }
0x31: {  	[smem:$0x3FB6] =	sst s10  }
0x32: {  	s10 =	sld [smem:$0x3FB4];
	_ =	sdelay $0x3  }
0x33: {  	p0 =	seq.s32 s10, $0x1;
	s10 =	sld [smem:$0x3FB6];
	_ =	sdelay $0x3  }
0x34: {  	[smem:$0x3FB6] =	sst s10  }
0x35: {  	s10 =	sld [smem:$0x3FB5];
	_ =	sdelay $0x3  }
0x36: {  	p1 =	seq.s32 s10, $0x1;
	s10 =	sld [smem:$0x3FB6];
	_ =	sdelay $0x3  }
0x37: {  	[smem:$0x3FB6] =	sst s10  }
0x38: {  	s10 =	sld [smem:$0x3FB7]  }
0x39: {  	_ = 	snop;
	(pc) =	sbr.ind lr, $3  }
0x3a: {  	_ = 	snop  }
0x3b: {  	_ = 	snop  }
0x3c: {  	p2 =	seq.s32 s10, $0x1;
	s10 =	sld [smem:$0x3FB6]  }
0x3d: {  	_ =	shalt  }
0x3e: {  	_ =	shalt  }
0x3f: {  	_ =	shalt  }
0x40: {  	_ =	shalt  }
0x41: {  	_ =	shalt  }
0x42: {  	_ =	shalt  }
0x43: {  	_ =	shalt  }
0x44: {  	_ =	shalt  }
0x45: {  	_ =	shalt  }
0x46: {  	_ =	shalt  }
0x47: {  	_ =	shalt  }
0x48: {  	_ =	shalt  }
0x49: {  	_ =	shalt  }
0x4a: {  	_ =	shalt  }
0x4b: {  	_ =	shalt  }
0x4c: {  	_ =	shalt  }
0x4d: {  	_ =	shalt  }
0x4e: {  	_ =	shalt  }
0x4f: {  	_ =	shalt  }
0x50: {  	_ =	shalt  }
0x51: {  	_ =	shalt  }
0x52: {  	_ =	shalt  }
0x53: {  	_ =	shalt  }
0x54: {  	_ =	shalt  }
0x55: {  	_ =	shalt  }
0x56: {  	_ =	shalt  }
0x57: {  	_ =	shalt  }
0x58: {  	_ =	shalt  }
0x59: {  	_ =	shalt  }
0x5a: {  	_ =	shalt  }
0x5b: {  	_ =	shalt  }
0x5c: {  	_ =	shalt  }
0x5d: {  	_ =	shalt  }
0x5e: {  	_ =	shalt  }
0x5f: {  	_ =	shalt  }
0x60: {  	_ =	shalt  }
0x61: {  	_ =	shalt  }
0x62: {  	_ =	shalt  }
0x63: {  	_ =	shalt  }
0x64: {  	_ =	shalt  }
0x65: {  	_ =	shalt  }
0x66: {  	_ =	shalt  }
0x67: {  	_ =	shalt  }
0x68: {  	_ =	shalt  }
0x69: {  	_ =	shalt  }
0x6a: {  	_ =	shalt  }
0x6b: {  	_ =	shalt  }
0x6c: {  	_ =	shalt  }
0x6d: {  	_ =	shalt  }
0x6e: {  	_ =	shalt  }
0x6f: {  	_ =	shalt  }
0x70: {  	_ =	shalt  }
0x71: {  	_ =	shalt  }
0x72: {  	_ =	shalt  }
0x73: {  	_ =	shalt  }
0x74: {  	_ =	shalt  }
0x75: {  	_ =	shalt  }
0x76: {  	_ =	shalt  }
0x77: {  	_ =	shalt  }
0x78: {  	_ =	shalt  }
0x79: {  	_ =	shalt  }
0x7a: {  	_ =	shalt  }
0x7b: {  	_ =	shalt  }
0x7c: {  	_ =	shalt  }
0x7d: {  	_ =	shalt  }
0x7e: {  	_ =	shalt  }
0x7f: {  	_ =	shalt  }
0x80: {  	_ =	shalt  }
0x81: {  	_ =	shalt  }
0x82: {  	_ =	shalt  }
0x83: {  	_ =	shalt  }
0x84: {  	_ =	shalt  }
0x85: {  	_ =	shalt  }
0x86: {  	_ =	shalt  }
0x87: {  	_ =	shalt  }
.Lfunc_end0:
.L_simem_size_0:
called_computation_lowered:
.L_overlay_start_0:
0x88: {  	s2 =	sld [smem:$0x3FD9]  }
0x89: {  	s3 =	sld [smem:$0x3FFE];
	_ =	sdelay $0x1  }
0x8a: {  	s1 =	srdreg.scid  }
0x8b: {  	s0 =	sand.u32 $0x1, s1  }
0x8c: {  	s17 =	sshll.u32 s0, $0xA;
	s2 =	sadd.s32 s3, s2  }
0x8d: {  	s2 =	sadd.s32 s2, s17  }
0x8e: {  	[smem:$0x3FC2] =	sst s2  }
0x8f: {  	_ = 	snop  }
0x90: {  	s2 =	sld [smem:$0x3FD0];
	(tm) =	ssettm $0x1  }
0x91: {  	s18 =	sld [smem:$0x3FFB];
	_ =	sdelay $0x3  }
0x92: {  	_ =	strace s18  }
0x93: {  	s3 =	sld [smem:$0x3FFC];
	_ =	sdelay $0x3  }
0x94: {  	_ =	strace s3  }
0x95: {  	s3 =	sld [smem:$0x3FFD];
	_ =	sdelay $0x3  }
0x96: {  	_ =	strace s3  }
0x97: {  	_ =	strace $0x8FFFFFFF  }
0x98: {  	s19 =	sld [smem:$0x3FDB];
	_ =	sdelay $0x1  }
0x99: {  	s4 =	simm.s32 $_scs_section_size  }
0x9a: {  	s5 =	simm.s32 $_size__tile_overlayer_lowered;
	s6 =	simm.s32 $_tile_overlayer_lowered  }
0x9b: {  	s22 =	simm.s32 $0x1BFF;
	s21 =	sshll.u32 s6, $0x1;
	s3 =	sadd.s32 s4, s19  }
0x9c: {  	s7 =	simm.s32 $0x0;
	s20 =	sshll.u32 s5, $0x1;
	s5 =	sadd.s32 s21, s3  }
0x9d: {  	[timem:s7], [sflag:s22] =	dma.local [hbm:s5], s20  }
0x9e: {  	_ =	swait.ge [sflag:s22], s20  }
0x9f: {  	s4 =	ssub.s32 $0x0, s20;
	[sflag:s22] =	ssyncset.done $0x0  }
0xa0: {  	[sflag:s22] =	ssyncadd.s32 s4;
	_ =	sdelay $0x1  }
0xa1: {  	s23 =	simm.s32 $0x1B8B  }
0xa2: {  	_ =	swait.ge [sflag:s23], $0x1  }
0xa3: {  	[sflag:s23] =	ssyncset.done $0x0  }
0xa4: {  	s25 =	simm.s32 $0x1B8E;
	s24 =	sld [smem:$0x3FFE];
	[sflag:s23] =	ssyncadd.s32 $0xFFFFFFFF  }
0xa5: {  	s26 =	simm.s32 $execute0_lowered;
	[smem:$0x3FD2] =	sst s25  }
0xa6: {  	s5 =	sshll.u32 s26, $0x1;
	_ =	strace $0x80000046;
	[dreg:$0x1] =	wrdreg $0xFFFFFFFF  }
0xa7: {  	s28 =	simm.s32 $_size_execute0_lowered;
	s3 =	sadd.s32 s3, s5;
	[dreg:$0x0] =	wrdreg $0x0  }
0xa8: {  	s5 =	sshll.u32 s28, $0x1;
	[dreg:$0x2] =	wrdreg s3  }
0xa9: {  	[dreg:$0x3] =	wrdreg s5  }
0xaa: {  	[dreg:$0x4] =	wrdreg $0xC0  }
0xab: {  	_ =	task [dreg:s7], $0x5FFFF  }
0xac: {  	[dreg:$0x1] =	wrdreg $0xFFFFFFFF  }
0xad: {  	[dreg:$0x0] =	wrdreg $0x60  }
0xae: {  	[dreg:$0x2] =	wrdreg s24  }
0xaf: {  	[dreg:$0x3] =	wrdreg s2  }
0xb0: {  	[dreg:$0x4] =	wrdreg $0x9  }
0xb1: {  	_ =	task.clear_ibuf [dreg:s7], $0x5FFFF;
	_ =	strace $0x90000046  }
0xb2: {  	s29 =	simm.s32 $0x9;
	_ =	strace $0x80000048  }
0xb3: {  	_ =	swait.ge [sflag:s29], $0x1  }
0xb4: {  	[sflag:s29] =	ssyncadd.s32 $0xFFFFFFFF  }
0xb5: {  	_ =	strace $0x90000048  }
0xb6: {  	_ =	sfence  }
0xb7: {  	s30 =	sld [smem:$0x0];
	_ =	sdelay $0x2  }
0xb8: {  	s31 =	sshll.u32 s1, $0xD;
	s1 =	sshrl.u32 s1, $0x2  }
0xb9: {  	s3 =	sand.u32 $0x4000, s31;
	s1 =	sadd.s32 s1, s30  }
0xba: {  	s0 =	sor.u32 s3, s0;
	s1 =	sshll.u32 s1, $0x11  }
0xbb: {  	s0 =	sor.u32 s1, s0  }
0xbc: {  	s0 =	sadd.s32 $0x8F2B, s0  }
0xbd: {  	[sflag:s0] =	ssyncadd.remote.s32 $0x1  }
0xbe: {  	_ =	sfence.sel $0xFFFF  }
0xbf: {  	[dreg:$0x0] =	wrdreg $0xFFFFFFFF;
	(pc) =	sbr.abs _section_cstart, $3  }
0xc0: {  	[dreg:$0x1] =	wrdreg $0xFFFFFFFF  }
0xc1: {  	_ =	task.clear_ibuf [dreg:s7], $0x2FFFF;
	_ =	strace $0x9FFFFFFF  }
0xc2: {  	(tm) =	ssettm $0x7FFFFFFF  }
0xc3: {  	_ =	shalt  }
tec
execute0_lowered:
.L_overlay_start_1:
0x0: {  	(tag) =	ssettag $0x1  }
0x1: {  	s0 =	rddreg [dreg:$0x0]  }
0x2: {  	s1 =	rddreg [dreg:$0x1]  }
0x3: {  	s2 =	simm.s32 $0x0;
	s4 =	srdreg.scid;
	s6 =	stileid.u32  }
0x4: {  	s10 =	simm.s32 $0x2;
	s11 =	simm.s32 $0xC8;
	s12 =	simm.s32 $0x6400  }
0x5: {  	s13 =	simm.s32 $0x7D00;
	s14 =	simm.s32 $0x190;
	s15 =	simm.s32 $0x9600  }
0x6: {  	s16 =	simm.s32 $0x258;
	s17 =	simm.s32 $0xAF00;
	s18 =	simm.s32 $0x320  }
0x7: {  	s19 =	simm.s32 $0xC800;
	s20 =	simm.s32 $0x3E8;
	s21 =	simm.s32 $0xE100  }
0x8: {  	s22 =	simm.s32 $0x4B0;
	s23 =	simm.s32 $0xFA00;
	s24 =	simm.s32 $0x1  }
0x9: {  	s25 =	simm.s32 $0x11300;
	s26 =	simm.s32 $0x6338;
	s29 =	simm.s32 $0x0  }
0xa: {  	vm0 =	vmmov $0x1;
	vm1 =	vmmov $0x3;
	vm2 =	vmmov $0x7;
	[smem:$0x7FF] =	sst s2;
	s3 =	sadd.s32 $0xC5600, s0;
	s5 =	sand.u32 $0x1, s4  }
0xb: {  	vm4 =	vmmov $0xf;
	vm3 =	vmmov $0x1f;
	vm5 =	vmmov $0x3f;
	s6 =	sshll.u32 s6, $0x1;
	s4 =	sadd.s32 $0x63A00, s0;
	s7 =	ssub.s32 $0x2, s5  }
0xc: {  	vm6 =	vmmov $0x7f;
	vm7 =	vmmov $0xff;
	vm8 =	vmmov $0x1ff;
	_ =	strace $0x80000047;
	s6 =	sor.u32 s5, s6;
	s31 =	sshrl.u32 s7, $0x1  }
0xd: {  	vm9 =	vmmov $0x3ff;
	vm10 =	vmmov $0x7ff;
	vm11 =	vmmov $0xfff;
	s5 =	sadd.s32 $0x1C00, s0;
	s8 =	sshll.u32 s6, $0x7;
	s0 =	ssub.s32 s7, s31  }
0xe: {  	vm12 =	vmmov $0x1fff;
	vm13 =	vmmov $0x3fff;
	vm14 =	vmmov $0x7fff;
	s6 =	smul.u32 $0x19000, s6;
	s7 =	sadd.s32 s1, s8;
	s8 =	smax.u32 s0, $0x1  }
.LBB2_1:
0xf: {  	s0 =	simm.s32 $0x13000  }
0x10: {  	[tilespmem:s0], [sflag:$0x2] =	stream.linear.gather [hbm4b:s5+s2], $0x140, $0x38;
	[tilespmem:$0x13140] =	vst v63  }
0x11: {  	_ =	swait.ge [sflag:s10], $0x140  }
0x12: {  	[sflag:s10] =	ssyncset.done $0x0  }
0x13: {  	[sflag:s10] =	ssyncadd.s32 $0xFFFFFEC0  }
0x14: {  	v0 =	vld [tilespmem:$0x13000]  }
0x15: {  	v1 =	vld [tilespmem:$0x13010]  }
0x16: {  	v2 =	vld [tilespmem:$0x13020]  }
0x17: {  	v3 =	vld [tilespmem:$0x13030]  }
0x18: {  	v4 =	vld [tilespmem:$0x13040]  }
0x19: {  	v5 =	vld [tilespmem:$0x13050]  }
0x1a: {  	v6 =	vld [tilespmem:$0x13060]  }
0x1b: {  	v7 =	vld [tilespmem:$0x13070]  }
0x1c: {  	v8 =	vld [tilespmem:$0x13080]  }
0x1d: {  	v9 =	vld [tilespmem:$0x13090]  }
0x1e: {  	v10 =	vld [tilespmem:$0x130A0]  }
0x1f: {  	v11 =	vld [tilespmem:$0x130B0]  }
0x20: {  	v12 =	vld [tilespmem:$0x130C0]  }
0x21: {  	s30 =	simm.s32 $0x0;
	v13 =	vld [tilespmem:$0x13100]  }
.LBB2_2:
0x22: {  	s0 =	smul.u32 $0x6400, s30;
	_ =	sdelay $0x1  }
0x23: {  	s0 =	sadd.s32 s6, s0  }
0x24: {  	s0 =	sshrl.u32 s0, $0x3  }
0x25: {  	s1 =	sadd.s32 s3, s0;
	s0 =	simm.s32 $0x0  }
0x26: {  	[tilespmem:s0], [sflag:$0x2] =	stream.linear.gather [hbm4b:s1+s0], $0x6400, $0x38;
	[tilespmem:$0x13140] =	vst v63  }
0x27: {  	_ =	swait.ge [sflag:s10], $0x6400  }
0x28: {  	[sflag:s10] =	ssyncset.done $0x0  }
0x29: {  	[sflag:s10] =	ssyncadd.s32 $0xFFFF9C00  }
0x2a: {  	[tilespmem:s12], [sflag:$0x1] =	stream.indirect.gather [hbm4b:s4+s11], $0x20, s0, s11, $0xb8;
	[tilespmem:$0x13140] =	vst v63  }
0x2b: {  	_ = 	snop  }
0x2c: {  	[tilespmem:s13], [sflag:$0x1] =	stream.indirect.gather [hbm4b:s4+s11], $0x20, s11, s11, $0xb8;
	[tilespmem:$0x13140] =	vst v63  }
0x2d: {  	_ = 	snop  }
0x2e: {  	[tilespmem:s15], [sflag:$0x1] =	stream.indirect.gather [hbm4b:s4+s11], $0x20, s14, s11, $0xb8;
	[tilespmem:$0x13140] =	vst v63  }
0x2f: {  	s28 =	sshll.u32 s30, $0x8  }
0x30: {  	[tilespmem:s17], [sflag:$0x1] =	stream.indirect.gather [hbm4b:s4+s11], $0x20, s16, s11, $0xb8;
	[tilespmem:$0x13140] =	vst v63  }
0x31: {  	s31 =	sand.u32 $0x3FFFFF00, s28  }
0x32: {  	[tilespmem:s19], [sflag:$0x1] =	stream.indirect.gather [hbm4b:s4+s11], $0x20, s18, s11, $0xb8;
	[tilespmem:$0x13140] =	vst v63  }
0x33: {  	s1 =	sadd.s32 $0x12C00, s31  }
0x34: {  	v14 =	vmov s1;
	[tilespmem:s21], [sflag:$0x1] =	stream.indirect.gather [hbm4b:s4+s11], $0x20, s20, s11, $0xb8;
	[tilespmem:$0x13140] =	vst v63  }
0x35: {  	[tilespmem:$0x1FFF0] =	vst v14  }
0x36: {  	[tilespmem:s23], [sflag:$0x1] =	stream.indirect.gather [hbm4b:s4+s11], $0x20, s22, s11, $0xb8;
	[tilespmem:$0x13140] =	vst v63  }
.LBB2_3:
0x37: {  	s1 =	smul.u32 $0x1900, s0  }
0x38: {  	_ =	swait.ge [sflag:s24], $0x1900  }
0x39: {  	[sflag:s24] =	ssyncset.done $0x0;
	s1 =	sshra.s32 s1, $0x2  }
0x3a: {  	s28 =	simm.s32 $0x6500;
	[sflag:s24] =	ssyncadd.s32 $0xFFFFE700;
	s9 =	sadd.s32 $0x578, s1  }
0x3b: {  	[tilespmem:s25], [sflag:$0x1] =	stream.indirect.gather [hbm4b:s4+s11], $0x20, s9, s11, $0xb8;
	[tilespmem:$0x13140] =	vst v63  }
0x3c: {  	v15 =	vld [tilespmem:s28+$0xE0]  }
0x3d: {  	v22 =	vld [tilespmem:s28+$0x70]  }
0x3e: {  	v17 =	vld [tilespmem:s28+$0xFFFFFFB0]  }
0x3f: {  	v19 =	vld [tilespmem:s28+$0xFFFFFF70]  }
0x40: {  	v20 =	vld [tilespmem:s28+$0xFFFFFF50]  }
0x41: {  	v21 =	vld [tilespmem:s28+$0xFFFFFF00]  }
0x42: {  	v23 =	vld [tilespmem:s28+$0xFFFFFF30]  }
0x43: {  	v24 =	vld [tilespmem:s28+$0xFFFFFF10]  }
0x44: {  	v25 =	vld [tilespmem:s28+$0xFFFFFF20]  }
0x45: {  	v26 =	vld [tilespmem:s28+$0xFFFFFF60]  }
0x46: {  	v27 =	vld [tilespmem:s28+$0xFFFFFF40]  }
0x47: {  	v28 =	vld [tilespmem:s28+$0xFFFFFF90]  }
0x48: {  	v16 =	vld [tilespmem:s28+$0xFFFFFFA0]  }
0x49: {  	v30 =	vld [tilespmem:s28+$0xFFFFFFC0]  }
0x4a: {  	v33 =	vld [tilespmem:s28+$0xFFFFFFD0];
	v23 =	vadd.bf16 v23, v24  }
0x4b: {  	v29 =	vimm.f32 $0.0e+00;
	v24 =	vld [tilespmem:s28+$0xFFFFFF80];
	v21 =	vadd.bf16 v25, v21;
	v19 =	vadd.bf16 v19, v20  }
0x4c: {  	v25 =	vld [tilespmem:s28+$0xFFFFFFE0];
	v26 =	vadd.bf16 v26, v27;
	v17 =	vadd.bf16 v17, v28;
	v20 =	vunpack.i.u.bf16.f32 v23  }
0x4d: {  	v27 =	vld [tilespmem:s28+$0xFFFFFFF0];
	v23 =	vunpack.i.l.bf16.f32 v23;
	v31 =	vunpack.i.l.bf16.f32 v21;
	v21 =	vunpack.i.u.bf16.f32 v21  }
0x4e: {  	v63 =	vld [tilespmem:s28+$0x50];
	v32 =	vunpack.i.l.bf16.f32 v19;
	v23 =	vadd.f32 v23, v29;
	v31 =	vadd.f32 v31, v29  }
0x4f: {  	v18 =	vld [tilespmem:s28+$0x20];
	v34 =	vunpack.i.l.bf16.f32 v26;
	v20 =	vadd.f32 v20, v29;
	v21 =	vadd.f32 v21, v29  }
0x50: {  	v28 =	vld [tilespmem:s28+$0x10];
	v32 =	vadd.f32 v32, v23;
	v31 =	vadd.f32 v34, v31  }
0x51: {  	v19 =	vunpack.i.u.bf16.f32 v19;
	v24 =	vadd.bf16 v16, v24;
	v25 =	vadd.bf16 v25, v30;
	v30 =	vld [tilespmem:s28+$0x0]  }
0x52: {  	v26 =	vunpack.i.u.bf16.f32 v26;
	v23 =	vld [tilespmem:s28+$0x30];
	v19 =	vadd.f32 v19, v20;
	v27 =	vadd.bf16 v27, v33  }
0x53: {  	v62 =	vld [tilespmem:s28+$0x40];
	v20 =	vunpack.i.u.bf16.f32 v17;
	v26 =	vadd.f32 v26, v21;
	v34 =	vadd.bf16 v22, v63  }
0x54: {  	v29 =	vld [tilespmem:s28+$0x60];
	v16 =	vunpack.i.u.bf16.f32 v25;
	v21 =	vunpack.i.l.bf16.f32 v24;
	v19 =	vadd.f32 v20, v19  }
0x55: {  	v22 =	vld [tilespmem:s28+$0xC0];
	v25 =	vunpack.i.l.bf16.f32 v25;
	v31 =	vadd.f32 v21, v31;
	v21 =	vunpack.i.u.bf16.f32 v27  }
0x56: {  	v20 =	vunpack.i.l.bf16.f32 v17;
	v17 =	vld [tilespmem:s28+$0xB0];
	v21 =	vadd.f32 v21, v19;
	v30 =	vadd.bf16 v18, v30  }
0x57: {  	v35 =	vunpack.i.u.bf16.f32 v24;
	v24 =	vld [tilespmem:s28+$0x80];
	v25 =	vadd.f32 v25, v31;
	v28 =	vadd.bf16 v23, v28  }
0x58: {  	v27 =	vunpack.i.l.bf16.f32 v27;
	v19 =	vld [tilespmem:s28+$0xA0];
	v23 =	vadd.f32 v35, v26;
	v31 =	vadd.f32 v20, v32  }
0x59: {  	v20 =	vld [tilespmem:s28+$0x90];
	v26 =	vadd.bf16 v29, v62;
	v18 =	vunpack.i.u.bf16.f32 v30;
	v30 =	vunpack.i.l.bf16.f32 v30  }
0x5a: {  	v31 =	vadd.f32 v27, v31;
	v32 =	vunpack.i.u.bf16.f32 v28;
	v33 =	vunpack.i.l.bf16.f32 v28;
	v27 =	vld [tilespmem:s28+$0xF0]  }
0x5b: {  	s9 =	simm.s32 $0x0;
	v28 =	vunpack.i.u.bf16.f32 v34;
	v29 =	vadd.f32 v30, v25;
	v25 =	vld [tilespmem:s28+$0xD0];
	v30 =	vunpack.i.l.bf16.f32 v34;
	s28 =	simm.s32 $0x6700  }
.LBB2_4:
0x5c: {  	v34 =	vld [tilespmem:s28+$0xE0];
	s9 =	sadd.s32 $0x8, s9;
	v31 =	vadd.f32 v33, v31;
	v21 =	vadd.f32 v32, v21;
	v32 =	vunpack.i.l.bf16.f32 v26  }
0x5d: {  	v26 =	vunpack.i.u.bf16.f32 v26;
	v19 =	vadd.bf16 v19, v24;
	v33 =	vld [tilespmem:s28+$0x70];
	p0 =	slt.u32 s9, $0x58;
	v29 =	vadd.f32 v32, v29  }
0x5e: {  	v16 =	vadd.f32 v16, v23;
	v24 =	vld [tilespmem:s28+$0x20];
	v23 =	vadd.f32 v30, v31  }
0x5f: {  	v17 =	vadd.bf16 v17, v20;
	v21 =	vadd.f32 v28, v21;
	v20 =	vunpack.i.l.bf16.f32 v19;
	v30 =	vld [tilespmem:s28+$0xFFFFFFA0]  }
0x60: {  	v22 =	vadd.bf16 v15, v22;
	v28 =	vld [tilespmem:s28+$0xFFFFFFB0];
	v25 =	vadd.bf16 v27, v25  }
0x61: {  	v31 =	vunpack.i.u.bf16.f32 v17;
	v17 =	vunpack.i.l.bf16.f32 v17;
	v20 =	vadd.f32 v20, v29;
	v27 =	vld [tilespmem:s28+$0xFFFFFF70];
	v15 =	vmovc v34  }
0x62: {  	v16 =	vadd.f32 v18, v16;
	v29 =	vld [tilespmem:s28+$0xFFFFFF50];
	v18 =	vunpack.i.u.bf16.f32 v25;
	v25 =	vunpack.i.l.bf16.f32 v25  }
0x63: {  	v17 =	vadd.f32 v17, v23;
	v21 =	vadd.f32 v31, v21;
	v23 =	vunpack.i.l.bf16.f32 v22;
	v32 =	vld [tilespmem:s28+$0xFFFFFF00]  }
0x64: {  	v19 =	vunpack.i.u.bf16.f32 v19;
	v16 =	vadd.f32 v26, v16;
	v20 =	vadd.f32 v23, v20;
	v31 =	vld [tilespmem:s28+$0xFFFFFF30]  }
0x65: {  	v17 =	vadd.f32 v25, v17;
	v18 =	vadd.f32 v18, v21;
	v23 =	vld [tilespmem:s28+$0xFFFFFF10]  }
0x66: {  	v16 =	vadd.f32 v19, v16;
	v19 =	vunpack.i.u.bf16.f32 v22;
	v21 =	vld [tilespmem:s28+$0xFFFFFF20]  }
0x67: {  	v22 =	vld [tilespmem:s28+$0xFFFFFF60];
	v25 =	vadd.bf16 v27, v29  }
0x68: {  	v16 =	vadd.f32 v19, v16;
	v26 =	vld [tilespmem:s28+$0xFFFFFF40]  }
0x69: {  	v19 =	vld [tilespmem:s28+$0xFFFFFF90]  }
0x6a: {  	v23 =	vadd.bf16 v31, v23;
	v27 =	vld [tilespmem:s28+$0xFFFFFF80]  }
0x6b: {  	v21 =	vadd.bf16 v21, v32;
	v29 =	vld [tilespmem:s28+$0xFFFFFFE0]  }
0x6c: {  	v31 =	vunpack.i.u.bf16.f32 v23;
	v23 =	vunpack.i.l.bf16.f32 v23;
	v32 =	vld [tilespmem:s28+$0xFFFFFFC0]  }
0x6d: {  	v34 =	vunpack.i.l.bf16.f32 v21;
	v17 =	vadd.f32 v23, v17;
	v22 =	vadd.bf16 v22, v26;
	v23 =	vld [tilespmem:s28+$0xFFFFFFF0]  }
0x6e: {  	v21 =	vunpack.i.u.bf16.f32 v21;
	v26 =	vunpack.i.l.bf16.f32 v25;
	v20 =	vadd.f32 v34, v20;
	v34 =	vld [tilespmem:s28+$0xFFFFFFD0]  }
0x6f: {  	v18 =	vadd.f32 v31, v18;
	v31 =	vunpack.i.l.bf16.f32 v22;
	v26 =	vadd.f32 v26, v17;
	v35 =	vld [tilespmem:s28+$0x30]  }
0x70: {  	v19 =	vadd.bf16 v28, v19;
	v17 =	vunpack.i.u.bf16.f32 v25;
	v20 =	vadd.f32 v31, v20;
	v25 =	vld [tilespmem:s28+$0x10]  }
0x71: {  	v22 =	vunpack.i.u.bf16.f32 v22;
	v27 =	vadd.bf16 v30, v27;
	v28 =	vadd.bf16 v29, v32;
	v29 =	vld [tilespmem:s28+$0x0]  }
0x72: {  	v21 =	vadd.f32 v21, v16;
	v17 =	vadd.f32 v17, v18;
	v18 =	vunpack.i.u.bf16.f32 v19;
	v30 =	vld [tilespmem:s28+$0x60]  }
0x73: {  	v23 =	vadd.bf16 v23, v34;
	v16 =	vunpack.i.u.bf16.f32 v28;
	v28 =	vunpack.i.l.bf16.f32 v28;
	v31 =	vld [tilespmem:s28+$0x40]  }
0x74: {  	v22 =	vadd.f32 v22, v21;
	v21 =	vunpack.i.l.bf16.f32 v27;
	v18 =	vadd.f32 v18, v17;
	v32 =	vld [tilespmem:s28+$0x50]  }
0x75: {  	v20 =	vadd.f32 v21, v20;
	v34 =	vunpack.i.l.bf16.f32 v19;
	v19 =	vunpack.i.u.bf16.f32 v23;
	v17 =	vld [tilespmem:s28+$0xB0]  }
0x76: {  	v27 =	vunpack.i.u.bf16.f32 v27;
	v21 =	vadd.f32 v19, v18;
	v29 =	vadd.bf16 v24, v29;
	v19 =	vld [tilespmem:s28+$0xA0]  }
.Ltmp0:
0x77: {  	v28 =	vadd.f32 v28, v20;
	v36 =	vunpack.i.l.bf16.f32 v23;
	v35 =	vadd.bf16 v35, v25;
	v24 =	vld [tilespmem:s28+$0x80];
	(pc) =	sbr.rel @p0 .LBB2_4-.Ltmp0, $4  }
0x78: {  	v23 =	vadd.f32 v27, v22;
	v25 =	vadd.f32 v34, v26;
	v18 =	vunpack.i.u.bf16.f32 v29;
	v20 =	vld [tilespmem:s28+$0x90]  }
0x79: {  	v27 =	vunpack.i.l.bf16.f32 v29;
	v26 =	vadd.bf16 v30, v31;
	v30 =	vadd.bf16 v33, v32;
	v22 =	vld [tilespmem:s28+$0xC0]  }
0x7a: {  	v31 =	vadd.f32 v36, v25;
	v32 =	vunpack.i.u.bf16.f32 v35;
	v29 =	vadd.f32 v27, v28;
	v25 =	vld [tilespmem:s28+$0xD0]  }
0x7b: {  	v33 =	vunpack.i.l.bf16.f32 v35;
	v28 =	vunpack.i.u.bf16.f32 v30;
	v30 =	vunpack.i.l.bf16.f32 v30;
	v27 =	vld [tilespmem:s28+$0xF0];
	s28 =	sadd.s32 $0x200, s28  }
0x7c: {  	v31 =	vadd.f32 v33, v31;
	v21 =	vadd.f32 v32, v21  }
0x7d: {  	v58 =	vunpack.i.l.bf16.f32 v26;
	v19 =	vadd.bf16 v19, v24;
	v16 =	vadd.f32 v16, v23  }
0x7e: {  	v60 =	vunpack.i.u.bf16.f32 v26;
	v29 =	vadd.f32 v58, v29;
	v17 =	vadd.bf16 v17, v20  }
0x7f: {  	v59 =	vadd.f32 v30, v31;
	v21 =	vadd.f32 v28, v21;
	v20 =	vunpack.i.l.bf16.f32 v19  }
0x80: {  	v16 =	vadd.f32 v18, v16;
	v15 =	vadd.bf16 v15, v22;
	v18 =	vunpack.i.u.bf16.f32 v17  }
0x81: {  	v17 =	vunpack.i.l.bf16.f32 v17;
	v20 =	vadd.f32 v20, v29;
	v25 =	vadd.bf16 v27, v25  }
0x82: {  	v16 =	vadd.f32 v60, v16;
	v23 =	vadd.f32 v17, v59  }
0x83: {  	v17 =	vunpack.i.u.bf16.f32 v19;
	v18 =	vadd.f32 v18, v21;
	v19 =	vunpack.i.l.bf16.f32 v15  }
0x84: {  	v61 =	vunpack.i.u.bf16.f32 v25;
	v62 =	vunpack.i.l.bf16.f32 v25;
	v63 =	vadd.f32 v17, v16  }
0x85: {  	v17 =	vadd.f32 v19, v20;
	v19 =	vunpack.i.u.bf16.f32 v15;
	v16 =	vadd.f32 v62, v23  }
0x86: {  	s9 =	simm.s32 $0x0;
	v15 =	vadd.f32 v61, v18;
	v18 =	vadd.f32 v19, v63  }
.LBB2_6:
0x87: {  	s28 =	sshra.s32 s9, $0x2  }
0x88: {  	v19 =	vld [tilespmem:s28+$0x7C00]  }
0x89: {  	v20 =	vld [tilespmem:s28+$0x7C20]  }
0x8a: {  	v21 =	vld [tilespmem:s28+$0x7C10]  }
0x8b: {  	v22 =	vld [tilespmem:s28+$0x7C30];
	_ =	sdelay $0x3  }
0x8c: {  	p0 =	sne.s32 s9, $0x300  }
.Ltmp1:
0x8d: {  	v19 =	vadd.bf16 v20, v19;
	v20 =	vadd.bf16 v22, v21;
	(pc) =	sbr.rel @p0 .LBB2_6-.Ltmp1, $4  }
0x8e: {  	_ = 	snop  }
0x8f: {  	v63 =	vunpack.i.u.bf16.f32 v19;
	v19 =	vunpack.i.l.bf16.f32 v19;
	v22 =	vunpack.i.u.bf16.f32 v20  }
0x90: {  	v20 =	vunpack.i.l.bf16.f32 v20;
	v17 =	vadd.f32 v19, v17;
	v18 =	vadd.f32 v63, v18  }
0x91: {  	s9 =	sadd.s32 $0x100, s9;
	v16 =	vadd.f32 v20, v16;
	v15 =	vadd.f32 v22, v15  }
0x92: {  	_ =	swait.ge [sflag:s24], $0x1900  }
0x93: {  	[sflag:s24] =	ssyncset.done $0x0  }
0x94: {  	s9 =	sadd.s32 $0x640, s1;
	s28 =	simm.s32 $0x7EF0;
	[sflag:s24] =	ssyncadd.s32 $0xFFFFE700  }
0x95: {  	[tilespmem:s12], [sflag:$0x1] =	stream.indirect.gather [hbm4b:s4+s11], $0x20, s9, s11, $0xb8;
	[tilespmem:$0x13140] =	vst v63  }
0x96: {  	v26 =	vld [tilespmem:s28+$0xFFFFFF80]  }
0x97: {  	v22 =	vld [tilespmem:s28+$0xFFFFFF30]  }
0x98: {  	v21 =	vld [tilespmem:s28+$0xFFFFFEC0]  }
0x99: {  	v23 =	vld [tilespmem:s28+$0xFFFFFE80]  }
0x9a: {  	v24 =	vld [tilespmem:s28+$0xFFFFFE60]  }
0x9b: {  	v25 =	vld [tilespmem:s28+$0xFFFFFE10]  }
0x9c: {  	v27 =	vld [tilespmem:s28+$0xFFFFFE40]  }
0x9d: {  	v28 =	vld [tilespmem:s28+$0xFFFFFE20]  }
0x9e: {  	v29 =	vld [tilespmem:s28+$0xFFFFFE30]  }
0x9f: {  	v30 =	vld [tilespmem:s28+$0xFFFFFE70]  }
0xa0: {  	v31 =	vld [tilespmem:s28+$0xFFFFFE50]  }
0xa1: {  	v32 =	vld [tilespmem:s28+$0xFFFFFEA0]  }
0xa2: {  	v20 =	vld [tilespmem:s28+$0xFFFFFEB0]  }
0xa3: {  	v34 =	vld [tilespmem:s28+$0xFFFFFED0]  }
0xa4: {  	v37 =	vld [tilespmem:s28+$0xFFFFFEE0];
	v27 =	vadd.bf16 v27, v28  }
0xa5: {  	v33 =	vimm.f32 $0.0e+00;
	v28 =	vld [tilespmem:s28+$0xFFFFFE90];
	v25 =	vadd.bf16 v29, v25;
	v23 =	vadd.bf16 v23, v24  }
0xa6: {  	v29 =	vld [tilespmem:s28+$0xFFFFFEF0];
	v30 =	vadd.bf16 v30, v31;
	v21 =	vadd.bf16 v21, v32;
	v24 =	vunpack.i.u.bf16.f32 v27  }
0xa7: {  	v31 =	vld [tilespmem:s28+$0xFFFFFF00];
	v27 =	vunpack.i.l.bf16.f32 v27;
	v35 =	vunpack.i.l.bf16.f32 v25;
	v25 =	vunpack.i.u.bf16.f32 v25  }
0xa8: {  	v59 =	vld [tilespmem:s28+$0xFFFFFF10];
	v36 =	vunpack.i.l.bf16.f32 v23;
	v27 =	vadd.f32 v27, v33;
	v35 =	vadd.f32 v35, v33  }
0xa9: {  	v62 =	vld [tilespmem:s28+$0xFFFFFF60];
	v38 =	vunpack.i.l.bf16.f32 v30;
	v24 =	vadd.f32 v24, v33;
	v25 =	vadd.f32 v25, v33  }
0xaa: {  	v19 =	vld [tilespmem:s28+$0xFFFFFFF0];
	v36 =	vadd.f32 v36, v27;
	v35 =	vadd.f32 v38, v35  }
0xab: {  	v58 =	vld [tilespmem:s28+$0xFFFFFF20];
	v23 =	vunpack.i.u.bf16.f32 v23;
	v28 =	vadd.bf16 v20, v28;
	v29 =	vadd.bf16 v29, v34  }
0xac: {  	v60 =	vld [tilespmem:s28+$0xFFFFFF70];
	v30 =	vunpack.i.u.bf16.f32 v30;
	v23 =	vadd.f32 v23, v24;
	v31 =	vadd.bf16 v31, v37  }
0xad: {  	v27 =	vld [tilespmem:s28+$0xFFFFFF40];
	v24 =	vunpack.i.u.bf16.f32 v21;
	v30 =	vadd.f32 v30, v25;
	v34 =	vadd.bf16 v22, v59  }
0xae: {  	v61 =	vld [tilespmem:s28+$0xFFFFFF50];
	v38 =	vadd.bf16 v26, v62;
	v20 =	vunpack.i.u.bf16.f32 v29;
	v29 =	vunpack.i.l.bf16.f32 v29  }
0xaf: {  	v26 =	vld [tilespmem:s28+$0xFFFFFFD0];
	v25 =	vunpack.i.l.bf16.f32 v28;
	v23 =	vadd.f32 v24, v23;
	v24 =	vunpack.i.l.bf16.f32 v21  }
0xb0: {  	v21 =	vld [tilespmem:s28+$0xFFFFFFC0];
	v39 =	vunpack.i.u.bf16.f32 v28;
	v35 =	vadd.f32 v25, v35;
	v25 =	vunpack.i.u.bf16.f32 v31  }
0xb1: {  	v28 =	vld [tilespmem:s28+$0xFFFFFF90];
	v22 =	vunpack.i.u.bf16.f32 v34;
	v63 =	vadd.f32 v24, v36;
	v25 =	vadd.f32 v25, v23  }
0xb2: {  	v34 =	vunpack.i.l.bf16.f32 v34;
	v23 =	vld [tilespmem:s28+$0xFFFFFFB0];
	v29 =	vadd.f32 v29, v35;
	v32 =	vadd.bf16 v27, v58  }
0xb3: {  	v31 =	vunpack.i.l.bf16.f32 v31;
	v24 =	vld [tilespmem:s28+$0xFFFFFFA0];
	v27 =	vadd.f32 v39, v30;
	v30 =	vadd.bf16 v60, v61  }
0xb4: {  	v35 =	vadd.f32 v31, v63;
	v31 =	vld [tilespmem:s28+$0x0];
	v36 =	vunpack.i.u.bf16.f32 v32;
	v33 =	vadd.f32 v34, v29  }
0xb5: {  	s9 =	simm.s32 $0x0;
	v29 =	vld [tilespmem:s28+$0xFFFFFFE0];
	v37 =	vunpack.i.l.bf16.f32 v32;
	v32 =	vunpack.i.u.bf16.f32 v38;
	v34 =	vunpack.i.l.bf16.f32 v38;
	s28 =	simm.s32 $0x80F0  }
.LBB2_8:
0xb6: {  	v38 =	vld [tilespmem:s28+$0xFFFFFFF0];
	s9 =	sadd.s32 $0x8, s9;
	v35 =	vadd.f32 v37, v35;
	v25 =	vadd.f32 v36, v25;
	v36 =	vunpack.i.l.bf16.f32 v30  }
0xb7: {  	v30 =	vunpack.i.u.bf16.f32 v30;
	v23 =	vadd.bf16 v23, v28;
	v37 =	vld [tilespmem:s28+$0xFFFFFF80];
	p0 =	slt.u32 s9, $0x58;
	v33 =	vadd.f32 v36, v33  }
0xb8: {  	v20 =	vadd.f32 v20, v27;
	v28 =	vld [tilespmem:s28+$0xFFFFFF30];
	v27 =	vadd.f32 v34, v35  }
0xb9: {  	v21 =	vadd.bf16 v21, v24;
	v25 =	vadd.f32 v32, v25;
	v24 =	vunpack.i.l.bf16.f32 v23;
	v34 =	vld [tilespmem:s28+$0xFFFFFEB0]  }
0xba: {  	v26 =	vadd.bf16 v19, v26;
	v32 =	vld [tilespmem:s28+$0xFFFFFEC0];
	v29 =	vadd.bf16 v31, v29  }
0xbb: {  	v35 =	vunpack.i.u.bf16.f32 v21;
	v21 =	vunpack.i.l.bf16.f32 v21;
	v24 =	vadd.f32 v24, v33;
	v31 =	vld [tilespmem:s28+$0xFFFFFE80];
	v19 =	vmovc v38  }
0xbc: {  	v20 =	vadd.f32 v22, v20;
	v33 =	vld [tilespmem:s28+$0xFFFFFE60];
	v22 =	vunpack.i.u.bf16.f32 v29;
	v29 =	vunpack.i.l.bf16.f32 v29  }
0xbd: {  	v21 =	vadd.f32 v21, v27;
	v25 =	vadd.f32 v35, v25;
	v27 =	vunpack.i.l.bf16.f32 v26;
	v36 =	vld [tilespmem:s28+$0xFFFFFE10]  }
0xbe: {  	v23 =	vunpack.i.u.bf16.f32 v23;
	v20 =	vadd.f32 v30, v20;
	v24 =	vadd.f32 v27, v24;
	v35 =	vld [tilespmem:s28+$0xFFFFFE40]  }
0xbf: {  	v21 =	vadd.f32 v29, v21;
	v22 =	vadd.f32 v22, v25;
	v27 =	vld [tilespmem:s28+$0xFFFFFE20]  }
0xc0: {  	v20 =	vadd.f32 v23, v20;
	v23 =	vunpack.i.u.bf16.f32 v26;
	v25 =	vld [tilespmem:s28+$0xFFFFFE30]  }
0xc1: {  	v26 =	vld [tilespmem:s28+$0xFFFFFE70];
	v29 =	vadd.bf16 v31, v33  }
0xc2: {  	v20 =	vadd.f32 v23, v20;
	v30 =	vld [tilespmem:s28+$0xFFFFFE50]  }
0xc3: {  	v23 =	vld [tilespmem:s28+$0xFFFFFEA0]  }
0xc4: {  	v27 =	vadd.bf16 v35, v27;
	v31 =	vld [tilespmem:s28+$0xFFFFFE90]  }
0xc5: {  	v25 =	vadd.bf16 v25, v36;
	v33 =	vld [tilespmem:s28+$0xFFFFFEF0]  }
0xc6: {  	v35 =	vunpack.i.u.bf16.f32 v27;
	v27 =	vunpack.i.l.bf16.f32 v27;
	v36 =	vld [tilespmem:s28+$0xFFFFFED0]  }
0xc7: {  	v38 =	vunpack.i.l.bf16.f32 v25;
	v21 =	vadd.f32 v27, v21;
	v26 =	vadd.bf16 v26, v30;
	v27 =	vld [tilespmem:s28+$0xFFFFFF00]  }
0xc8: {  	v25 =	vunpack.i.u.bf16.f32 v25;
	v30 =	vunpack.i.l.bf16.f32 v29;
	v24 =	vadd.f32 v38, v24;
	v38 =	vld [tilespmem:s28+$0xFFFFFEE0]  }
0xc9: {  	v22 =	vadd.f32 v35, v22;
	v35 =	vunpack.i.l.bf16.f32 v26;
	v30 =	vadd.f32 v30, v21;
	v39 =	vld [tilespmem:s28+$0xFFFFFF40]  }
0xca: {  	v23 =	vadd.bf16 v32, v23;
	v21 =	vunpack.i.u.bf16.f32 v29;
	v24 =	vadd.f32 v35, v24;
	v29 =	vld [tilespmem:s28+$0xFFFFFF20]  }
0xcb: {  	v26 =	vunpack.i.u.bf16.f32 v26;
	v31 =	vadd.bf16 v34, v31;
	v32 =	vadd.bf16 v33, v36;
	v33 =	vld [tilespmem:s28+$0xFFFFFF10]  }
0xcc: {  	v25 =	vadd.f32 v25, v20;
	v21 =	vadd.f32 v21, v22;
	v22 =	vunpack.i.u.bf16.f32 v23;
	v34 =	vld [tilespmem:s28+$0xFFFFFF70]  }
0xcd: {  	v27 =	vadd.bf16 v27, v38;
	v20 =	vunpack.i.u.bf16.f32 v32;
	v32 =	vunpack.i.l.bf16.f32 v32;
	v35 =	vld [tilespmem:s28+$0xFFFFFF50]  }
0xce: {  	v26 =	vadd.f32 v26, v25;
	v25 =	vunpack.i.l.bf16.f32 v31;
	v22 =	vadd.f32 v22, v21;
	v36 =	vld [tilespmem:s28+$0xFFFFFF60]  }
0xcf: {  	v24 =	vadd.f32 v25, v24;
	v38 =	vunpack.i.l.bf16.f32 v23;
	v23 =	vunpack.i.u.bf16.f32 v27;
	v21 =	vld [tilespmem:s28+$0xFFFFFFC0]  }
0xd0: {  	v31 =	vunpack.i.u.bf16.f32 v31;
	v25 =	vadd.f32 v23, v22;
	v33 =	vadd.bf16 v28, v33;
	v23 =	vld [tilespmem:s28+$0xFFFFFFB0]  }
.Ltmp2:
0xd1: {  	v32 =	vadd.f32 v32, v24;
	v40 =	vunpack.i.l.bf16.f32 v27;
	v39 =	vadd.bf16 v39, v29;
	v28 =	vld [tilespmem:s28+$0xFFFFFF90];
	(pc) =	sbr.rel @p0 .LBB2_8-.Ltmp2, $4  }
0xd2: {  	v27 =	vadd.f32 v31, v26;
	v29 =	vadd.f32 v38, v30;
	v22 =	vunpack.i.u.bf16.f32 v33;
	v24 =	vld [tilespmem:s28+$0xFFFFFFA0]  }
0xd3: {  	v31 =	vunpack.i.l.bf16.f32 v33;
	v30 =	vadd.bf16 v34, v35;
	v34 =	vadd.bf16 v37, v36;
	v26 =	vld [tilespmem:s28+$0xFFFFFFD0]  }
0xd4: {  	v35 =	vadd.f32 v40, v29;
	v36 =	vunpack.i.u.bf16.f32 v39;
	v33 =	vadd.f32 v31, v32;
	v29 =	vld [tilespmem:s28+$0xFFFFFFE0]  }
0xd5: {  	v37 =	vunpack.i.l.bf16.f32 v39;
	v32 =	vunpack.i.u.bf16.f32 v34;
	v34 =	vunpack.i.l.bf16.f32 v34;
	v31 =	vld [tilespmem:s28+$0x0];
	s28 =	sadd.s32 $0x200, s28  }
0xd6: {  	v35 =	vadd.f32 v37, v35;
	v25 =	vadd.f32 v36, v25  }
0xd7: {  	v57 =	vunpack.i.l.bf16.f32 v30;
	v23 =	vadd.bf16 v23, v28;
	v20 =	vadd.f32 v20, v27  }
0xd8: {  	v59 =	vunpack.i.u.bf16.f32 v30;
	v33 =	vadd.f32 v57, v33;
	v21 =	vadd.bf16 v21, v24  }
0xd9: {  	v58 =	vadd.f32 v34, v35;
	v25 =	vadd.f32 v32, v25;
	v60 =	vunpack.i.l.bf16.f32 v23  }
0xda: {  	v20 =	vadd.f32 v22, v20;
	v19 =	vadd.bf16 v19, v26;
	v22 =	vunpack.i.u.bf16.f32 v21  }
0xdb: {  	v21 =	vunpack.i.l.bf16.f32 v21;
	v24 =	vadd.f32 v60, v33;
	v29 =	vadd.bf16 v31, v29  }
0xdc: {  	v20 =	vadd.f32 v59, v20;
	v27 =	vadd.f32 v21, v58  }
0xdd: {  	v21 =	vunpack.i.u.bf16.f32 v23;
	v22 =	vadd.f32 v22, v25;
	v23 =	vunpack.i.l.bf16.f32 v19  }
0xde: {  	v61 =	vunpack.i.u.bf16.f32 v29;
	v62 =	vunpack.i.l.bf16.f32 v29;
	v63 =	vadd.f32 v21, v20  }
0xdf: {  	v21 =	vadd.f32 v23, v24;
	v23 =	vunpack.i.u.bf16.f32 v19;
	v20 =	vadd.f32 v62, v27  }
0xe0: {  	s9 =	simm.s32 $0x0;
	v19 =	vadd.f32 v61, v22;
	v22 =	vadd.f32 v23, v63  }
.LBB2_10:
0xe1: {  	s28 =	sshra.s32 s9, $0x2  }
0xe2: {  	v23 =	vld [tilespmem:s28+$0x9500]  }
0xe3: {  	v24 =	vld [tilespmem:s28+$0x9520]  }
0xe4: {  	v25 =	vld [tilespmem:s28+$0x9510]  }
0xe5: {  	v26 =	vld [tilespmem:s28+$0x9530];
	_ =	sdelay $0x3  }
0xe6: {  	p0 =	sne.s32 s9, $0x300  }
.Ltmp3:
0xe7: {  	v23 =	vadd.bf16 v24, v23;
	v62 =	vadd.bf16 v26, v25;
	(pc) =	sbr.rel @p0 .LBB2_10-.Ltmp3, $4  }
0xe8: {  	_ = 	snop  }
0xe9: {  	v63 =	vunpack.i.u.bf16.f32 v23;
	v23 =	vunpack.i.l.bf16.f32 v23;
	v26 =	vunpack.i.u.bf16.f32 v62  }
0xea: {  	v24 =	vunpack.i.l.bf16.f32 v62;
	v21 =	vadd.f32 v23, v21;
	v22 =	vadd.f32 v63, v22  }
0xeb: {  	s9 =	sadd.s32 $0x100, s9;
	v20 =	vadd.f32 v24, v20;
	v19 =	vadd.f32 v26, v19  }
0xec: {  	_ =	swait.ge [sflag:s24], $0x1900  }
0xed: {  	[sflag:s24] =	ssyncset.done $0x0  }
0xee: {  	s9 =	sadd.s32 $0x708, s1;
	s28 =	simm.s32 $0x97F0;
	[sflag:s24] =	ssyncadd.s32 $0xFFFFE700  }
0xef: {  	[tilespmem:s13], [sflag:$0x1] =	stream.indirect.gather [hbm4b:s4+s11], $0x20, s9, s11, $0xb8;
	[tilespmem:$0x13140] =	vst v63  }
0xf0: {  	v26 =	vld [tilespmem:s28+$0xFFFFFF30]  }
0xf1: {  	v24 =	vld [tilespmem:s28+$0xFFFFFEB0]  }
0xf2: {  	v25 =	vld [tilespmem:s28+$0xFFFFFEC0]  }
0xf3: {  	v27 =	vld [tilespmem:s28+$0xFFFFFE80]  }
0xf4: {  	v28 =	vld [tilespmem:s28+$0xFFFFFE60]  }
0xf5: {  	v29 =	vld [tilespmem:s28+$0xFFFFFE10]  }
0xf6: {  	v31 =	vld [tilespmem:s28+$0xFFFFFE40]  }
0xf7: {  	v32 =	vld [tilespmem:s28+$0xFFFFFE20]  }
0xf8: {  	v33 =	vld [tilespmem:s28+$0xFFFFFE30]  }
0xf9: {  	v34 =	vld [tilespmem:s28+$0xFFFFFE70]  }
0xfa: {  	v35 =	vld [tilespmem:s28+$0xFFFFFE50]  }
0xfb: {  	v36 =	vld [tilespmem:s28+$0xFFFFFEA0]  }
0xfc: {  	v55 =	vld [tilespmem:s28+$0xFFFFFE90]  }
0xfd: {  	v56 =	vld [tilespmem:s28+$0xFFFFFEF0]  }
0xfe: {  	v38 =	vld [tilespmem:s28+$0xFFFFFED0]  }
0xff: {  	v57 =	vld [tilespmem:s28+$0xFFFFFF00]  }
0x100: {  	v41 =	vld [tilespmem:s28+$0xFFFFFEE0]  }
0x101: {  	v59 =	vld [tilespmem:s28+$0xFFFFFF10]  }
0x102: {  	v31 =	vadd.bf16 v31, v32;
	v29 =	vadd.bf16 v33, v29  }
0x103: {  	v27 =	vadd.bf16 v27, v28;
	v34 =	vadd.bf16 v34, v35  }
0x104: {  	v25 =	vadd.bf16 v25, v36;
	v32 =	vadd.bf16 v24, v55  }
0x105: {  	v37 =	vimm.f32 $0.0e+00;
	v33 =	vadd.bf16 v56, v38;
	v35 =	vadd.bf16 v57, v41  }
0x106: {  	v23 =	vld [tilespmem:s28+$0xFFFFFFF0];
	v38 =	vadd.bf16 v26, v59;
	v28 =	vunpack.i.u.bf16.f32 v31;
	v31 =	vunpack.i.l.bf16.f32 v31  }
0x107: {  	v30 =	vld [tilespmem:s28+$0xFFFFFF80];
	v39 =	vunpack.i.l.bf16.f32 v29;
	v29 =	vunpack.i.u.bf16.f32 v29;
	v40 =	vunpack.i.l.bf16.f32 v27  }
0x108: {  	v62 =	vld [tilespmem:s28+$0xFFFFFF60];
	v42 =	vunpack.i.l.bf16.f32 v34;
	v27 =	vunpack.i.u.bf16.f32 v27;
	v34 =	vunpack.i.u.bf16.f32 v34  }
0x109: {  	v58 =	vld [tilespmem:s28+$0xFFFFFF20];
	v24 =	vunpack.i.u.bf16.f32 v33;
	v31 =	vadd.f32 v31, v37;
	v28 =	vadd.f32 v28, v37  }
0x10a: {  	v60 =	vld [tilespmem:s28+$0xFFFFFF70];
	v33 =	vunpack.i.l.bf16.f32 v33;
	v39 =	vadd.f32 v39, v37;
	v29 =	vadd.f32 v29, v37  }
0x10b: {  	v43 =	vunpack.i.u.bf16.f32 v32;
	v40 =	vadd.f32 v40, v31;
	v31 =	vld [tilespmem:s28+$0xFFFFFF40];
	v27 =	vadd.f32 v27, v28  }
0x10c: {  	v61 =	vld [tilespmem:s28+$0xFFFFFF50];
	v39 =	vadd.f32 v42, v39;
	v28 =	vunpack.i.u.bf16.f32 v25;
	v34 =	vadd.f32 v34, v29  }
0x10d: {  	v29 =	vunpack.i.l.bf16.f32 v32;
	v32 =	vld [tilespmem:s28+$0xFFFFFF90];
	v42 =	vadd.bf16 v30, v62;
	v27 =	vadd.f32 v28, v27  }
0x10e: {  	v30 =	vld [tilespmem:s28+$0xFFFFFFD0];
	v28 =	vunpack.i.l.bf16.f32 v25;
	v39 =	vadd.f32 v29, v39;
	v29 =	vunpack.i.u.bf16.f32 v35  }
0x10f: {  	v26 =	vunpack.i.u.bf16.f32 v38;
	v25 =	vld [tilespmem:s28+$0xFFFFFFC0];
	v63 =	vadd.f32 v28, v40;
	v29 =	vadd.f32 v29, v27  }
0x110: {  	v38 =	vunpack.i.l.bf16.f32 v38;
	v27 =	vld [tilespmem:s28+$0xFFFFFFB0];
	v33 =	vadd.f32 v33, v39;
	v36 =	vadd.bf16 v31, v58  }
0x111: {  	v35 =	vunpack.i.l.bf16.f32 v35;
	v28 =	vld [tilespmem:s28+$0xFFFFFFA0];
	v31 =	vadd.f32 v43, v34;
	v34 =	vadd.bf16 v60, v61  }
0x112: {  	v39 =	vadd.f32 v35, v63;
	v35 =	vld [tilespmem:s28+$0x0];
	v37 =	vadd.f32 v38, v33;
	v38 =	vunpack.i.l.bf16.f32 v42  }
0x113: {  	s9 =	simm.s32 $0x0;
	v33 =	vld [tilespmem:s28+$0xFFFFFFE0];
	s28 =	simm.s32 $0x99F0;
	v40 =	vunpack.i.u.bf16.f32 v36;
	v41 =	vunpack.i.l.bf16.f32 v36;
	v36 =	vunpack.i.u.bf16.f32 v42  }
.LBB2_12:
0x114: {  	v42 =	vld [tilespmem:s28+$0xFFFFFFF0];
	s9 =	sadd.s32 $0x8, s9;
	v39 =	vadd.f32 v41, v39;
	v29 =	vadd.f32 v40, v29;
	v40 =	vunpack.i.l.bf16.f32 v34  }
0x115: {  	v34 =	vunpack.i.u.bf16.f32 v34;
	v27 =	vadd.bf16 v27, v32;
	v41 =	vld [tilespmem:s28+$0xFFFFFF80];
	p0 =	slt.u32 s9, $0x58;
	v37 =	vadd.f32 v40, v37  }
0x116: {  	v24 =	vadd.f32 v24, v31;
	v32 =	vld [tilespmem:s28+$0xFFFFFF30];
	v31 =	vadd.f32 v38, v39  }
0x117: {  	v25 =	vadd.bf16 v25, v28;
	v29 =	vadd.f32 v36, v29;
	v28 =	vunpack.i.l.bf16.f32 v27;
	v38 =	vld [tilespmem:s28+$0xFFFFFEB0]  }
0x118: {  	v30 =	vadd.bf16 v23, v30;
	v36 =	vld [tilespmem:s28+$0xFFFFFEC0];
	v33 =	vadd.bf16 v35, v33  }
0x119: {  	v39 =	vunpack.i.u.bf16.f32 v25;
	v25 =	vunpack.i.l.bf16.f32 v25;
	v28 =	vadd.f32 v28, v37;
	v35 =	vld [tilespmem:s28+$0xFFFFFE80];
	v23 =	vmovc v42  }
0x11a: {  	v24 =	vadd.f32 v26, v24;
	v37 =	vld [tilespmem:s28+$0xFFFFFE60];
	v26 =	vunpack.i.u.bf16.f32 v33;
	v33 =	vunpack.i.l.bf16.f32 v33  }
0x11b: {  	v25 =	vadd.f32 v25, v31;
	v29 =	vadd.f32 v39, v29;
	v31 =	vunpack.i.l.bf16.f32 v30;
	v40 =	vld [tilespmem:s28+$0xFFFFFE10]  }
0x11c: {  	v27 =	vunpack.i.u.bf16.f32 v27;
	v24 =	vadd.f32 v34, v24;
	v28 =	vadd.f32 v31, v28;
	v39 =	vld [tilespmem:s28+$0xFFFFFE40]  }
0x11d: {  	v25 =	vadd.f32 v33, v25;
	v26 =	vadd.f32 v26, v29;
	v31 =	vld [tilespmem:s28+$0xFFFFFE20]  }
0x11e: {  	v24 =	vadd.f32 v27, v24;
	v27 =	vunpack.i.u.bf16.f32 v30;
	v29 =	vld [tilespmem:s28+$0xFFFFFE30]  }
0x11f: {  	v30 =	vld [tilespmem:s28+$0xFFFFFE70];
	v33 =	vadd.bf16 v35, v37  }
0x120: {  	v24 =	vadd.f32 v27, v24;
	v34 =	vld [tilespmem:s28+$0xFFFFFE50]  }
0x121: {  	v27 =	vld [tilespmem:s28+$0xFFFFFEA0]  }
0x122: {  	v31 =	vadd.bf16 v39, v31;
	v35 =	vld [tilespmem:s28+$0xFFFFFE90]  }
0x123: {  	v29 =	vadd.bf16 v29, v40;
	v37 =	vld [tilespmem:s28+$0xFFFFFEF0]  }
0x124: {  	v39 =	vunpack.i.u.bf16.f32 v31;
	v31 =	vunpack.i.l.bf16.f32 v31;
	v40 =	vld [tilespmem:s28+$0xFFFFFED0]  }
0x125: {  	v42 =	vunpack.i.l.bf16.f32 v29;
	v25 =	vadd.f32 v31, v25;
	v30 =	vadd.bf16 v30, v34;
	v31 =	vld [tilespmem:s28+$0xFFFFFF00]  }
0x126: {  	v29 =	vunpack.i.u.bf16.f32 v29;
	v34 =	vunpack.i.l.bf16.f32 v33;
	v28 =	vadd.f32 v42, v28;
	v42 =	vld [tilespmem:s28+$0xFFFFFEE0]  }
0x127: {  	v26 =	vadd.f32 v39, v26;
	v39 =	vunpack.i.l.bf16.f32 v30;
	v34 =	vadd.f32 v34, v25;
	v43 =	vld [tilespmem:s28+$0xFFFFFF40]  }
0x128: {  	v27 =	vadd.bf16 v36, v27;
	v25 =	vunpack.i.u.bf16.f32 v33;
	v28 =	vadd.f32 v39, v28;
	v33 =	vld [tilespmem:s28+$0xFFFFFF20]  }
0x129: {  	v30 =	vunpack.i.u.bf16.f32 v30;
	v35 =	vadd.bf16 v38, v35;
	v36 =	vadd.bf16 v37, v40;
	v37 =	vld [tilespmem:s28+$0xFFFFFF10]  }
0x12a: {  	v29 =	vadd.f32 v29, v24;
	v25 =	vadd.f32 v25, v26;
	v26 =	vunpack.i.u.bf16.f32 v27;
	v38 =	vld [tilespmem:s28+$0xFFFFFF70]  }
0x12b: {  	v31 =	vadd.bf16 v31, v42;
	v24 =	vunpack.i.u.bf16.f32 v36;
	v36 =	vunpack.i.l.bf16.f32 v36;
	v39 =	vld [tilespmem:s28+$0xFFFFFF50]  }
0x12c: {  	v30 =	vadd.f32 v30, v29;
	v29 =	vunpack.i.l.bf16.f32 v35;
	v26 =	vadd.f32 v26, v25;
	v40 =	vld [tilespmem:s28+$0xFFFFFF60]  }
0x12d: {  	v28 =	vadd.f32 v29, v28;
	v42 =	vunpack.i.l.bf16.f32 v27;
	v27 =	vunpack.i.u.bf16.f32 v31;
	v25 =	vld [tilespmem:s28+$0xFFFFFFC0]  }
0x12e: {  	v35 =	vunpack.i.u.bf16.f32 v35;
	v29 =	vadd.f32 v27, v26;
	v37 =	vadd.bf16 v32, v37;
	v27 =	vld [tilespmem:s28+$0xFFFFFFB0]  }
.Ltmp4:
0x12f: {  	v36 =	vadd.f32 v36, v28;
	v44 =	vunpack.i.l.bf16.f32 v31;
	v43 =	vadd.bf16 v43, v33;
	v32 =	vld [tilespmem:s28+$0xFFFFFF90];
	(pc) =	sbr.rel @p0 .LBB2_12-.Ltmp4, $4  }
0x130: {  	v31 =	vadd.f32 v35, v30;
	v33 =	vadd.f32 v42, v34;
	v26 =	vunpack.i.u.bf16.f32 v37;
	v28 =	vld [tilespmem:s28+$0xFFFFFFA0]  }
0x131: {  	v35 =	vunpack.i.l.bf16.f32 v37;
	v34 =	vadd.bf16 v38, v39;
	v38 =	vadd.bf16 v41, v40;
	v30 =	vld [tilespmem:s28+$0xFFFFFFD0]  }
0x132: {  	v39 =	vadd.f32 v44, v33;
	v40 =	vunpack.i.u.bf16.f32 v43;
	v37 =	vadd.f32 v35, v36;
	v33 =	vld [tilespmem:s28+$0xFFFFFFE0]  }
0x133: {  	v41 =	vunpack.i.l.bf16.f32 v43;
	v36 =	vunpack.i.u.bf16.f32 v38;
	v38 =	vunpack.i.l.bf16.f32 v38;
	v35 =	vld [tilespmem:s28+$0x0];
	s28 =	sadd.s32 $0x200, s28  }
0x134: {  	v39 =	vadd.f32 v41, v39;
	v29 =	vadd.f32 v40, v29  }
0x135: {  	v57 =	vunpack.i.l.bf16.f32 v34;
	v27 =	vadd.bf16 v27, v32;
	v24 =	vadd.f32 v24, v31  }
0x136: {  	v59 =	vunpack.i.u.bf16.f32 v34;
	v37 =	vadd.f32 v57, v37;
	v25 =	vadd.bf16 v25, v28  }
0x137: {  	v58 =	vadd.f32 v38, v39;
	v29 =	vadd.f32 v36, v29;
	v60 =	vunpack.i.l.bf16.f32 v27  }
0x138: {  	v24 =	vadd.f32 v26, v24;
	v23 =	vadd.bf16 v23, v30;
	v26 =	vunpack.i.u.bf16.f32 v25  }
0x139: {  	v25 =	vunpack.i.l.bf16.f32 v25;
	v28 =	vadd.f32 v60, v37;
	v33 =	vadd.bf16 v35, v33  }
0x13a: {  	v24 =	vadd.f32 v59, v24;
	v31 =	vadd.f32 v25, v58  }
0x13b: {  	v25 =	vunpack.i.u.bf16.f32 v27;
	v26 =	vadd.f32 v26, v29;
	v27 =	vunpack.i.l.bf16.f32 v23  }
0x13c: {  	v61 =	vunpack.i.u.bf16.f32 v33;
	v62 =	vunpack.i.l.bf16.f32 v33;
	v63 =	vadd.f32 v25, v24  }
0x13d: {  	v25 =	vadd.f32 v27, v28;
	v27 =	vunpack.i.u.bf16.f32 v23;
	v24 =	vadd.f32 v62, v31  }
0x13e: {  	s9 =	simm.s32 $0x0;
	v23 =	vadd.f32 v61, v26;
	v26 =	vadd.f32 v27, v63  }
.LBB2_14:
0x13f: {  	s28 =	sshra.s32 s9, $0x2  }
0x140: {  	v27 =	vld [tilespmem:s28+$0xAE00]  }
0x141: {  	v28 =	vld [tilespmem:s28+$0xAE20]  }
0x142: {  	v29 =	vld [tilespmem:s28+$0xAE10]  }
0x143: {  	v30 =	vld [tilespmem:s28+$0xAE30];
	_ =	sdelay $0x3  }
0x144: {  	p0 =	sne.s32 s9, $0x300  }
.Ltmp5:
0x145: {  	v27 =	vadd.bf16 v28, v27;
	v62 =	vadd.bf16 v30, v29;
	(pc) =	sbr.rel @p0 .LBB2_14-.Ltmp5, $4  }
0x146: {  	_ = 	snop  }
0x147: {  	v63 =	vunpack.i.u.bf16.f32 v27;
	v27 =	vunpack.i.l.bf16.f32 v27;
	v30 =	vunpack.i.u.bf16.f32 v62  }
0x148: {  	v28 =	vunpack.i.l.bf16.f32 v62;
	v25 =	vadd.f32 v27, v25;
	v26 =	vadd.f32 v63, v26  }
0x149: {  	s9 =	sadd.s32 $0x100, s9;
	v24 =	vadd.f32 v28, v24;
	v23 =	vadd.f32 v30, v23  }
0x14a: {  	_ =	swait.ge [sflag:s24], $0x1900  }
0x14b: {  	[sflag:s24] =	ssyncset.done $0x0  }
0x14c: {  	s9 =	sadd.s32 $0x7D0, s1;
	s28 =	simm.s32 $0xAF00;
	[sflag:s24] =	ssyncadd.s32 $0xFFFFE700  }
0x14d: {  	[tilespmem:s15], [sflag:$0x1] =	stream.indirect.gather [hbm4b:s4+s11], $0x20, s9, s11, $0xb8;
	[tilespmem:$0x13140] =	vst v63  }
0x14e: {  	v30 =	vld [tilespmem:s28+$0x120]  }
0x14f: {  	v28 =	vld [tilespmem:s28+$0xA0]  }
0x150: {  	v29 =	vld [tilespmem:s28+$0xB0]  }
0x151: {  	v31 =	vld [tilespmem:s28+$0x70]  }
0x152: {  	v32 =	vld [tilespmem:s28+$0x50]  }
0x153: {  	v33 =	vld [tilespmem:s28+$0x0]  }
0x154: {  	v35 =	vld [tilespmem:s28+$0x30]  }
0x155: {  	v36 =	vld [tilespmem:s28+$0x10]  }
0x156: {  	v37 =	vld [tilespmem:s28+$0x20]  }
0x157: {  	v38 =	vld [tilespmem:s28+$0x60]  }
0x158: {  	v39 =	vld [tilespmem:s28+$0x40]  }
0x159: {  	v40 =	vld [tilespmem:s28+$0x90]  }
0x15a: {  	v49 =	vld [tilespmem:s28+$0x80]  }
0x15b: {  	v50 =	vld [tilespmem:s28+$0xE0]  }
0x15c: {  	v42 =	vld [tilespmem:s28+$0xC0]  }
0x15d: {  	v52 =	vld [tilespmem:s28+$0xF0]  }
0x15e: {  	v45 =	vld [tilespmem:s28+$0xD0]  }
0x15f: {  	v53 =	vld [tilespmem:s28+$0x130]  }
0x160: {  	v54 =	vld [tilespmem:s28+$0x110]  }
0x161: {  	v55 =	vld [tilespmem:s28+$0x100]  }
0x162: {  	v35 =	vadd.bf16 v35, v36;
	v33 =	vadd.bf16 v37, v33  }
0x163: {  	v31 =	vadd.bf16 v31, v32;
	v38 =	vadd.bf16 v38, v39  }
0x164: {  	v29 =	vadd.bf16 v29, v40;
	v36 =	vadd.bf16 v28, v49  }
0x165: {  	v41 =	vimm.f32 $0.0e+00;
	v37 =	vadd.bf16 v50, v42;
	v39 =	vadd.bf16 v52, v45  }
0x166: {  	v42 =	vadd.bf16 v30, v55;
	v40 =	vadd.bf16 v53, v54;
	v51 =	vunpack.i.u.bf16.f32 v35  }
0x167: {  	v35 =	vunpack.i.l.bf16.f32 v35;
	v43 =	vunpack.i.l.bf16.f32 v33;
	v33 =	vunpack.i.u.bf16.f32 v33  }
0x168: {  	v27 =	vld [tilespmem:s28+$0x1E0];
	v44 =	vunpack.i.l.bf16.f32 v31;
	v46 =	vunpack.i.l.bf16.f32 v38;
	v31 =	vunpack.i.u.bf16.f32 v31  }
0x169: {  	v34 =	vld [tilespmem:s28+$0x170];
	v38 =	vunpack.i.u.bf16.f32 v38;
	v56 =	vunpack.i.u.bf16.f32 v29;
	v28 =	vunpack.i.u.bf16.f32 v37  }
0x16a: {  	v60 =	vld [tilespmem:s28+$0x150];
	v37 =	vunpack.i.l.bf16.f32 v37;
	v59 =	vunpack.i.l.bf16.f32 v36;
	v32 =	vadd.f32 v51, v41  }
0x16b: {  	v57 =	vld [tilespmem:s28+$0x160];
	v61 =	vunpack.i.l.bf16.f32 v29;
	v35 =	vadd.f32 v35, v41;
	v43 =	vadd.f32 v43, v41  }
0x16c: {  	v58 =	vld [tilespmem:s28+$0x140];
	v62 =	vunpack.i.u.bf16.f32 v39;
	v33 =	vadd.f32 v33, v41;
	v31 =	vadd.f32 v31, v32  }
0x16d: {  	v29 =	vld [tilespmem:s28+$0x1B0];
	v47 =	vunpack.i.u.bf16.f32 v36;
	v44 =	vadd.f32 v44, v35;
	v43 =	vadd.f32 v46, v43  }
0x16e: {  	v39 =	vunpack.i.l.bf16.f32 v39;
	v36 =	vld [tilespmem:s28+$0x180];
	v38 =	vadd.f32 v38, v33;
	v31 =	vadd.f32 v56, v31  }
0x16f: {  	v30 =	vunpack.i.u.bf16.f32 v42;
	v32 =	vld [tilespmem:s28+$0x190];
	v46 =	vadd.bf16 v34, v60;
	v43 =	vadd.f32 v59, v43  }
0x170: {  	v42 =	vunpack.i.l.bf16.f32 v42;
	v63 =	vadd.f32 v61, v44;
	v33 =	vadd.f32 v62, v31;
	v31 =	vld [tilespmem:s28+$0x1A0]  }
0x171: {  	v45 =	vunpack.i.l.bf16.f32 v40;
	v34 =	vld [tilespmem:s28+$0x1C0];
	v35 =	vadd.f32 v47, v38;
	v37 =	vadd.f32 v37, v43  }
0x172: {  	v38 =	vadd.bf16 v57, v58;
	v44 =	vunpack.i.u.bf16.f32 v40;
	v43 =	vadd.f32 v39, v63;
	v39 =	vld [tilespmem:s28+$0x1F0]  }
0x173: {  	s9 =	simm.s32 $0x0;
	v40 =	vunpack.i.u.bf16.f32 v46;
	v41 =	vadd.f32 v42, v37;
	v37 =	vld [tilespmem:s28+$0x1D0];
	v42 =	vunpack.i.l.bf16.f32 v46;
	s28 =	simm.s32 $0xB100  }
.LBB2_16:
0x174: {  	v46 =	vld [tilespmem:s28+$0x1E0];
	s9 =	sadd.s32 $0x8, s9;
	v43 =	vadd.f32 v45, v43;
	v33 =	vadd.f32 v44, v33;
	v44 =	vunpack.i.l.bf16.f32 v38  }
0x175: {  	v38 =	vunpack.i.u.bf16.f32 v38;
	v31 =	vadd.bf16 v31, v36;
	v45 =	vld [tilespmem:s28+$0x170];
	p0 =	slt.u32 s9, $0x58;
	v41 =	vadd.f32 v44, v41  }
0x176: {  	v28 =	vadd.f32 v28, v35;
	v36 =	vld [tilespmem:s28+$0x120];
	v35 =	vadd.f32 v42, v43  }
0x177: {  	v29 =	vadd.bf16 v29, v32;
	v33 =	vadd.f32 v40, v33;
	v32 =	vunpack.i.l.bf16.f32 v31;
	v42 =	vld [tilespmem:s28+$0xA0]  }
0x178: {  	v34 =	vadd.bf16 v27, v34;
	v40 =	vld [tilespmem:s28+$0xB0];
	v37 =	vadd.bf16 v39, v37  }
0x179: {  	v43 =	vunpack.i.u.bf16.f32 v29;
	v29 =	vunpack.i.l.bf16.f32 v29;
	v32 =	vadd.f32 v32, v41;
	v39 =	vld [tilespmem:s28+$0x70];
	v27 =	vmovc v46  }
0x17a: {  	v28 =	vadd.f32 v30, v28;
	v41 =	vld [tilespmem:s28+$0x50];
	v30 =	vunpack.i.u.bf16.f32 v37;
	v37 =	vunpack.i.l.bf16.f32 v37  }
0x17b: {  	v29 =	vadd.f32 v29, v35;
	v33 =	vadd.f32 v43, v33;
	v35 =	vunpack.i.l.bf16.f32 v34;
	v44 =	vld [tilespmem:s28+$0x0]  }
0x17c: {  	v31 =	vunpack.i.u.bf16.f32 v31;
	v28 =	vadd.f32 v38, v28;
	v32 =	vadd.f32 v35, v32;
	v43 =	vld [tilespmem:s28+$0x30]  }
0x17d: {  	v29 =	vadd.f32 v37, v29;
	v30 =	vadd.f32 v30, v33;
	v35 =	vld [tilespmem:s28+$0x10]  }
0x17e: {  	v28 =	vadd.f32 v31, v28;
	v31 =	vunpack.i.u.bf16.f32 v34;
	v33 =	vld [tilespmem:s28+$0x20]  }
0x17f: {  	v34 =	vld [tilespmem:s28+$0x60];
	v37 =	vadd.bf16 v39, v41  }
0x180: {  	v28 =	vadd.f32 v31, v28;
	v38 =	vld [tilespmem:s28+$0x40]  }
0x181: {  	v31 =	vld [tilespmem:s28+$0x90]  }
0x182: {  	v35 =	vadd.bf16 v43, v35;
	v39 =	vld [tilespmem:s28+$0x80]  }
0x183: {  	v33 =	vadd.bf16 v33, v44;
	v41 =	vld [tilespmem:s28+$0xE0]  }
0x184: {  	v43 =	vunpack.i.u.bf16.f32 v35;
	v35 =	vunpack.i.l.bf16.f32 v35;
	v44 =	vld [tilespmem:s28+$0xC0]  }
0x185: {  	v46 =	vunpack.i.l.bf16.f32 v33;
	v29 =	vadd.f32 v35, v29;
	v34 =	vadd.bf16 v34, v38;
	v35 =	vld [tilespmem:s28+$0xF0]  }
0x186: {  	v33 =	vunpack.i.u.bf16.f32 v33;
	v38 =	vunpack.i.l.bf16.f32 v37;
	v32 =	vadd.f32 v46, v32;
	v46 =	vld [tilespmem:s28+$0xD0]  }
0x187: {  	v30 =	vadd.f32 v43, v30;
	v43 =	vunpack.i.l.bf16.f32 v34;
	v38 =	vadd.f32 v38, v29;
	v47 =	vld [tilespmem:s28+$0x130]  }
0x188: {  	v31 =	vadd.bf16 v40, v31;
	v29 =	vunpack.i.u.bf16.f32 v37;
	v32 =	vadd.f32 v43, v32;
	v37 =	vld [tilespmem:s28+$0x110]  }
0x189: {  	v34 =	vunpack.i.u.bf16.f32 v34;
	v39 =	vadd.bf16 v42, v39;
	v40 =	vadd.bf16 v41, v44;
	v41 =	vld [tilespmem:s28+$0x100]  }
0x18a: {  	v33 =	vadd.f32 v33, v28;
	v29 =	vadd.f32 v29, v30;
	v30 =	vunpack.i.u.bf16.f32 v31;
	v42 =	vld [tilespmem:s28+$0x160]  }
0x18b: {  	v35 =	vadd.bf16 v35, v46;
	v28 =	vunpack.i.u.bf16.f32 v40;
	v40 =	vunpack.i.l.bf16.f32 v40;
	v43 =	vld [tilespmem:s28+$0x140]  }
0x18c: {  	v34 =	vadd.f32 v34, v33;
	v33 =	vunpack.i.l.bf16.f32 v39;
	v30 =	vadd.f32 v30, v29;
	v44 =	vld [tilespmem:s28+$0x150]  }
0x18d: {  	v32 =	vadd.f32 v33, v32;
	v46 =	vunpack.i.l.bf16.f32 v31;
	v31 =	vunpack.i.u.bf16.f32 v35;
	v29 =	vld [tilespmem:s28+$0x1B0]  }
0x18e: {  	v39 =	vunpack.i.u.bf16.f32 v39;
	v33 =	vadd.f32 v31, v30;
	v41 =	vadd.bf16 v36, v41;
	v31 =	vld [tilespmem:s28+$0x1A0]  }
.Ltmp6:
0x18f: {  	v40 =	vadd.f32 v40, v32;
	v48 =	vunpack.i.l.bf16.f32 v35;
	v47 =	vadd.bf16 v47, v37;
	v36 =	vld [tilespmem:s28+$0x180];
	(pc) =	sbr.rel @p0 .LBB2_16-.Ltmp6, $4  }
0x190: {  	v35 =	vadd.f32 v39, v34;
	v37 =	vadd.f32 v46, v38;
	v30 =	vunpack.i.u.bf16.f32 v41;
	v32 =	vld [tilespmem:s28+$0x190]  }
0x191: {  	v39 =	vunpack.i.l.bf16.f32 v41;
	v38 =	vadd.bf16 v42, v43;
	v42 =	vadd.bf16 v45, v44;
	v34 =	vld [tilespmem:s28+$0x1C0]  }
0x192: {  	v43 =	vadd.f32 v48, v37;
	v44 =	vunpack.i.u.bf16.f32 v47;
	v41 =	vadd.f32 v39, v40;
	v37 =	vld [tilespmem:s28+$0x1D0]  }
0x193: {  	v45 =	vunpack.i.l.bf16.f32 v47;
	v40 =	vunpack.i.u.bf16.f32 v42;
	v42 =	vunpack.i.l.bf16.f32 v42;
	v39 =	vld [tilespmem:s28+$0x1F0];
	s28 =	sadd.s32 $0x200, s28  }
0x194: {  	v43 =	vadd.f32 v45, v43;
	v33 =	vadd.f32 v44, v33  }
0x195: {  	v57 =	vunpack.i.l.bf16.f32 v38;
	v31 =	vadd.bf16 v31, v36;
	v28 =	vadd.f32 v28, v35  }
0x196: {  	v59 =	vunpack.i.u.bf16.f32 v38;
	v41 =	vadd.f32 v57, v41;
	v29 =	vadd.bf16 v29, v32  }
0x197: {  	v58 =	vadd.f32 v42, v43;
	v33 =	vadd.f32 v40, v33;
	v60 =	vunpack.i.l.bf16.f32 v31  }
0x198: {  	v28 =	vadd.f32 v30, v28;
	v27 =	vadd.bf16 v27, v34;
	v30 =	vunpack.i.u.bf16.f32 v29  }
0x199: {  	v29 =	vunpack.i.l.bf16.f32 v29;
	v32 =	vadd.f32 v60, v41;
	v37 =	vadd.bf16 v39, v37  }
0x19a: {  	v28 =	vadd.f32 v59, v28;
	v35 =	vadd.f32 v29, v58  }
0x19b: {  	v29 =	vunpack.i.u.bf16.f32 v31;
	v30 =	vadd.f32 v30, v33;
	v31 =	vunpack.i.l.bf16.f32 v27  }
0x19c: {  	v61 =	vunpack.i.u.bf16.f32 v37;
	v62 =	vunpack.i.l.bf16.f32 v37;
	v63 =	vadd.f32 v29, v28  }
0x19d: {  	v29 =	vadd.f32 v31, v32;
	v31 =	vunpack.i.u.bf16.f32 v27;
	v28 =	vadd.f32 v62, v35  }
0x19e: {  	s9 =	simm.s32 $0x0;
	v27 =	vadd.f32 v61, v30;
	v30 =	vadd.f32 v31, v63  }
.LBB2_18:
0x19f: {  	s28 =	sshra.s32 s9, $0x2  }
0x1a0: {  	v31 =	vld [tilespmem:s28+$0xC700]  }
0x1a1: {  	v32 =	vld [tilespmem:s28+$0xC720]  }
0x1a2: {  	v33 =	vld [tilespmem:s28+$0xC710]  }
0x1a3: {  	v34 =	vld [tilespmem:s28+$0xC730];
	_ =	sdelay $0x3  }
0x1a4: {  	p0 =	sne.s32 s9, $0x300  }
.Ltmp7:
0x1a5: {  	v31 =	vadd.bf16 v32, v31;
	v62 =	vadd.bf16 v34, v33;
	(pc) =	sbr.rel @p0 .LBB2_18-.Ltmp7, $4  }
0x1a6: {  	_ = 	snop  }
0x1a7: {  	v63 =	vunpack.i.u.bf16.f32 v31;
	v31 =	vunpack.i.l.bf16.f32 v31;
	v34 =	vunpack.i.u.bf16.f32 v62  }
0x1a8: {  	v32 =	vunpack.i.l.bf16.f32 v62;
	v29 =	vadd.f32 v31, v29;
	v30 =	vadd.f32 v63, v30  }
0x1a9: {  	s9 =	sadd.s32 $0x100, s9;
	v28 =	vadd.f32 v32, v28;
	v27 =	vadd.f32 v34, v27  }
0x1aa: {  	_ =	swait.ge [sflag:s24], $0x1900  }
0x1ab: {  	[sflag:s24] =	ssyncset.done $0x0  }
0x1ac: {  	s9 =	sadd.s32 $0x898, s1;
	s28 =	simm.s32 $0xC800;
	[sflag:s24] =	ssyncadd.s32 $0xFFFFE700  }
0x1ad: {  	[tilespmem:s17], [sflag:$0x1] =	stream.indirect.gather [hbm4b:s4+s11], $0x20, s9, s11, $0xb8;
	[tilespmem:$0x13140] =	vst v63  }
0x1ae: {  	v34 =	vld [tilespmem:s28+$0x120]  }
0x1af: {  	v32 =	vld [tilespmem:s28+$0xA0]  }
0x1b0: {  	v33 =	vld [tilespmem:s28+$0xB0]  }
0x1b1: {  	v35 =	vld [tilespmem:s28+$0x70]  }
0x1b2: {  	v36 =	vld [tilespmem:s28+$0x50]  }
0x1b3: {  	v37 =	vld [tilespmem:s28+$0x0]  }
0x1b4: {  	v39 =	vld [tilespmem:s28+$0x30]  }
0x1b5: {  	v40 =	vld [tilespmem:s28+$0x10]  }
0x1b6: {  	v41 =	vld [tilespmem:s28+$0x20]  }
0x1b7: {  	v42 =	vld [tilespmem:s28+$0x60]  }
0x1b8: {  	v43 =	vld [tilespmem:s28+$0x40]  }
0x1b9: {  	v44 =	vld [tilespmem:s28+$0x90]  }
0x1ba: {  	v59 =	vld [tilespmem:s28+$0x80]  }
0x1bb: {  	v60 =	vld [tilespmem:s28+$0xE0]  }
0x1bc: {  	v46 =	vld [tilespmem:s28+$0xC0]  }
0x1bd: {  	v62 =	vld [tilespmem:s28+$0xF0]  }
0x1be: {  	v49 =	vld [tilespmem:s28+$0xD0]  }
0x1bf: {  	v63 =	vld [tilespmem:s28+$0x130]  }
0x1c0: {  	v54 =	vld [tilespmem:s28+$0x110]  }
0x1c1: {  	v55 =	vld [tilespmem:s28+$0x100]  }
0x1c2: {  	v39 =	vadd.bf16 v39, v40;
	v37 =	vadd.bf16 v41, v37  }
0x1c3: {  	v35 =	vadd.bf16 v35, v36;
	v42 =	vadd.bf16 v42, v43  }
0x1c4: {  	v33 =	vadd.bf16 v33, v44;
	v40 =	vadd.bf16 v32, v59  }
0x1c5: {  	v45 =	vimm.f32 $0.0e+00;
	v41 =	vadd.bf16 v60, v46;
	v43 =	vadd.bf16 v62, v49  }
0x1c6: {  	v46 =	vadd.bf16 v34, v55;
	v44 =	vadd.bf16 v63, v54;
	v61 =	vunpack.i.u.bf16.f32 v39  }
0x1c7: {  	v39 =	vunpack.i.l.bf16.f32 v39;
	v47 =	vunpack.i.l.bf16.f32 v37;
	v37 =	vunpack.i.u.bf16.f32 v37  }
0x1c8: {  	v31 =	vld [tilespmem:s28+$0x1E0];
	v48 =	vunpack.i.l.bf16.f32 v35;
	v50 =	vunpack.i.l.bf16.f32 v42;
	v35 =	vunpack.i.u.bf16.f32 v35  }
0x1c9: {  	v38 =	vld [tilespmem:s28+$0x170];
	v42 =	vunpack.i.u.bf16.f32 v42;
	v56 =	vunpack.i.u.bf16.f32 v33;
	v32 =	vunpack.i.u.bf16.f32 v41  }
0x1ca: {  	v60 =	vld [tilespmem:s28+$0x150];
	v41 =	vunpack.i.l.bf16.f32 v41;
	v59 =	vunpack.i.l.bf16.f32 v40;
	v36 =	vadd.f32 v61, v45  }
0x1cb: {  	v57 =	vld [tilespmem:s28+$0x160];
	v62 =	vunpack.i.u.bf16.f32 v43;
	v39 =	vadd.f32 v39, v45;
	v47 =	vadd.f32 v47, v45  }
0x1cc: {  	v58 =	vld [tilespmem:s28+$0x140];
	v51 =	vunpack.i.u.bf16.f32 v40;
	v37 =	vadd.f32 v37, v45;
	v35 =	vadd.f32 v35, v36  }
0x1cd: {  	v43 =	vunpack.i.l.bf16.f32 v43;
	v40 =	vld [tilespmem:s28+$0x180];
	v48 =	vadd.f32 v48, v39;
	v47 =	vadd.f32 v50, v47  }
0x1ce: {  	v61 =	vunpack.i.l.bf16.f32 v33;
	v33 =	vld [tilespmem:s28+$0x1B0];
	v42 =	vadd.f32 v42, v37;
	v35 =	vadd.f32 v56, v35  }
0x1cf: {  	v34 =	vunpack.i.u.bf16.f32 v46;
	v36 =	vld [tilespmem:s28+$0x190];
	v50 =	vadd.bf16 v38, v60;
	v47 =	vadd.f32 v59, v47  }
0x1d0: {  	v46 =	vunpack.i.l.bf16.f32 v46;
	v63 =	vadd.f32 v61, v48;
	v37 =	vadd.f32 v62, v35;
	v35 =	vld [tilespmem:s28+$0x1A0]  }
0x1d1: {  	v49 =	vunpack.i.l.bf16.f32 v44;
	v38 =	vld [tilespmem:s28+$0x1C0];
	v39 =	vadd.f32 v51, v42;
	v41 =	vadd.f32 v41, v47  }
0x1d2: {  	v42 =	vadd.bf16 v57, v58;
	v48 =	vunpack.i.u.bf16.f32 v44;
	v47 =	vadd.f32 v43, v63;
	v43 =	vld [tilespmem:s28+$0x1F0]  }
0x1d3: {  	s9 =	simm.s32 $0x0;
	v44 =	vunpack.i.u.bf16.f32 v50;
	v45 =	vadd.f32 v46, v41;
	v41 =	vld [tilespmem:s28+$0x1D0];
	v46 =	vunpack.i.l.bf16.f32 v50;
	s28 =	simm.s32 $0xCA00  }
.LBB2_20:
0x1d4: {  	v50 =	vld [tilespmem:s28+$0x1E0];
	s9 =	sadd.s32 $0x8, s9;
	v47 =	vadd.f32 v49, v47;
	v37 =	vadd.f32 v48, v37;
	v48 =	vunpack.i.l.bf16.f32 v42  }
0x1d5: {  	v42 =	vunpack.i.u.bf16.f32 v42;
	v35 =	vadd.bf16 v35, v40;
	v49 =	vld [tilespmem:s28+$0x170];
	p0 =	slt.u32 s9, $0x58;
	v45 =	vadd.f32 v48, v45  }
0x1d6: {  	v32 =	vadd.f32 v32, v39;
	v40 =	vld [tilespmem:s28+$0x120];
	v39 =	vadd.f32 v46, v47  }
0x1d7: {  	v33 =	vadd.bf16 v33, v36;
	v37 =	vadd.f32 v44, v37;
	v36 =	vunpack.i.l.bf16.f32 v35;
	v46 =	vld [tilespmem:s28+$0xA0]  }
0x1d8: {  	v38 =	vadd.bf16 v31, v38;
	v44 =	vld [tilespmem:s28+$0xB0];
	v41 =	vadd.bf16 v43, v41  }
0x1d9: {  	v47 =	vunpack.i.u.bf16.f32 v33;
	v33 =	vunpack.i.l.bf16.f32 v33;
	v36 =	vadd.f32 v36, v45;
	v43 =	vld [tilespmem:s28+$0x70];
	v31 =	vmovc v50  }
0x1da: {  	v32 =	vadd.f32 v34, v32;
	v45 =	vld [tilespmem:s28+$0x50];
	v34 =	vunpack.i.u.bf16.f32 v41;
	v41 =	vunpack.i.l.bf16.f32 v41  }
0x1db: {  	v33 =	vadd.f32 v33, v39;
	v37 =	vadd.f32 v47, v37;
	v39 =	vunpack.i.l.bf16.f32 v38;
	v48 =	vld [tilespmem:s28+$0x0]  }
0x1dc: {  	v35 =	vunpack.i.u.bf16.f32 v35;
	v32 =	vadd.f32 v42, v32;
	v36 =	vadd.f32 v39, v36;
	v47 =	vld [tilespmem:s28+$0x30]  }
0x1dd: {  	v33 =	vadd.f32 v41, v33;
	v34 =	vadd.f32 v34, v37;
	v39 =	vld [tilespmem:s28+$0x10]  }
0x1de: {  	v32 =	vadd.f32 v35, v32;
	v35 =	vunpack.i.u.bf16.f32 v38;
	v37 =	vld [tilespmem:s28+$0x20]  }
0x1df: {  	v38 =	vld [tilespmem:s28+$0x60];
	v41 =	vadd.bf16 v43, v45  }
0x1e0: {  	v32 =	vadd.f32 v35, v32;
	v42 =	vld [tilespmem:s28+$0x40]  }
0x1e1: {  	v35 =	vld [tilespmem:s28+$0x90]  }
0x1e2: {  	v39 =	vadd.bf16 v47, v39;
	v43 =	vld [tilespmem:s28+$0x80]  }
0x1e3: {  	v37 =	vadd.bf16 v37, v48;
	v45 =	vld [tilespmem:s28+$0xE0]  }
0x1e4: {  	v47 =	vunpack.i.u.bf16.f32 v39;
	v39 =	vunpack.i.l.bf16.f32 v39;
	v48 =	vld [tilespmem:s28+$0xC0]  }
0x1e5: {  	v50 =	vunpack.i.l.bf16.f32 v37;
	v33 =	vadd.f32 v39, v33;
	v38 =	vadd.bf16 v38, v42;
	v39 =	vld [tilespmem:s28+$0xF0]  }
0x1e6: {  	v37 =	vunpack.i.u.bf16.f32 v37;
	v42 =	vunpack.i.l.bf16.f32 v41;
	v36 =	vadd.f32 v50, v36;
	v50 =	vld [tilespmem:s28+$0xD0]  }
0x1e7: {  	v34 =	vadd.f32 v47, v34;
	v47 =	vunpack.i.l.bf16.f32 v38;
	v42 =	vadd.f32 v42, v33;
	v51 =	vld [tilespmem:s28+$0x130]  }
0x1e8: {  	v35 =	vadd.bf16 v44, v35;
	v33 =	vunpack.i.u.bf16.f32 v41;
	v36 =	vadd.f32 v47, v36;
	v41 =	vld [tilespmem:s28+$0x110]  }
0x1e9: {  	v38 =	vunpack.i.u.bf16.f32 v38;
	v43 =	vadd.bf16 v46, v43;
	v44 =	vadd.bf16 v45, v48;
	v45 =	vld [tilespmem:s28+$0x100]  }
0x1ea: {  	v37 =	vadd.f32 v37, v32;
	v33 =	vadd.f32 v33, v34;
	v34 =	vunpack.i.u.bf16.f32 v35;
	v46 =	vld [tilespmem:s28+$0x160]  }
0x1eb: {  	v39 =	vadd.bf16 v39, v50;
	v32 =	vunpack.i.u.bf16.f32 v44;
	v44 =	vunpack.i.l.bf16.f32 v44;
	v47 =	vld [tilespmem:s28+$0x140]  }
0x1ec: {  	v38 =	vadd.f32 v38, v37;
	v37 =	vunpack.i.l.bf16.f32 v43;
	v34 =	vadd.f32 v34, v33;
	v48 =	vld [tilespmem:s28+$0x150]  }
0x1ed: {  	v36 =	vadd.f32 v37, v36;
	v50 =	vunpack.i.l.bf16.f32 v35;
	v35 =	vunpack.i.u.bf16.f32 v39;
	v33 =	vld [tilespmem:s28+$0x1B0]  }
0x1ee: {  	v43 =	vunpack.i.u.bf16.f32 v43;
	v37 =	vadd.f32 v35, v34;
	v45 =	vadd.bf16 v40, v45;
	v35 =	vld [tilespmem:s28+$0x1A0]  }
.Ltmp8:
0x1ef: {  	v44 =	vadd.f32 v44, v36;
	v52 =	vunpack.i.l.bf16.f32 v39;
	v51 =	vadd.bf16 v51, v41;
	v40 =	vld [tilespmem:s28+$0x180];
	(pc) =	sbr.rel @p0 .LBB2_20-.Ltmp8, $4  }
0x1f0: {  	v39 =	vadd.f32 v43, v38;
	v41 =	vadd.f32 v50, v42;
	v34 =	vunpack.i.u.bf16.f32 v45;
	v36 =	vld [tilespmem:s28+$0x190]  }
0x1f1: {  	v43 =	vunpack.i.l.bf16.f32 v45;
	v42 =	vadd.bf16 v46, v47;
	v46 =	vadd.bf16 v49, v48;
	v38 =	vld [tilespmem:s28+$0x1C0]  }
0x1f2: {  	v47 =	vadd.f32 v52, v41;
	v48 =	vunpack.i.u.bf16.f32 v51;
	v45 =	vadd.f32 v43, v44;
	v41 =	vld [tilespmem:s28+$0x1D0]  }
0x1f3: {  	v49 =	vunpack.i.l.bf16.f32 v51;
	v44 =	vunpack.i.u.bf16.f32 v46;
	v46 =	vunpack.i.l.bf16.f32 v46;
	v43 =	vld [tilespmem:s28+$0x1F0];
	s28 =	sadd.s32 $0x200, s28  }
0x1f4: {  	v47 =	vadd.f32 v49, v47;
	v37 =	vadd.f32 v48, v37  }
0x1f5: {  	v53 =	vunpack.i.l.bf16.f32 v42;
	v35 =	vadd.bf16 v35, v40;
	v32 =	vadd.f32 v32, v39  }
0x1f6: {  	v45 =	vadd.f32 v53, v45;
	v33 =	vadd.bf16 v33, v36  }
0x1f7: {  	v55 =	vunpack.i.u.bf16.f32 v42;
	v54 =	vadd.f32 v46, v47;
	v37 =	vadd.f32 v44, v37  }
0x1f8: {  	v56 =	vunpack.i.l.bf16.f32 v35;
	v32 =	vadd.f32 v34, v32;
	v31 =	vadd.bf16 v31, v38  }
0x1f9: {  	v60 =	vunpack.i.u.bf16.f32 v35;
	v57 =	vunpack.i.u.bf16.f32 v33;
	v36 =	vadd.f32 v56, v45  }
0x1fa: {  	v33 =	vunpack.i.l.bf16.f32 v33;
	v41 =	vadd.bf16 v43, v41;
	v32 =	vadd.f32 v55, v32  }
0x1fb: {  	v39 =	vadd.f32 v33, v54;
	v34 =	vadd.f32 v57, v37;
	v61 =	vunpack.i.l.bf16.f32 v31  }
0x1fc: {  	v63 =	vunpack.i.u.bf16.f32 v31;
	v59 =	vunpack.i.l.bf16.f32 v41;
	v62 =	vadd.f32 v60, v32  }
0x1fd: {  	v33 =	vadd.f32 v61, v36;
	v58 =	vunpack.i.u.bf16.f32 v41;
	v32 =	vadd.f32 v59, v39  }
0x1fe: {  	s9 =	simm.s32 $0x0;
	v31 =	vadd.f32 v58, v34;
	v34 =	vadd.f32 v63, v62  }
.LBB2_22:
0x1ff: {  	s28 =	sshra.s32 s9, $0x2  }
0x200: {  	v35 =	vld [tilespmem:s28+$0xE000]  }
0x201: {  	v36 =	vld [tilespmem:s28+$0xE020]  }
0x202: {  	v37 =	vld [tilespmem:s28+$0xE010]  }
0x203: {  	v38 =	vld [tilespmem:s28+$0xE030];
	_ =	sdelay $0x3  }
0x204: {  	p0 =	sne.s32 s9, $0x300  }
.Ltmp9:
0x205: {  	v35 =	vadd.bf16 v36, v35;
	v62 =	vadd.bf16 v38, v37;
	(pc) =	sbr.rel @p0 .LBB2_22-.Ltmp9, $4  }
0x206: {  	_ = 	snop  }
0x207: {  	v63 =	vunpack.i.u.bf16.f32 v35;
	v35 =	vunpack.i.l.bf16.f32 v35;
	v38 =	vunpack.i.u.bf16.f32 v62  }
0x208: {  	v36 =	vunpack.i.l.bf16.f32 v62;
	v33 =	vadd.f32 v35, v33;
	v34 =	vadd.f32 v63, v34  }
0x209: {  	s9 =	sadd.s32 $0x100, s9;
	v32 =	vadd.f32 v36, v32;
	v31 =	vadd.f32 v38, v31  }
0x20a: {  	_ =	swait.ge [sflag:s24], $0x1900  }
0x20b: {  	[sflag:s24] =	ssyncset.done $0x0  }
0x20c: {  	s9 =	sadd.s32 $0x960, s1;
	s28 =	simm.s32 $0xE100;
	[sflag:s24] =	ssyncadd.s32 $0xFFFFE700  }
0x20d: {  	[tilespmem:s19], [sflag:$0x1] =	stream.indirect.gather [hbm4b:s4+s11], $0x20, s9, s11, $0xb8;
	[tilespmem:$0x13140] =	vst v63  }
0x20e: {  	v38 =	vld [tilespmem:s28+$0x120]  }
0x20f: {  	v36 =	vld [tilespmem:s28+$0xA0]  }
0x210: {  	v37 =	vld [tilespmem:s28+$0xB0]  }
0x211: {  	v39 =	vld [tilespmem:s28+$0x70]  }
0x212: {  	v40 =	vld [tilespmem:s28+$0x50]  }
0x213: {  	v41 =	vld [tilespmem:s28+$0x0]  }
0x214: {  	v43 =	vld [tilespmem:s28+$0x30]  }
0x215: {  	v44 =	vld [tilespmem:s28+$0x10]  }
0x216: {  	v45 =	vld [tilespmem:s28+$0x20]  }
0x217: {  	v46 =	vld [tilespmem:s28+$0x60]  }
0x218: {  	v47 =	vld [tilespmem:s28+$0x40]  }
0x219: {  	v48 =	vld [tilespmem:s28+$0x90]  }
0x21a: {  	v59 =	vld [tilespmem:s28+$0x80]  }
0x21b: {  	v60 =	vld [tilespmem:s28+$0xE0]  }
0x21c: {  	v50 =	vld [tilespmem:s28+$0xC0]  }
0x21d: {  	v62 =	vld [tilespmem:s28+$0xF0]  }
0x21e: {  	v53 =	vld [tilespmem:s28+$0xD0]  }
0x21f: {  	v63 =	vld [tilespmem:s28+$0x100]  }
0x220: {  	v43 =	vadd.bf16 v43, v44;
	v41 =	vadd.bf16 v45, v41  }
0x221: {  	v39 =	vadd.bf16 v39, v40;
	v46 =	vadd.bf16 v46, v47  }
0x222: {  	v37 =	vadd.bf16 v37, v48;
	v44 =	vadd.bf16 v36, v59  }
0x223: {  	v49 =	vimm.f32 $0.0e+00;
	v45 =	vadd.bf16 v60, v50;
	v47 =	vadd.bf16 v62, v53  }
0x224: {  	v35 =	vld [tilespmem:s28+$0x1E0];
	v50 =	vadd.bf16 v38, v63;
	v61 =	vunpack.i.u.bf16.f32 v43;
	v43 =	vunpack.i.l.bf16.f32 v43  }
0x225: {  	v42 =	vld [tilespmem:s28+$0x170];
	v51 =	vunpack.i.l.bf16.f32 v41;
	v41 =	vunpack.i.u.bf16.f32 v41;
	v52 =	vunpack.i.l.bf16.f32 v39  }
0x226: {  	v57 =	vld [tilespmem:s28+$0x160];
	v54 =	vunpack.i.l.bf16.f32 v46;
	v39 =	vunpack.i.u.bf16.f32 v39;
	v46 =	vunpack.i.u.bf16.f32 v46  }
0x227: {  	v58 =	vld [tilespmem:s28+$0x140];
	v56 =	vunpack.i.u.bf16.f32 v37;
	v36 =	vunpack.i.u.bf16.f32 v45;
	v40 =	vadd.f32 v61, v49  }
0x228: {  	v60 =	vld [tilespmem:s28+$0x150];
	v45 =	vunpack.i.l.bf16.f32 v45;
	v43 =	vadd.f32 v43, v49;
	v51 =	vadd.f32 v51, v49  }
0x229: {  	v48 =	vld [tilespmem:s28+$0x110];
	v59 =	vunpack.i.l.bf16.f32 v44;
	v41 =	vadd.f32 v41, v49;
	v39 =	vadd.f32 v39, v40  }
0x22a: {  	v55 =	vunpack.i.u.bf16.f32 v44;
	v52 =	vadd.f32 v52, v43;
	v43 =	vld [tilespmem:s28+$0x130];
	v51 =	vadd.f32 v54, v51  }
0x22b: {  	v44 =	vld [tilespmem:s28+$0x180];
	v61 =	vunpack.i.l.bf16.f32 v37;
	v46 =	vadd.f32 v46, v41;
	v39 =	vadd.f32 v56, v39  }
0x22c: {  	v62 =	vunpack.i.u.bf16.f32 v47;
	v37 =	vld [tilespmem:s28+$0x1B0];
	v51 =	vadd.f32 v59, v51;
	v63 =	vadd.f32 v61, v52  }
0x22d: {  	v47 =	vunpack.i.l.bf16.f32 v47;
	v40 =	vld [tilespmem:s28+$0x190];
	v54 =	vadd.bf16 v42, v60;
	v41 =	vadd.f32 v62, v39  }
0x22e: {  	v38 =	vunpack.i.u.bf16.f32 v50;
	v39 =	vld [tilespmem:s28+$0x1A0];
	v45 =	vadd.f32 v45, v51;
	v51 =	vadd.f32 v47, v63  }
0x22f: {  	v50 =	vunpack.i.l.bf16.f32 v50;
	v42 =	vld [tilespmem:s28+$0x1C0];
	v48 =	vadd.bf16 v43, v48;
	v43 =	vadd.f32 v55, v46  }
0x230: {  	v47 =	vld [tilespmem:s28+$0x1F0];
	v46 =	vadd.bf16 v57, v58;
	v49 =	vadd.f32 v50, v45;
	v50 =	vunpack.i.l.bf16.f32 v54  }
0x231: {  	s9 =	simm.s32 $0x0;
	v45 =	vld [tilespmem:s28+$0x1D0];
	s28 =	simm.s32 $0xE300;
	v52 =	vunpack.i.u.bf16.f32 v48;
	v53 =	vunpack.i.l.bf16.f32 v48;
	v48 =	vunpack.i.u.bf16.f32 v54  }
.LBB2_24:
0x232: {  	v54 =	vld [tilespmem:s28+$0x1E0];
	s9 =	sadd.s32 $0x8, s9;
	v51 =	vadd.f32 v53, v51;
	v41 =	vadd.f32 v52, v41;
	v52 =	vunpack.i.l.bf16.f32 v46  }
0x233: {  	v46 =	vunpack.i.u.bf16.f32 v46;
	v39 =	vadd.bf16 v39, v44;
	v53 =	vld [tilespmem:s28+$0x170];
	p0 =	slt.u32 s9, $0x58;
	v49 =	vadd.f32 v52, v49  }
0x234: {  	v36 =	vadd.f32 v36, v43;
	v44 =	vld [tilespmem:s28+$0x120];
	v43 =	vadd.f32 v50, v51  }
0x235: {  	v37 =	vadd.bf16 v37, v40;
	v41 =	vadd.f32 v48, v41;
	v40 =	vunpack.i.l.bf16.f32 v39;
	v50 =	vld [tilespmem:s28+$0xA0]  }
0x236: {  	v42 =	vadd.bf16 v35, v42;
	v48 =	vld [tilespmem:s28+$0xB0];
	v45 =	vadd.bf16 v47, v45  }
0x237: {  	v51 =	vunpack.i.u.bf16.f32 v37;
	v37 =	vunpack.i.l.bf16.f32 v37;
	v40 =	vadd.f32 v40, v49;
	v47 =	vld [tilespmem:s28+$0x70];
	v35 =	vmovc v54  }
0x238: {  	v36 =	vadd.f32 v38, v36;
	v49 =	vld [tilespmem:s28+$0x50];
	v38 =	vunpack.i.u.bf16.f32 v45;
	v45 =	vunpack.i.l.bf16.f32 v45  }
0x239: {  	v37 =	vadd.f32 v37, v43;
	v41 =	vadd.f32 v51, v41;
	v43 =	vunpack.i.l.bf16.f32 v42;
	v52 =	vld [tilespmem:s28+$0x0]  }
0x23a: {  	v39 =	vunpack.i.u.bf16.f32 v39;
	v36 =	vadd.f32 v46, v36;
	v40 =	vadd.f32 v43, v40;
	v51 =	vld [tilespmem:s28+$0x30]  }
0x23b: {  	v37 =	vadd.f32 v45, v37;
	v38 =	vadd.f32 v38, v41;
	v43 =	vld [tilespmem:s28+$0x10]  }
0x23c: {  	v36 =	vadd.f32 v39, v36;
	v39 =	vunpack.i.u.bf16.f32 v42;
	v41 =	vld [tilespmem:s28+$0x20]  }
0x23d: {  	v42 =	vld [tilespmem:s28+$0x60];
	v45 =	vadd.bf16 v47, v49  }
0x23e: {  	v36 =	vadd.f32 v39, v36;
	v46 =	vld [tilespmem:s28+$0x40]  }
0x23f: {  	v39 =	vld [tilespmem:s28+$0x90]  }
0x240: {  	v43 =	vadd.bf16 v51, v43;
	v47 =	vld [tilespmem:s28+$0x80]  }
0x241: {  	v41 =	vadd.bf16 v41, v52;
	v49 =	vld [tilespmem:s28+$0xE0]  }
0x242: {  	v51 =	vunpack.i.u.bf16.f32 v43;
	v43 =	vunpack.i.l.bf16.f32 v43;
	v52 =	vld [tilespmem:s28+$0xC0]  }
0x243: {  	v54 =	vunpack.i.l.bf16.f32 v41;
	v37 =	vadd.f32 v43, v37;
	v42 =	vadd.bf16 v42, v46;
	v43 =	vld [tilespmem:s28+$0xF0]  }
0x244: {  	v41 =	vunpack.i.u.bf16.f32 v41;
	v46 =	vunpack.i.l.bf16.f32 v45;
	v40 =	vadd.f32 v54, v40;
	v54 =	vld [tilespmem:s28+$0xD0]  }
0x245: {  	v38 =	vadd.f32 v51, v38;
	v51 =	vunpack.i.l.bf16.f32 v42;
	v46 =	vadd.f32 v46, v37;
	v55 =	vld [tilespmem:s28+$0x130]  }
0x246: {  	v39 =	vadd.bf16 v48, v39;
	v37 =	vunpack.i.u.bf16.f32 v45;
	v40 =	vadd.f32 v51, v40;
	v45 =	vld [tilespmem:s28+$0x110]  }
0x247: {  	v42 =	vunpack.i.u.bf16.f32 v42;
	v47 =	vadd.bf16 v50, v47;
	v48 =	vadd.bf16 v49, v52;
	v49 =	vld [tilespmem:s28+$0x100]  }
0x248: {  	v41 =	vadd.f32 v41, v36;
	v37 =	vadd.f32 v37, v38;
	v38 =	vunpack.i.u.bf16.f32 v39;
	v50 =	vld [tilespmem:s28+$0x160]  }
0x249: {  	v43 =	vadd.bf16 v43, v54;
	v36 =	vunpack.i.u.bf16.f32 v48;
	v48 =	vunpack.i.l.bf16.f32 v48;
	v51 =	vld [tilespmem:s28+$0x140]  }
0x24a: {  	v42 =	vadd.f32 v42, v41;
	v41 =	vunpack.i.l.bf16.f32 v47;
	v38 =	vadd.f32 v38, v37;
	v52 =	vld [tilespmem:s28+$0x150]  }
0x24b: {  	v40 =	vadd.f32 v41, v40;
	v54 =	vunpack.i.l.bf16.f32 v39;
	v39 =	vunpack.i.u.bf16.f32 v43;
	v37 =	vld [tilespmem:s28+$0x1B0]  }
0x24c: {  	v47 =	vunpack.i.u.bf16.f32 v47;
	v41 =	vadd.f32 v39, v38;
	v49 =	vadd.bf16 v44, v49;
	v39 =	vld [tilespmem:s28+$0x1A0]  }
.Ltmp10:
0x24d: {  	v48 =	vadd.f32 v48, v40;
	v56 =	vunpack.i.l.bf16.f32 v43;
	v55 =	vadd.bf16 v55, v45;
	v44 =	vld [tilespmem:s28+$0x180];
	(pc) =	sbr.rel @p0 .LBB2_24-.Ltmp10, $4  }
0x24e: {  	v43 =	vadd.f32 v47, v42;
	v45 =	vadd.f32 v54, v46;
	v38 =	vunpack.i.u.bf16.f32 v49;
	v40 =	vld [tilespmem:s28+$0x190]  }
0x24f: {  	v47 =	vunpack.i.l.bf16.f32 v49;
	v46 =	vadd.bf16 v50, v51;
	v50 =	vadd.bf16 v53, v52;
	v42 =	vld [tilespmem:s28+$0x1C0]  }
0x250: {  	v51 =	vadd.f32 v56, v45;
	v52 =	vunpack.i.u.bf16.f32 v55;
	v49 =	vadd.f32 v47, v48;
	v45 =	vld [tilespmem:s28+$0x1D0]  }
0x251: {  	v53 =	vunpack.i.l.bf16.f32 v55;
	v48 =	vunpack.i.u.bf16.f32 v50;
	v50 =	vunpack.i.l.bf16.f32 v50;
	v47 =	vld [tilespmem:s28+$0x1F0];
	s28 =	sadd.s32 $0x200, s28  }
0x252: {  	v51 =	vadd.f32 v53, v51;
	v41 =	vadd.f32 v52, v41  }
0x253: {  	v63 =	vunpack.i.l.bf16.f32 v46;
	v39 =	vadd.bf16 v39, v44;
	v36 =	vadd.f32 v36, v43  }
0x254: {  	v49 =	vadd.f32 v63, v49;
	v37 =	vadd.bf16 v37, v40  }
0x255: {  	v55 =	vunpack.i.u.bf16.f32 v46;
	v54 =	vadd.f32 v50, v51;
	v41 =	vadd.f32 v48, v41  }
0x256: {  	v56 =	vunpack.i.l.bf16.f32 v39;
	v36 =	vadd.f32 v38, v36;
	v35 =	vadd.bf16 v35, v42  }
0x257: {  	v60 =	vunpack.i.u.bf16.f32 v39;
	v57 =	vunpack.i.u.bf16.f32 v37;
	v40 =	vadd.f32 v56, v49  }
0x258: {  	v37 =	vunpack.i.l.bf16.f32 v37;
	v45 =	vadd.bf16 v47, v45;
	v36 =	vadd.f32 v55, v36  }
0x259: {  	v43 =	vadd.f32 v37, v54;
	v38 =	vadd.f32 v57, v41;
	v61 =	vunpack.i.l.bf16.f32 v35  }
0x25a: {  	v63 =	vunpack.i.u.bf16.f32 v35;
	v59 =	vunpack.i.l.bf16.f32 v45;
	v62 =	vadd.f32 v60, v36  }
0x25b: {  	v37 =	vadd.f32 v61, v40;
	v58 =	vunpack.i.u.bf16.f32 v45;
	v36 =	vadd.f32 v59, v43  }
0x25c: {  	s9 =	simm.s32 $0x0;
	v35 =	vadd.f32 v58, v38;
	v38 =	vadd.f32 v63, v62  }
.LBB2_26:
0x25d: {  	s28 =	sshra.s32 s9, $0x2  }
0x25e: {  	v39 =	vld [tilespmem:s28+$0xF900]  }
0x25f: {  	v40 =	vld [tilespmem:s28+$0xF920]  }
0x260: {  	v41 =	vld [tilespmem:s28+$0xF910]  }
0x261: {  	v42 =	vld [tilespmem:s28+$0xF930];
	_ =	sdelay $0x3  }
0x262: {  	p0 =	sne.s32 s9, $0x300  }
.Ltmp11:
0x263: {  	v39 =	vadd.bf16 v40, v39;
	v62 =	vadd.bf16 v42, v41;
	(pc) =	sbr.rel @p0 .LBB2_26-.Ltmp11, $4  }
0x264: {  	_ = 	snop  }
0x265: {  	v63 =	vunpack.i.u.bf16.f32 v39;
	v39 =	vunpack.i.l.bf16.f32 v39;
	v42 =	vunpack.i.u.bf16.f32 v62  }
0x266: {  	v40 =	vunpack.i.l.bf16.f32 v62;
	v37 =	vadd.f32 v39, v37;
	v38 =	vadd.f32 v63, v38  }
0x267: {  	s9 =	sadd.s32 $0x100, s9;
	v36 =	vadd.f32 v40, v36;
	v35 =	vadd.f32 v42, v35  }
0x268: {  	_ =	swait.ge [sflag:s24], $0x1900  }
0x269: {  	[sflag:s24] =	ssyncset.done $0x0  }
0x26a: {  	s9 =	sadd.s32 $0xA28, s1;
	s28 =	simm.s32 $0xFA00;
	[sflag:s24] =	ssyncadd.s32 $0xFFFFE700  }
0x26b: {  	[tilespmem:s21], [sflag:$0x1] =	stream.indirect.gather [hbm4b:s4+s11], $0x20, s9, s11, $0xb8;
	[tilespmem:$0x13140] =	vst v63  }
0x26c: {  	v40 =	vld [tilespmem:s28+$0xA0]  }
0x26d: {  	v41 =	vld [tilespmem:s28+$0xB0]  }
0x26e: {  	v43 =	vld [tilespmem:s28+$0x70]  }
0x26f: {  	v44 =	vld [tilespmem:s28+$0x50]  }
0x270: {  	v45 =	vld [tilespmem:s28+$0x0]  }
0x271: {  	v47 =	vld [tilespmem:s28+$0x30]  }
0x272: {  	v48 =	vld [tilespmem:s28+$0x10]  }
0x273: {  	v49 =	vld [tilespmem:s28+$0x20]  }
0x274: {  	v50 =	vld [tilespmem:s28+$0x60]  }
0x275: {  	v51 =	vld [tilespmem:s28+$0x40]  }
0x276: {  	v52 =	vld [tilespmem:s28+$0x90]  }
0x277: {  	v62 =	vld [tilespmem:s28+$0x80]  }
0x278: {  	v63 =	vld [tilespmem:s28+$0xE0]  }
0x279: {  	v54 =	vld [tilespmem:s28+$0xC0]  }
0x27a: {  	v61 =	vld [tilespmem:s28+$0xF0]  }
0x27b: {  	v57 =	vld [tilespmem:s28+$0xD0];
	_ =	sdelay $0x1  }
0x27c: {  	v47 =	vadd.bf16 v47, v48;
	v45 =	vadd.bf16 v49, v45  }
0x27d: {  	v43 =	vadd.bf16 v43, v44;
	v50 =	vadd.bf16 v50, v51  }
0x27e: {  	v39 =	vld [tilespmem:s28+$0x1E0];
	v41 =	vadd.bf16 v41, v52;
	v48 =	vadd.bf16 v40, v62  }
0x27f: {  	v53 =	vimm.f32 $0.0e+00;
	v46 =	vld [tilespmem:s28+$0x170];
	v49 =	vadd.bf16 v63, v54;
	v51 =	vadd.bf16 v61, v57  }
0x280: {  	v42 =	vld [tilespmem:s28+$0x120];
	v60 =	vunpack.i.u.bf16.f32 v47;
	v47 =	vunpack.i.l.bf16.f32 v47;
	v55 =	vunpack.i.l.bf16.f32 v45  }
0x281: {  	v52 =	vld [tilespmem:s28+$0x110];
	v45 =	vunpack.i.u.bf16.f32 v45;
	v56 =	vunpack.i.l.bf16.f32 v43;
	v58 =	vunpack.i.l.bf16.f32 v50  }
0x282: {  	v54 =	vld [tilespmem:s28+$0x100];
	v43 =	vunpack.i.u.bf16.f32 v43;
	v50 =	vunpack.i.u.bf16.f32 v50;
	v62 =	vunpack.i.u.bf16.f32 v41  }
0x283: {  	v57 =	vld [tilespmem:s28+$0x140];
	v40 =	vunpack.i.u.bf16.f32 v49;
	v47 =	vadd.f32 v47, v53;
	v44 =	vadd.f32 v60, v53  }
0x284: {  	v49 =	vunpack.i.l.bf16.f32 v49;
	v55 =	vadd.f32 v55, v53;
	v45 =	vadd.f32 v45, v53;
	v60 =	vld [tilespmem:s28+$0x150]  }
0x285: {  	v61 =	vunpack.i.l.bf16.f32 v41;
	v41 =	vld [tilespmem:s28+$0x1B0];
	v56 =	vadd.f32 v56, v47;
	v43 =	vadd.f32 v43, v44  }
0x286: {  	v63 =	vunpack.i.l.bf16.f32 v48;
	v47 =	vld [tilespmem:s28+$0x130];
	v55 =	vadd.f32 v58, v55;
	v50 =	vadd.f32 v50, v45  }
0x287: {  	v59 =	vunpack.i.u.bf16.f32 v48;
	v53 =	vld [tilespmem:s28+$0x160];
	v54 =	vadd.bf16 v42, v54;
	v43 =	vadd.f32 v62, v43  }
0x288: {  	v48 =	vld [tilespmem:s28+$0x180];
	v55 =	vadd.f32 v63, v55;
	v62 =	vunpack.i.u.bf16.f32 v51;
	v63 =	vadd.f32 v61, v56  }
0x289: {  	v44 =	vld [tilespmem:s28+$0x190];
	v51 =	vunpack.i.l.bf16.f32 v51;
	v58 =	vadd.bf16 v46, v60;
	v45 =	vadd.f32 v62, v43  }
0x28a: {  	v42 =	vunpack.i.u.bf16.f32 v54;
	v43 =	vld [tilespmem:s28+$0x1A0];
	v49 =	vadd.f32 v49, v55;
	v55 =	vadd.f32 v51, v63  }
0x28b: {  	v54 =	vunpack.i.l.bf16.f32 v54;
	v46 =	vld [tilespmem:s28+$0x1C0];
	v52 =	vadd.bf16 v47, v52;
	v47 =	vadd.f32 v59, v50  }
0x28c: {  	v51 =	vld [tilespmem:s28+$0x1F0];
	v50 =	vadd.bf16 v53, v57;
	v53 =	vadd.f32 v54, v49;
	v54 =	vunpack.i.l.bf16.f32 v58  }
0x28d: {  	s9 =	simm.s32 $0x0;
	v49 =	vld [tilespmem:s28+$0x1D0];
	s28 =	simm.s32 $0xFC00;
	v56 =	vunpack.i.u.bf16.f32 v52;
	v57 =	vunpack.i.l.bf16.f32 v52;
	v52 =	vunpack.i.u.bf16.f32 v58  }
.LBB2_28:
0x28e: {  	v58 =	vld [tilespmem:s28+$0x1E0];
	s9 =	sadd.s32 $0x8, s9;
	v55 =	vadd.f32 v57, v55;
	v45 =	vadd.f32 v56, v45;
	v56 =	vunpack.i.l.bf16.f32 v50  }
0x28f: {  	v50 =	vunpack.i.u.bf16.f32 v50;
	v43 =	vadd.bf16 v43, v48;
	v57 =	vld [tilespmem:s28+$0x170];
	p0 =	slt.u32 s9, $0x58;
	v53 =	vadd.f32 v56, v53  }
0x290: {  	v40 =	vadd.f32 v40, v47;
	v48 =	vld [tilespmem:s28+$0x120];
	v47 =	vadd.f32 v54, v55  }
0x291: {  	v41 =	vadd.bf16 v41, v44;
	v45 =	vadd.f32 v52, v45;
	v44 =	vunpack.i.l.bf16.f32 v43;
	v54 =	vld [tilespmem:s28+$0xA0]  }
0x292: {  	v46 =	vadd.bf16 v39, v46;
	v52 =	vld [tilespmem:s28+$0xB0];
	v49 =	vadd.bf16 v51, v49  }
0x293: {  	v55 =	vunpack.i.u.bf16.f32 v41;
	v41 =	vunpack.i.l.bf16.f32 v41;
	v44 =	vadd.f32 v44, v53;
	v51 =	vld [tilespmem:s28+$0x70];
	v39 =	vmovc v58  }
0x294: {  	v40 =	vadd.f32 v42, v40;
	v53 =	vld [tilespmem:s28+$0x50];
	v42 =	vunpack.i.u.bf16.f32 v49;
	v49 =	vunpack.i.l.bf16.f32 v49  }
0x295: {  	v41 =	vadd.f32 v41, v47;
	v45 =	vadd.f32 v55, v45;
	v47 =	vunpack.i.l.bf16.f32 v46;
	v56 =	vld [tilespmem:s28+$0x0]  }
0x296: {  	v43 =	vunpack.i.u.bf16.f32 v43;
	v40 =	vadd.f32 v50, v40;
	v44 =	vadd.f32 v47, v44;
	v55 =	vld [tilespmem:s28+$0x30]  }
0x297: {  	v41 =	vadd.f32 v49, v41;
	v42 =	vadd.f32 v42, v45;
	v47 =	vld [tilespmem:s28+$0x10]  }
0x298: {  	v40 =	vadd.f32 v43, v40;
	v43 =	vunpack.i.u.bf16.f32 v46;
	v45 =	vld [tilespmem:s28+$0x20]  }
0x299: {  	v46 =	vld [tilespmem:s28+$0x60];
	v49 =	vadd.bf16 v51, v53  }
0x29a: {  	v40 =	vadd.f32 v43, v40;
	v50 =	vld [tilespmem:s28+$0x40]  }
0x29b: {  	v43 =	vld [tilespmem:s28+$0x90]  }
0x29c: {  	v47 =	vadd.bf16 v55, v47;
	v51 =	vld [tilespmem:s28+$0x80]  }
0x29d: {  	v45 =	vadd.bf16 v45, v56;
	v53 =	vld [tilespmem:s28+$0xE0]  }
0x29e: {  	v55 =	vunpack.i.u.bf16.f32 v47;
	v47 =	vunpack.i.l.bf16.f32 v47;
	v56 =	vld [tilespmem:s28+$0xC0]  }
0x29f: {  	v58 =	vunpack.i.l.bf16.f32 v45;
	v41 =	vadd.f32 v47, v41;
	v46 =	vadd.bf16 v46, v50;
	v47 =	vld [tilespmem:s28+$0xF0]  }
0x2a0: {  	v45 =	vunpack.i.u.bf16.f32 v45;
	v50 =	vunpack.i.l.bf16.f32 v49;
	v44 =	vadd.f32 v58, v44;
	v58 =	vld [tilespmem:s28+$0xD0]  }
0x2a1: {  	v42 =	vadd.f32 v55, v42;
	v55 =	vunpack.i.l.bf16.f32 v46;
	v50 =	vadd.f32 v50, v41;
	v59 =	vld [tilespmem:s28+$0x130]  }
0x2a2: {  	v43 =	vadd.bf16 v52, v43;
	v41 =	vunpack.i.u.bf16.f32 v49;
	v44 =	vadd.f32 v55, v44;
	v49 =	vld [tilespmem:s28+$0x110]  }
0x2a3: {  	v46 =	vunpack.i.u.bf16.f32 v46;
	v51 =	vadd.bf16 v54, v51;
	v52 =	vadd.bf16 v53, v56;
	v53 =	vld [tilespmem:s28+$0x100]  }
0x2a4: {  	v45 =	vadd.f32 v45, v40;
	v41 =	vadd.f32 v41, v42;
	v42 =	vunpack.i.u.bf16.f32 v43;
	v54 =	vld [tilespmem:s28+$0x160]  }
0x2a5: {  	v47 =	vadd.bf16 v47, v58;
	v40 =	vunpack.i.u.bf16.f32 v52;
	v52 =	vunpack.i.l.bf16.f32 v52;
	v55 =	vld [tilespmem:s28+$0x140]  }
0x2a6: {  	v46 =	vadd.f32 v46, v45;
	v45 =	vunpack.i.l.bf16.f32 v51;
	v42 =	vadd.f32 v42, v41;
	v56 =	vld [tilespmem:s28+$0x150]  }
0x2a7: {  	v44 =	vadd.f32 v45, v44;
	v58 =	vunpack.i.l.bf16.f32 v43;
	v43 =	vunpack.i.u.bf16.f32 v47;
	v41 =	vld [tilespmem:s28+$0x1B0]  }
0x2a8: {  	v51 =	vunpack.i.u.bf16.f32 v51;
	v45 =	vadd.f32 v43, v42;
	v53 =	vadd.bf16 v48, v53;
	v43 =	vld [tilespmem:s28+$0x1A0]  }
.Ltmp12:
0x2a9: {  	v52 =	vadd.f32 v52, v44;
	v60 =	vunpack.i.l.bf16.f32 v47;
	v59 =	vadd.bf16 v59, v49;
	v48 =	vld [tilespmem:s28+$0x180];
	(pc) =	sbr.rel @p0 .LBB2_28-.Ltmp12, $4  }
0x2aa: {  	v47 =	vadd.f32 v51, v46;
	v49 =	vadd.f32 v58, v50;
	v42 =	vunpack.i.u.bf16.f32 v53;
	v44 =	vld [tilespmem:s28+$0x190]  }
0x2ab: {  	v51 =	vunpack.i.l.bf16.f32 v53;
	v50 =	vadd.bf16 v54, v55;
	v54 =	vadd.bf16 v57, v56;
	v46 =	vld [tilespmem:s28+$0x1C0]  }
0x2ac: {  	v55 =	vadd.f32 v60, v49;
	v56 =	vunpack.i.u.bf16.f32 v59;
	v53 =	vadd.f32 v51, v52;
	v49 =	vld [tilespmem:s28+$0x1D0]  }
0x2ad: {  	v57 =	vunpack.i.l.bf16.f32 v59;
	v52 =	vunpack.i.u.bf16.f32 v54;
	v54 =	vunpack.i.l.bf16.f32 v54;
	v51 =	vld [tilespmem:s28+$0x1F0];
	s28 =	sadd.s32 $0x200, s28  }
0x2ae: {  	v55 =	vadd.f32 v57, v55;
	v45 =	vadd.f32 v56, v45  }
0x2af: {  	v62 =	vunpack.i.l.bf16.f32 v50;
	v43 =	vadd.bf16 v43, v48;
	v40 =	vadd.f32 v40, v47  }
0x2b0: {  	v53 =	vadd.f32 v62, v53;
	v41 =	vadd.bf16 v41, v44  }
0x2b1: {  	v63 =	vadd.f32 v54, v55;
	v54 =	vunpack.i.u.bf16.f32 v50;
	v45 =	vadd.f32 v52, v45  }
0x2b2: {  	v55 =	vunpack.i.l.bf16.f32 v43;
	v40 =	vadd.f32 v42, v40;
	v56 =	vadd.bf16 v39, v46  }
0x2b3: {  	v60 =	vunpack.i.u.bf16.f32 v43;
	v57 =	vunpack.i.u.bf16.f32 v41;
	v44 =	vadd.f32 v55, v53  }
0x2b4: {  	v41 =	vunpack.i.l.bf16.f32 v41;
	v49 =	vadd.bf16 v51, v49;
	v40 =	vadd.f32 v54, v40  }
0x2b5: {  	v47 =	vadd.f32 v41, v63;
	v61 =	vadd.f32 v57, v45;
	v62 =	vunpack.i.l.bf16.f32 v56  }
0x2b6: {  	v42 =	vunpack.i.u.bf16.f32 v56;
	v59 =	vunpack.i.l.bf16.f32 v49;
	v63 =	vadd.f32 v60, v40  }
0x2b7: {  	v41 =	vadd.f32 v62, v44;
	v58 =	vunpack.i.u.bf16.f32 v49;
	v39 =	vadd.f32 v59, v47  }
0x2b8: {  	s9 =	simm.s32 $0x0;
	v40 =	vadd.f32 v58, v61;
	v42 =	vadd.f32 v42, v63  }
.LBB2_30:
0x2b9: {  	s28 =	sshra.s32 s9, $0x2  }
0x2ba: {  	v43 =	vld [tilespmem:s28+$0x11200]  }
0x2bb: {  	v44 =	vld [tilespmem:s28+$0x11220]  }
0x2bc: {  	v45 =	vld [tilespmem:s28+$0x11210]  }
0x2bd: {  	v46 =	vld [tilespmem:s28+$0x11230];
	_ =	sdelay $0x3  }
0x2be: {  	p0 =	sne.s32 s9, $0x300  }
.Ltmp13:
0x2bf: {  	v43 =	vadd.bf16 v44, v43;
	v62 =	vadd.bf16 v46, v45;
	(pc) =	sbr.rel @p0 .LBB2_30-.Ltmp13, $4  }
0x2c0: {  	_ = 	snop  }
0x2c1: {  	v63 =	vunpack.i.u.bf16.f32 v43;
	v43 =	vunpack.i.l.bf16.f32 v43;
	v46 =	vunpack.i.u.bf16.f32 v62  }
0x2c2: {  	v44 =	vunpack.i.l.bf16.f32 v62;
	v41 =	vadd.f32 v43, v41;
	v42 =	vadd.f32 v63, v42  }
0x2c3: {  	s9 =	sadd.s32 $0x100, s9;
	v39 =	vadd.f32 v44, v39;
	v40 =	vadd.f32 v46, v40  }
0x2c4: {  	_ =	swait.ge [sflag:s24], $0x1900  }
0x2c5: {  	[sflag:s24] =	ssyncset.done $0x0  }
0x2c6: {  	s1 =	sadd.s32 $0xAF0, s1;
	s9 =	simm.s32 $0x11300;
	[sflag:s24] =	ssyncadd.s32 $0xFFFFE700  }
0x2c7: {  	[tilespmem:s23], [sflag:$0x1] =	stream.indirect.gather [hbm4b:s4+s11], $0x20, s1, s11, $0xb8;
	[tilespmem:$0x13140] =	vst v63  }
0x2c8: {  	v43 =	vld [tilespmem:s9+$0x1E0]  }
0x2c9: {  	v50 =	vld [tilespmem:s9+$0x170]  }
0x2ca: {  	v45 =	vld [tilespmem:s9+$0xB0]  }
0x2cb: {  	v47 =	vld [tilespmem:s9+$0x70]  }
0x2cc: {  	v48 =	vld [tilespmem:s9+$0x50]  }
0x2cd: {  	v49 =	vld [tilespmem:s9+$0x0]  }
0x2ce: {  	v51 =	vld [tilespmem:s9+$0x30]  }
0x2cf: {  	v52 =	vld [tilespmem:s9+$0x10]  }
0x2d0: {  	v53 =	vld [tilespmem:s9+$0x20]  }
0x2d1: {  	v54 =	vld [tilespmem:s9+$0x60]  }
0x2d2: {  	v55 =	vld [tilespmem:s9+$0x40]  }
0x2d3: {  	v56 =	vld [tilespmem:s9+$0x90]  }
0x2d4: {  	v44 =	vld [tilespmem:s9+$0xA0]  }
0x2d5: {  	v58 =	vld [tilespmem:s9+$0xC0]  }
0x2d6: {  	v61 =	vld [tilespmem:s9+$0xD0];
	v51 =	vadd.bf16 v51, v52  }
0x2d7: {  	v57 =	vimm.f32 $0.0e+00;
	v52 =	vld [tilespmem:s9+$0x80];
	v49 =	vadd.bf16 v53, v49;
	v47 =	vadd.bf16 v47, v48  }
0x2d8: {  	v53 =	vld [tilespmem:s9+$0xE0];
	v54 =	vadd.bf16 v54, v55;
	v45 =	vadd.bf16 v45, v56;
	v48 =	vunpack.i.u.bf16.f32 v51  }
0x2d9: {  	v55 =	vld [tilespmem:s9+$0xF0];
	v51 =	vunpack.i.l.bf16.f32 v51;
	v59 =	vunpack.i.l.bf16.f32 v49;
	v49 =	vunpack.i.u.bf16.f32 v49  }
0x2da: {  	v46 =	vld [tilespmem:s9+$0x120];
	v60 =	vunpack.i.l.bf16.f32 v47;
	v51 =	vadd.f32 v51, v57;
	v59 =	vadd.f32 v59, v57  }
0x2db: {  	v56 =	vld [tilespmem:s9+$0x110];
	v62 =	vunpack.i.l.bf16.f32 v54;
	v48 =	vadd.f32 v48, v57;
	v49 =	vadd.f32 v49, v57  }
0x2dc: {  	v47 =	vunpack.i.u.bf16.f32 v47;
	v57 =	vld [tilespmem:s9+$0x160];
	v60 =	vadd.f32 v60, v51;
	v52 =	vadd.bf16 v44, v52  }
0x2dd: {  	v54 =	vunpack.i.u.bf16.f32 v54;
	v53 =	vadd.bf16 v53, v58;
	v58 =	vld [tilespmem:s9+$0x100];
	v47 =	vadd.f32 v47, v48  }
0x2de: {  	v51 =	vld [tilespmem:s9+$0x130];
	v59 =	vadd.f32 v62, v59;
	v48 =	vunpack.i.u.bf16.f32 v45;
	v55 =	vadd.bf16 v55, v61  }
0x2df: {  	v61 =	vld [tilespmem:s9+$0x140];
	v54 =	vadd.f32 v54, v49;
	v49 =	vunpack.i.l.bf16.f32 v52;
	v47 =	vadd.f32 v48, v47  }
0x2e0: {  	v62 =	vld [tilespmem:s9+$0x150];
	v44 =	vunpack.i.u.bf16.f32 v53;
	v59 =	vadd.f32 v49, v59;
	v49 =	vunpack.i.u.bf16.f32 v55  }
0x2e1: {  	v53 =	vunpack.i.l.bf16.f32 v53;
	v48 =	vunpack.i.l.bf16.f32 v45;
	v45 =	vld [tilespmem:s9+$0x1B0];
	v49 =	vadd.f32 v49, v47  }
0x2e2: {  	v63 =	vunpack.i.u.bf16.f32 v52;
	v52 =	vld [tilespmem:s9+$0x180];
	v58 =	vadd.bf16 v46, v58;
	v53 =	vadd.f32 v53, v59  }
0x2e3: {  	v47 =	vld [tilespmem:s9+$0x1A0];
	v56 =	vadd.bf16 v51, v56;
	v51 =	vadd.f32 v63, v54  }
0x2e4: {  	v55 =	vunpack.i.l.bf16.f32 v55;
	v59 =	vadd.f32 v48, v60;
	v48 =	vld [tilespmem:s9+$0x190];
	v54 =	vadd.bf16 v57, v61  }
0x2e5: {  	v62 =	vadd.bf16 v50, v62;
	v50 =	vld [tilespmem:s9+$0x1C0];
	v46 =	vunpack.i.u.bf16.f32 v58;
	v58 =	vunpack.i.l.bf16.f32 v58  }
0x2e6: {  	v59 =	vadd.f32 v55, v59;
	v60 =	vunpack.i.u.bf16.f32 v56;
	v61 =	vunpack.i.l.bf16.f32 v56;
	v55 =	vld [tilespmem:s9+$0x1F0]  }
0x2e7: {  	s1 =	simm.s32 $0x0;
	v56 =	vunpack.i.u.bf16.f32 v62;
	v57 =	vadd.f32 v58, v53;
	v53 =	vld [tilespmem:s9+$0x1D0];
	v58 =	vunpack.i.l.bf16.f32 v62;
	s9 =	simm.s32 $0x11500  }
.LBB2_32:
0x2e8: {  	v62 =	vld [tilespmem:s9+$0x1E0];
	s1 =	sadd.s32 $0x8, s1;
	v59 =	vadd.f32 v61, v59;
	v49 =	vadd.f32 v60, v49;
	v60 =	vunpack.i.l.bf16.f32 v54  }
0x2e9: {  	v54 =	vunpack.i.u.bf16.f32 v54;
	v47 =	vadd.bf16 v47, v52;
	v61 =	vld [tilespmem:s9+$0x170];
	p0 =	slt.u32 s1, $0x58;
	v57 =	vadd.f32 v60, v57  }
0x2ea: {  	v44 =	vadd.f32 v44, v51;
	v52 =	vld [tilespmem:s9+$0x120];
	v51 =	vadd.f32 v58, v59  }
0x2eb: {  	v45 =	vadd.bf16 v45, v48;
	v49 =	vadd.f32 v56, v49;
	v48 =	vunpack.i.l.bf16.f32 v47;
	v58 =	vld [tilespmem:s9+$0xA0]  }
0x2ec: {  	v50 =	vadd.bf16 v43, v50;
	v56 =	vld [tilespmem:s9+$0xB0];
	v53 =	vadd.bf16 v55, v53  }
0x2ed: {  	v59 =	vunpack.i.u.bf16.f32 v45;
	v45 =	vunpack.i.l.bf16.f32 v45;
	v48 =	vadd.f32 v48, v57;
	v55 =	vld [tilespmem:s9+$0x70];
	v43 =	vmovc v62  }
0x2ee: {  	v44 =	vadd.f32 v46, v44;
	v57 =	vld [tilespmem:s9+$0x50];
	v46 =	vunpack.i.u.bf16.f32 v53;
	v53 =	vunpack.i.l.bf16.f32 v53  }
0x2ef: {  	v45 =	vadd.f32 v45, v51;
	v49 =	vadd.f32 v59, v49;
	v51 =	vunpack.i.l.bf16.f32 v50;
	v60 =	vld [tilespmem:s9+$0x0]  }
0x2f0: {  	v47 =	vunpack.i.u.bf16.f32 v47;
	v44 =	vadd.f32 v54, v44;
	v48 =	vadd.f32 v51, v48;
	v59 =	vld [tilespmem:s9+$0x30]  }
0x2f1: {  	v45 =	vadd.f32 v53, v45;
	v46 =	vadd.f32 v46, v49;
	v51 =	vld [tilespmem:s9+$0x10]  }
0x2f2: {  	v44 =	vadd.f32 v47, v44;
	v47 =	vunpack.i.u.bf16.f32 v50;
	v49 =	vld [tilespmem:s9+$0x20]  }
0x2f3: {  	v50 =	vld [tilespmem:s9+$0x60];
	v53 =	vadd.bf16 v55, v57  }
0x2f4: {  	v44 =	vadd.f32 v47, v44;
	v54 =	vld [tilespmem:s9+$0x40]  }
0x2f5: {  	v47 =	vld [tilespmem:s9+$0x90]  }
0x2f6: {  	v51 =	vadd.bf16 v59, v51;
	v55 =	vld [tilespmem:s9+$0x80]  }
0x2f7: {  	v49 =	vadd.bf16 v49, v60;
	v57 =	vld [tilespmem:s9+$0xE0]  }
0x2f8: {  	v59 =	vunpack.i.u.bf16.f32 v51;
	v51 =	vunpack.i.l.bf16.f32 v51;
	v60 =	vld [tilespmem:s9+$0xC0]  }
0x2f9: {  	v62 =	vunpack.i.l.bf16.f32 v49;
	v45 =	vadd.f32 v51, v45;
	v50 =	vadd.bf16 v50, v54;
	v51 =	vld [tilespmem:s9+$0xF0]  }
0x2fa: {  	v49 =	vunpack.i.u.bf16.f32 v49;
	v54 =	vunpack.i.l.bf16.f32 v53;
	v48 =	vadd.f32 v62, v48;
	v62 =	vld [tilespmem:s9+$0xD0]  }
0x2fb: {  	v46 =	vadd.f32 v59, v46;
	v59 =	vunpack.i.l.bf16.f32 v50;
	v54 =	vadd.f32 v54, v45;
	v63 =	vld [tilespmem:s9+$0x130]  }
0x2fc: {  	v47 =	vadd.bf16 v56, v47;
	v45 =	vunpack.i.u.bf16.f32 v53;
	v48 =	vadd.f32 v59, v48;
	v53 =	vld [tilespmem:s9+$0x110]  }
0x2fd: {  	v50 =	vunpack.i.u.bf16.f32 v50;
	v55 =	vadd.bf16 v58, v55;
	v56 =	vadd.bf16 v57, v60;
	v57 =	vld [tilespmem:s9+$0x100]  }
0x2fe: {  	v49 =	vadd.f32 v49, v44;
	v45 =	vadd.f32 v45, v46;
	v46 =	vunpack.i.u.bf16.f32 v47;
	v58 =	vld [tilespmem:s9+$0x160]  }
0x2ff: {  	v51 =	vadd.bf16 v51, v62;
	v44 =	vunpack.i.u.bf16.f32 v56;
	v56 =	vunpack.i.l.bf16.f32 v56;
	v59 =	vld [tilespmem:s9+$0x140]  }
0x300: {  	v50 =	vadd.f32 v50, v49;
	v49 =	vunpack.i.l.bf16.f32 v55;
	v46 =	vadd.f32 v46, v45;
	v60 =	vld [tilespmem:s9+$0x150]  }
0x301: {  	v48 =	vadd.f32 v49, v48;
	v62 =	vunpack.i.l.bf16.f32 v47;
	v47 =	vunpack.i.u.bf16.f32 v51;
	v45 =	vld [tilespmem:s9+$0x1B0]  }
0x302: {  	v55 =	vunpack.i.u.bf16.f32 v55;
	v49 =	vadd.f32 v47, v46;
	v57 =	vadd.bf16 v52, v57;
	v47 =	vld [tilespmem:s9+$0x1A0]  }
.Ltmp14:
0x303: {  	v56 =	vadd.f32 v56, v48;
	v14 =	vunpack.i.l.bf16.f32 v51;
	v63 =	vadd.bf16 v63, v53;
	v52 =	vld [tilespmem:s9+$0x180];
	(pc) =	sbr.rel @p0 .LBB2_32-.Ltmp14, $4  }
0x304: {  	v51 =	vadd.f32 v55, v50;
	v53 =	vadd.f32 v62, v54;
	v46 =	vunpack.i.u.bf16.f32 v57;
	v48 =	vld [tilespmem:s9+$0x190]  }
0x305: {  	v55 =	vunpack.i.l.bf16.f32 v57;
	v54 =	vadd.bf16 v58, v59;
	v58 =	vadd.bf16 v61, v60;
	v50 =	vld [tilespmem:s9+$0x1C0]  }
0x306: {  	v59 =	vadd.f32 v14, v53;
	v60 =	vunpack.i.u.bf16.f32 v63;
	v57 =	vadd.f32 v55, v56;
	v53 =	vld [tilespmem:s9+$0x1D0]  }
0x307: {  	v61 =	vunpack.i.l.bf16.f32 v63;
	v56 =	vunpack.i.u.bf16.f32 v58;
	v58 =	vunpack.i.l.bf16.f32 v58;
	v55 =	vld [tilespmem:s9+$0x1F0];
	s9 =	sadd.s32 $0x200, s9  }
0x308: {  	v14 =	vadd.f32 v61, v59;
	v49 =	vadd.f32 v60, v49  }
0x309: {  	v61 =	vunpack.i.l.bf16.f32 v54;
	v47 =	vadd.bf16 v47, v52;
	v44 =	vadd.f32 v44, v51  }
0x30a: {  	v57 =	vadd.f32 v61, v57;
	v45 =	vadd.bf16 v45, v48  }
0x30b: {  	v62 =	vunpack.i.u.bf16.f32 v54;
	v14 =	vadd.f32 v58, v14;
	v49 =	vadd.f32 v56, v49  }
0x30c: {  	v63 =	vunpack.i.l.bf16.f32 v47;
	v44 =	vadd.f32 v46, v44;
	v43 =	vadd.bf16 v43, v50  }
0x30d: {  	v61 =	vunpack.i.u.bf16.f32 v47;
	v58 =	vunpack.i.u.bf16.f32 v45;
	v48 =	vadd.f32 v63, v57  }
0x30e: {  	v45 =	vunpack.i.l.bf16.f32 v45;
	v56 =	vadd.bf16 v55, v53;
	v44 =	vadd.f32 v62, v44  }
0x30f: {  	v14 =	vadd.f32 v45, v14;
	v46 =	vadd.f32 v58, v49;
	v62 =	vunpack.i.l.bf16.f32 v43  }
0x310: {  	v45 =	vadd.f32 v62, v48;
	v60 =	vunpack.i.l.bf16.f32 v56;
	v63 =	vadd.f32 v61, v44  }
0x311: {  	v59 =	vunpack.i.u.bf16.f32 v56;
	v44 =	vadd.f32 v60, v14;
	v14 =	vunpack.i.u.bf16.f32 v43  }
0x312: {  	s1 =	simm.s32 $0x0;
	v43 =	vadd.f32 v59, v46;
	v46 =	vadd.f32 v14, v63  }
.LBB2_34:
0x313: {  	s9 =	sshra.s32 s1, $0x2  }
0x314: {  	v14 =	vld [tilespmem:s9+$0x12B00]  }
0x315: {  	v47 =	vld [tilespmem:s9+$0x12B20]  }
0x316: {  	v48 =	vld [tilespmem:s9+$0x12B10]  }
0x317: {  	v49 =	vld [tilespmem:s9+$0x12B30];
	_ =	sdelay $0x3  }
0x318: {  	p0 =	sne.s32 s1, $0x300  }
.Ltmp15:
0x319: {  	v14 =	vadd.bf16 v47, v14;
	v62 =	vadd.bf16 v49, v48;
	(pc) =	sbr.rel @p0 .LBB2_34-.Ltmp15, $4  }
0x31a: {  	_ = 	snop  }
0x31b: {  	v63 =	vunpack.i.u.bf16.f32 v14;
	v14 =	vunpack.i.l.bf16.f32 v14;
	v49 =	vunpack.i.u.bf16.f32 v62  }
0x31c: {  	v47 =	vunpack.i.l.bf16.f32 v62;
	v45 =	vadd.f32 v14, v45;
	v46 =	vadd.f32 v63, v46  }
0x31d: {  	s1 =	sadd.s32 $0x100, s1;
	v44 =	vadd.f32 v47, v44;
	v43 =	vadd.f32 v49, v43  }
0x31e: {  	v14 =	vmul.f32 $4.999999890e-03, v17  }
0x31f: {  	v52 =	vmul.f32 $4.999999890e-03, v18;
	v16 =	vmul.f32 $4.999999890e-03, v16  }
0x320: {  	v15 =	vmul.f32 $4.999999890e-03, v15;
	v56 =	vmul.f32 $4.999999890e-03, v21  }
0x321: {  	v57 =	vmul.f32 $4.999999890e-03, v22;
	v20 =	vmul.f32 $4.999999890e-03, v20  }
0x322: {  	v59 =	vmul.f32 $4.999999890e-03, v19;
	v14 =	vadd.f32 v14, v0;
	v17 =	vadd.f32 v52, v1  }
0x323: {  	v48 =	vmul.f32 $4.999999890e-03, v25;
	v50 =	vmul.f32 $4.999999890e-03, v26  }
0x324: {  	v16 =	vadd.f32 v16, v2;
	v14 =	vmax.f32 v14, $0.0e+00;
	v17 =	vmax.f32 v17, $0.0e+00  }
0x325: {  	v15 =	vadd.f32 v15, v3;
	v53 =	vmul.f32 v14, v4;
	v47 =	vmul.f32 v17, v5  }
0x326: {  	v51 =	vmul.f32 $4.999999890e-03, v24;
	v60 =	vadd.f32 v20, v2;
	v16 =	vmax.f32 v16, $0.0e+00  }
0x327: {  	v15 =	vmax.f32 v15, $0.0e+00;
	v54 =	vmul.f32 v16, v6;
	v18 =	vadd.f32 v47, v53  }
0x328: {  	v19 =	vmax.f32 v60, $0.0e+00;
	v14 =	vmul.f32 v14, v8;
	v17 =	vmul.f32 v17, v9  }
0x329: {  	v60 =	vmul.f32 $4.999999890e-03, v30;
	v55 =	vmul.f32 v15, v7;
	v18 =	vadd.f32 v54, v18  }
0x32a: {  	v16 =	vmul.f32 v16, v10;
	v58 =	vmul.f32 v15, v11;
	v14 =	vadd.f32 v17, v14  }
0x32b: {  	v63 =	vmul.f32 v19, v6;
	v17 =	vadd.f32 v56, v0;
	v18 =	vadd.f32 v55, v18  }
0x32c: {  	v47 =	vmul.f32 v19, v10;
	v19 =	vadd.f32 v48, v0;
	v53 =	vadd.f32 v51, v2  }
0x32d: {  	v14 =	vadd.f32 v16, v14;
	v17 =	vmax.f32 v17, $0.0e+00;
	v18 =	vadd.f32 v18, v12  }
0x32e: {  	v16 =	vadd.f32 v59, v3;
	v52 =	vmax.f32 v19, $0.0e+00;
	v54 =	vmul.f32 $4.999999890e-03, v23  }
0x32f: {  	v61 =	vmul.f32 v17, v4;
	v17 =	vmul.f32 v17, v8;
	(xrf2) =	vadd.scan.msk.f32 $0xffff, v18;
	v18 =	vadd.f32 v57, v1  }
0x330: {  	v14 =	vadd.f32 v58, v14;
	v16 =	vmax.f32 v16, $0.0e+00;
	v55 =	vmul.f32 v52, v4  }
0x331: {  	v58 =	vmul.f32 $4.999999890e-03, v29;
	v29 =	vmul.f32 $4.999999890e-03, v28;
	v18 =	vmax.f32 v18, $0.0e+00  }
0x332: {  	v21 =	vadd.f32 v54, v3;
	v49 =	vmul.f32 v16, v7;
	v62 =	vmul.f32 v18, v5  }
0x333: {  	v19 =	vmax.f32 v53, $0.0e+00;
	v16 =	vmul.f32 v16, v11;
	v18 =	vmul.f32 v18, v9  }
0x334: {  	v21 =	vmax.f32 v21, $0.0e+00;
	v48 =	vadd.f32 v29, v2;
	v20 =	vadd.f32 v62, v61  }
0x335: {  	v59 =	vmul.f32 v21, v7;
	v30 =	vmul.f32 v21, v11;
	v17 =	vadd.f32 v18, v17  }
0x336: {  	v57 =	vmul.f32 v19, v6;
	v62 =	vadd.f32 v58, v0;
	v20 =	vadd.f32 v63, v20  }
0x337: {  	v61 =	vmul.f32 v19, v10;
	v18 =	vadd.f32 v47, v17;
	v17 =	vadd.f32 v14, v13  }
0x338: {  	v63 =	vadd.f32 v60, v1;
	v19 =	vmax.f32 v62, $0.0e+00;
	v60 =	vmul.f32 $4.999999890e-03, v32  }
0x339: {  	v14 =	vadd.f32 v50, v1;
	v32 =	vmul.f32 $4.999999890e-03, v31;
	v50 =	vmul.f32 v19, v4  }
0x33a: {  	v19 =	vmul.f32 v19, v8;
	v20 =	vadd.f32 v49, v20;
	v16 =	vadd.f32 v16, v18  }
0x33b: {  	v14 =	vmax.f32 v14, $0.0e+00;
	v18 =	vmul.f32 v52, v8;
	v47 =	vmax.f32 v63, $0.0e+00  }
0x33c: {  	v49 =	vmul.f32 $4.999999890e-03, v27;
	v52 =	vmax.f32 v48, $0.0e+00;
	v63 =	vadd.f32 v60, v2  }
0x33d: {  	v48 =	vadd.f32 v32, v3;
	v56 =	vmul.f32 v14, v5;
	v14 =	vmul.f32 v14, v9  }
0x33e: {  	v51 =	vmul.f32 v47, v5;
	v21 =	vmul.f32 v47, v9;
	v20 =	vadd.f32 v20, v12  }
0x33f: {  	v16 =	vadd.f32 v16, v13;
	v53 =	vadd.f32 v49, v3;
	v47 =	vmax.f32 v63, $0.0e+00  }
0x340: {  	v22 =	vadd.f32 v56, v55;
	v55 =	vmul.f32 v52, v6;
	v56 =	vmul.f32 $4.999999890e-03, v33  }
0x341: {  	v14 =	vadd.f32 v14, v18;
	v18 =	vmul.f32 v52, v10;
	v49 =	vmul.f32 v47, v6  }
0x342: {  	v54 =	vadd.f32 v51, v50;
	v50 =	vmul.f32 $4.999999890e-03, v37;
	v52 =	vmul.f32 $4.999999890e-03, v38  }
0x343: {  	v19 =	vadd.f32 v21, v19;
	v38 =	vmul.f32 $4.999999890e-03, v39;
	v39 =	vmul.f32 $4.999999890e-03, v40  }
0x344: {  	v23 =	vmax.f32 v53, $0.0e+00;
	v22 =	vadd.f32 v57, v22;
	v14 =	vadd.f32 v61, v14  }
0x345: {  	v24 =	vadd.f32 v55, v54;
	v57 =	vmul.f32 $4.999999890e-03, v34;
	v58 =	vadd.f32 v56, v0  }
0x346: {  	v18 =	vadd.f32 v18, v19;
	v61 =	vmul.f32 v23, v11;
	v28 =	vadd.f32 v50, v0  }
0x347: {  	v53 =	vadd.f32 v52, v1;
	v54 =	vmul.f32 $4.999999890e-03, v36;
	v19 =	vmul.f32 v47, v10  }
0x348: {  	v47 =	vadd.f32 v39, v3;
	v50 =	vmul.f32 $4.999999890e-03, v45;
	v22 =	vadd.f32 v59, v22  }
0x349: {  	v14 =	vadd.f32 v30, v14;
	v59 =	vmul.f32 v23, v7;
	v25 =	vadd.f32 v57, v1  }
0x34a: {  	v21 =	vmax.f32 v58, $0.0e+00;
	v18 =	vadd.f32 v61, v18;
	v55 =	vmax.f32 v28, $0.0e+00  }
0x34b: {  	v27 =	vmax.f32 v53, $0.0e+00;
	v56 =	vadd.f32 v54, v2;
	v57 =	vmul.f32 $4.999999890e-03, v35  }
0x34c: {  	v35 =	vmul.f32 $4.999999890e-03, v42;
	v42 =	vadd.f32 v38, v2;
	v53 =	vmul.f32 $4.999999890e-03, v46  }
0x34d: {  	v29 =	vmax.f32 v47, $0.0e+00;
	v33 =	vmul.f32 v21, v4;
	v21 =	vmul.f32 v21, v8  }
0x34e: {  	v58 =	vmul.f32 v55, v4;
	v54 =	vmul.f32 v29, v7;
	v22 =	vadd.f32 v22, v12  }
0x34f: {  	v14 =	vadd.f32 v14, v13;
	v62 =	vmax.f32 v25, $0.0e+00;
	v24 =	vadd.f32 v59, v24  }
0x350: {  	v18 =	vadd.f32 v18, v13;
	v25 =	vmax.f32 v48, $0.0e+00;
	v59 =	vmul.f32 v27, v5  }
0x351: {  	v60 =	vmax.f32 v56, $0.0e+00;
	v61 =	vadd.f32 v57, v3;
	v27 =	vmul.f32 v27, v9  }
0x352: {  	v37 =	vadd.f32 v35, v1;
	v34 =	vmul.f32 v62, v5;
	v51 =	vmul.f32 v25, v7  }
0x353: {  	v31 =	vadd.f32 v53, v1;
	v23 =	vmul.f32 v62, v9;
	v25 =	vmul.f32 v25, v11  }
0x354: {  	v63 =	vmul.f32 v60, v6;
	v24 =	vadd.f32 v24, v12;
	v62 =	vadd.f32 v59, v58  }
0x355: {  	v28 =	vmax.f32 v61, $0.0e+00;
	v58 =	vmax.f32 v31, $0.0e+00;
	v26 =	vadd.f32 v34, v33  }
0x356: {  	(xrf2) =	vadd.scan.msk.f32 $0xffff, v17;
	v21 =	vadd.f32 v23, v21;
	v23 =	vmul.f32 v55, v8;
	v33 =	vmul.f32 v28, v7  }
0x357: {  	(xrf2) =	vadd.scan.msk.f32 $0xffff, v20;
	v34 =	vmul.f32 $4.999999890e-03, v41;
	v36 =	vmul.f32 v28, v11;
	v41 =	vmax.f32 v37, $0.0e+00  }
0x358: {  	(xrf2) =	vadd.scan.msk.f32 $0xffff, v16;
	v28 =	vmax.f32 v42, $0.0e+00;
	v55 =	vmul.f32 $4.999999890e-03, v44;
	v16 =	vmul.f32 v58, v9  }
0x359: {  	v32 =	vadd.f32 v63, v62;
	v52 =	vmul.f32 v28, v6;
	v56 =	vmul.f32 v28, v10  }
0x35a: {  	v62 =	vmul.f32 v58, v5;
	v26 =	vadd.f32 v49, v26;
	v19 =	vadd.f32 v19, v21  }
0x35b: {  	v23 =	vadd.f32 v27, v23;
	v21 =	vmul.f32 v60, v10;
	v27 =	vadd.f32 v34, v0  }
0x35c: {  	v49 =	vmul.f32 v41, v5;
	v59 =	vadd.f32 v55, v2;
	v60 =	vmul.f32 $4.999999890e-03, v43  }
0x35d: {  	v34 =	vmul.f32 v29, v11;
	v26 =	vadd.f32 v51, v26;
	v19 =	vadd.f32 v25, v19  }
0x35e: {  	v25 =	vadd.f32 v33, v32;
	v21 =	vadd.f32 v21, v23;
	v40 =	vmax.f32 v27, $0.0e+00  }
0x35f: {  	v27 =	vmul.f32 v41, v9;
	v32 =	vadd.f32 v50, v0;
	v63 =	vmax.f32 v59, $0.0e+00  }
0x360: {  	v33 =	vadd.f32 v60, v3;
	v48 =	vmul.f32 v40, v4;
	v23 =	vmul.f32 v40, v8  }
0x361: {  	v35 =	vmul.f32 v63, v6;
	v26 =	vadd.f32 v26, v12;
	v19 =	vadd.f32 v19, v13  }
0x362: {  	(xrf2) =	vadd.scan.msk.f32 $0xffff, v22;
	v21 =	vadd.f32 v36, v21;
	v57 =	vmax.f32 v32, $0.0e+00;
	v51 =	vadd.f32 v49, v48  }
0x363: {  	(xrf2) =	vadd.scan.msk.f32 $0xffff, v14;
	v25 =	vadd.f32 v25, v12;
	v23 =	vadd.f32 v27, v23;
	v61 =	vmul.f32 v57, v4  }
0x364: {  	(xrf2) =	vadd.scan.msk.f32 $0xffff, v24;
	v37 =	vmul.f32 v57, v8;
	v21 =	vadd.f32 v21, v13;
	v17 =	vadd.f32 v52, v51  }
0x365: {  	(xrf2) =	vadd.scan.msk.f32 $0xffff, v18;
	v41 =	vmul.f32 v63, v10;
	v14 =	vadd.f32 v56, v23;
	v22 =	vadd.f32 v62, v61  }
0x366: {  	v36 =	vmax.f32 v33, $0.0e+00;
	(xrf2) =	vadd.scan.msk.f32 $0xffff, v26;
	v16 =	vadd.f32 v16, v37;
	v17 =	vadd.f32 v54, v17  }
0x367: {  	v15, _, _ =	vpop (xrf2);
	v39 =	vmul.f32 v36, v7;
	(xrf2) =	vadd.scan.msk.f32 $0xffff, v19;
	v38 =	vadd.f32 v35, v22;
	v14 =	vadd.f32 v34, v14  }
0x368: {  	v40, _, _ =	vpop (xrf2);
	(xrf2) =	vadd.scan.msk.f32 $0xffff, v25;
	v16 =	vadd.f32 v41, v16;
	v17 =	vadd.f32 v17, v12  }
0x369: {  	v18 =	vmul.f32 v36, v11;
	v43, _, _ =	vpop (xrf2);
	(xrf2) =	vadd.scan.msk.f32 $0xffff, v21;
	v20 =	vadd.f32 v39, v38;
	v14 =	vadd.f32 v14, v13  }
0x36a: {  	v15 =	vbroadcast v15, $0xF;
	(xrf2) =	vadd.scan.msk.f32 $0xffff, v17  }
0x36b: {  	v42 =	vbroadcast v40, $0xF;
	v46, _, _ =	vpop (xrf2);
	v45 =	vadd.f32 v20, v12;
	(xrf2) =	vadd.scan.msk.f32 $0xffff, v14;
	v14 =	vadd.f32 v18, v16  }
0x36c: {  	v44 =	vbroadcast v43, $0xF  }
0x36d: {  	v15 =	vsel vm0, v15, v42;
	v47 =	vbroadcast v46, $0xF;
	v48, _, _ =	vpop (xrf2);
	(xrf2) =	vadd.scan.msk.f32 $0xffff, v45;
	v14 =	vadd.f32 v14, v13  }
0x36e: {  	v15 =	vsel vm1, v15, v44;
	v49, _, _ =	vpop (xrf2);
	v18 =	vbroadcast v48, $0xF  }
0x36f: {  	v50, _, _ =	vpop (xrf2);
	v15 =	vsel vm2, v15, v47;
	v51 =	vbroadcast v49, $0xF  }
0x370: {  	v52 =	vbroadcast v50, $0xF;
	v53, _, _ =	vpop (xrf2);
	v15 =	vsel vm4, v15, v18  }
0x371: {  	v54 =	vbroadcast v53, $0xF;
	v15 =	vsel vm3, v15, v51;
	(xrf2) =	vadd.scan.msk.f32 $0xffff, v14;
	v14, _, _ =	vpop (xrf2)  }
0x372: {  	v15 =	vsel vm5, v15, v52;
	v55, _, _ =	vpop (xrf2);
	v14 =	vbroadcast v14, $0xF  }
0x373: {  	v15 =	vsel vm6, v15, v54;
	v56, _, _ =	vpop (xrf2);
	v57 =	vbroadcast v55, $0xF  }
0x374: {  	v58, _, _ =	vpop (xrf2);
	v14 =	vsel vm7, v15, v14;
	v15 =	vbroadcast v56, $0xF  }
0x375: {  	v59, _, _ =	vpop (xrf2);
	v14 =	vsel vm8, v14, v57;
	v60 =	vbroadcast v58, $0xF  }
0x376: {  	v61, _, _ =	vpop (xrf2);
	v14 =	vsel vm9, v14, v15;
	v15 =	vbroadcast v59, $0xF  }
0x377: {  	v62, _, _ =	vpop (xrf2);
	v14 =	vsel vm10, v14, v60  }
0x378: {  	v14 =	vsel vm11, v14, v15;
	v15 =	vbroadcast v62, $0xF  }
0x379: {  	v63 =	vbroadcast v61, $0xF;
	_ =	sdelay $0x1  }
0x37a: {  	v14 =	vsel vm12, v14, v63  }
0x37b: {  	v14 =	vsel vm13, v14, v15;
	v15, _, _ =	vpop (xrf2)  }
0x37c: {  	v14 =	vsel vm14, v14, v15;
	v15 =	vld [tilespmem:$0x1FFF0];
	_ =	sdelay $0x1  }
0x37d: {  	s1 =	sshll.u32 s0, $0x4;
	s0 =	sadd.s32 $0x1, s0  }
0x37e: {  	p0 =	sne.s32 s0, $0xF  }
.Ltmp16:
0x37f: {  	_ = 	snop;
	(pc) =	sbr.rel @p0 .LBB2_3-.Ltmp16, $3  }
0x380: {  	_ =	sdelay $0x1  }
0x381: {  	s1 =	sand.u32 $0x3FFFFFF0, s1  }
0x382: {  	[tilespmem:v15+s1+$0x0 ss:$0x1] =	vst.idx.msk $0xffff, v14  }
0x383: {  	_ =	swait.ge [sflag:s24], $0x1900  }
0x384: {  	[sflag:s24] =	ssyncset.done $0x0  }
0x385: {  	s1 =	simm.s32 $0x6500;
	[sflag:s24] =	ssyncadd.s32 $0xFFFFE700  }
0x386: {  	[tilespmem:s25], [sflag:$0x1] =	stream.indirect.gather [hbm4b:s4+s11], $0x20, s26, s11, $0xb8;
	[tilespmem:$0x13140] =	vst v63  }
0x387: {  	v14 =	vld [tilespmem:s1+$0xE0]  }
0x388: {  	v21 =	vld [tilespmem:s1+$0x70]  }
0x389: {  	v16 =	vld [tilespmem:s1+$0xFFFFFFB0]  }
0x38a: {  	v18 =	vld [tilespmem:s1+$0xFFFFFF70]  }
0x38b: {  	v19 =	vld [tilespmem:s1+$0xFFFFFF50]  }
0x38c: {  	v20 =	vld [tilespmem:s1+$0xFFFFFF00]  }
0x38d: {  	v22 =	vld [tilespmem:s1+$0xFFFFFF30]  }
0x38e: {  	v23 =	vld [tilespmem:s1+$0xFFFFFF10]  }
0x38f: {  	v24 =	vld [tilespmem:s1+$0xFFFFFF20]  }
0x390: {  	v25 =	vld [tilespmem:s1+$0xFFFFFF60]  }
0x391: {  	v26 =	vld [tilespmem:s1+$0xFFFFFF40]  }
0x392: {  	v27 =	vld [tilespmem:s1+$0xFFFFFF90]  }
0x393: {  	v15 =	vld [tilespmem:s1+$0xFFFFFFA0]  }
0x394: {  	v29 =	vld [tilespmem:s1+$0xFFFFFFC0]  }
0x395: {  	v32 =	vld [tilespmem:s1+$0xFFFFFFD0];
	v22 =	vadd.bf16 v22, v23  }
0x396: {  	v28 =	vimm.f32 $0.0e+00;
	v23 =	vld [tilespmem:s1+$0xFFFFFF80];
	v20 =	vadd.bf16 v24, v20;
	v18 =	vadd.bf16 v18, v19  }
0x397: {  	v24 =	vld [tilespmem:s1+$0xFFFFFFE0];
	v25 =	vadd.bf16 v25, v26;
	v16 =	vadd.bf16 v16, v27;
	v19 =	vunpack.i.u.bf16.f32 v22  }
0x398: {  	v26 =	vld [tilespmem:s1+$0xFFFFFFF0];
	v22 =	vunpack.i.l.bf16.f32 v22;
	v30 =	vunpack.i.l.bf16.f32 v20;
	v20 =	vunpack.i.u.bf16.f32 v20  }
0x399: {  	v63 =	vld [tilespmem:s1+$0x50];
	v31 =	vunpack.i.l.bf16.f32 v18;
	v22 =	vadd.f32 v22, v28;
	v30 =	vadd.f32 v30, v28  }
0x39a: {  	v17 =	vld [tilespmem:s1+$0x20];
	v33 =	vunpack.i.l.bf16.f32 v25;
	v19 =	vadd.f32 v19, v28;
	v20 =	vadd.f32 v20, v28  }
0x39b: {  	v27 =	vld [tilespmem:s1+$0x10];
	v31 =	vadd.f32 v31, v22;
	v30 =	vadd.f32 v33, v30  }
0x39c: {  	v18 =	vunpack.i.u.bf16.f32 v18;
	v23 =	vadd.bf16 v15, v23;
	v24 =	vadd.bf16 v24, v29;
	v29 =	vld [tilespmem:s1+$0x0]  }
0x39d: {  	v25 =	vunpack.i.u.bf16.f32 v25;
	v22 =	vld [tilespmem:s1+$0x30];
	v18 =	vadd.f32 v18, v19;
	v26 =	vadd.bf16 v26, v32  }
0x39e: {  	v62 =	vld [tilespmem:s1+$0x40];
	v19 =	vunpack.i.u.bf16.f32 v16;
	v25 =	vadd.f32 v25, v20;
	v33 =	vadd.bf16 v21, v63  }
0x39f: {  	v28 =	vld [tilespmem:s1+$0x60];
	v15 =	vunpack.i.u.bf16.f32 v24;
	v20 =	vunpack.i.l.bf16.f32 v23;
	v18 =	vadd.f32 v19, v18  }
0x3a0: {  	v21 =	vld [tilespmem:s1+$0xC0];
	v24 =	vunpack.i.l.bf16.f32 v24;
	v30 =	vadd.f32 v20, v30;
	v20 =	vunpack.i.u.bf16.f32 v26  }
0x3a1: {  	v19 =	vunpack.i.l.bf16.f32 v16;
	v16 =	vld [tilespmem:s1+$0xB0];
	v20 =	vadd.f32 v20, v18;
	v29 =	vadd.bf16 v17, v29  }
0x3a2: {  	v34 =	vunpack.i.u.bf16.f32 v23;
	v23 =	vld [tilespmem:s1+$0x80];
	v24 =	vadd.f32 v24, v30;
	v27 =	vadd.bf16 v22, v27  }
0x3a3: {  	v26 =	vunpack.i.l.bf16.f32 v26;
	v18 =	vld [tilespmem:s1+$0xA0];
	v22 =	vadd.f32 v34, v25;
	v30 =	vadd.f32 v19, v31  }
0x3a4: {  	v19 =	vld [tilespmem:s1+$0x90];
	v25 =	vadd.bf16 v28, v62;
	v17 =	vunpack.i.u.bf16.f32 v29;
	v29 =	vunpack.i.l.bf16.f32 v29  }
0x3a5: {  	v30 =	vadd.f32 v26, v30;
	v31 =	vunpack.i.u.bf16.f32 v27;
	v32 =	vunpack.i.l.bf16.f32 v27;
	v26 =	vld [tilespmem:s1+$0xF0]  }
0x3a6: {  	s0 =	simm.s32 $0x0;
	v27 =	vunpack.i.u.bf16.f32 v33;
	v28 =	vadd.f32 v29, v24;
	v24 =	vld [tilespmem:s1+$0xD0];
	v29 =	vunpack.i.l.bf16.f32 v33;
	s1 =	simm.s32 $0x6700  }
.LBB2_37:
0x3a7: {  	v33 =	vld [tilespmem:s1+$0xE0];
	s0 =	sadd.s32 $0x8, s0;
	v30 =	vadd.f32 v32, v30;
	v20 =	vadd.f32 v31, v20;
	v31 =	vunpack.i.l.bf16.f32 v25  }
0x3a8: {  	v25 =	vunpack.i.u.bf16.f32 v25;
	v18 =	vadd.bf16 v18, v23;
	v32 =	vld [tilespmem:s1+$0x70];
	p0 =	slt.u32 s0, $0x58;
	v28 =	vadd.f32 v31, v28  }
0x3a9: {  	v15 =	vadd.f32 v15, v22;
	v23 =	vld [tilespmem:s1+$0x20];
	v22 =	vadd.f32 v29, v30  }
0x3aa: {  	v16 =	vadd.bf16 v16, v19;
	v20 =	vadd.f32 v27, v20;
	v19 =	vunpack.i.l.bf16.f32 v18;
	v29 =	vld [tilespmem:s1+$0xFFFFFFA0]  }
0x3ab: {  	v21 =	vadd.bf16 v14, v21;
	v27 =	vld [tilespmem:s1+$0xFFFFFFB0];
	v24 =	vadd.bf16 v26, v24  }
0x3ac: {  	v30 =	vunpack.i.u.bf16.f32 v16;
	v16 =	vunpack.i.l.bf16.f32 v16;
	v19 =	vadd.f32 v19, v28;
	v26 =	vld [tilespmem:s1+$0xFFFFFF70];
	v14 =	vmovc v33  }
0x3ad: {  	v15 =	vadd.f32 v17, v15;
	v28 =	vld [tilespmem:s1+$0xFFFFFF50];
	v17 =	vunpack.i.u.bf16.f32 v24;
	v24 =	vunpack.i.l.bf16.f32 v24  }
0x3ae: {  	v16 =	vadd.f32 v16, v22;
	v20 =	vadd.f32 v30, v20;
	v22 =	vunpack.i.l.bf16.f32 v21;
	v31 =	vld [tilespmem:s1+$0xFFFFFF00]  }
0x3af: {  	v18 =	vunpack.i.u.bf16.f32 v18;
	v15 =	vadd.f32 v25, v15;
	v19 =	vadd.f32 v22, v19;
	v30 =	vld [tilespmem:s1+$0xFFFFFF30]  }
0x3b0: {  	v16 =	vadd.f32 v24, v16;
	v17 =	vadd.f32 v17, v20;
	v22 =	vld [tilespmem:s1+$0xFFFFFF10]  }
0x3b1: {  	v15 =	vadd.f32 v18, v15;
	v18 =	vunpack.i.u.bf16.f32 v21;
	v20 =	vld [tilespmem:s1+$0xFFFFFF20]  }
0x3b2: {  	v21 =	vld [tilespmem:s1+$0xFFFFFF60];
	v24 =	vadd.bf16 v26, v28  }
0x3b3: {  	v15 =	vadd.f32 v18, v15;
	v25 =	vld [tilespmem:s1+$0xFFFFFF40]  }
0x3b4: {  	v18 =	vld [tilespmem:s1+$0xFFFFFF90]  }
0x3b5: {  	v22 =	vadd.bf16 v30, v22;
	v26 =	vld [tilespmem:s1+$0xFFFFFF80]  }
0x3b6: {  	v20 =	vadd.bf16 v20, v31;
	v28 =	vld [tilespmem:s1+$0xFFFFFFE0]  }
0x3b7: {  	v30 =	vunpack.i.u.bf16.f32 v22;
	v22 =	vunpack.i.l.bf16.f32 v22;
	v31 =	vld [tilespmem:s1+$0xFFFFFFC0]  }
0x3b8: {  	v33 =	vunpack.i.l.bf16.f32 v20;
	v16 =	vadd.f32 v22, v16;
	v21 =	vadd.bf16 v21, v25;
	v22 =	vld [tilespmem:s1+$0xFFFFFFF0]  }
0x3b9: {  	v20 =	vunpack.i.u.bf16.f32 v20;
	v25 =	vunpack.i.l.bf16.f32 v24;
	v19 =	vadd.f32 v33, v19;
	v33 =	vld [tilespmem:s1+$0xFFFFFFD0]  }
0x3ba: {  	v17 =	vadd.f32 v30, v17;
	v30 =	vunpack.i.l.bf16.f32 v21;
	v25 =	vadd.f32 v25, v16;
	v34 =	vld [tilespmem:s1+$0x30]  }
0x3bb: {  	v18 =	vadd.bf16 v27, v18;
	v16 =	vunpack.i.u.bf16.f32 v24;
	v19 =	vadd.f32 v30, v19;
	v24 =	vld [tilespmem:s1+$0x10]  }
0x3bc: {  	v21 =	vunpack.i.u.bf16.f32 v21;
	v26 =	vadd.bf16 v29, v26;
	v27 =	vadd.bf16 v28, v31;
	v28 =	vld [tilespmem:s1+$0x0]  }
0x3bd: {  	v20 =	vadd.f32 v20, v15;
	v16 =	vadd.f32 v16, v17;
	v17 =	vunpack.i.u.bf16.f32 v18;
	v29 =	vld [tilespmem:s1+$0x60]  }
0x3be: {  	v22 =	vadd.bf16 v22, v33;
	v15 =	vunpack.i.u.bf16.f32 v27;
	v27 =	vunpack.i.l.bf16.f32 v27;
	v30 =	vld [tilespmem:s1+$0x40]  }
0x3bf: {  	v21 =	vadd.f32 v21, v20;
	v20 =	vunpack.i.l.bf16.f32 v26;
	v17 =	vadd.f32 v17, v16;
	v31 =	vld [tilespmem:s1+$0x50]  }
0x3c0: {  	v19 =	vadd.f32 v20, v19;
	v33 =	vunpack.i.l.bf16.f32 v18;
	v18 =	vunpack.i.u.bf16.f32 v22;
	v16 =	vld [tilespmem:s1+$0xB0]  }
0x3c1: {  	v26 =	vunpack.i.u.bf16.f32 v26;
	v20 =	vadd.f32 v18, v17;
	v28 =	vadd.bf16 v23, v28;
	v18 =	vld [tilespmem:s1+$0xA0]  }
.Ltmp17:
0x3c2: {  	v27 =	vadd.f32 v27, v19;
	v35 =	vunpack.i.l.bf16.f32 v22;
	v34 =	vadd.bf16 v34, v24;
	v23 =	vld [tilespmem:s1+$0x80];
	(pc) =	sbr.rel @p0 .LBB2_37-.Ltmp17, $4  }
0x3c3: {  	v22 =	vadd.f32 v26, v21;
	v24 =	vadd.f32 v33, v25;
	v17 =	vunpack.i.u.bf16.f32 v28;
	v19 =	vld [tilespmem:s1+$0x90]  }
0x3c4: {  	v26 =	vunpack.i.l.bf16.f32 v28;
	v25 =	vadd.bf16 v29, v30;
	v29 =	vadd.bf16 v32, v31;
	v21 =	vld [tilespmem:s1+$0xC0]  }
0x3c5: {  	v30 =	vadd.f32 v35, v24;
	v31 =	vunpack.i.u.bf16.f32 v34;
	v28 =	vadd.f32 v26, v27;
	v24 =	vld [tilespmem:s1+$0xD0]  }
0x3c6: {  	v32 =	vunpack.i.l.bf16.f32 v34;
	v27 =	vunpack.i.u.bf16.f32 v29;
	v29 =	vunpack.i.l.bf16.f32 v29;
	v26 =	vld [tilespmem:s1+$0xF0];
	s1 =	sadd.s32 $0x200, s1  }
0x3c7: {  	v30 =	vadd.f32 v32, v30;
	v20 =	vadd.f32 v31, v20  }
0x3c8: {  	v58 =	vunpack.i.l.bf16.f32 v25;
	v18 =	vadd.bf16 v18, v23;
	v15 =	vadd.f32 v15, v22  }
0x3c9: {  	v60 =	vunpack.i.u.bf16.f32 v25;
	v28 =	vadd.f32 v58, v28;
	v16 =	vadd.bf16 v16, v19  }
0x3ca: {  	v59 =	vadd.f32 v29, v30;
	v20 =	vadd.f32 v27, v20;
	v19 =	vunpack.i.l.bf16.f32 v18  }
0x3cb: {  	v15 =	vadd.f32 v17, v15;
	v14 =	vadd.bf16 v14, v21;
	v17 =	vunpack.i.u.bf16.f32 v16  }
0x3cc: {  	v16 =	vunpack.i.l.bf16.f32 v16;
	v19 =	vadd.f32 v19, v28;
	v24 =	vadd.bf16 v26, v24  }
0x3cd: {  	v15 =	vadd.f32 v60, v15;
	v22 =	vadd.f32 v16, v59  }
0x3ce: {  	v16 =	vunpack.i.u.bf16.f32 v18;
	v17 =	vadd.f32 v17, v20;
	v18 =	vunpack.i.l.bf16.f32 v14  }
0x3cf: {  	v61 =	vunpack.i.u.bf16.f32 v24;
	v62 =	vunpack.i.l.bf16.f32 v24;
	v63 =	vadd.f32 v16, v15  }
0x3d0: {  	v16 =	vadd.f32 v18, v19;
	v18 =	vunpack.i.u.bf16.f32 v14;
	v15 =	vadd.f32 v62, v22  }
0x3d1: {  	s0 =	simm.s32 $0x0;
	v14 =	vadd.f32 v61, v17;
	v17 =	vadd.f32 v18, v63  }
.LBB2_39:
0x3d2: {  	s1 =	sshra.s32 s0, $0x2  }
0x3d3: {  	v18 =	vld [tilespmem:s1+$0x7C00]  }
0x3d4: {  	v19 =	vld [tilespmem:s1+$0x7C20]  }
0x3d5: {  	v20 =	vld [tilespmem:s1+$0x7C10]  }
0x3d6: {  	v21 =	vld [tilespmem:s1+$0x7C30];
	_ =	sdelay $0x3  }
0x3d7: {  	p0 =	sne.s32 s0, $0x300  }
.Ltmp18:
0x3d8: {  	v18 =	vadd.bf16 v19, v18;
	v19 =	vadd.bf16 v21, v20;
	(pc) =	sbr.rel @p0 .LBB2_39-.Ltmp18, $4  }
0x3d9: {  	_ = 	snop  }
0x3da: {  	v63 =	vunpack.i.u.bf16.f32 v18;
	v18 =	vunpack.i.l.bf16.f32 v18;
	v21 =	vunpack.i.u.bf16.f32 v19  }
0x3db: {  	v19 =	vunpack.i.l.bf16.f32 v19;
	v16 =	vadd.f32 v18, v16;
	v17 =	vadd.f32 v63, v17  }
0x3dc: {  	s0 =	sadd.s32 $0x100, s0;
	v15 =	vadd.f32 v19, v15;
	v14 =	vadd.f32 v21, v14  }
0x3dd: {  	_ =	swait.ge [sflag:s24], $0x1900  }
0x3de: {  	[sflag:s24] =	ssyncset.done $0x0  }
0x3df: {  	s1 =	simm.s32 $0x7EF0;
	[sflag:s24] =	ssyncadd.s32 $0xFFFFE700  }
0x3e0: {  	v25 =	vld [tilespmem:s1+$0xFFFFFF80]  }
0x3e1: {  	v21 =	vld [tilespmem:s1+$0xFFFFFF30]  }
0x3e2: {  	v20 =	vld [tilespmem:s1+$0xFFFFFEC0]  }
0x3e3: {  	v22 =	vld [tilespmem:s1+$0xFFFFFE80]  }
0x3e4: {  	v23 =	vld [tilespmem:s1+$0xFFFFFE60]  }
0x3e5: {  	v24 =	vld [tilespmem:s1+$0xFFFFFE10]  }
0x3e6: {  	v26 =	vld [tilespmem:s1+$0xFFFFFE40]  }
0x3e7: {  	v27 =	vld [tilespmem:s1+$0xFFFFFE20]  }
0x3e8: {  	v28 =	vld [tilespmem:s1+$0xFFFFFE30]  }
0x3e9: {  	v29 =	vld [tilespmem:s1+$0xFFFFFE70]  }
0x3ea: {  	v30 =	vld [tilespmem:s1+$0xFFFFFE50]  }
0x3eb: {  	v31 =	vld [tilespmem:s1+$0xFFFFFEA0]  }
0x3ec: {  	v19 =	vld [tilespmem:s1+$0xFFFFFEB0]  }
0x3ed: {  	v33 =	vld [tilespmem:s1+$0xFFFFFED0]  }
0x3ee: {  	v36 =	vld [tilespmem:s1+$0xFFFFFEE0];
	v26 =	vadd.bf16 v26, v27  }
0x3ef: {  	v32 =	vimm.f32 $0.0e+00;
	v27 =	vld [tilespmem:s1+$0xFFFFFE90];
	v24 =	vadd.bf16 v28, v24;
	v22 =	vadd.bf16 v22, v23  }
0x3f0: {  	v28 =	vld [tilespmem:s1+$0xFFFFFEF0];
	v29 =	vadd.bf16 v29, v30;
	v20 =	vadd.bf16 v20, v31;
	v23 =	vunpack.i.u.bf16.f32 v26  }
0x3f1: {  	v30 =	vld [tilespmem:s1+$0xFFFFFF00];
	v26 =	vunpack.i.l.bf16.f32 v26;
	v34 =	vunpack.i.l.bf16.f32 v24;
	v24 =	vunpack.i.u.bf16.f32 v24  }
0x3f2: {  	v59 =	vld [tilespmem:s1+$0xFFFFFF10];
	v35 =	vunpack.i.l.bf16.f32 v22;
	v26 =	vadd.f32 v26, v32;
	v34 =	vadd.f32 v34, v32  }
0x3f3: {  	v62 =	vld [tilespmem:s1+$0xFFFFFF60];
	v37 =	vunpack.i.l.bf16.f32 v29;
	v23 =	vadd.f32 v23, v32;
	v24 =	vadd.f32 v24, v32  }
0x3f4: {  	v18 =	vld [tilespmem:s1+$0xFFFFFFF0];
	v35 =	vadd.f32 v35, v26;
	v34 =	vadd.f32 v37, v34  }
0x3f5: {  	v60 =	vld [tilespmem:s1+$0xFFFFFF70];
	v22 =	vunpack.i.u.bf16.f32 v22;
	v27 =	vadd.bf16 v19, v27;
	v28 =	vadd.bf16 v28, v33  }
0x3f6: {  	v31 =	vld [tilespmem:s1+$0xFFFFFF20];
	v29 =	vunpack.i.u.bf16.f32 v29;
	v22 =	vadd.f32 v22, v23;
	v30 =	vadd.bf16 v30, v36  }
0x3f7: {  	v26 =	vld [tilespmem:s1+$0xFFFFFF40];
	v23 =	vunpack.i.u.bf16.f32 v20;
	v29 =	vadd.f32 v29, v24;
	v33 =	vadd.bf16 v21, v59  }
0x3f8: {  	v61 =	vld [tilespmem:s1+$0xFFFFFF50];
	v37 =	vadd.bf16 v25, v62;
	v19 =	vunpack.i.u.bf16.f32 v28;
	v28 =	vunpack.i.l.bf16.f32 v28  }
0x3f9: {  	v25 =	vld [tilespmem:s1+$0xFFFFFFD0];
	v24 =	vunpack.i.l.bf16.f32 v27;
	v22 =	vadd.f32 v23, v22;
	v23 =	vunpack.i.l.bf16.f32 v20  }
0x3fa: {  	v20 =	vld [tilespmem:s1+$0xFFFFFFC0];
	v38 =	vunpack.i.u.bf16.f32 v27;
	v34 =	vadd.f32 v24, v34;
	v24 =	vunpack.i.u.bf16.f32 v30  }
0x3fb: {  	v27 =	vld [tilespmem:s1+$0xFFFFFF90];
	v21 =	vunpack.i.u.bf16.f32 v33;
	v63 =	vadd.f32 v23, v35;
	v24 =	vadd.f32 v24, v22  }
0x3fc: {  	v33 =	vunpack.i.l.bf16.f32 v33;
	v22 =	vld [tilespmem:s1+$0xFFFFFFB0];
	v28 =	vadd.f32 v28, v34;
	v31 =	vadd.bf16 v26, v31  }
0x3fd: {  	v30 =	vunpack.i.l.bf16.f32 v30;
	v23 =	vld [tilespmem:s1+$0xFFFFFFA0];
	v26 =	vadd.f32 v38, v29;
	v29 =	vadd.bf16 v60, v61  }
0x3fe: {  	v34 =	vadd.f32 v30, v63;
	v30 =	vld [tilespmem:s1+$0x0];
	v35 =	vunpack.i.u.bf16.f32 v31;
	v32 =	vadd.f32 v33, v28  }
0x3ff: {  	s0 =	simm.s32 $0x0;
	v28 =	vld [tilespmem:s1+$0xFFFFFFE0];
	v36 =	vunpack.i.l.bf16.f32 v31;
	v31 =	vunpack.i.u.bf16.f32 v37;
	v33 =	vunpack.i.l.bf16.f32 v37;
	s1 =	simm.s32 $0x80F0  }
.LBB2_41:
0x400: {  	v37 =	vld [tilespmem:s1+$0xFFFFFFF0];
	s0 =	sadd.s32 $0x8, s0;
	v34 =	vadd.f32 v36, v34;
	v24 =	vadd.f32 v35, v24;
	v35 =	vunpack.i.l.bf16.f32 v29  }
0x401: {  	v29 =	vunpack.i.u.bf16.f32 v29;
	v22 =	vadd.bf16 v22, v27;
	v36 =	vld [tilespmem:s1+$0xFFFFFF80];
	p0 =	slt.u32 s0, $0x58;
	v32 =	vadd.f32 v35, v32  }
0x402: {  	v19 =	vadd.f32 v19, v26;
	v27 =	vld [tilespmem:s1+$0xFFFFFF30];
	v26 =	vadd.f32 v33, v34  }
0x403: {  	v20 =	vadd.bf16 v20, v23;
	v24 =	vadd.f32 v31, v24;
	v23 =	vunpack.i.l.bf16.f32 v22;
	v33 =	vld [tilespmem:s1+$0xFFFFFEB0]  }
0x404: {  	v25 =	vadd.bf16 v18, v25;
	v31 =	vld [tilespmem:s1+$0xFFFFFEC0];
	v28 =	vadd.bf16 v30, v28  }
0x405: {  	v34 =	vunpack.i.u.bf16.f32 v20;
	v20 =	vunpack.i.l.bf16.f32 v20;
	v23 =	vadd.f32 v23, v32;
	v30 =	vld [tilespmem:s1+$0xFFFFFE80];
	v18 =	vmovc v37  }
0x406: {  	v19 =	vadd.f32 v21, v19;
	v32 =	vld [tilespmem:s1+$0xFFFFFE60];
	v21 =	vunpack.i.u.bf16.f32 v28;
	v28 =	vunpack.i.l.bf16.f32 v28  }
0x407: {  	v20 =	vadd.f32 v20, v26;
	v24 =	vadd.f32 v34, v24;
	v26 =	vunpack.i.l.bf16.f32 v25;
	v35 =	vld [tilespmem:s1+$0xFFFFFE10]  }
0x408: {  	v22 =	vunpack.i.u.bf16.f32 v22;
	v19 =	vadd.f32 v29, v19;
	v23 =	vadd.f32 v26, v23;
	v34 =	vld [tilespmem:s1+$0xFFFFFE40]  }
0x409: {  	v20 =	vadd.f32 v28, v20;
	v21 =	vadd.f32 v21, v24;
	v26 =	vld [tilespmem:s1+$0xFFFFFE20]  }
0x40a: {  	v19 =	vadd.f32 v22, v19;
	v22 =	vunpack.i.u.bf16.f32 v25;
	v24 =	vld [tilespmem:s1+$0xFFFFFE30]  }
0x40b: {  	v25 =	vld [tilespmem:s1+$0xFFFFFE70];
	v28 =	vadd.bf16 v30, v32  }
0x40c: {  	v19 =	vadd.f32 v22, v19;
	v29 =	vld [tilespmem:s1+$0xFFFFFE50]  }
0x40d: {  	v22 =	vld [tilespmem:s1+$0xFFFFFEA0]  }
0x40e: {  	v26 =	vadd.bf16 v34, v26;
	v30 =	vld [tilespmem:s1+$0xFFFFFE90]  }
0x40f: {  	v24 =	vadd.bf16 v24, v35;
	v32 =	vld [tilespmem:s1+$0xFFFFFEF0]  }
0x410: {  	v34 =	vunpack.i.u.bf16.f32 v26;
	v26 =	vunpack.i.l.bf16.f32 v26;
	v35 =	vld [tilespmem:s1+$0xFFFFFED0]  }
0x411: {  	v37 =	vunpack.i.l.bf16.f32 v24;
	v20 =	vadd.f32 v26, v20;
	v25 =	vadd.bf16 v25, v29;
	v26 =	vld [tilespmem:s1+$0xFFFFFF00]  }
0x412: {  	v24 =	vunpack.i.u.bf16.f32 v24;
	v29 =	vunpack.i.l.bf16.f32 v28;
	v23 =	vadd.f32 v37, v23;
	v37 =	vld [tilespmem:s1+$0xFFFFFEE0]  }
0x413: {  	v21 =	vadd.f32 v34, v21;
	v34 =	vunpack.i.l.bf16.f32 v25;
	v29 =	vadd.f32 v29, v20;
	v38 =	vld [tilespmem:s1+$0xFFFFFF40]  }
0x414: {  	v22 =	vadd.bf16 v31, v22;
	v20 =	vunpack.i.u.bf16.f32 v28;
	v23 =	vadd.f32 v34, v23;
	v28 =	vld [tilespmem:s1+$0xFFFFFF20]  }
0x415: {  	v25 =	vunpack.i.u.bf16.f32 v25;
	v30 =	vadd.bf16 v33, v30;
	v31 =	vadd.bf16 v32, v35;
	v32 =	vld [tilespmem:s1+$0xFFFFFF10]  }
0x416: {  	v24 =	vadd.f32 v24, v19;
	v20 =	vadd.f32 v20, v21;
	v21 =	vunpack.i.u.bf16.f32 v22;
	v33 =	vld [tilespmem:s1+$0xFFFFFF70]  }
0x417: {  	v26 =	vadd.bf16 v26, v37;
	v19 =	vunpack.i.u.bf16.f32 v31;
	v31 =	vunpack.i.l.bf16.f32 v31;
	v34 =	vld [tilespmem:s1+$0xFFFFFF50]  }
0x418: {  	v25 =	vadd.f32 v25, v24;
	v24 =	vunpack.i.l.bf16.f32 v30;
	v21 =	vadd.f32 v21, v20;
	v35 =	vld [tilespmem:s1+$0xFFFFFF60]  }
0x419: {  	v23 =	vadd.f32 v24, v23;
	v37 =	vunpack.i.l.bf16.f32 v22;
	v22 =	vunpack.i.u.bf16.f32 v26;
	v20 =	vld [tilespmem:s1+$0xFFFFFFC0]  }
0x41a: {  	v30 =	vunpack.i.u.bf16.f32 v30;
	v24 =	vadd.f32 v22, v21;
	v32 =	vadd.bf16 v27, v32;
	v22 =	vld [tilespmem:s1+$0xFFFFFFB0]  }
.Ltmp19:
0x41b: {  	v31 =	vadd.f32 v31, v23;
	v39 =	vunpack.i.l.bf16.f32 v26;
	v38 =	vadd.bf16 v38, v28;
	v27 =	vld [tilespmem:s1+$0xFFFFFF90];
	(pc) =	sbr.rel @p0 .LBB2_41-.Ltmp19, $4  }
0x41c: {  	v26 =	vadd.f32 v30, v25;
	v28 =	vadd.f32 v37, v29;
	v21 =	vunpack.i.u.bf16.f32 v32;
	v23 =	vld [tilespmem:s1+$0xFFFFFFA0]  }
0x41d: {  	v30 =	vunpack.i.l.bf16.f32 v32;
	v29 =	vadd.bf16 v33, v34;
	v33 =	vadd.bf16 v36, v35;
	v25 =	vld [tilespmem:s1+$0xFFFFFFD0]  }
0x41e: {  	v34 =	vadd.f32 v39, v28;
	v35 =	vunpack.i.u.bf16.f32 v38;
	v32 =	vadd.f32 v30, v31;
	v28 =	vld [tilespmem:s1+$0xFFFFFFE0]  }
0x41f: {  	v36 =	vunpack.i.l.bf16.f32 v38;
	v31 =	vunpack.i.u.bf16.f32 v33;
	v33 =	vunpack.i.l.bf16.f32 v33;
	v30 =	vld [tilespmem:s1+$0x0];
	s1 =	sadd.s32 $0x200, s1  }
0x420: {  	v34 =	vadd.f32 v36, v34;
	v24 =	vadd.f32 v35, v24  }
0x421: {  	v58 =	vunpack.i.l.bf16.f32 v29;
	v22 =	vadd.bf16 v22, v27;
	v19 =	vadd.f32 v19, v26  }
0x422: {  	v60 =	vunpack.i.u.bf16.f32 v29;
	v32 =	vadd.f32 v58, v32;
	v20 =	vadd.bf16 v20, v23  }
0x423: {  	v59 =	vadd.f32 v33, v34;
	v24 =	vadd.f32 v31, v24;
	v23 =	vunpack.i.l.bf16.f32 v22  }
0x424: {  	v19 =	vadd.f32 v21, v19;
	v18 =	vadd.bf16 v18, v25;
	v21 =	vunpack.i.u.bf16.f32 v20  }
0x425: {  	v20 =	vunpack.i.l.bf16.f32 v20;
	v23 =	vadd.f32 v23, v32;
	v28 =	vadd.bf16 v30, v28  }
0x426: {  	v19 =	vadd.f32 v60, v19;
	v26 =	vadd.f32 v20, v59  }
0x427: {  	v20 =	vunpack.i.u.bf16.f32 v22;
	v21 =	vadd.f32 v21, v24;
	v22 =	vunpack.i.l.bf16.f32 v18  }
0x428: {  	v61 =	vunpack.i.u.bf16.f32 v28;
	v62 =	vunpack.i.l.bf16.f32 v28;
	v63 =	vadd.f32 v20, v19  }
0x429: {  	v20 =	vadd.f32 v22, v23;
	v22 =	vunpack.i.u.bf16.f32 v18;
	v19 =	vadd.f32 v62, v26  }
0x42a: {  	s0 =	simm.s32 $0x0;
	v18 =	vadd.f32 v61, v21;
	v21 =	vadd.f32 v22, v63  }
.LBB2_43:
0x42b: {  	s1 =	sshra.s32 s0, $0x2  }
0x42c: {  	v22 =	vld [tilespmem:s1+$0x9500]  }
0x42d: {  	v23 =	vld [tilespmem:s1+$0x9520]  }
0x42e: {  	v24 =	vld [tilespmem:s1+$0x9510]  }
0x42f: {  	v25 =	vld [tilespmem:s1+$0x9530];
	_ =	sdelay $0x3  }
0x430: {  	p0 =	sne.s32 s0, $0x300  }
.Ltmp20:
0x431: {  	v22 =	vadd.bf16 v23, v22;
	v23 =	vadd.bf16 v25, v24;
	(pc) =	sbr.rel @p0 .LBB2_43-.Ltmp20, $4  }
0x432: {  	_ = 	snop  }
0x433: {  	v63 =	vunpack.i.u.bf16.f32 v22;
	v22 =	vunpack.i.l.bf16.f32 v22;
	v25 =	vunpack.i.u.bf16.f32 v23  }
0x434: {  	v23 =	vunpack.i.l.bf16.f32 v23;
	v20 =	vadd.f32 v22, v20;
	v21 =	vadd.f32 v63, v21  }
0x435: {  	s0 =	sadd.s32 $0x100, s0;
	v19 =	vadd.f32 v23, v19;
	v18 =	vadd.f32 v25, v18  }
0x436: {  	_ =	swait.ge [sflag:s24], $0x1900  }
0x437: {  	[sflag:s24] =	ssyncset.done $0x0  }
0x438: {  	s1 =	simm.s32 $0x97F0;
	[sflag:s24] =	ssyncadd.s32 $0xFFFFE700  }
0x439: {  	v25 =	vld [tilespmem:s1+$0xFFFFFF30]  }
0x43a: {  	v24 =	vld [tilespmem:s1+$0xFFFFFEC0]  }
0x43b: {  	v26 =	vld [tilespmem:s1+$0xFFFFFE80]  }
0x43c: {  	v27 =	vld [tilespmem:s1+$0xFFFFFE60]  }
0x43d: {  	v28 =	vld [tilespmem:s1+$0xFFFFFE10]  }
0x43e: {  	v30 =	vld [tilespmem:s1+$0xFFFFFE40]  }
0x43f: {  	v31 =	vld [tilespmem:s1+$0xFFFFFE20]  }
0x440: {  	v32 =	vld [tilespmem:s1+$0xFFFFFE30]  }
0x441: {  	v33 =	vld [tilespmem:s1+$0xFFFFFE70]  }
0x442: {  	v34 =	vld [tilespmem:s1+$0xFFFFFE50]  }
0x443: {  	v35 =	vld [tilespmem:s1+$0xFFFFFEA0]  }
0x444: {  	v56 =	vld [tilespmem:s1+$0xFFFFFEF0]  }
0x445: {  	v37 =	vld [tilespmem:s1+$0xFFFFFED0]  }
0x446: {  	v57 =	vld [tilespmem:s1+$0xFFFFFF00]  }
0x447: {  	v40 =	vld [tilespmem:s1+$0xFFFFFEE0]  }
0x448: {  	v59 =	vld [tilespmem:s1+$0xFFFFFF10];
	_ =	sdelay $0x1  }
0x449: {  	v30 =	vadd.bf16 v30, v31;
	v28 =	vadd.bf16 v32, v28  }
0x44a: {  	v26 =	vadd.bf16 v26, v27;
	v33 =	vadd.bf16 v33, v34  }
0x44b: {  	v22 =	vld [tilespmem:s1+$0xFFFFFFF0];
	v24 =	vadd.bf16 v24, v35;
	v32 =	vadd.bf16 v56, v37  }
0x44c: {  	v36 =	vimm.f32 $0.0e+00;
	v23 =	vld [tilespmem:s1+$0xFFFFFEB0];
	v34 =	vadd.bf16 v57, v40;
	v37 =	vadd.bf16 v25, v59  }
0x44d: {  	v31 =	vld [tilespmem:s1+$0xFFFFFE90];
	v27 =	vunpack.i.u.bf16.f32 v30;
	v30 =	vunpack.i.l.bf16.f32 v30;
	v38 =	vunpack.i.l.bf16.f32 v28  }
0x44e: {  	v29 =	vld [tilespmem:s1+$0xFFFFFF80];
	v28 =	vunpack.i.u.bf16.f32 v28;
	v39 =	vunpack.i.l.bf16.f32 v26;
	v41 =	vunpack.i.l.bf16.f32 v33  }
0x44f: {  	v62 =	vld [tilespmem:s1+$0xFFFFFF60];
	v26 =	vunpack.i.u.bf16.f32 v26;
	v30 =	vadd.f32 v30, v36;
	v38 =	vadd.f32 v38, v36  }
0x450: {  	v58 =	vld [tilespmem:s1+$0xFFFFFF20];
	v33 =	vunpack.i.u.bf16.f32 v33;
	v27 =	vadd.f32 v27, v36;
	v28 =	vadd.f32 v28, v36  }
0x451: {  	v60 =	vld [tilespmem:s1+$0xFFFFFF70];
	v25 =	vunpack.i.u.bf16.f32 v37;
	v39 =	vadd.f32 v39, v30;
	v38 =	vadd.f32 v41, v38  }
0x452: {  	v30 =	vld [tilespmem:s1+$0xFFFFFF40];
	v31 =	vadd.bf16 v23, v31;
	v26 =	vadd.f32 v26, v27;
	v27 =	vunpack.i.u.bf16.f32 v24  }
0x453: {  	v61 =	vld [tilespmem:s1+$0xFFFFFF50];
	v23 =	vunpack.i.u.bf16.f32 v32;
	v32 =	vunpack.i.l.bf16.f32 v32;
	v33 =	vadd.f32 v33, v28  }
0x454: {  	v41 =	vadd.bf16 v29, v62;
	v29 =	vld [tilespmem:s1+$0xFFFFFFD0];
	v28 =	vunpack.i.l.bf16.f32 v31;
	v26 =	vadd.f32 v27, v26  }
0x455: {  	v27 =	vunpack.i.l.bf16.f32 v24;
	v24 =	vld [tilespmem:s1+$0xFFFFFFC0];
	v38 =	vadd.f32 v28, v38;
	v28 =	vunpack.i.u.bf16.f32 v34  }
0x456: {  	v42 =	vunpack.i.u.bf16.f32 v31;
	v31 =	vld [tilespmem:s1+$0xFFFFFF90];
	v63 =	vadd.f32 v27, v39;
	v28 =	vadd.f32 v28, v26  }
0x457: {  	v37 =	vunpack.i.l.bf16.f32 v37;
	v26 =	vld [tilespmem:s1+$0xFFFFFFB0];
	v32 =	vadd.f32 v32, v38;
	v35 =	vadd.bf16 v30, v58  }
0x458: {  	v34 =	vunpack.i.l.bf16.f32 v34;
	v27 =	vld [tilespmem:s1+$0xFFFFFFA0];
	v30 =	vadd.f32 v42, v33;
	v33 =	vadd.bf16 v60, v61  }
0x459: {  	v38 =	vadd.f32 v34, v63;
	v34 =	vld [tilespmem:s1+$0x0];
	v39 =	vunpack.i.u.bf16.f32 v35;
	v36 =	vadd.f32 v37, v32  }
0x45a: {  	s0 =	simm.s32 $0x0;
	v32 =	vld [tilespmem:s1+$0xFFFFFFE0];
	v40 =	vunpack.i.l.bf16.f32 v35;
	v35 =	vunpack.i.u.bf16.f32 v41;
	v37 =	vunpack.i.l.bf16.f32 v41;
	s1 =	simm.s32 $0x99F0  }
.LBB2_45:
0x45b: {  	v41 =	vld [tilespmem:s1+$0xFFFFFFF0];
	s0 =	sadd.s32 $0x8, s0;
	v38 =	vadd.f32 v40, v38;
	v28 =	vadd.f32 v39, v28;
	v39 =	vunpack.i.l.bf16.f32 v33  }
0x45c: {  	v33 =	vunpack.i.u.bf16.f32 v33;
	v26 =	vadd.bf16 v26, v31;
	v40 =	vld [tilespmem:s1+$0xFFFFFF80];
	p0 =	slt.u32 s0, $0x58;
	v36 =	vadd.f32 v39, v36  }
0x45d: {  	v23 =	vadd.f32 v23, v30;
	v31 =	vld [tilespmem:s1+$0xFFFFFF30];
	v30 =	vadd.f32 v37, v38  }
0x45e: {  	v24 =	vadd.bf16 v24, v27;
	v28 =	vadd.f32 v35, v28;
	v27 =	vunpack.i.l.bf16.f32 v26;
	v37 =	vld [tilespmem:s1+$0xFFFFFEB0]  }
0x45f: {  	v29 =	vadd.bf16 v22, v29;
	v35 =	vld [tilespmem:s1+$0xFFFFFEC0];
	v32 =	vadd.bf16 v34, v32  }
0x460: {  	v38 =	vunpack.i.u.bf16.f32 v24;
	v24 =	vunpack.i.l.bf16.f32 v24;
	v27 =	vadd.f32 v27, v36;
	v34 =	vld [tilespmem:s1+$0xFFFFFE80];
	v22 =	vmovc v41  }
0x461: {  	v23 =	vadd.f32 v25, v23;
	v36 =	vld [tilespmem:s1+$0xFFFFFE60];
	v25 =	vunpack.i.u.bf16.f32 v32;
	v32 =	vunpack.i.l.bf16.f32 v32  }
0x462: {  	v24 =	vadd.f32 v24, v30;
	v28 =	vadd.f32 v38, v28;
	v30 =	vunpack.i.l.bf16.f32 v29;
	v39 =	vld [tilespmem:s1+$0xFFFFFE10]  }
0x463: {  	v26 =	vunpack.i.u.bf16.f32 v26;
	v23 =	vadd.f32 v33, v23;
	v27 =	vadd.f32 v30, v27;
	v38 =	vld [tilespmem:s1+$0xFFFFFE40]  }
0x464: {  	v24 =	vadd.f32 v32, v24;
	v25 =	vadd.f32 v25, v28;
	v30 =	vld [tilespmem:s1+$0xFFFFFE20]  }
0x465: {  	v23 =	vadd.f32 v26, v23;
	v26 =	vunpack.i.u.bf16.f32 v29;
	v28 =	vld [tilespmem:s1+$0xFFFFFE30]  }
0x466: {  	v29 =	vld [tilespmem:s1+$0xFFFFFE70];
	v32 =	vadd.bf16 v34, v36  }
0x467: {  	v23 =	vadd.f32 v26, v23;
	v33 =	vld [tilespmem:s1+$0xFFFFFE50]  }
0x468: {  	v26 =	vld [tilespmem:s1+$0xFFFFFEA0]  }
0x469: {  	v30 =	vadd.bf16 v38, v30;
	v34 =	vld [tilespmem:s1+$0xFFFFFE90]  }
0x46a: {  	v28 =	vadd.bf16 v28, v39;
	v36 =	vld [tilespmem:s1+$0xFFFFFEF0]  }
0x46b: {  	v38 =	vunpack.i.u.bf16.f32 v30;
	v30 =	vunpack.i.l.bf16.f32 v30;
	v39 =	vld [tilespmem:s1+$0xFFFFFED0]  }
0x46c: {  	v41 =	vunpack.i.l.bf16.f32 v28;
	v24 =	vadd.f32 v30, v24;
	v29 =	vadd.bf16 v29, v33;
	v30 =	vld [tilespmem:s1+$0xFFFFFF00]  }
0x46d: {  	v28 =	vunpack.i.u.bf16.f32 v28;
	v33 =	vunpack.i.l.bf16.f32 v32;
	v27 =	vadd.f32 v41, v27;
	v41 =	vld [tilespmem:s1+$0xFFFFFEE0]  }
0x46e: {  	v25 =	vadd.f32 v38, v25;
	v38 =	vunpack.i.l.bf16.f32 v29;
	v33 =	vadd.f32 v33, v24;
	v42 =	vld [tilespmem:s1+$0xFFFFFF40]  }
0x46f: {  	v26 =	vadd.bf16 v35, v26;
	v24 =	vunpack.i.u.bf16.f32 v32;
	v27 =	vadd.f32 v38, v27;
	v32 =	vld [tilespmem:s1+$0xFFFFFF20]  }
0x470: {  	v29 =	vunpack.i.u.bf16.f32 v29;
	v34 =	vadd.bf16 v37, v34;
	v35 =	vadd.bf16 v36, v39;
	v36 =	vld [tilespmem:s1+$0xFFFFFF10]  }
0x471: {  	v28 =	vadd.f32 v28, v23;
	v24 =	vadd.f32 v24, v25;
	v25 =	vunpack.i.u.bf16.f32 v26;
	v37 =	vld [tilespmem:s1+$0xFFFFFF70]  }
0x472: {  	v30 =	vadd.bf16 v30, v41;
	v23 =	vunpack.i.u.bf16.f32 v35;
	v35 =	vunpack.i.l.bf16.f32 v35;
	v38 =	vld [tilespmem:s1+$0xFFFFFF50]  }
0x473: {  	v29 =	vadd.f32 v29, v28;
	v28 =	vunpack.i.l.bf16.f32 v34;
	v25 =	vadd.f32 v25, v24;
	v39 =	vld [tilespmem:s1+$0xFFFFFF60]  }
0x474: {  	v27 =	vadd.f32 v28, v27;
	v41 =	vunpack.i.l.bf16.f32 v26;
	v26 =	vunpack.i.u.bf16.f32 v30;
	v24 =	vld [tilespmem:s1+$0xFFFFFFC0]  }
0x475: {  	v34 =	vunpack.i.u.bf16.f32 v34;
	v28 =	vadd.f32 v26, v25;
	v36 =	vadd.bf16 v31, v36;
	v26 =	vld [tilespmem:s1+$0xFFFFFFB0]  }
.Ltmp21:
0x476: {  	v35 =	vadd.f32 v35, v27;
	v43 =	vunpack.i.l.bf16.f32 v30;
	v42 =	vadd.bf16 v42, v32;
	v31 =	vld [tilespmem:s1+$0xFFFFFF90];
	(pc) =	sbr.rel @p0 .LBB2_45-.Ltmp21, $4  }
0x477: {  	v30 =	vadd.f32 v34, v29;
	v32 =	vadd.f32 v41, v33;
	v25 =	vunpack.i.u.bf16.f32 v36;
	v27 =	vld [tilespmem:s1+$0xFFFFFFA0]  }
0x478: {  	v34 =	vunpack.i.l.bf16.f32 v36;
	v33 =	vadd.bf16 v37, v38;
	v37 =	vadd.bf16 v40, v39;
	v29 =	vld [tilespmem:s1+$0xFFFFFFD0]  }
0x479: {  	v38 =	vadd.f32 v43, v32;
	v39 =	vunpack.i.u.bf16.f32 v42;
	v36 =	vadd.f32 v34, v35;
	v32 =	vld [tilespmem:s1+$0xFFFFFFE0]  }
0x47a: {  	v40 =	vunpack.i.l.bf16.f32 v42;
	v35 =	vunpack.i.u.bf16.f32 v37;
	v37 =	vunpack.i.l.bf16.f32 v37;
	v34 =	vld [tilespmem:s1+$0x0];
	s1 =	sadd.s32 $0x200, s1  }
0x47b: {  	v38 =	vadd.f32 v40, v38;
	v28 =	vadd.f32 v39, v28  }
0x47c: {  	v58 =	vunpack.i.l.bf16.f32 v33;
	v26 =	vadd.bf16 v26, v31;
	v23 =	vadd.f32 v23, v30  }
0x47d: {  	v60 =	vunpack.i.u.bf16.f32 v33;
	v36 =	vadd.f32 v58, v36;
	v24 =	vadd.bf16 v24, v27  }
0x47e: {  	v59 =	vadd.f32 v37, v38;
	v28 =	vadd.f32 v35, v28;
	v27 =	vunpack.i.l.bf16.f32 v26  }
0x47f: {  	v23 =	vadd.f32 v25, v23;
	v22 =	vadd.bf16 v22, v29;
	v25 =	vunpack.i.u.bf16.f32 v24  }
0x480: {  	v24 =	vunpack.i.l.bf16.f32 v24;
	v27 =	vadd.f32 v27, v36;
	v32 =	vadd.bf16 v34, v32  }
0x481: {  	v23 =	vadd.f32 v60, v23;
	v30 =	vadd.f32 v24, v59  }
0x482: {  	v24 =	vunpack.i.u.bf16.f32 v26;
	v25 =	vadd.f32 v25, v28;
	v26 =	vunpack.i.l.bf16.f32 v22  }
0x483: {  	v61 =	vunpack.i.u.bf16.f32 v32;
	v62 =	vunpack.i.l.bf16.f32 v32;
	v63 =	vadd.f32 v24, v23  }
0x484: {  	v24 =	vadd.f32 v26, v27;
	v26 =	vunpack.i.u.bf16.f32 v22;
	v23 =	vadd.f32 v62, v30  }
0x485: {  	s0 =	simm.s32 $0x0;
	v22 =	vadd.f32 v61, v25;
	v25 =	vadd.f32 v26, v63  }
.LBB2_47:
0x486: {  	s1 =	sshra.s32 s0, $0x2  }
0x487: {  	v26 =	vld [tilespmem:s1+$0xAE00]  }
0x488: {  	v27 =	vld [tilespmem:s1+$0xAE20]  }
0x489: {  	v28 =	vld [tilespmem:s1+$0xAE10]  }
0x48a: {  	v29 =	vld [tilespmem:s1+$0xAE30];
	_ =	sdelay $0x3  }
0x48b: {  	p0 =	sne.s32 s0, $0x300  }
.Ltmp22:
0x48c: {  	v26 =	vadd.bf16 v27, v26;
	v27 =	vadd.bf16 v29, v28;
	(pc) =	sbr.rel @p0 .LBB2_47-.Ltmp22, $4  }
0x48d: {  	_ = 	snop  }
0x48e: {  	v63 =	vunpack.i.u.bf16.f32 v26;
	v26 =	vunpack.i.l.bf16.f32 v26;
	v29 =	vunpack.i.u.bf16.f32 v27  }
0x48f: {  	v27 =	vunpack.i.l.bf16.f32 v27;
	v24 =	vadd.f32 v26, v24;
	v25 =	vadd.f32 v63, v25  }
0x490: {  	s0 =	sadd.s32 $0x100, s0;
	v23 =	vadd.f32 v27, v23;
	v22 =	vadd.f32 v29, v22  }
0x491: {  	_ =	swait.ge [sflag:s24], $0x1900  }
0x492: {  	[sflag:s24] =	ssyncset.done $0x0  }
0x493: {  	s1 =	simm.s32 $0xAF00;
	[sflag:s24] =	ssyncadd.s32 $0xFFFFE700  }
0x494: {  	v29 =	vld [tilespmem:s1+$0x120]  }
0x495: {  	v27 =	vld [tilespmem:s1+$0xA0]  }
0x496: {  	v28 =	vld [tilespmem:s1+$0xB0]  }
0x497: {  	v30 =	vld [tilespmem:s1+$0x70]  }
0x498: {  	v31 =	vld [tilespmem:s1+$0x50]  }
0x499: {  	v32 =	vld [tilespmem:s1+$0x0]  }
0x49a: {  	v34 =	vld [tilespmem:s1+$0x30]  }
0x49b: {  	v35 =	vld [tilespmem:s1+$0x10]  }
0x49c: {  	v36 =	vld [tilespmem:s1+$0x20]  }
0x49d: {  	v37 =	vld [tilespmem:s1+$0x60]  }
0x49e: {  	v38 =	vld [tilespmem:s1+$0x40]  }
0x49f: {  	v39 =	vld [tilespmem:s1+$0x90]  }
0x4a0: {  	v52 =	vld [tilespmem:s1+$0x80]  }
0x4a1: {  	v53 =	vld [tilespmem:s1+$0xE0]  }
0x4a2: {  	v41 =	vld [tilespmem:s1+$0xC0]  }
0x4a3: {  	v54 =	vld [tilespmem:s1+$0xF0]  }
0x4a4: {  	v44 =	vld [tilespmem:s1+$0xD0]  }
0x4a5: {  	v55 =	vld [tilespmem:s1+$0x130]  }
0x4a6: {  	v56 =	vld [tilespmem:s1+$0x110]  }
0x4a7: {  	v57 =	vld [tilespmem:s1+$0x100]  }
0x4a8: {  	v34 =	vadd.bf16 v34, v35;
	v32 =	vadd.bf16 v36, v32  }
0x4a9: {  	v30 =	vadd.bf16 v30, v31;
	v37 =	vadd.bf16 v37, v38  }
0x4aa: {  	v28 =	vadd.bf16 v28, v39;
	v35 =	vadd.bf16 v27, v52  }
0x4ab: {  	v40 =	vimm.f32 $0.0e+00;
	v36 =	vadd.bf16 v53, v41;
	v38 =	vadd.bf16 v54, v44  }
0x4ac: {  	v41 =	vadd.bf16 v29, v57;
	v39 =	vadd.bf16 v55, v56;
	v31 =	vunpack.i.u.bf16.f32 v34  }
0x4ad: {  	v34 =	vunpack.i.l.bf16.f32 v34;
	v42 =	vunpack.i.l.bf16.f32 v32;
	v32 =	vunpack.i.u.bf16.f32 v32  }
0x4ae: {  	v33 =	vld [tilespmem:s1+$0x170];
	v43 =	vunpack.i.l.bf16.f32 v30;
	v45 =	vunpack.i.l.bf16.f32 v37;
	v30 =	vunpack.i.u.bf16.f32 v30  }
0x4af: {  	v61 =	vld [tilespmem:s1+$0x150];
	v37 =	vunpack.i.u.bf16.f32 v37;
	v27 =	vunpack.i.u.bf16.f32 v36;
	v36 =	vunpack.i.l.bf16.f32 v36  }
0x4b0: {  	v26 =	vld [tilespmem:s1+$0x1E0];
	v60 =	vunpack.i.l.bf16.f32 v35;
	v62 =	vunpack.i.u.bf16.f32 v38;
	v31 =	vadd.f32 v31, v40  }
0x4b1: {  	v58 =	vld [tilespmem:s1+$0x160];
	v46 =	vunpack.i.u.bf16.f32 v35;
	v34 =	vadd.f32 v34, v40;
	v42 =	vadd.f32 v42, v40  }
0x4b2: {  	v59 =	vld [tilespmem:s1+$0x140];
	v38 =	vunpack.i.l.bf16.f32 v38;
	v32 =	vadd.f32 v32, v40;
	v30 =	vadd.f32 v30, v31  }
0x4b3: {  	v35 =	vld [tilespmem:s1+$0x180];
	v43 =	vadd.f32 v43, v34;
	v42 =	vadd.f32 v45, v42;
	v31 =	vunpack.i.u.bf16.f32 v28  }
0x4b4: {  	v29 =	vunpack.i.u.bf16.f32 v41;
	v45 =	vadd.bf16 v33, v61;
	v33 =	vld [tilespmem:s1+$0x1C0];
	v30 =	vadd.f32 v31, v30  }
0x4b5: {  	v37 =	vadd.f32 v37, v32;
	v31 =	vunpack.i.l.bf16.f32 v28;
	v42 =	vadd.f32 v60, v42;
	v28 =	vld [tilespmem:s1+$0x1B0]  }
0x4b6: {  	v41 =	vunpack.i.l.bf16.f32 v41;
	v63 =	vadd.f32 v31, v43;
	v32 =	vadd.f32 v62, v30;
	v30 =	vld [tilespmem:s1+$0x1A0]  }
0x4b7: {  	v44 =	vunpack.i.l.bf16.f32 v39;
	v34 =	vadd.f32 v46, v37;
	v31 =	vld [tilespmem:s1+$0x190];
	v36 =	vadd.f32 v36, v42  }
0x4b8: {  	v37 =	vadd.bf16 v58, v59;
	v43 =	vunpack.i.u.bf16.f32 v39;
	v42 =	vadd.f32 v38, v63;
	v38 =	vld [tilespmem:s1+$0x1F0]  }
0x4b9: {  	s0 =	simm.s32 $0x0;
	v39 =	vunpack.i.u.bf16.f32 v45;
	v40 =	vadd.f32 v41, v36;
	v36 =	vld [tilespmem:s1+$0x1D0];
	v41 =	vunpack.i.l.bf16.f32 v45;
	s1 =	simm.s32 $0xB100  }
.LBB2_49:
0x4ba: {  	v45 =	vld [tilespmem:s1+$0x1E0];
	s0 =	sadd.s32 $0x8, s0;
	v42 =	vadd.f32 v44, v42;
	v32 =	vadd.f32 v43, v32;
	v43 =	vunpack.i.l.bf16.f32 v37  }
0x4bb: {  	v37 =	vunpack.i.u.bf16.f32 v37;
	v30 =	vadd.bf16 v30, v35;
	v44 =	vld [tilespmem:s1+$0x170];
	p0 =	slt.u32 s0, $0x58;
	v40 =	vadd.f32 v43, v40  }
0x4bc: {  	v27 =	vadd.f32 v27, v34;
	v35 =	vld [tilespmem:s1+$0x120];
	v34 =	vadd.f32 v41, v42  }
0x4bd: {  	v28 =	vadd.bf16 v28, v31;
	v32 =	vadd.f32 v39, v32;
	v31 =	vunpack.i.l.bf16.f32 v30;
	v41 =	vld [tilespmem:s1+$0xA0]  }
0x4be: {  	v33 =	vadd.bf16 v26, v33;
	v39 =	vld [tilespmem:s1+$0xB0];
	v36 =	vadd.bf16 v38, v36  }
0x4bf: {  	v42 =	vunpack.i.u.bf16.f32 v28;
	v28 =	vunpack.i.l.bf16.f32 v28;
	v31 =	vadd.f32 v31, v40;
	v38 =	vld [tilespmem:s1+$0x70];
	v26 =	vmovc v45  }
0x4c0: {  	v27 =	vadd.f32 v29, v27;
	v40 =	vld [tilespmem:s1+$0x50];
	v29 =	vunpack.i.u.bf16.f32 v36;
	v36 =	vunpack.i.l.bf16.f32 v36  }
0x4c1: {  	v28 =	vadd.f32 v28, v34;
	v32 =	vadd.f32 v42, v32;
	v34 =	vunpack.i.l.bf16.f32 v33;
	v43 =	vld [tilespmem:s1+$0x0]  }
0x4c2: {  	v30 =	vunpack.i.u.bf16.f32 v30;
	v27 =	vadd.f32 v37, v27;
	v31 =	vadd.f32 v34, v31;
	v42 =	vld [tilespmem:s1+$0x30]  }
0x4c3: {  	v28 =	vadd.f32 v36, v28;
	v29 =	vadd.f32 v29, v32;
	v34 =	vld [tilespmem:s1+$0x10]  }
0x4c4: {  	v27 =	vadd.f32 v30, v27;
	v30 =	vunpack.i.u.bf16.f32 v33;
	v32 =	vld [tilespmem:s1+$0x20]  }
0x4c5: {  	v33 =	vld [tilespmem:s1+$0x60];
	v36 =	vadd.bf16 v38, v40  }
0x4c6: {  	v27 =	vadd.f32 v30, v27;
	v37 =	vld [tilespmem:s1+$0x40]  }
0x4c7: {  	v30 =	vld [tilespmem:s1+$0x90]  }
0x4c8: {  	v34 =	vadd.bf16 v42, v34;
	v38 =	vld [tilespmem:s1+$0x80]  }
0x4c9: {  	v32 =	vadd.bf16 v32, v43;
	v40 =	vld [tilespmem:s1+$0xE0]  }
0x4ca: {  	v42 =	vunpack.i.u.bf16.f32 v34;
	v34 =	vunpack.i.l.bf16.f32 v34;
	v43 =	vld [tilespmem:s1+$0xC0]  }
0x4cb: {  	v45 =	vunpack.i.l.bf16.f32 v32;
	v28 =	vadd.f32 v34, v28;
	v33 =	vadd.bf16 v33, v37;
	v34 =	vld [tilespmem:s1+$0xF0]  }
0x4cc: {  	v32 =	vunpack.i.u.bf16.f32 v32;
	v37 =	vunpack.i.l.bf16.f32 v36;
	v31 =	vadd.f32 v45, v31;
	v45 =	vld [tilespmem:s1+$0xD0]  }
0x4cd: {  	v29 =	vadd.f32 v42, v29;
	v42 =	vunpack.i.l.bf16.f32 v33;
	v37 =	vadd.f32 v37, v28;
	v46 =	vld [tilespmem:s1+$0x130]  }
0x4ce: {  	v30 =	vadd.bf16 v39, v30;
	v28 =	vunpack.i.u.bf16.f32 v36;
	v31 =	vadd.f32 v42, v31;
	v36 =	vld [tilespmem:s1+$0x110]  }
0x4cf: {  	v33 =	vunpack.i.u.bf16.f32 v33;
	v38 =	vadd.bf16 v41, v38;
	v39 =	vadd.bf16 v40, v43;
	v40 =	vld [tilespmem:s1+$0x100]  }
0x4d0: {  	v32 =	vadd.f32 v32, v27;
	v28 =	vadd.f32 v28, v29;
	v29 =	vunpack.i.u.bf16.f32 v30;
	v41 =	vld [tilespmem:s1+$0x160]  }
0x4d1: {  	v34 =	vadd.bf16 v34, v45;
	v27 =	vunpack.i.u.bf16.f32 v39;
	v39 =	vunpack.i.l.bf16.f32 v39;
	v42 =	vld [tilespmem:s1+$0x140]  }
0x4d2: {  	v33 =	vadd.f32 v33, v32;
	v32 =	vunpack.i.l.bf16.f32 v38;
	v29 =	vadd.f32 v29, v28;
	v43 =	vld [tilespmem:s1+$0x150]  }
0x4d3: {  	v31 =	vadd.f32 v32, v31;
	v45 =	vunpack.i.l.bf16.f32 v30;
	v30 =	vunpack.i.u.bf16.f32 v34;
	v28 =	vld [tilespmem:s1+$0x1B0]  }
0x4d4: {  	v38 =	vunpack.i.u.bf16.f32 v38;
	v32 =	vadd.f32 v30, v29;
	v40 =	vadd.bf16 v35, v40;
	v30 =	vld [tilespmem:s1+$0x1A0]  }
.Ltmp23:
0x4d5: {  	v39 =	vadd.f32 v39, v31;
	v47 =	vunpack.i.l.bf16.f32 v34;
	v46 =	vadd.bf16 v46, v36;
	v35 =	vld [tilespmem:s1+$0x180];
	(pc) =	sbr.rel @p0 .LBB2_49-.Ltmp23, $4  }
0x4d6: {  	v34 =	vadd.f32 v38, v33;
	v36 =	vadd.f32 v45, v37;
	v29 =	vunpack.i.u.bf16.f32 v40;
	v31 =	vld [tilespmem:s1+$0x190]  }
0x4d7: {  	v38 =	vunpack.i.l.bf16.f32 v40;
	v37 =	vadd.bf16 v41, v42;
	v41 =	vadd.bf16 v44, v43;
	v33 =	vld [tilespmem:s1+$0x1C0]  }
0x4d8: {  	v42 =	vadd.f32 v47, v36;
	v43 =	vunpack.i.u.bf16.f32 v46;
	v40 =	vadd.f32 v38, v39;
	v36 =	vld [tilespmem:s1+$0x1D0]  }
0x4d9: {  	v44 =	vunpack.i.l.bf16.f32 v46;
	v39 =	vunpack.i.u.bf16.f32 v41;
	v41 =	vunpack.i.l.bf16.f32 v41;
	v38 =	vld [tilespmem:s1+$0x1F0];
	s1 =	sadd.s32 $0x200, s1  }
0x4da: {  	v42 =	vadd.f32 v44, v42;
	v32 =	vadd.f32 v43, v32  }
0x4db: {  	v58 =	vunpack.i.l.bf16.f32 v37;
	v30 =	vadd.bf16 v30, v35;
	v27 =	vadd.f32 v27, v34  }
0x4dc: {  	v60 =	vunpack.i.u.bf16.f32 v37;
	v40 =	vadd.f32 v58, v40;
	v28 =	vadd.bf16 v28, v31  }
0x4dd: {  	v59 =	vadd.f32 v41, v42;
	v32 =	vadd.f32 v39, v32;
	v31 =	vunpack.i.l.bf16.f32 v30  }
0x4de: {  	v27 =	vadd.f32 v29, v27;
	v26 =	vadd.bf16 v26, v33;
	v29 =	vunpack.i.u.bf16.f32 v28  }
0x4df: {  	v28 =	vunpack.i.l.bf16.f32 v28;
	v31 =	vadd.f32 v31, v40;
	v36 =	vadd.bf16 v38, v36  }
0x4e0: {  	v27 =	vadd.f32 v60, v27;
	v34 =	vadd.f32 v28, v59  }
0x4e1: {  	v28 =	vunpack.i.u.bf16.f32 v30;
	v29 =	vadd.f32 v29, v32;
	v30 =	vunpack.i.l.bf16.f32 v26  }
0x4e2: {  	v61 =	vunpack.i.u.bf16.f32 v36;
	v62 =	vunpack.i.l.bf16.f32 v36;
	v63 =	vadd.f32 v28, v27  }
0x4e3: {  	v28 =	vadd.f32 v30, v31;
	v30 =	vunpack.i.u.bf16.f32 v26;
	v27 =	vadd.f32 v62, v34  }
0x4e4: {  	s0 =	simm.s32 $0x0;
	v26 =	vadd.f32 v61, v29;
	v29 =	vadd.f32 v30, v63  }
.LBB2_51:
0x4e5: {  	s1 =	sshra.s32 s0, $0x2  }
0x4e6: {  	v30 =	vld [tilespmem:s1+$0xC700]  }
0x4e7: {  	v31 =	vld [tilespmem:s1+$0xC720]  }
0x4e8: {  	v32 =	vld [tilespmem:s1+$0xC710]  }
0x4e9: {  	v33 =	vld [tilespmem:s1+$0xC730];
	_ =	sdelay $0x3  }
0x4ea: {  	p0 =	sne.s32 s0, $0x300  }
.Ltmp24:
0x4eb: {  	v30 =	vadd.bf16 v31, v30;
	v31 =	vadd.bf16 v33, v32;
	(pc) =	sbr.rel @p0 .LBB2_51-.Ltmp24, $4  }
0x4ec: {  	_ = 	snop  }
0x4ed: {  	v63 =	vunpack.i.u.bf16.f32 v30;
	v30 =	vunpack.i.l.bf16.f32 v30;
	v33 =	vunpack.i.u.bf16.f32 v31  }
0x4ee: {  	v31 =	vunpack.i.l.bf16.f32 v31;
	v28 =	vadd.f32 v30, v28;
	v29 =	vadd.f32 v63, v29  }
0x4ef: {  	s0 =	sadd.s32 $0x100, s0;
	v27 =	vadd.f32 v31, v27;
	v26 =	vadd.f32 v33, v26  }
0x4f0: {  	_ =	swait.ge [sflag:s24], $0x1900  }
0x4f1: {  	[sflag:s24] =	ssyncset.done $0x0  }
0x4f2: {  	s1 =	simm.s32 $0xC800;
	[sflag:s24] =	ssyncadd.s32 $0xFFFFE700  }
0x4f3: {  	v33 =	vld [tilespmem:s1+$0x120]  }
0x4f4: {  	v31 =	vld [tilespmem:s1+$0xA0]  }
0x4f5: {  	v32 =	vld [tilespmem:s1+$0xB0]  }
0x4f6: {  	v34 =	vld [tilespmem:s1+$0x70]  }
0x4f7: {  	v35 =	vld [tilespmem:s1+$0x50]  }
0x4f8: {  	v36 =	vld [tilespmem:s1+$0x0]  }
0x4f9: {  	v38 =	vld [tilespmem:s1+$0x30]  }
0x4fa: {  	v39 =	vld [tilespmem:s1+$0x10]  }
0x4fb: {  	v40 =	vld [tilespmem:s1+$0x20]  }
0x4fc: {  	v41 =	vld [tilespmem:s1+$0x60]  }
0x4fd: {  	v42 =	vld [tilespmem:s1+$0x40]  }
0x4fe: {  	v43 =	vld [tilespmem:s1+$0x90]  }
0x4ff: {  	v61 =	vld [tilespmem:s1+$0x80]  }
0x500: {  	v62 =	vld [tilespmem:s1+$0xE0]  }
0x501: {  	v45 =	vld [tilespmem:s1+$0xC0]  }
0x502: {  	v52 =	vld [tilespmem:s1+$0xF0]  }
0x503: {  	v48 =	vld [tilespmem:s1+$0xD0]  }
0x504: {  	v53 =	vld [tilespmem:s1+$0x130]  }
0x505: {  	v54 =	vld [tilespmem:s1+$0x110]  }
0x506: {  	v55 =	vld [tilespmem:s1+$0x100]  }
0x507: {  	v38 =	vadd.bf16 v38, v39;
	v36 =	vadd.bf16 v40, v36  }
0x508: {  	v34 =	vadd.bf16 v34, v35;
	v41 =	vadd.bf16 v41, v42  }
0x509: {  	v32 =	vadd.bf16 v32, v43;
	v39 =	vadd.bf16 v31, v61  }
0x50a: {  	v44 =	vimm.f32 $0.0e+00;
	v40 =	vadd.bf16 v62, v45;
	v42 =	vadd.bf16 v52, v48  }
0x50b: {  	v45 =	vadd.bf16 v33, v55;
	v43 =	vadd.bf16 v53, v54;
	v63 =	vunpack.i.u.bf16.f32 v38  }
0x50c: {  	v38 =	vunpack.i.l.bf16.f32 v38;
	v46 =	vunpack.i.l.bf16.f32 v36;
	v36 =	vunpack.i.u.bf16.f32 v36  }
0x50d: {  	v30 =	vld [tilespmem:s1+$0x1E0];
	v47 =	vunpack.i.l.bf16.f32 v34;
	v49 =	vunpack.i.l.bf16.f32 v41;
	v34 =	vunpack.i.u.bf16.f32 v34  }
0x50e: {  	v37 =	vld [tilespmem:s1+$0x170];
	v41 =	vunpack.i.u.bf16.f32 v41;
	v56 =	vunpack.i.u.bf16.f32 v32;
	v31 =	vunpack.i.u.bf16.f32 v40  }
0x50f: {  	v60 =	vld [tilespmem:s1+$0x150];
	v40 =	vunpack.i.l.bf16.f32 v40;
	v59 =	vunpack.i.l.bf16.f32 v39;
	v35 =	vadd.f32 v63, v44  }
0x510: {  	v57 =	vld [tilespmem:s1+$0x160];
	v61 =	vunpack.i.l.bf16.f32 v32;
	v38 =	vadd.f32 v38, v44;
	v46 =	vadd.f32 v46, v44  }
0x511: {  	v58 =	vld [tilespmem:s1+$0x140];
	v62 =	vunpack.i.u.bf16.f32 v42;
	v36 =	vadd.f32 v36, v44;
	v34 =	vadd.f32 v34, v35  }
0x512: {  	v32 =	vld [tilespmem:s1+$0x1B0];
	v50 =	vunpack.i.u.bf16.f32 v39;
	v47 =	vadd.f32 v47, v38;
	v46 =	vadd.f32 v49, v46  }
0x513: {  	v42 =	vunpack.i.l.bf16.f32 v42;
	v39 =	vld [tilespmem:s1+$0x180];
	v41 =	vadd.f32 v41, v36;
	v34 =	vadd.f32 v56, v34  }
0x514: {  	v33 =	vunpack.i.u.bf16.f32 v45;
	v35 =	vld [tilespmem:s1+$0x190];
	v49 =	vadd.bf16 v37, v60;
	v46 =	vadd.f32 v59, v46  }
0x515: {  	v45 =	vunpack.i.l.bf16.f32 v45;
	v63 =	vadd.f32 v61, v47;
	v36 =	vadd.f32 v62, v34;
	v34 =	vld [tilespmem:s1+$0x1A0]  }
0x516: {  	v48 =	vunpack.i.l.bf16.f32 v43;
	v37 =	vld [tilespmem:s1+$0x1C0];
	v38 =	vadd.f32 v50, v41;
	v40 =	vadd.f32 v40, v46  }
0x517: {  	v41 =	vadd.bf16 v57, v58;
	v47 =	vunpack.i.u.bf16.f32 v43;
	v46 =	vadd.f32 v42, v63;
	v42 =	vld [tilespmem:s1+$0x1F0]  }
0x518: {  	s0 =	simm.s32 $0x0;
	v43 =	vunpack.i.u.bf16.f32 v49;
	v44 =	vadd.f32 v45, v40;
	v40 =	vld [tilespmem:s1+$0x1D0];
	v45 =	vunpack.i.l.bf16.f32 v49;
	s1 =	simm.s32 $0xCA00  }
.LBB2_53:
0x519: {  	v49 =	vld [tilespmem:s1+$0x1E0];
	s0 =	sadd.s32 $0x8, s0;
	v46 =	vadd.f32 v48, v46;
	v36 =	vadd.f32 v47, v36;
	v47 =	vunpack.i.l.bf16.f32 v41  }
0x51a: {  	v41 =	vunpack.i.u.bf16.f32 v41;
	v34 =	vadd.bf16 v34, v39;
	v48 =	vld [tilespmem:s1+$0x170];
	p0 =	slt.u32 s0, $0x58;
	v44 =	vadd.f32 v47, v44  }
0x51b: {  	v31 =	vadd.f32 v31, v38;
	v39 =	vld [tilespmem:s1+$0x120];
	v38 =	vadd.f32 v45, v46  }
0x51c: {  	v32 =	vadd.bf16 v32, v35;
	v36 =	vadd.f32 v43, v36;
	v35 =	vunpack.i.l.bf16.f32 v34;
	v45 =	vld [tilespmem:s1+$0xA0]  }
0x51d: {  	v37 =	vadd.bf16 v30, v37;
	v43 =	vld [tilespmem:s1+$0xB0];
	v40 =	vadd.bf16 v42, v40  }
0x51e: {  	v46 =	vunpack.i.u.bf16.f32 v32;
	v32 =	vunpack.i.l.bf16.f32 v32;
	v35 =	vadd.f32 v35, v44;
	v42 =	vld [tilespmem:s1+$0x70];
	v30 =	vmovc v49  }
0x51f: {  	v31 =	vadd.f32 v33, v31;
	v44 =	vld [tilespmem:s1+$0x50];
	v33 =	vunpack.i.u.bf16.f32 v40;
	v40 =	vunpack.i.l.bf16.f32 v40  }
0x520: {  	v32 =	vadd.f32 v32, v38;
	v36 =	vadd.f32 v46, v36;
	v38 =	vunpack.i.l.bf16.f32 v37;
	v47 =	vld [tilespmem:s1+$0x0]  }
0x521: {  	v34 =	vunpack.i.u.bf16.f32 v34;
	v31 =	vadd.f32 v41, v31;
	v35 =	vadd.f32 v38, v35;
	v46 =	vld [tilespmem:s1+$0x30]  }
0x522: {  	v32 =	vadd.f32 v40, v32;
	v33 =	vadd.f32 v33, v36;
	v38 =	vld [tilespmem:s1+$0x10]  }
0x523: {  	v31 =	vadd.f32 v34, v31;
	v34 =	vunpack.i.u.bf16.f32 v37;
	v36 =	vld [tilespmem:s1+$0x20]  }
0x524: {  	v37 =	vld [tilespmem:s1+$0x60];
	v40 =	vadd.bf16 v42, v44  }
0x525: {  	v31 =	vadd.f32 v34, v31;
	v41 =	vld [tilespmem:s1+$0x40]  }
0x526: {  	v34 =	vld [tilespmem:s1+$0x90]  }
0x527: {  	v38 =	vadd.bf16 v46, v38;
	v42 =	vld [tilespmem:s1+$0x80]  }
0x528: {  	v36 =	vadd.bf16 v36, v47;
	v44 =	vld [tilespmem:s1+$0xE0]  }
0x529: {  	v46 =	vunpack.i.u.bf16.f32 v38;
	v38 =	vunpack.i.l.bf16.f32 v38;
	v47 =	vld [tilespmem:s1+$0xC0]  }
0x52a: {  	v49 =	vunpack.i.l.bf16.f32 v36;
	v32 =	vadd.f32 v38, v32;
	v37 =	vadd.bf16 v37, v41;
	v38 =	vld [tilespmem:s1+$0xF0]  }
0x52b: {  	v36 =	vunpack.i.u.bf16.f32 v36;
	v41 =	vunpack.i.l.bf16.f32 v40;
	v35 =	vadd.f32 v49, v35;
	v49 =	vld [tilespmem:s1+$0xD0]  }
0x52c: {  	v33 =	vadd.f32 v46, v33;
	v46 =	vunpack.i.l.bf16.f32 v37;
	v41 =	vadd.f32 v41, v32;
	v50 =	vld [tilespmem:s1+$0x130]  }
0x52d: {  	v34 =	vadd.bf16 v43, v34;
	v32 =	vunpack.i.u.bf16.f32 v40;
	v35 =	vadd.f32 v46, v35;
	v40 =	vld [tilespmem:s1+$0x110]  }
0x52e: {  	v37 =	vunpack.i.u.bf16.f32 v37;
	v42 =	vadd.bf16 v45, v42;
	v43 =	vadd.bf16 v44, v47;
	v44 =	vld [tilespmem:s1+$0x100]  }
0x52f: {  	v36 =	vadd.f32 v36, v31;
	v32 =	vadd.f32 v32, v33;
	v33 =	vunpack.i.u.bf16.f32 v34;
	v45 =	vld [tilespmem:s1+$0x160]  }
0x530: {  	v38 =	vadd.bf16 v38, v49;
	v31 =	vunpack.i.u.bf16.f32 v43;
	v43 =	vunpack.i.l.bf16.f32 v43;
	v46 =	vld [tilespmem:s1+$0x140]  }
0x531: {  	v37 =	vadd.f32 v37, v36;
	v36 =	vunpack.i.l.bf16.f32 v42;
	v33 =	vadd.f32 v33, v32;
	v47 =	vld [tilespmem:s1+$0x150]  }
0x532: {  	v35 =	vadd.f32 v36, v35;
	v49 =	vunpack.i.l.bf16.f32 v34;
	v34 =	vunpack.i.u.bf16.f32 v38;
	v32 =	vld [tilespmem:s1+$0x1B0]  }
0x533: {  	v42 =	vunpack.i.u.bf16.f32 v42;
	v36 =	vadd.f32 v34, v33;
	v44 =	vadd.bf16 v39, v44;
	v34 =	vld [tilespmem:s1+$0x1A0]  }
.Ltmp25:
0x534: {  	v43 =	vadd.f32 v43, v35;
	v51 =	vunpack.i.l.bf16.f32 v38;
	v50 =	vadd.bf16 v50, v40;
	v39 =	vld [tilespmem:s1+$0x180];
	(pc) =	sbr.rel @p0 .LBB2_53-.Ltmp25, $4  }
0x535: {  	v38 =	vadd.f32 v42, v37;
	v40 =	vadd.f32 v49, v41;
	v33 =	vunpack.i.u.bf16.f32 v44;
	v35 =	vld [tilespmem:s1+$0x190]  }
0x536: {  	v42 =	vunpack.i.l.bf16.f32 v44;
	v41 =	vadd.bf16 v45, v46;
	v45 =	vadd.bf16 v48, v47;
	v37 =	vld [tilespmem:s1+$0x1C0]  }
0x537: {  	v46 =	vadd.f32 v51, v40;
	v47 =	vunpack.i.u.bf16.f32 v50;
	v44 =	vadd.f32 v42, v43;
	v40 =	vld [tilespmem:s1+$0x1D0]  }
0x538: {  	v48 =	vunpack.i.l.bf16.f32 v50;
	v43 =	vunpack.i.u.bf16.f32 v45;
	v45 =	vunpack.i.l.bf16.f32 v45;
	v42 =	vld [tilespmem:s1+$0x1F0];
	s1 =	sadd.s32 $0x200, s1  }
0x539: {  	v46 =	vadd.f32 v48, v46;
	v36 =	vadd.f32 v47, v36  }
0x53a: {  	v53 =	vunpack.i.l.bf16.f32 v41;
	v34 =	vadd.bf16 v34, v39;
	v31 =	vadd.f32 v31, v38  }
0x53b: {  	v44 =	vadd.f32 v53, v44;
	v32 =	vadd.bf16 v32, v35  }
0x53c: {  	v55 =	vunpack.i.u.bf16.f32 v41;
	v54 =	vadd.f32 v45, v46;
	v36 =	vadd.f32 v43, v36  }
0x53d: {  	v56 =	vunpack.i.l.bf16.f32 v34;
	v31 =	vadd.f32 v33, v31;
	v30 =	vadd.bf16 v30, v37  }
0x53e: {  	v60 =	vunpack.i.u.bf16.f32 v34;
	v57 =	vunpack.i.u.bf16.f32 v32;
	v35 =	vadd.f32 v56, v44  }
0x53f: {  	v32 =	vunpack.i.l.bf16.f32 v32;
	v40 =	vadd.bf16 v42, v40;
	v31 =	vadd.f32 v55, v31  }
0x540: {  	v38 =	vadd.f32 v32, v54;
	v33 =	vadd.f32 v57, v36;
	v61 =	vunpack.i.l.bf16.f32 v30  }
0x541: {  	v63 =	vunpack.i.u.bf16.f32 v30;
	v59 =	vunpack.i.l.bf16.f32 v40;
	v62 =	vadd.f32 v60, v31  }
0x542: {  	v32 =	vadd.f32 v61, v35;
	v58 =	vunpack.i.u.bf16.f32 v40;
	v31 =	vadd.f32 v59, v38  }
0x543: {  	s0 =	simm.s32 $0x0;
	v30 =	vadd.f32 v58, v33;
	v33 =	vadd.f32 v63, v62  }
.LBB2_55:
0x544: {  	s1 =	sshra.s32 s0, $0x2  }
0x545: {  	v34 =	vld [tilespmem:s1+$0xE000]  }
0x546: {  	v35 =	vld [tilespmem:s1+$0xE020]  }
0x547: {  	v36 =	vld [tilespmem:s1+$0xE010]  }
0x548: {  	v37 =	vld [tilespmem:s1+$0xE030];
	_ =	sdelay $0x3  }
0x549: {  	p0 =	sne.s32 s0, $0x300  }
.Ltmp26:
0x54a: {  	v34 =	vadd.bf16 v35, v34;
	v62 =	vadd.bf16 v37, v36;
	(pc) =	sbr.rel @p0 .LBB2_55-.Ltmp26, $4  }
0x54b: {  	_ = 	snop  }
0x54c: {  	v63 =	vunpack.i.u.bf16.f32 v34;
	v34 =	vunpack.i.l.bf16.f32 v34;
	v37 =	vunpack.i.u.bf16.f32 v62  }
0x54d: {  	v35 =	vunpack.i.l.bf16.f32 v62;
	v32 =	vadd.f32 v34, v32;
	v33 =	vadd.f32 v63, v33  }
0x54e: {  	s0 =	sadd.s32 $0x100, s0;
	v31 =	vadd.f32 v35, v31;
	v30 =	vadd.f32 v37, v30  }
0x54f: {  	_ =	swait.ge [sflag:s24], $0x1900  }
0x550: {  	[sflag:s24] =	ssyncset.done $0x0  }
0x551: {  	s1 =	simm.s32 $0xE100;
	[sflag:s24] =	ssyncadd.s32 $0xFFFFE700  }
0x552: {  	v37 =	vld [tilespmem:s1+$0x120]  }
0x553: {  	v35 =	vld [tilespmem:s1+$0xA0]  }
0x554: {  	v36 =	vld [tilespmem:s1+$0xB0]  }
0x555: {  	v38 =	vld [tilespmem:s1+$0x70]  }
0x556: {  	v39 =	vld [tilespmem:s1+$0x50]  }
0x557: {  	v40 =	vld [tilespmem:s1+$0x0]  }
0x558: {  	v42 =	vld [tilespmem:s1+$0x30]  }
0x559: {  	v43 =	vld [tilespmem:s1+$0x10]  }
0x55a: {  	v44 =	vld [tilespmem:s1+$0x20]  }
0x55b: {  	v45 =	vld [tilespmem:s1+$0x60]  }
0x55c: {  	v46 =	vld [tilespmem:s1+$0x40]  }
0x55d: {  	v47 =	vld [tilespmem:s1+$0x90]  }
0x55e: {  	v59 =	vld [tilespmem:s1+$0x80]  }
0x55f: {  	v60 =	vld [tilespmem:s1+$0xE0]  }
0x560: {  	v49 =	vld [tilespmem:s1+$0xC0]  }
0x561: {  	v62 =	vld [tilespmem:s1+$0xF0]  }
0x562: {  	v52 =	vld [tilespmem:s1+$0xD0]  }
0x563: {  	v63 =	vld [tilespmem:s1+$0x100]  }
0x564: {  	v42 =	vadd.bf16 v42, v43;
	v40 =	vadd.bf16 v44, v40  }
0x565: {  	v38 =	vadd.bf16 v38, v39;
	v45 =	vadd.bf16 v45, v46  }
0x566: {  	v36 =	vadd.bf16 v36, v47;
	v43 =	vadd.bf16 v35, v59  }
0x567: {  	v48 =	vimm.f32 $0.0e+00;
	v44 =	vadd.bf16 v60, v49;
	v46 =	vadd.bf16 v62, v52  }
0x568: {  	v34 =	vld [tilespmem:s1+$0x1E0];
	v49 =	vadd.bf16 v37, v63;
	v61 =	vunpack.i.u.bf16.f32 v42;
	v42 =	vunpack.i.l.bf16.f32 v42  }
0x569: {  	v41 =	vld [tilespmem:s1+$0x170];
	v50 =	vunpack.i.l.bf16.f32 v40;
	v40 =	vunpack.i.u.bf16.f32 v40;
	v51 =	vunpack.i.l.bf16.f32 v38  }
0x56a: {  	v57 =	vld [tilespmem:s1+$0x160];
	v53 =	vunpack.i.l.bf16.f32 v45;
	v38 =	vunpack.i.u.bf16.f32 v38;
	v45 =	vunpack.i.u.bf16.f32 v45  }
0x56b: {  	v58 =	vld [tilespmem:s1+$0x140];
	v56 =	vunpack.i.u.bf16.f32 v36;
	v35 =	vunpack.i.u.bf16.f32 v44;
	v39 =	vadd.f32 v61, v48  }
0x56c: {  	v60 =	vld [tilespmem:s1+$0x150];
	v44 =	vunpack.i.l.bf16.f32 v44;
	v42 =	vadd.f32 v42, v48;
	v50 =	vadd.f32 v50, v48  }
0x56d: {  	v47 =	vld [tilespmem:s1+$0x110];
	v59 =	vunpack.i.l.bf16.f32 v43;
	v40 =	vadd.f32 v40, v48;
	v38 =	vadd.f32 v38, v39  }
0x56e: {  	v54 =	vunpack.i.u.bf16.f32 v43;
	v51 =	vadd.f32 v51, v42;
	v42 =	vld [tilespmem:s1+$0x130];
	v50 =	vadd.f32 v53, v50  }
0x56f: {  	v43 =	vld [tilespmem:s1+$0x180];
	v61 =	vunpack.i.l.bf16.f32 v36;
	v45 =	vadd.f32 v45, v40;
	v38 =	vadd.f32 v56, v38  }
0x570: {  	v62 =	vunpack.i.u.bf16.f32 v46;
	v36 =	vld [tilespmem:s1+$0x1B0];
	v50 =	vadd.f32 v59, v50;
	v63 =	vadd.f32 v61, v51  }
0x571: {  	v46 =	vunpack.i.l.bf16.f32 v46;
	v39 =	vld [tilespmem:s1+$0x190];
	v53 =	vadd.bf16 v41, v60;
	v40 =	vadd.f32 v62, v38  }
0x572: {  	v37 =	vunpack.i.u.bf16.f32 v49;
	v38 =	vld [tilespmem:s1+$0x1A0];
	v44 =	vadd.f32 v44, v50;
	v50 =	vadd.f32 v46, v63  }
0x573: {  	v49 =	vunpack.i.l.bf16.f32 v49;
	v41 =	vld [tilespmem:s1+$0x1C0];
	v47 =	vadd.bf16 v42, v47;
	v42 =	vadd.f32 v54, v45  }
0x574: {  	v46 =	vld [tilespmem:s1+$0x1F0];
	v45 =	vadd.bf16 v57, v58;
	v48 =	vadd.f32 v49, v44;
	v49 =	vunpack.i.l.bf16.f32 v53  }
0x575: {  	s0 =	simm.s32 $0x0;
	v44 =	vld [tilespmem:s1+$0x1D0];
	s1 =	simm.s32 $0xE300;
	v51 =	vunpack.i.u.bf16.f32 v47;
	v52 =	vunpack.i.l.bf16.f32 v47;
	v47 =	vunpack.i.u.bf16.f32 v53  }
.LBB2_57:
0x576: {  	v53 =	vld [tilespmem:s1+$0x1E0];
	s0 =	sadd.s32 $0x8, s0;
	v50 =	vadd.f32 v52, v50;
	v40 =	vadd.f32 v51, v40;
	v51 =	vunpack.i.l.bf16.f32 v45  }
0x577: {  	v45 =	vunpack.i.u.bf16.f32 v45;
	v38 =	vadd.bf16 v38, v43;
	v52 =	vld [tilespmem:s1+$0x170];
	p0 =	slt.u32 s0, $0x58;
	v48 =	vadd.f32 v51, v48  }
0x578: {  	v35 =	vadd.f32 v35, v42;
	v43 =	vld [tilespmem:s1+$0x120];
	v42 =	vadd.f32 v49, v50  }
0x579: {  	v36 =	vadd.bf16 v36, v39;
	v40 =	vadd.f32 v47, v40;
	v39 =	vunpack.i.l.bf16.f32 v38;
	v49 =	vld [tilespmem:s1+$0xA0]  }
0x57a: {  	v41 =	vadd.bf16 v34, v41;
	v47 =	vld [tilespmem:s1+$0xB0];
	v44 =	vadd.bf16 v46, v44  }
0x57b: {  	v50 =	vunpack.i.u.bf16.f32 v36;
	v36 =	vunpack.i.l.bf16.f32 v36;
	v39 =	vadd.f32 v39, v48;
	v46 =	vld [tilespmem:s1+$0x70];
	v34 =	vmovc v53  }
0x57c: {  	v35 =	vadd.f32 v37, v35;
	v48 =	vld [tilespmem:s1+$0x50];
	v37 =	vunpack.i.u.bf16.f32 v44;
	v44 =	vunpack.i.l.bf16.f32 v44  }
0x57d: {  	v36 =	vadd.f32 v36, v42;
	v40 =	vadd.f32 v50, v40;
	v42 =	vunpack.i.l.bf16.f32 v41;
	v51 =	vld [tilespmem:s1+$0x0]  }
0x57e: {  	v38 =	vunpack.i.u.bf16.f32 v38;
	v35 =	vadd.f32 v45, v35;
	v39 =	vadd.f32 v42, v39;
	v50 =	vld [tilespmem:s1+$0x30]  }
0x57f: {  	v36 =	vadd.f32 v44, v36;
	v37 =	vadd.f32 v37, v40;
	v42 =	vld [tilespmem:s1+$0x10]  }
0x580: {  	v35 =	vadd.f32 v38, v35;
	v38 =	vunpack.i.u.bf16.f32 v41;
	v40 =	vld [tilespmem:s1+$0x20]  }
0x581: {  	v41 =	vld [tilespmem:s1+$0x60];
	v44 =	vadd.bf16 v46, v48  }
0x582: {  	v35 =	vadd.f32 v38, v35;
	v45 =	vld [tilespmem:s1+$0x40]  }
0x583: {  	v38 =	vld [tilespmem:s1+$0x90]  }
0x584: {  	v42 =	vadd.bf16 v50, v42;
	v46 =	vld [tilespmem:s1+$0x80]  }
0x585: {  	v40 =	vadd.bf16 v40, v51;
	v48 =	vld [tilespmem:s1+$0xE0]  }
0x586: {  	v50 =	vunpack.i.u.bf16.f32 v42;
	v42 =	vunpack.i.l.bf16.f32 v42;
	v51 =	vld [tilespmem:s1+$0xC0]  }
0x587: {  	v53 =	vunpack.i.l.bf16.f32 v40;
	v36 =	vadd.f32 v42, v36;
	v41 =	vadd.bf16 v41, v45;
	v42 =	vld [tilespmem:s1+$0xF0]  }
0x588: {  	v40 =	vunpack.i.u.bf16.f32 v40;
	v45 =	vunpack.i.l.bf16.f32 v44;
	v39 =	vadd.f32 v53, v39;
	v53 =	vld [tilespmem:s1+$0xD0]  }
0x589: {  	v37 =	vadd.f32 v50, v37;
	v50 =	vunpack.i.l.bf16.f32 v41;
	v45 =	vadd.f32 v45, v36;
	v54 =	vld [tilespmem:s1+$0x130]  }
0x58a: {  	v38 =	vadd.bf16 v47, v38;
	v36 =	vunpack.i.u.bf16.f32 v44;
	v39 =	vadd.f32 v50, v39;
	v44 =	vld [tilespmem:s1+$0x110]  }
0x58b: {  	v41 =	vunpack.i.u.bf16.f32 v41;
	v46 =	vadd.bf16 v49, v46;
	v47 =	vadd.bf16 v48, v51;
	v48 =	vld [tilespmem:s1+$0x100]  }
0x58c: {  	v40 =	vadd.f32 v40, v35;
	v36 =	vadd.f32 v36, v37;
	v37 =	vunpack.i.u.bf16.f32 v38;
	v49 =	vld [tilespmem:s1+$0x160]  }
0x58d: {  	v42 =	vadd.bf16 v42, v53;
	v35 =	vunpack.i.u.bf16.f32 v47;
	v47 =	vunpack.i.l.bf16.f32 v47;
	v50 =	vld [tilespmem:s1+$0x140]  }
0x58e: {  	v41 =	vadd.f32 v41, v40;
	v40 =	vunpack.i.l.bf16.f32 v46;
	v37 =	vadd.f32 v37, v36;
	v51 =	vld [tilespmem:s1+$0x150]  }
0x58f: {  	v39 =	vadd.f32 v40, v39;
	v53 =	vunpack.i.l.bf16.f32 v38;
	v38 =	vunpack.i.u.bf16.f32 v42;
	v36 =	vld [tilespmem:s1+$0x1B0]  }
0x590: {  	v46 =	vunpack.i.u.bf16.f32 v46;
	v40 =	vadd.f32 v38, v37;
	v48 =	vadd.bf16 v43, v48;
	v38 =	vld [tilespmem:s1+$0x1A0]  }
.Ltmp27:
0x591: {  	v47 =	vadd.f32 v47, v39;
	v55 =	vunpack.i.l.bf16.f32 v42;
	v54 =	vadd.bf16 v54, v44;
	v43 =	vld [tilespmem:s1+$0x180];
	(pc) =	sbr.rel @p0 .LBB2_57-.Ltmp27, $4  }
0x592: {  	v42 =	vadd.f32 v46, v41;
	v44 =	vadd.f32 v53, v45;
	v37 =	vunpack.i.u.bf16.f32 v48;
	v39 =	vld [tilespmem:s1+$0x190]  }
0x593: {  	v46 =	vunpack.i.l.bf16.f32 v48;
	v45 =	vadd.bf16 v49, v50;
	v49 =	vadd.bf16 v52, v51;
	v41 =	vld [tilespmem:s1+$0x1C0]  }
0x594: {  	v50 =	vadd.f32 v55, v44;
	v51 =	vunpack.i.u.bf16.f32 v54;
	v48 =	vadd.f32 v46, v47;
	v44 =	vld [tilespmem:s1+$0x1D0]  }
0x595: {  	v52 =	vunpack.i.l.bf16.f32 v54;
	v47 =	vunpack.i.u.bf16.f32 v49;
	v49 =	vunpack.i.l.bf16.f32 v49;
	v46 =	vld [tilespmem:s1+$0x1F0];
	s1 =	sadd.s32 $0x200, s1  }
0x596: {  	v50 =	vadd.f32 v52, v50;
	v40 =	vadd.f32 v51, v40  }
0x597: {  	v63 =	vunpack.i.l.bf16.f32 v45;
	v38 =	vadd.bf16 v38, v43;
	v35 =	vadd.f32 v35, v42  }
0x598: {  	v48 =	vadd.f32 v63, v48;
	v36 =	vadd.bf16 v36, v39  }
0x599: {  	v55 =	vunpack.i.u.bf16.f32 v45;
	v54 =	vadd.f32 v49, v50;
	v40 =	vadd.f32 v47, v40  }
0x59a: {  	v56 =	vunpack.i.l.bf16.f32 v38;
	v35 =	vadd.f32 v37, v35;
	v34 =	vadd.bf16 v34, v41  }
0x59b: {  	v60 =	vunpack.i.u.bf16.f32 v38;
	v57 =	vunpack.i.u.bf16.f32 v36;
	v39 =	vadd.f32 v56, v48  }
0x59c: {  	v36 =	vunpack.i.l.bf16.f32 v36;
	v44 =	vadd.bf16 v46, v44;
	v35 =	vadd.f32 v55, v35  }
0x59d: {  	v42 =	vadd.f32 v36, v54;
	v37 =	vadd.f32 v57, v40;
	v61 =	vunpack.i.l.bf16.f32 v34  }
0x59e: {  	v63 =	vunpack.i.u.bf16.f32 v34;
	v59 =	vunpack.i.l.bf16.f32 v44;
	v62 =	vadd.f32 v60, v35  }
0x59f: {  	v36 =	vadd.f32 v61, v39;
	v58 =	vunpack.i.u.bf16.f32 v44;
	v35 =	vadd.f32 v59, v42  }
0x5a0: {  	s0 =	simm.s32 $0x0;
	v34 =	vadd.f32 v58, v37;
	v37 =	vadd.f32 v63, v62  }
.LBB2_59:
0x5a1: {  	s1 =	sshra.s32 s0, $0x2  }
0x5a2: {  	v38 =	vld [tilespmem:s1+$0xF900]  }
0x5a3: {  	v39 =	vld [tilespmem:s1+$0xF920]  }
0x5a4: {  	v40 =	vld [tilespmem:s1+$0xF910]  }
0x5a5: {  	v41 =	vld [tilespmem:s1+$0xF930];
	_ =	sdelay $0x3  }
0x5a6: {  	p0 =	sne.s32 s0, $0x300  }
.Ltmp28:
0x5a7: {  	v38 =	vadd.bf16 v39, v38;
	v62 =	vadd.bf16 v41, v40;
	(pc) =	sbr.rel @p0 .LBB2_59-.Ltmp28, $4  }
0x5a8: {  	_ = 	snop  }
0x5a9: {  	v63 =	vunpack.i.u.bf16.f32 v38;
	v38 =	vunpack.i.l.bf16.f32 v38;
	v41 =	vunpack.i.u.bf16.f32 v62  }
0x5aa: {  	v39 =	vunpack.i.l.bf16.f32 v62;
	v36 =	vadd.f32 v38, v36;
	v37 =	vadd.f32 v63, v37  }
0x5ab: {  	s0 =	sadd.s32 $0x100, s0;
	v35 =	vadd.f32 v39, v35;
	v34 =	vadd.f32 v41, v34  }
0x5ac: {  	_ =	swait.ge [sflag:s24], $0x1900  }
0x5ad: {  	[sflag:s24] =	ssyncset.done $0x0  }
0x5ae: {  	s1 =	simm.s32 $0xFA00;
	[sflag:s24] =	ssyncadd.s32 $0xFFFFE700  }
0x5af: {  	v39 =	vld [tilespmem:s1+$0xA0]  }
0x5b0: {  	v40 =	vld [tilespmem:s1+$0xB0]  }
0x5b1: {  	v42 =	vld [tilespmem:s1+$0x70]  }
0x5b2: {  	v43 =	vld [tilespmem:s1+$0x50]  }
0x5b3: {  	v44 =	vld [tilespmem:s1+$0x0]  }
0x5b4: {  	v46 =	vld [tilespmem:s1+$0x30]  }
0x5b5: {  	v47 =	vld [tilespmem:s1+$0x10]  }
0x5b6: {  	v48 =	vld [tilespmem:s1+$0x20]  }
0x5b7: {  	v49 =	vld [tilespmem:s1+$0x60]  }
0x5b8: {  	v50 =	vld [tilespmem:s1+$0x40]  }
0x5b9: {  	v51 =	vld [tilespmem:s1+$0x90]  }
0x5ba: {  	v62 =	vld [tilespmem:s1+$0x80]  }
0x5bb: {  	v63 =	vld [tilespmem:s1+$0xE0]  }
0x5bc: {  	v53 =	vld [tilespmem:s1+$0xC0]  }
0x5bd: {  	v61 =	vld [tilespmem:s1+$0xF0]  }
0x5be: {  	v56 =	vld [tilespmem:s1+$0xD0];
	_ =	sdelay $0x1  }
0x5bf: {  	v46 =	vadd.bf16 v46, v47;
	v44 =	vadd.bf16 v48, v44  }
0x5c0: {  	v42 =	vadd.bf16 v42, v43;
	v49 =	vadd.bf16 v49, v50  }
0x5c1: {  	v38 =	vld [tilespmem:s1+$0x1E0];
	v40 =	vadd.bf16 v40, v51;
	v47 =	vadd.bf16 v39, v62  }
0x5c2: {  	v52 =	vimm.f32 $0.0e+00;
	v45 =	vld [tilespmem:s1+$0x170];
	v48 =	vadd.bf16 v63, v53;
	v50 =	vadd.bf16 v61, v56  }
0x5c3: {  	v41 =	vld [tilespmem:s1+$0x120];
	v60 =	vunpack.i.u.bf16.f32 v46;
	v46 =	vunpack.i.l.bf16.f32 v46;
	v54 =	vunpack.i.l.bf16.f32 v44  }
0x5c4: {  	v51 =	vld [tilespmem:s1+$0x110];
	v44 =	vunpack.i.u.bf16.f32 v44;
	v55 =	vunpack.i.l.bf16.f32 v42;
	v57 =	vunpack.i.l.bf16.f32 v49  }
0x5c5: {  	v53 =	vld [tilespmem:s1+$0x100];
	v42 =	vunpack.i.u.bf16.f32 v42;
	v49 =	vunpack.i.u.bf16.f32 v49;
	v62 =	vunpack.i.u.bf16.f32 v40  }
0x5c6: {  	v56 =	vld [tilespmem:s1+$0x140];
	v39 =	vunpack.i.u.bf16.f32 v48;
	v46 =	vadd.f32 v46, v52;
	v43 =	vadd.f32 v60, v52  }
0x5c7: {  	v48 =	vunpack.i.l.bf16.f32 v48;
	v54 =	vadd.f32 v54, v52;
	v44 =	vadd.f32 v44, v52;
	v60 =	vld [tilespmem:s1+$0x150]  }
0x5c8: {  	v61 =	vunpack.i.l.bf16.f32 v40;
	v40 =	vld [tilespmem:s1+$0x1B0];
	v55 =	vadd.f32 v55, v46;
	v42 =	vadd.f32 v42, v43  }
0x5c9: {  	v63 =	vunpack.i.l.bf16.f32 v47;
	v46 =	vld [tilespmem:s1+$0x130];
	v54 =	vadd.f32 v57, v54;
	v49 =	vadd.f32 v49, v44  }
0x5ca: {  	v58 =	vunpack.i.u.bf16.f32 v47;
	v52 =	vld [tilespmem:s1+$0x160];
	v53 =	vadd.bf16 v41, v53;
	v42 =	vadd.f32 v62, v42  }
0x5cb: {  	v47 =	vld [tilespmem:s1+$0x180];
	v54 =	vadd.f32 v63, v54;
	v62 =	vunpack.i.u.bf16.f32 v50;
	v63 =	vadd.f32 v61, v55  }
0x5cc: {  	v43 =	vld [tilespmem:s1+$0x190];
	v50 =	vunpack.i.l.bf16.f32 v50;
	v57 =	vadd.bf16 v45, v60;
	v44 =	vadd.f32 v62, v42  }
0x5cd: {  	v41 =	vunpack.i.u.bf16.f32 v53;
	v42 =	vld [tilespmem:s1+$0x1A0];
	v48 =	vadd.f32 v48, v54;
	v54 =	vadd.f32 v50, v63  }
0x5ce: {  	v53 =	vunpack.i.l.bf16.f32 v53;
	v45 =	vld [tilespmem:s1+$0x1C0];
	v51 =	vadd.bf16 v46, v51;
	v46 =	vadd.f32 v58, v49  }
0x5cf: {  	v50 =	vld [tilespmem:s1+$0x1F0];
	v49 =	vadd.bf16 v52, v56;
	v52 =	vadd.f32 v53, v48;
	v53 =	vunpack.i.l.bf16.f32 v57  }
0x5d0: {  	s0 =	simm.s32 $0x0;
	v48 =	vld [tilespmem:s1+$0x1D0];
	s1 =	simm.s32 $0xFC00;
	v55 =	vunpack.i.u.bf16.f32 v51;
	v56 =	vunpack.i.l.bf16.f32 v51;
	v51 =	vunpack.i.u.bf16.f32 v57  }
.LBB2_61:
0x5d1: {  	v57 =	vld [tilespmem:s1+$0x1E0];
	s0 =	sadd.s32 $0x8, s0;
	v54 =	vadd.f32 v56, v54;
	v44 =	vadd.f32 v55, v44;
	v55 =	vunpack.i.l.bf16.f32 v49  }
0x5d2: {  	v49 =	vunpack.i.u.bf16.f32 v49;
	v42 =	vadd.bf16 v42, v47;
	v56 =	vld [tilespmem:s1+$0x170];
	p0 =	slt.u32 s0, $0x58;
	v52 =	vadd.f32 v55, v52  }
0x5d3: {  	v39 =	vadd.f32 v39, v46;
	v47 =	vld [tilespmem:s1+$0x120];
	v46 =	vadd.f32 v53, v54  }
0x5d4: {  	v40 =	vadd.bf16 v40, v43;
	v44 =	vadd.f32 v51, v44;
	v43 =	vunpack.i.l.bf16.f32 v42;
	v53 =	vld [tilespmem:s1+$0xA0]  }
0x5d5: {  	v45 =	vadd.bf16 v38, v45;
	v51 =	vld [tilespmem:s1+$0xB0];
	v48 =	vadd.bf16 v50, v48  }
0x5d6: {  	v54 =	vunpack.i.u.bf16.f32 v40;
	v40 =	vunpack.i.l.bf16.f32 v40;
	v43 =	vadd.f32 v43, v52;
	v50 =	vld [tilespmem:s1+$0x70];
	v38 =	vmovc v57  }
0x5d7: {  	v39 =	vadd.f32 v41, v39;
	v52 =	vld [tilespmem:s1+$0x50];
	v41 =	vunpack.i.u.bf16.f32 v48;
	v48 =	vunpack.i.l.bf16.f32 v48  }
0x5d8: {  	v40 =	vadd.f32 v40, v46;
	v44 =	vadd.f32 v54, v44;
	v46 =	vunpack.i.l.bf16.f32 v45;
	v55 =	vld [tilespmem:s1+$0x0]  }
0x5d9: {  	v42 =	vunpack.i.u.bf16.f32 v42;
	v39 =	vadd.f32 v49, v39;
	v43 =	vadd.f32 v46, v43;
	v54 =	vld [tilespmem:s1+$0x30]  }
0x5da: {  	v40 =	vadd.f32 v48, v40;
	v41 =	vadd.f32 v41, v44;
	v46 =	vld [tilespmem:s1+$0x10]  }
0x5db: {  	v39 =	vadd.f32 v42, v39;
	v42 =	vunpack.i.u.bf16.f32 v45;
	v44 =	vld [tilespmem:s1+$0x20]  }
0x5dc: {  	v45 =	vld [tilespmem:s1+$0x60];
	v48 =	vadd.bf16 v50, v52  }
0x5dd: {  	v39 =	vadd.f32 v42, v39;
	v49 =	vld [tilespmem:s1+$0x40]  }
0x5de: {  	v42 =	vld [tilespmem:s1+$0x90]  }
0x5df: {  	v46 =	vadd.bf16 v54, v46;
	v50 =	vld [tilespmem:s1+$0x80]  }
0x5e0: {  	v44 =	vadd.bf16 v44, v55;
	v52 =	vld [tilespmem:s1+$0xE0]  }
0x5e1: {  	v54 =	vunpack.i.u.bf16.f32 v46;
	v46 =	vunpack.i.l.bf16.f32 v46;
	v55 =	vld [tilespmem:s1+$0xC0]  }
0x5e2: {  	v57 =	vunpack.i.l.bf16.f32 v44;
	v40 =	vadd.f32 v46, v40;
	v45 =	vadd.bf16 v45, v49;
	v46 =	vld [tilespmem:s1+$0xF0]  }
0x5e3: {  	v44 =	vunpack.i.u.bf16.f32 v44;
	v49 =	vunpack.i.l.bf16.f32 v48;
	v43 =	vadd.f32 v57, v43;
	v57 =	vld [tilespmem:s1+$0xD0]  }
0x5e4: {  	v41 =	vadd.f32 v54, v41;
	v54 =	vunpack.i.l.bf16.f32 v45;
	v49 =	vadd.f32 v49, v40;
	v58 =	vld [tilespmem:s1+$0x130]  }
0x5e5: {  	v42 =	vadd.bf16 v51, v42;
	v40 =	vunpack.i.u.bf16.f32 v48;
	v43 =	vadd.f32 v54, v43;
	v48 =	vld [tilespmem:s1+$0x110]  }
0x5e6: {  	v45 =	vunpack.i.u.bf16.f32 v45;
	v50 =	vadd.bf16 v53, v50;
	v51 =	vadd.bf16 v52, v55;
	v52 =	vld [tilespmem:s1+$0x100]  }
0x5e7: {  	v44 =	vadd.f32 v44, v39;
	v40 =	vadd.f32 v40, v41;
	v41 =	vunpack.i.u.bf16.f32 v42;
	v53 =	vld [tilespmem:s1+$0x160]  }
0x5e8: {  	v46 =	vadd.bf16 v46, v57;
	v39 =	vunpack.i.u.bf16.f32 v51;
	v51 =	vunpack.i.l.bf16.f32 v51;
	v54 =	vld [tilespmem:s1+$0x140]  }
0x5e9: {  	v45 =	vadd.f32 v45, v44;
	v44 =	vunpack.i.l.bf16.f32 v50;
	v41 =	vadd.f32 v41, v40;
	v55 =	vld [tilespmem:s1+$0x150]  }
0x5ea: {  	v43 =	vadd.f32 v44, v43;
	v57 =	vunpack.i.l.bf16.f32 v42;
	v42 =	vunpack.i.u.bf16.f32 v46;
	v40 =	vld [tilespmem:s1+$0x1B0]  }
0x5eb: {  	v50 =	vunpack.i.u.bf16.f32 v50;
	v44 =	vadd.f32 v42, v41;
	v52 =	vadd.bf16 v47, v52;
	v42 =	vld [tilespmem:s1+$0x1A0]  }
.Ltmp29:
0x5ec: {  	v51 =	vadd.f32 v51, v43;
	v59 =	vunpack.i.l.bf16.f32 v46;
	v58 =	vadd.bf16 v58, v48;
	v47 =	vld [tilespmem:s1+$0x180];
	(pc) =	sbr.rel @p0 .LBB2_61-.Ltmp29, $4  }
0x5ed: {  	v46 =	vadd.f32 v50, v45;
	v48 =	vadd.f32 v57, v49;
	v41 =	vunpack.i.u.bf16.f32 v52;
	v43 =	vld [tilespmem:s1+$0x190]  }
0x5ee: {  	v50 =	vunpack.i.l.bf16.f32 v52;
	v49 =	vadd.bf16 v53, v54;
	v53 =	vadd.bf16 v56, v55;
	v45 =	vld [tilespmem:s1+$0x1C0]  }
0x5ef: {  	v54 =	vadd.f32 v59, v48;
	v55 =	vunpack.i.u.bf16.f32 v58;
	v52 =	vadd.f32 v50, v51;
	v48 =	vld [tilespmem:s1+$0x1D0]  }
0x5f0: {  	v56 =	vunpack.i.l.bf16.f32 v58;
	v51 =	vunpack.i.u.bf16.f32 v53;
	v53 =	vunpack.i.l.bf16.f32 v53;
	v50 =	vld [tilespmem:s1+$0x1F0];
	s1 =	sadd.s32 $0x200, s1  }
0x5f1: {  	v54 =	vadd.f32 v56, v54;
	v44 =	vadd.f32 v55, v44  }
0x5f2: {  	v63 =	vunpack.i.l.bf16.f32 v49;
	v42 =	vadd.bf16 v42, v47;
	v39 =	vadd.f32 v39, v46  }
0x5f3: {  	v52 =	vadd.f32 v63, v52;
	v40 =	vadd.bf16 v40, v43  }
0x5f4: {  	v53 =	vadd.f32 v53, v54;
	v54 =	vunpack.i.u.bf16.f32 v49;
	v44 =	vadd.f32 v51, v44  }
0x5f5: {  	v55 =	vunpack.i.l.bf16.f32 v42;
	v39 =	vadd.f32 v41, v39;
	v56 =	vadd.bf16 v38, v45  }
0x5f6: {  	v60 =	vunpack.i.u.bf16.f32 v42;
	v57 =	vunpack.i.u.bf16.f32 v40;
	v43 =	vadd.f32 v55, v52  }
0x5f7: {  	v40 =	vunpack.i.l.bf16.f32 v40;
	v48 =	vadd.bf16 v50, v48;
	v39 =	vadd.f32 v54, v39  }
0x5f8: {  	v46 =	vadd.f32 v40, v53;
	v61 =	vadd.f32 v57, v44;
	v62 =	vunpack.i.l.bf16.f32 v56  }
0x5f9: {  	v41 =	vunpack.i.u.bf16.f32 v56;
	v59 =	vunpack.i.l.bf16.f32 v48;
	v63 =	vadd.f32 v60, v39  }
0x5fa: {  	v40 =	vadd.f32 v62, v43;
	v58 =	vunpack.i.u.bf16.f32 v48;
	v38 =	vadd.f32 v59, v46  }
0x5fb: {  	s0 =	simm.s32 $0x0;
	v39 =	vadd.f32 v58, v61;
	v41 =	vadd.f32 v41, v63  }
.LBB2_63:
0x5fc: {  	s1 =	sshra.s32 s0, $0x2  }
0x5fd: {  	v42 =	vld [tilespmem:s1+$0x11200]  }
0x5fe: {  	v43 =	vld [tilespmem:s1+$0x11220]  }
0x5ff: {  	v44 =	vld [tilespmem:s1+$0x11210]  }
0x600: {  	v45 =	vld [tilespmem:s1+$0x11230];
	_ =	sdelay $0x3  }
0x601: {  	p0 =	sne.s32 s0, $0x300  }
.Ltmp30:
0x602: {  	v42 =	vadd.bf16 v43, v42;
	v62 =	vadd.bf16 v45, v44;
	(pc) =	sbr.rel @p0 .LBB2_63-.Ltmp30, $4  }
0x603: {  	_ = 	snop  }
0x604: {  	v63 =	vunpack.i.u.bf16.f32 v42;
	v42 =	vunpack.i.l.bf16.f32 v42;
	v45 =	vunpack.i.u.bf16.f32 v62  }
0x605: {  	v43 =	vunpack.i.l.bf16.f32 v62;
	v40 =	vadd.f32 v42, v40;
	v41 =	vadd.f32 v63, v41  }
0x606: {  	s0 =	sadd.s32 $0x100, s0;
	v38 =	vadd.f32 v43, v38;
	v39 =	vadd.f32 v45, v39  }
0x607: {  	_ =	swait.ge [sflag:s24], $0x1900  }
0x608: {  	[sflag:s24] =	ssyncset.done $0x0  }
0x609: {  	s1 =	simm.s32 $0x11300;
	[sflag:s24] =	ssyncadd.s32 $0xFFFFE700  }
0x60a: {  	v42 =	vld [tilespmem:s1+$0x1E0]  }
0x60b: {  	v49 =	vld [tilespmem:s1+$0x170]  }
0x60c: {  	v44 =	vld [tilespmem:s1+$0xB0]  }
0x60d: {  	v46 =	vld [tilespmem:s1+$0x70]  }
0x60e: {  	v47 =	vld [tilespmem:s1+$0x50]  }
0x60f: {  	v48 =	vld [tilespmem:s1+$0x0]  }
0x610: {  	v50 =	vld [tilespmem:s1+$0x30]  }
0x611: {  	v51 =	vld [tilespmem:s1+$0x10]  }
0x612: {  	v52 =	vld [tilespmem:s1+$0x20]  }
0x613: {  	v53 =	vld [tilespmem:s1+$0x60]  }
0x614: {  	v54 =	vld [tilespmem:s1+$0x40]  }
0x615: {  	v55 =	vld [tilespmem:s1+$0x90]  }
0x616: {  	v43 =	vld [tilespmem:s1+$0xA0]  }
0x617: {  	v57 =	vld [tilespmem:s1+$0xC0]  }
0x618: {  	v60 =	vld [tilespmem:s1+$0xD0];
	v50 =	vadd.bf16 v50, v51  }
0x619: {  	v56 =	vimm.f32 $0.0e+00;
	v51 =	vld [tilespmem:s1+$0x80];
	v48 =	vadd.bf16 v52, v48;
	v46 =	vadd.bf16 v46, v47  }
0x61a: {  	v52 =	vld [tilespmem:s1+$0xE0];
	v53 =	vadd.bf16 v53, v54;
	v44 =	vadd.bf16 v44, v55;
	v47 =	vunpack.i.u.bf16.f32 v50  }
0x61b: {  	v54 =	vld [tilespmem:s1+$0xF0];
	v50 =	vunpack.i.l.bf16.f32 v50;
	v58 =	vunpack.i.l.bf16.f32 v48;
	v48 =	vunpack.i.u.bf16.f32 v48  }
0x61c: {  	v45 =	vld [tilespmem:s1+$0x120];
	v59 =	vunpack.i.l.bf16.f32 v46;
	v50 =	vadd.f32 v50, v56;
	v58 =	vadd.f32 v58, v56  }
0x61d: {  	v55 =	vld [tilespmem:s1+$0x110];
	v61 =	vunpack.i.l.bf16.f32 v53;
	v47 =	vadd.f32 v47, v56;
	v48 =	vadd.f32 v48, v56  }
0x61e: {  	v46 =	vunpack.i.u.bf16.f32 v46;
	v56 =	vld [tilespmem:s1+$0x160];
	v59 =	vadd.f32 v59, v50;
	v51 =	vadd.bf16 v43, v51  }
0x61f: {  	v53 =	vunpack.i.u.bf16.f32 v53;
	v52 =	vadd.bf16 v52, v57;
	v57 =	vld [tilespmem:s1+$0x100];
	v46 =	vadd.f32 v46, v47  }
0x620: {  	v50 =	vld [tilespmem:s1+$0x130];
	v58 =	vadd.f32 v61, v58;
	v47 =	vunpack.i.u.bf16.f32 v44;
	v54 =	vadd.bf16 v54, v60  }
0x621: {  	v60 =	vld [tilespmem:s1+$0x140];
	v53 =	vadd.f32 v53, v48;
	v48 =	vunpack.i.l.bf16.f32 v51;
	v46 =	vadd.f32 v47, v46  }
0x622: {  	v61 =	vld [tilespmem:s1+$0x150];
	v43 =	vunpack.i.u.bf16.f32 v52;
	v58 =	vadd.f32 v48, v58;
	v48 =	vunpack.i.u.bf16.f32 v54  }
0x623: {  	v52 =	vunpack.i.l.bf16.f32 v52;
	v47 =	vunpack.i.l.bf16.f32 v44;
	v44 =	vld [tilespmem:s1+$0x1B0];
	v48 =	vadd.f32 v48, v46  }
0x624: {  	v62 =	vunpack.i.u.bf16.f32 v51;
	v51 =	vld [tilespmem:s1+$0x180];
	v57 =	vadd.bf16 v45, v57;
	v52 =	vadd.f32 v52, v58  }
0x625: {  	v46 =	vld [tilespmem:s1+$0x1A0];
	v55 =	vadd.bf16 v50, v55;
	v50 =	vadd.f32 v62, v53  }
0x626: {  	v54 =	vunpack.i.l.bf16.f32 v54;
	v58 =	vadd.f32 v47, v59;
	v47 =	vld [tilespmem:s1+$0x190];
	v53 =	vadd.bf16 v56, v60  }
0x627: {  	v61 =	vadd.bf16 v49, v61;
	v49 =	vld [tilespmem:s1+$0x1C0];
	v45 =	vunpack.i.u.bf16.f32 v57;
	v57 =	vunpack.i.l.bf16.f32 v57  }
0x628: {  	v58 =	vadd.f32 v54, v58;
	v59 =	vunpack.i.u.bf16.f32 v55;
	v60 =	vunpack.i.l.bf16.f32 v55;
	v54 =	vld [tilespmem:s1+$0x1F0]  }
0x629: {  	s0 =	simm.s32 $0x0;
	v55 =	vunpack.i.u.bf16.f32 v61;
	v56 =	vadd.f32 v57, v52;
	v52 =	vld [tilespmem:s1+$0x1D0];
	v57 =	vunpack.i.l.bf16.f32 v61;
	s1 =	simm.s32 $0x11500  }
.LBB2_65:
0x62a: {  	v61 =	vld [tilespmem:s1+$0x1E0];
	s0 =	sadd.s32 $0x8, s0;
	v58 =	vadd.f32 v60, v58;
	v48 =	vadd.f32 v59, v48;
	v59 =	vunpack.i.l.bf16.f32 v53  }
0x62b: {  	v53 =	vunpack.i.u.bf16.f32 v53;
	v46 =	vadd.bf16 v46, v51;
	v60 =	vld [tilespmem:s1+$0x170];
	p0 =	slt.u32 s0, $0x58;
	v56 =	vadd.f32 v59, v56  }
0x62c: {  	v43 =	vadd.f32 v43, v50;
	v51 =	vld [tilespmem:s1+$0x120];
	v50 =	vadd.f32 v57, v58  }
0x62d: {  	v44 =	vadd.bf16 v44, v47;
	v48 =	vadd.f32 v55, v48;
	v47 =	vunpack.i.l.bf16.f32 v46;
	v57 =	vld [tilespmem:s1+$0xA0]  }
0x62e: {  	v49 =	vadd.bf16 v42, v49;
	v55 =	vld [tilespmem:s1+$0xB0];
	v52 =	vadd.bf16 v54, v52  }
0x62f: {  	v58 =	vunpack.i.u.bf16.f32 v44;
	v44 =	vunpack.i.l.bf16.f32 v44;
	v47 =	vadd.f32 v47, v56;
	v54 =	vld [tilespmem:s1+$0x70];
	v42 =	vmovc v61  }
0x630: {  	v43 =	vadd.f32 v45, v43;
	v56 =	vld [tilespmem:s1+$0x50];
	v45 =	vunpack.i.u.bf16.f32 v52;
	v52 =	vunpack.i.l.bf16.f32 v52  }
0x631: {  	v44 =	vadd.f32 v44, v50;
	v48 =	vadd.f32 v58, v48;
	v50 =	vunpack.i.l.bf16.f32 v49;
	v59 =	vld [tilespmem:s1+$0x0]  }
0x632: {  	v46 =	vunpack.i.u.bf16.f32 v46;
	v43 =	vadd.f32 v53, v43;
	v47 =	vadd.f32 v50, v47;
	v58 =	vld [tilespmem:s1+$0x30]  }
0x633: {  	v44 =	vadd.f32 v52, v44;
	v45 =	vadd.f32 v45, v48;
	v50 =	vld [tilespmem:s1+$0x10]  }
0x634: {  	v43 =	vadd.f32 v46, v43;
	v46 =	vunpack.i.u.bf16.f32 v49;
	v48 =	vld [tilespmem:s1+$0x20]  }
0x635: {  	v49 =	vld [tilespmem:s1+$0x60];
	v52 =	vadd.bf16 v54, v56  }
0x636: {  	v43 =	vadd.f32 v46, v43;
	v53 =	vld [tilespmem:s1+$0x40]  }
0x637: {  	v46 =	vld [tilespmem:s1+$0x90]  }
0x638: {  	v50 =	vadd.bf16 v58, v50;
	v54 =	vld [tilespmem:s1+$0x80]  }
0x639: {  	v48 =	vadd.bf16 v48, v59;
	v56 =	vld [tilespmem:s1+$0xE0]  }
0x63a: {  	v58 =	vunpack.i.u.bf16.f32 v50;
	v50 =	vunpack.i.l.bf16.f32 v50;
	v59 =	vld [tilespmem:s1+$0xC0]  }
0x63b: {  	v61 =	vunpack.i.l.bf16.f32 v48;
	v44 =	vadd.f32 v50, v44;
	v49 =	vadd.bf16 v49, v53;
	v50 =	vld [tilespmem:s1+$0xF0]  }
0x63c: {  	v48 =	vunpack.i.u.bf16.f32 v48;
	v53 =	vunpack.i.l.bf16.f32 v52;
	v47 =	vadd.f32 v61, v47;
	v61 =	vld [tilespmem:s1+$0xD0]  }
0x63d: {  	v45 =	vadd.f32 v58, v45;
	v58 =	vunpack.i.l.bf16.f32 v49;
	v53 =	vadd.f32 v53, v44;
	v62 =	vld [tilespmem:s1+$0x130]  }
0x63e: {  	v46 =	vadd.bf16 v55, v46;
	v44 =	vunpack.i.u.bf16.f32 v52;
	v47 =	vadd.f32 v58, v47;
	v52 =	vld [tilespmem:s1+$0x110]  }
0x63f: {  	v49 =	vunpack.i.u.bf16.f32 v49;
	v54 =	vadd.bf16 v57, v54;
	v55 =	vadd.bf16 v56, v59;
	v56 =	vld [tilespmem:s1+$0x100]  }
0x640: {  	v48 =	vadd.f32 v48, v43;
	v44 =	vadd.f32 v44, v45;
	v45 =	vunpack.i.u.bf16.f32 v46;
	v57 =	vld [tilespmem:s1+$0x160]  }
0x641: {  	v50 =	vadd.bf16 v50, v61;
	v43 =	vunpack.i.u.bf16.f32 v55;
	v55 =	vunpack.i.l.bf16.f32 v55;
	v58 =	vld [tilespmem:s1+$0x140]  }
0x642: {  	v49 =	vadd.f32 v49, v48;
	v48 =	vunpack.i.l.bf16.f32 v54;
	v45 =	vadd.f32 v45, v44;
	v59 =	vld [tilespmem:s1+$0x150]  }
0x643: {  	v47 =	vadd.f32 v48, v47;
	v61 =	vunpack.i.l.bf16.f32 v46;
	v46 =	vunpack.i.u.bf16.f32 v50;
	v44 =	vld [tilespmem:s1+$0x1B0]  }
0x644: {  	v54 =	vunpack.i.u.bf16.f32 v54;
	v48 =	vadd.f32 v46, v45;
	v56 =	vadd.bf16 v51, v56;
	v46 =	vld [tilespmem:s1+$0x1A0]  }
.Ltmp31:
0x645: {  	v55 =	vadd.f32 v55, v47;
	v63 =	vunpack.i.l.bf16.f32 v50;
	v62 =	vadd.bf16 v62, v52;
	v51 =	vld [tilespmem:s1+$0x180];
	(pc) =	sbr.rel @p0 .LBB2_65-.Ltmp31, $4  }
0x646: {  	v50 =	vadd.f32 v54, v49;
	v52 =	vadd.f32 v61, v53;
	v45 =	vunpack.i.u.bf16.f32 v56;
	v47 =	vld [tilespmem:s1+$0x190]  }
0x647: {  	v54 =	vunpack.i.l.bf16.f32 v56;
	v53 =	vadd.bf16 v57, v58;
	v57 =	vadd.bf16 v60, v59;
	v49 =	vld [tilespmem:s1+$0x1C0]  }
0x648: {  	v58 =	vadd.f32 v63, v52;
	v59 =	vunpack.i.u.bf16.f32 v62;
	v56 =	vadd.f32 v54, v55;
	v52 =	vld [tilespmem:s1+$0x1D0]  }
0x649: {  	v60 =	vunpack.i.l.bf16.f32 v62;
	v55 =	vunpack.i.u.bf16.f32 v57;
	v57 =	vunpack.i.l.bf16.f32 v57;
	v54 =	vld [tilespmem:s1+$0x1F0];
	s1 =	sadd.s32 $0x200, s1  }
0x64a: {  	v58 =	vadd.f32 v60, v58;
	v48 =	vadd.f32 v59, v48  }
0x64b: {  	v60 =	vunpack.i.l.bf16.f32 v53;
	v46 =	vadd.bf16 v46, v51;
	v43 =	vadd.f32 v43, v50  }
0x64c: {  	v56 =	vadd.f32 v60, v56;
	v44 =	vadd.bf16 v44, v47  }
0x64d: {  	v62 =	vunpack.i.u.bf16.f32 v53;
	v61 =	vadd.f32 v57, v58;
	v48 =	vadd.f32 v55, v48  }
0x64e: {  	v63 =	vunpack.i.l.bf16.f32 v46;
	v43 =	vadd.f32 v45, v43;
	v42 =	vadd.bf16 v42, v49  }
0x64f: {  	v60 =	vunpack.i.u.bf16.f32 v46;
	v57 =	vunpack.i.u.bf16.f32 v44;
	v47 =	vadd.f32 v63, v56  }
0x650: {  	v44 =	vunpack.i.l.bf16.f32 v44;
	v52 =	vadd.bf16 v54, v52;
	v43 =	vadd.f32 v62, v43  }
0x651: {  	v50 =	vadd.f32 v44, v61;
	v45 =	vadd.f32 v57, v48;
	v61 =	vunpack.i.l.bf16.f32 v42  }
0x652: {  	v63 =	vunpack.i.u.bf16.f32 v42;
	v59 =	vunpack.i.l.bf16.f32 v52;
	v62 =	vadd.f32 v60, v43  }
0x653: {  	v44 =	vadd.f32 v61, v47;
	v58 =	vunpack.i.u.bf16.f32 v52;
	v43 =	vadd.f32 v59, v50  }
0x654: {  	s0 =	simm.s32 $0x0;
	v42 =	vadd.f32 v58, v45;
	v45 =	vadd.f32 v63, v62  }
.LBB2_67:
0x655: {  	s1 =	sshra.s32 s0, $0x2  }
0x656: {  	v46 =	vld [tilespmem:s1+$0x12B00]  }
0x657: {  	v47 =	vld [tilespmem:s1+$0x12B20]  }
0x658: {  	v48 =	vld [tilespmem:s1+$0x12B10]  }
0x659: {  	v49 =	vld [tilespmem:s1+$0x12B30];
	_ =	sdelay $0x3  }
0x65a: {  	p0 =	sne.s32 s0, $0x300  }
.Ltmp32:
0x65b: {  	v46 =	vadd.bf16 v47, v46;
	v62 =	vadd.bf16 v49, v48;
	(pc) =	sbr.rel @p0 .LBB2_67-.Ltmp32, $4  }
0x65c: {  	_ = 	snop  }
0x65d: {  	v63 =	vunpack.i.u.bf16.f32 v46;
	v46 =	vunpack.i.l.bf16.f32 v46;
	v49 =	vunpack.i.u.bf16.f32 v62  }
0x65e: {  	v47 =	vunpack.i.l.bf16.f32 v62;
	v44 =	vadd.f32 v46, v44;
	v45 =	vadd.f32 v63, v45  }
0x65f: {  	s0 =	sadd.s32 $0x100, s0;
	v43 =	vadd.f32 v47, v43;
	v42 =	vadd.f32 v49, v42  }
0x660: {  	v16 =	vmul.f32 $4.999999890e-03, v16;
	v17 =	vmul.f32 $4.999999890e-03, v17  }
0x661: {  	v15 =	vmul.f32 $4.999999890e-03, v15;
	v14 =	vmul.f32 $4.999999890e-03, v14  }
0x662: {  	v57 =	vmul.f32 $4.999999890e-03, v20;
	v58 =	vmul.f32 $4.999999890e-03, v21  }
0x663: {  	v19 =	vmul.f32 $4.999999890e-03, v19;
	v49 =	vmul.f32 $4.999999890e-03, v24;
	v16 =	vadd.f32 v16, v0  }
0x664: {  	v51 =	vmul.f32 $4.999999890e-03, v25;
	v17 =	vadd.f32 v17, v1;
	v15 =	vadd.f32 v15, v2  }
0x665: {  	v23 =	vmul.f32 $4.999999890e-03, v23;
	v14 =	vadd.f32 v14, v3;
	v20 =	vadd.f32 v58, v1  }
0x666: {  	v22 =	vmul.f32 $4.999999890e-03, v22;
	v19 =	vadd.f32 v19, v2;
	v52 =	vadd.f32 v49, v0  }
0x667: {  	v61 =	vmul.f32 $4.999999890e-03, v18;
	v53 =	vadd.f32 v51, v1;
	v54 =	vadd.f32 v23, v2  }
0x668: {  	v22 =	vadd.f32 v22, v3;
	v58 =	vmul.f32 $4.999999890e-03, v28;
	v28 =	vmul.f32 $4.999999890e-03, v27  }
0x669: {  	v16 =	vmax.f32 v16, $0.0e+00;
	v17 =	vmax.f32 v17, $0.0e+00;
	v15 =	vmax.f32 v15, $0.0e+00  }
0x66a: {  	v14 =	vmax.f32 v14, $0.0e+00;
	v62 =	vmax.f32 v20, $0.0e+00;
	v46 =	vmul.f32 v16, v4  }
0x66b: {  	v19 =	vmax.f32 v19, $0.0e+00;
	v47 =	vmul.f32 v17, v5;
	v55 =	vmul.f32 v15, v6  }
0x66c: {  	v21 =	vmax.f32 v54, $0.0e+00;
	v16 =	vmul.f32 v16, v8;
	v17 =	vmul.f32 v17, v9  }
0x66d: {  	v22 =	vmax.f32 v22, $0.0e+00;
	v56 =	vmul.f32 v14, v7;
	v15 =	vmul.f32 v15, v10  }
0x66e: {  	v60 =	vmul.f32 v14, v11;
	v18 =	vmul.f32 v62, v9;
	v46 =	vadd.f32 v47, v46  }
0x66f: {  	v48 =	vmul.f32 v19, v10;
	v16 =	vadd.f32 v17, v16;
	v17 =	vadd.f32 v57, v0  }
0x670: {  	v47 =	vmul.f32 v19, v6;
	v19 =	vmax.f32 v53, $0.0e+00;
	v57 =	vmul.f32 v21, v6  }
0x671: {  	v46 =	vadd.f32 v55, v46;
	v15 =	vadd.f32 v15, v16;
	v17 =	vmax.f32 v17, $0.0e+00  }
0x672: {  	v16 =	vadd.f32 v61, v3;
	v61 =	vmul.f32 v21, v10;
	v63 =	vmul.f32 v17, v4  }
0x673: {  	v17 =	vmul.f32 v17, v8;
	v59 =	vadd.f32 v56, v46;
	v15 =	vadd.f32 v60, v15  }
0x674: {  	v46 =	vmul.f32 v62, v5;
	v16 =	vmax.f32 v16, $0.0e+00;
	v56 =	vmul.f32 v19, v5  }
0x675: {  	v19 =	vmul.f32 v19, v9;
	v60 =	vmul.f32 $4.999999890e-03, v29;
	v62 =	vadd.f32 v58, v0  }
0x676: {  	v29 =	vmul.f32 v22, v11;
	v17 =	vadd.f32 v18, v17;
	v50 =	vmul.f32 v16, v7  }
0x677: {  	v16 =	vmul.f32 v16, v11;
	v18 =	vmax.f32 v52, $0.0e+00;
	v14 =	vadd.f32 v59, v12  }
0x678: {  	v20 =	vadd.f32 v46, v63;
	v15 =	vadd.f32 v15, v13;
	v55 =	vmul.f32 v18, v4  }
0x679: {  	v18 =	vmul.f32 v18, v8;
	v59 =	vmul.f32 v22, v7;
	v63 =	vadd.f32 v60, v1  }
0x67a: {  	v21 =	vmax.f32 v62, $0.0e+00;
	v17 =	vadd.f32 v48, v17;
	v48 =	vmul.f32 $4.999999890e-03, v26  }
0x67b: {  	v49 =	vmul.f32 v21, v4;
	v21 =	vmul.f32 v21, v8;
	v20 =	vadd.f32 v47, v20  }
0x67c: {  	v18 =	vadd.f32 v19, v18;
	v46 =	vmax.f32 v63, $0.0e+00;
	v47 =	vadd.f32 v28, v2  }
0x67d: {  	v63 =	vmul.f32 $4.999999890e-03, v30;
	v16 =	vadd.f32 v16, v17;
	v52 =	vadd.f32 v48, v3  }
0x67e: {  	v22 =	vmul.f32 v46, v9;
	v20 =	vadd.f32 v50, v20;
	v18 =	vadd.f32 v61, v18  }
0x67f: {  	v50 =	vmul.f32 v46, v5;
	v51 =	vmax.f32 v47, $0.0e+00;
	v47 =	vadd.f32 v63, v3  }
0x680: {  	v16 =	vadd.f32 v16, v13;
	v54 =	vmul.f32 v51, v6;
	v23 =	vmax.f32 v52, $0.0e+00  }
0x681: {  	v21 =	vadd.f32 v22, v21;
	v19 =	vmul.f32 v51, v10;
	v51 =	vmul.f32 $4.999999890e-03, v37  }
0x682: {  	v37 =	vmul.f32 $4.999999890e-03, v38;
	v38 =	vmul.f32 $4.999999890e-03, v39;
	v17 =	vadd.f32 v20, v12  }
0x683: {  	v20 =	vadd.f32 v56, v55;
	v18 =	vadd.f32 v29, v18;
	v55 =	vmul.f32 $4.999999890e-03, v32  }
0x684: {  	v53 =	vadd.f32 v50, v49;
	v56 =	vmul.f32 $4.999999890e-03, v33;
	v58 =	vmul.f32 v23, v7  }
0x685: {  	v60 =	vmul.f32 v23, v11;
	v19 =	vadd.f32 v19, v21;
	v52 =	vadd.f32 v51, v1  }
0x686: {  	v49 =	vmul.f32 $4.999999890e-03, v36;
	v20 =	vadd.f32 v57, v20;
	v18 =	vadd.f32 v18, v13  }
0x687: {  	v51 =	vmul.f32 $4.999999890e-03, v45;
	v24 =	vadd.f32 v54, v53;
	v57 =	vadd.f32 v55, v0  }
0x688: {  	v25 =	vadd.f32 v56, v1;
	v28 =	vadd.f32 v49, v0;
	v53 =	vmul.f32 $4.999999890e-03, v35  }
0x689: {  	v56 =	vmul.f32 $4.999999890e-03, v34;
	v34 =	vmul.f32 $4.999999890e-03, v41;
	v41 =	vadd.f32 v37, v2  }
0x68a: {  	v49 =	vmul.f32 $4.999999890e-03, v44;
	v19 =	vadd.f32 v60, v19;
	v27 =	vmax.f32 v52, $0.0e+00  }
0x68b: {  	v20 =	vadd.f32 v59, v20;
	v59 =	vmul.f32 $4.999999890e-03, v31;
	v22 =	vmax.f32 v57, $0.0e+00  }
0x68c: {  	v61 =	vmax.f32 v25, $0.0e+00;
	v24 =	vadd.f32 v58, v24;
	v25 =	vmax.f32 v47, $0.0e+00  }
0x68d: {  	v54 =	vmax.f32 v28, $0.0e+00;
	v55 =	vadd.f32 v53, v2;
	v58 =	vmul.f32 v27, v5  }
0x68e: {  	v60 =	vadd.f32 v56, v3;
	v27 =	vmul.f32 v27, v9;
	v36 =	vadd.f32 v34, v1  }
0x68f: {  	v53 =	vadd.f32 v49, v0;
	v32 =	vmul.f32 v22, v4;
	v33 =	vmul.f32 v61, v5  }
0x690: {  	v19 =	vadd.f32 v19, v13;
	v50 =	vmul.f32 v25, v7;
	v22 =	vmul.f32 v22, v8  }
0x691: {  	v23 =	vmul.f32 v61, v9;
	v57 =	vmul.f32 v54, v4;
	v20 =	vadd.f32 v20, v12  }
0x692: {  	v25 =	vmul.f32 v25, v11;
	v62 =	vadd.f32 v59, v2;
	v24 =	vadd.f32 v24, v12  }
0x693: {  	v59 =	vmax.f32 v55, $0.0e+00;
	v28 =	vmax.f32 v60, $0.0e+00;
	v55 =	vmul.f32 $4.999999890e-03, v43  }
0x694: {  	v60 =	vmul.f32 $4.999999890e-03, v42;
	v26 =	vadd.f32 v33, v32;
	v22 =	vadd.f32 v23, v22  }
0x695: {  	v61 =	vadd.f32 v58, v57;
	v23 =	vmul.f32 v54, v8;
	v32 =	vmul.f32 v28, v7  }
0x696: {  	v33 =	vmul.f32 $4.999999890e-03, v40;
	v35 =	vmul.f32 v28, v11;
	v40 =	vmax.f32 v36, $0.0e+00  }
0x697: {  	v28 =	vmax.f32 v41, $0.0e+00;
	v46 =	vmax.f32 v62, $0.0e+00;
	v62 =	vmul.f32 v59, v6  }
0x698: {  	v57 =	vmax.f32 v53, $0.0e+00;
	v52 =	vmul.f32 v40, v9;
	v56 =	vmul.f32 v28, v10  }
0x699: {  	(xrf2) =	vadd.scan.msk.f32 $0xffff, v14;
	v54 =	vadd.f32 v51, v1;
	v37 =	vmul.f32 v57, v8;
	v48 =	vmul.f32 v46, v6  }
0x69a: {  	(xrf2) =	vadd.scan.msk.f32 $0xffff, v15;
	v21 =	vmul.f32 v46, v10;
	v23 =	vadd.f32 v27, v23;
	v27 =	vadd.f32 v33, v0  }
0x69b: {  	(xrf2) =	vadd.scan.msk.f32 $0xffff, v17;
	v46 =	vadd.f32 v38, v3;
	v58 =	vmax.f32 v54, $0.0e+00;
	v33 =	vadd.f32 v60, v3  }
0x69c: {  	(xrf2) =	vadd.scan.msk.f32 $0xffff, v16;
	v63 =	vadd.f32 v62, v61;
	v62 =	vmul.f32 v57, v4;
	v16 =	vmul.f32 v58, v9  }
0x69d: {  	v26 =	vadd.f32 v48, v26;
	v21 =	vadd.f32 v21, v22;
	v22 =	vmul.f32 v59, v10  }
0x69e: {  	(xrf2) =	vadd.scan.msk.f32 $0xffff, v20;
	v39 =	vmax.f32 v27, $0.0e+00;
	v48 =	vmul.f32 v40, v5;
	v29 =	vmax.f32 v46, $0.0e+00  }
0x69f: {  	(xrf2) =	vadd.scan.msk.f32 $0xffff, v18;
	v59 =	vadd.f32 v55, v2;
	v18 =	vmax.f32 v33, $0.0e+00;
	v47 =	vmul.f32 v39, v4  }
0x6a0: {  	v14 =	vmul.f32 v39, v8;
	v16 =	vadd.f32 v16, v37;
	v26 =	vadd.f32 v50, v26  }
0x6a1: {  	v15 =	vmul.f32 v29, v7;
	v21 =	vadd.f32 v25, v21;
	v25 =	vadd.f32 v32, v63  }
0x6a2: {  	v22 =	vadd.f32 v22, v23;
	v50 =	vmul.f32 v28, v6;
	v30 =	vadd.f32 v48, v47  }
0x6a3: {  	v63 =	vmul.f32 v58, v5;
	v14 =	vadd.f32 v52, v14;
	v26 =	vadd.f32 v26, v12  }
0x6a4: {  	v32 =	vmax.f32 v59, $0.0e+00;
	v21 =	vadd.f32 v21, v13;
	v22 =	vadd.f32 v35, v22  }
0x6a5: {  	(xrf2) =	vadd.scan.msk.f32 $0xffff, v24;
	v36 =	vmul.f32 v32, v6;
	v35 =	vadd.f32 v63, v62;
	v61 =	vadd.f32 v50, v30  }
0x6a6: {  	(xrf2) =	vadd.scan.msk.f32 $0xffff, v19;
	v34 =	vmul.f32 v29, v11;
	v25 =	vadd.f32 v25, v12;
	v14 =	vadd.f32 v56, v14  }
0x6a7: {  	v39 =	vmul.f32 v18, v7;
	(xrf2) =	vadd.scan.msk.f32 $0xffff, v26;
	v38 =	vadd.f32 v36, v35;
	v15 =	vadd.f32 v15, v61  }
0x6a8: {  	v17 =	vmul.f32 v32, v10;
	v22 =	vadd.f32 v22, v13;
	(xrf2) =	vadd.scan.msk.f32 $0xffff, v21;
	v14 =	vadd.f32 v34, v14  }
0x6a9: {  	v40, _, _ =	vpop (xrf2);
	(xrf2) =	vadd.scan.msk.f32 $0xffff, v25;
	v20 =	vadd.f32 v39, v38;
	v15 =	vadd.f32 v15, v12  }
0x6aa: {  	v41, _, _ =	vpop (xrf2);
	v42 =	vmul.f32 v18, v11;
	v16 =	vadd.f32 v17, v16;
	(xrf2) =	vadd.scan.msk.f32 $0xffff, v22;
	v14 =	vadd.f32 v14, v13  }
0x6ab: {  	v45, _, _ =	vpop (xrf2);
	(xrf2) =	vadd.scan.msk.f32 $0xffff, v15;
	v15 =	vadd.f32 v20, v12  }
0x6ac: {  	v43 =	vbroadcast v40, $0xF;
	v44 =	vbroadcast v41, $0xF;
	v47, _, _ =	vpop (xrf2);
	(xrf2) =	vadd.scan.msk.f32 $0xffff, v14;
	v14 =	vadd.f32 v42, v16  }
0x6ad: {  	v46 =	vbroadcast v45, $0xF  }
0x6ae: {  	v48 =	vsel vm0, v43, v44;
	v49 =	vbroadcast v47, $0xF;
	v50, _, _ =	vpop (xrf2);
	(xrf2) =	vadd.scan.msk.f32 $0xffff, v15;
	v14 =	vadd.f32 v14, v13  }
0x6af: {  	v18 =	vbroadcast v50, $0xF;
	v16 =	vsel vm1, v48, v46;
	v15, _, _ =	vpop (xrf2)  }
0x6b0: {  	v16 =	vsel vm2, v16, v49;
	v51, _, _ =	vpop (xrf2);
	v15 =	vbroadcast v15, $0xF  }
0x6b1: {  	v16 =	vsel vm4, v16, v18;
	v52 =	vbroadcast v51, $0xF;
	v53, _, _ =	vpop (xrf2)  }
0x6b2: {  	(xrf2) =	vadd.scan.msk.f32 $0xffff, v14;
	v14, _, _ =	vpop (xrf2);
	v15 =	vsel vm3, v16, v15;
	v54 =	vbroadcast v53, $0xF  }
0x6b3: {  	v55, _, _ =	vpop (xrf2);
	v15 =	vsel vm5, v15, v52;
	v14 =	vbroadcast v14, $0xF  }
0x6b4: {  	v56, _, _ =	vpop (xrf2);
	v15 =	vsel vm6, v15, v54;
	v57 =	vbroadcast v55, $0xF  }
0x6b5: {  	v58, _, _ =	vpop (xrf2);
	v14 =	vsel vm7, v15, v14;
	v15 =	vbroadcast v56, $0xF  }
0x6b6: {  	v59, _, _ =	vpop (xrf2);
	v14 =	vsel vm8, v14, v57;
	v60 =	vbroadcast v58, $0xF  }
0x6b7: {  	v61, _, _ =	vpop (xrf2);
	v14 =	vsel vm9, v14, v15;
	v15 =	vbroadcast v59, $0xF  }
0x6b8: {  	v62, _, _ =	vpop (xrf2);
	v14 =	vsel vm10, v14, v60  }
0x6b9: {  	s30 =	sadd.s32 $0x1, s30;
	v14 =	vsel vm11, v14, v15;
	v15 =	vbroadcast v62, $0xF  }
0x6ba: {  	p0 =	sne.s32 s30, $0x4;
	v63 =	vbroadcast v61, $0xF  }
.Ltmp33:
0x6bb: {  	_ = 	snop;
	(pc) =	sbr.rel @p0 .LBB2_2-.Ltmp33, $4  }
0x6bc: {  	v14 =	vsel vm12, v14, v63  }
0x6bd: {  	v14 =	vsel vm13, v14, v15;
	v15, _, _ =	vpop (xrf2)  }
0x6be: {  	v14 =	vsel vm14, v14, v15  }
0x6bf: {  	[tilespmem:s31+$0x12CF0] =	vst v14  }
0x6c0: {  	s29 =	sadd.s32 $0x1, s29  }
0x6c1: {  	p0 =	sne.s32 s29, s8  }
.Ltmp34:
0x6c2: {  	s0 =	simm.s32 $0x12C00;
	(pc) =	sbr.rel @p0 .LBB2_1-.Ltmp34, $4  }
0x6c3: {  	[hbm4b:s7+s2] =	stream.linear.scatter [tilespmem:s0], [sflag:$0x2], $0x400, $0x38;
	[tilespmem:$0x13140] =	vst v63  }
0x6c4: {  	_ =	swait.ge [sflag:s10], $0x400  }
0x6c5: {  	[sflag:s10] =	ssyncset.done $0x0  }
0x6c6: {  	[sflag:s10] =	ssyncadd.s32 $0xFFFFFC00  }
0x6c7: {  	_ =	sfence.sel $0x180000  }
0x6c8: {  	[bflag:$0x0] =	sbarrier.arrive $0xFFFF  }
0x6c9: {  	_ =	strace $0x90000047  }
0x6ca: {  	s0 =	stileid.u32;
	[bflag:$0x2] =	sbarrier.arrive $0xFFFF  }
0x6cb: {  	p0 =	sne.s32 s0, $0x0;
	s0 =	rddreg [dreg:$0x2]  }
0x6cc: {  	s0 =	sadd.s32 @!p0 $0x100000, s0  }
0x6cd: {  	[sflag:s0] =	ssyncadd.tile.s32 @!p0 $0x1;
	_ =	shalt  }
.Lfunc_end2:
_tile_overlayer_lowered:
.L_overlay_start_2:
0x6ce: {  	(tag) =	ssettag $0x2  }
0x6cf: {  	s0 =	rddreg [dreg:$0x0];
	s2 =	stileid.u32  }
0x6d0: {  	s1 =	rddreg [dreg:$0x1];
	p0 =	sne.s32 s2, $0x0  }
0x6d1: {  	s3 =	rddreg [dreg:$0x2];
	[bflag:$0x3] =	sbarrier.arrive $0xFFFF;
	s2 =	simm.s32 @!p0 $0x1C02  }
0x6d2: {  	[timem:s3], [sflag:s2] =	dma.local @!p0 [hbm:s0], s1  }
0x6d3: {  	s0 =	simm.s32 @!p0 $0x2  }
0x6d4: {  	_ =	swait.ge @!p0 [sflag:s0], s1  }
0x6d5: {  	s1 =	ssub.s32 @!p0 $0x0, s1;
	[sflag:s0] =	ssyncset.done @!p0 $0x0  }
0x6d6: {  	[sflag:s0] =	ssyncadd.s32 @!p0 s1  }
0x6d7: {  	[bflag:$0x3] =	sbarrier.arrive $0xFFFF  }
0x6d8: {  	_ =	shalt  }

</sc_bundles>
